<compile_context>
chip_gen: v7x
topology: tpu7x:2x2x1
jax: 0.10.2.dev20260603
libtpu: 0.0.44.dev20260713+nightly
codegen_flags: <defaults>
</compile_context>

<pallas_src>
import jax
import jax.numpy as jnp
from jax import lax
from jax.experimental import pallas as pl
from jax.experimental.pallas import tpu as pltpu
from jax.experimental.pallas import tpu_sc as plsc

N = 10000
E = 320000
D = 128
DE = 16
HALF = E // 2
NC = 2
NS = 16
CH = 64
CHUNKS_PER_SC = HALF // CH
BASE_CHUNKS = CHUNKS_PER_SC // NS
EXTRA = CHUNKS_PER_SC - BASE_CHUNKS * NS
ROWS_PER_TILE = N // NS
BN = 2000
BE = 2000

_f32 = jnp.float32



def _tables_body(x_ref, wd_ref, ws_ref, bd_ref, td_ref, ts_ref):
    xb = x_ref[...]
    td_ref[0] = jnp.dot(xb, wd_ref[0], preferred_element_type=_f32) + bd_ref[0]
    ts_ref[0] = jnp.dot(xb, ws_ref[0], preferred_element_type=_f32)


_tables_call = pl.pallas_call(
    _tables_body,
    grid=(2, N // BN),
    in_specs=[
        pl.BlockSpec((BN, D), lambda i, j: (j, 0)),
        pl.BlockSpec((1, D, D), lambda i, j: (i, 0, 0)),
        pl.BlockSpec((1, D, D), lambda i, j: (i, 0, 0)),
        pl.BlockSpec((1, 1, D), lambda i, j: (i, 0, 0)),
    ],
    out_specs=[
        pl.BlockSpec((1, BN, D), lambda i, j: (i, j, 0)),
        pl.BlockSpec((1, BN, D), lambda i, j: (i, j, 0)),
    ],
    out_shape=[jax.ShapeDtypeStruct((2, N, D), _f32)] * 2,
)


def _ea_body(ea_ref, we_ref, eo_ref):
    eo_ref[0] = jnp.dot(ea_ref[0], we_ref[0], preferred_element_type=_f32)


_ea_call = pl.pallas_call(
    _ea_body,
    grid=(2, HALF // BE),
    in_specs=[
        pl.BlockSpec((1, BE, DE), lambda i, j: (i, j, 0)),
        pl.BlockSpec((1, DE, D), lambda i, j: (i, 0, 0)),
    ],
    out_specs=pl.BlockSpec((1, BE, D), lambda i, j: (i, j, 0)),
    out_shape=jax.ShapeDtypeStruct((2, HALF, D), _f32),
)


def _final_body(agg_ref, x_ref, w1_ref, b1_ref, w2_ref, b2_ref, o_ref):
    a = agg_ref[0] + agg_ref[1] + x_ref[...]
    h = jnp.dot(a, w1_ref[...], preferred_element_type=_f32) + b1_ref[...]
    h = jnp.maximum(h, 0.0)
    o_ref[...] = jnp.dot(h, w2_ref[...], preferred_element_type=_f32) + b2_ref[...]


_final_call = pl.pallas_call(
    _final_body,
    grid=(N // BN,),
    in_specs=[
        pl.BlockSpec((2, BN, D), lambda j: (0, j, 0)),
        pl.BlockSpec((BN, D), lambda j: (j, 0)),
        pl.BlockSpec((D, D), lambda j: (0, 0)),
        pl.BlockSpec((1, D), lambda j: (0, 0)),
        pl.BlockSpec((D, D), lambda j: (0, 0)),
        pl.BlockSpec((1, D), lambda j: (0, 0)),
    ],
    out_specs=pl.BlockSpec((BN, D), lambda j: (j, 0)),
    out_shape=jax.ShapeDtypeStruct((N, D), _f32),
)



def _sc_edge_body(tdst_hbm, tsrc_hbm, ea_hbm, src_hbm, dst_hbm, agg_hbm,
                  idxd0, idxr0, idxs0, idxg0, idxc0, a0, c0, e0,
                  idxd1, idxr1, idxs1, idxg1, idxc1, a1, c1, e1,
                  agg_sh, semi0, semi1, semg0, semg1):
    c = lax.axis_index("c")
    s = lax.axis_index("s")
    c_n = c * N

    idxd = (idxd0, idxd1)
    idxr = (idxr0, idxr1)
    idxs = (idxs0, idxs1)
    idxg = (idxg0, idxg1)
    idxc = (idxc0, idxc1)
    buf_a = (a0, a1)
    buf_c = (c0, c1)
    buf_e = (e0, e1)
    semi = (semi0, semi1)
    semg = (semg0, semg1)

    zero16 = jnp.zeros((16,), _f32)

    @pl.loop(0, CH)
    def _(i):
        for j in range(8):
            a0[i, pl.ds(j * 16, 16)] = zero16

    row0 = s * ROWS_PER_TILE
    for k in range(ROWS_PER_TILE // CH):
        pltpu.sync_copy(a0, agg_sh.at[pl.ds(row0 + k * CH, CH)])
    _rem = ROWS_PER_TILE % CH
    pltpu.sync_copy(a0.at[pl.ds(0, _rem)],
                    agg_sh.at[pl.ds(row0 + (ROWS_PER_TILE // CH) * CH, _rem)])

    base_chunk = s * BASE_CHUNKS + jnp.minimum(s, EXTRA)
    chunk_lo = c * CHUNKS_PER_SC + base_chunk

    plsc.subcore_barrier()


    def issue_idx(row, b):
        pltpu.async_copy(dst_hbm.at[pl.ds(row, 1)], idxd[b], semi[b])
        pltpu.async_copy(src_hbm.at[pl.ds(row, 1)], idxr[b], semi[b])

    def prep_gather(row, b):
        pltpu.make_async_copy(dst_hbm.at[pl.ds(0, 1)], idxd[b], semi[b]).wait()
        pltpu.make_async_copy(src_hbm.at[pl.ds(0, 1)], idxr[b], semi[b]).wait()
        for j in range(CH // 16):
            sl = pl.ds(j * 16, 16)
            idxc[b][0, 0, sl] = idxd[b][0, 0, sl]
            idxg[b][0, 0, sl] = idxd[b][0, 0, sl] + c_n
            idxs[b][0, 0, sl] = idxr[b][0, 0, sl] + c_n
        pltpu.async_copy(tdst_hbm.at[idxg[b].at[0, 0]], buf_a[b], semg[b])
        pltpu.async_copy(tsrc_hbm.at[idxs[b].at[0, 0]], buf_c[b], semg[b])
        pltpu.async_copy(ea_hbm.at[pl.ds(row * CH, CH)], buf_e[b], semg[b])

    def process(b):
        pltpu.make_async_copy(tdst_hbm.at[idxg[b].at[0, 0]], buf_a[b],
                              semg[b]).wait()
        pltpu.make_async_copy(tsrc_hbm.at[idxs[b].at[0, 0]], buf_c[b],
                              semg[b]).wait()
        pltpu.make_async_copy(ea_hbm.at[pl.ds(0, CH)], buf_e[b],
                              semg[b]).wait()

        @pl.loop(0, CH)
        def _(i):
            for j in range(8):
                sl = pl.ds(j * 16, 16)
                v = buf_a[b][i, sl] + buf_c[b][i, sl] + buf_e[b][i, sl]
                buf_a[b][i, sl] = jnp.maximum(v, 0.0)

        pltpu.sync_copy(buf_a[b], agg_sh.at[idxc[b].at[0, 0]], add=True)

    issue_idx(chunk_lo, 0)
    issue_idx(chunk_lo + 1, 1)
    prep_gather(chunk_lo, 0)

    @pl.loop(0, BASE_CHUNKS - 2, step=2)
    def _(g):
        row = chunk_lo + g
        prep_gather(row + 1, 1)
        issue_idx(row + 2, 0)
        process(0)
        prep_gather(row + 2, 0)
        issue_idx(row + 3, 1)
        process(1)

    prep_gather(chunk_lo + BASE_CHUNKS - 1, 1)
    process(0)
    process(1)

    @pl.when(s < EXTRA)
    def _():
        r = chunk_lo + BASE_CHUNKS
        issue_idx(r, 0)
        prep_gather(r, 0)
        process(0)

    plsc.subcore_barrier()

    @pl.when(s < 10)
    def _():
        pltpu.sync_copy(agg_sh.at[pl.ds(s * 1000, 1000)],
                        agg_hbm.at[pl.ds(c * N + s * 1000, 1000)])


_sc_mesh = plsc.VectorSubcoreMesh(core_axis_name="c", subcore_axis_name="s")

_sc_scratch_set = [
    pltpu.VMEM((1, 1, CH), jnp.int32),
    pltpu.VMEM((1, 1, CH), jnp.int32),
    pltpu.VMEM((1, 1, CH), jnp.int32),
    pltpu.VMEM((1, 1, CH), jnp.int32),
    pltpu.VMEM((1, 1, CH), jnp.int32),
    pltpu.VMEM((CH, D), _f32),
    pltpu.VMEM((CH, D), _f32),
    pltpu.VMEM((CH, D), _f32),
]

_sc_edge_call = pl.kernel(
    _sc_edge_body,
    out_type=jax.ShapeDtypeStruct((2 * N, D), _f32),
    mesh=_sc_mesh,
    scratch_types=_sc_scratch_set + _sc_scratch_set + [
        pltpu.VMEM_SHARED((N, D), _f32),
        pltpu.SemaphoreType.DMA,
        pltpu.SemaphoreType.DMA,
        pltpu.SemaphoreType.DMA,
        pltpu.SemaphoreType.DMA,
    ],
)



def kernel(x, edge_index, edge_attr, W_lin, b_lin, W_lin2, b_lin2, W1, b1, W2, b2):
    src = edge_index[0].reshape(CHUNKS_PER_SC * 2, 1, CH)
    dst = edge_index[1].reshape(CHUNKS_PER_SC * 2, 1, CH)

    w_dst = jnp.stack([W_lin[:D], W_lin2[D + DE:]])
    w_src = jnp.stack([W_lin[D + DE:], W_lin2[:D]])
    w_ea = jnp.stack([W_lin[D:D + DE], W_lin2[D:D + DE]])
    b_msg = jnp.stack([b_lin, b_lin2])[:, None, :]

    tdst, tsrc = _tables_call(x, w_dst, w_src, b_msg)
    ea_rows = _ea_call(edge_attr.reshape(2, HALF, DE), w_ea)

    agg = _sc_edge_call(
        tdst.reshape(2 * N, D),
        tsrc.reshape(2 * N, D),
        ea_rows.reshape(E, D),
        src,
        dst,
    )

    return _final_call(agg.reshape(2, N, D), x, W1,
                       b1.reshape(1, D), W2, b2.reshape(1, D))

# --- scband reference (transcript-rebuilt; emitter-appended) ---
"""Pipeline reference for scband-graph-net-83958020702804 (READ-ONLY COPY).

The authoritative reference and input builder live on the scoring server;
editing this copy changes nothing except your own understanding.
"""

import jax, jax.numpy as jnp
import numpy as np

N = 10000
E = 320000
D = 128
DE = 16
MSG_IN = 2 * D + DE  # 272


def setup_inputs(seed: int = 0) -> dict:
    key = jax.random.key(seed)
    ks = jax.random.split(key, 12)
    x = jax.random.normal(ks[0], (N, D), dtype=jnp.float32)
    edge_index = jax.random.randint(ks[1], (2, E), 0, N, dtype=jnp.int32)
    edge_attr = jax.random.normal(ks[2], (E, DE), dtype=jnp.float32)
    s_msg = 1.0 / np.sqrt(MSG_IN)
    s_nn = 1.0 / np.sqrt(D)
    W_lin = jax.random.uniform(ks[3], (MSG_IN, D), minval=-s_msg, maxval=s_msg, dtype=jnp.float32)
    b_lin = jax.random.uniform(ks[4], (D,), minval=-s_msg, maxval=s_msg, dtype=jnp.float32)
    W_lin2 = jax.random.uniform(ks[5], (MSG_IN, D), minval=-s_msg, maxval=s_msg, dtype=jnp.float32)
    b_lin2 = jax.random.uniform(ks[6], (D,), minval=-s_msg, maxval=s_msg, dtype=jnp.float32)
    W1 = jax.random.uniform(ks[7], (D, D), minval=-s_nn, maxval=s_nn, dtype=jnp.float32)
    b1 = jax.random.uniform(ks[8], (D,), minval=-s_nn, maxval=s_nn, dtype=jnp.float32)
    W2 = jax.random.uniform(ks[9], (D, D), minval=-s_nn, maxval=s_nn, dtype=jnp.float32)
    b2 = jax.random.uniform(ks[10], (D,), minval=-s_nn, maxval=s_nn, dtype=jnp.float32)
    return {"x": x, "edge_index": edge_index, "edge_attr": edge_attr,
            "W_lin": W_lin, "b_lin": b_lin, "W_lin2": W_lin2, "b_lin2": b_lin2,
            "W1": W1, "b1": b1, "W2": W2, "b2": b2}


def reference(x, edge_index, edge_attr, W_lin, b_lin, W_lin2, b_lin2, W1, b1, W2, b2):
    eps = 0.0  # initial_eps, train_eps=False -> buffer constant
    src = edge_index[0]
    dst = edge_index[1]
    # PyG default flow source_to_target: x_j = x[src], x_i = x[dst]
    x_j = jnp.take(x, src, axis=0)
    x_i = jnp.take(x, dst, axis=0)
    half = x_i.shape[0] // 2
    x_i_1, x_i_2 = x_i[:half], x_i[half:]
    x_j_1, x_j_2 = x_j[:half], x_j[half:]
    ea_1, ea_2 = edge_attr[:half], edge_attr[half:]
    res1 = jax.nn.relu(jnp.concatenate([x_i_1, ea_1, x_j_1], axis=1) @ W_lin + b_lin)
    res2 = jax.nn.relu(jnp.concatenate([x_j_2, ea_2, x_i_2], axis=1) @ W_lin2 + b_lin2)
    res = jnp.concatenate([res1, res2], axis=0)
    # aggr='add': scatter-add messages onto destination nodes
    agg = jax.ops.segment_sum(res, dst, num_segments=x.shape[0])
    out = agg + (1.0 + eps) * x
    # self.nn: Sequential(Linear(D,D), ReLU, Linear(D,D))
    h = jax.nn.relu(out @ W1 + b1)
    out = h @ W2 + b2
    return out

if __name__ == "__main__":
    import jax
    _d = setup_inputs()
    print(jax.jit(kernel)(*tuple(_d.values())))

</pallas_src>

<mosaic_0001>
#map = affine_map<(d0, d1) -> (0, 0)>
#map1 = affine_map<(d0, d1) -> (0, 0, 0)>
module attributes {stable_mosaic.version = 14 : i64} {
  func.func @_sc_edge_body(%arg0: i32, %arg1: i32, %arg2: memref<20000x128xf32, #tpu.memory_space<hbm>>, %arg3: memref<20000x128xf32, #tpu.memory_space<hbm>>, %arg4: memref<320000x128xf32, #tpu.memory_space<hbm>>, %arg5: memref<5000x1x64xi32, #tpu.memory_space<hbm>>, %arg6: memref<5000x1x64xi32, #tpu.memory_space<hbm>>, %arg7: memref<20000x128xf32, #tpu.memory_space<hbm>>, %arg8: memref<1x1x64xi32, #tpu.memory_space<vmem>>, %arg9: memref<1x1x64xi32, #tpu.memory_space<vmem>>, %arg10: memref<1x1x64xi32, #tpu.memory_space<vmem>>, %arg11: memref<1x1x64xi32, #tpu.memory_space<vmem>>, %arg12: memref<1x1x64xi32, #tpu.memory_space<vmem>>, %arg13: memref<64x128xf32, #tpu.memory_space<vmem>>, %arg14: memref<64x128xf32, #tpu.memory_space<vmem>>, %arg15: memref<64x128xf32, #tpu.memory_space<vmem>>, %arg16: memref<1x1x64xi32, #tpu.memory_space<vmem>>, %arg17: memref<1x1x64xi32, #tpu.memory_space<vmem>>, %arg18: memref<1x1x64xi32, #tpu.memory_space<vmem>>, %arg19: memref<1x1x64xi32, #tpu.memory_space<vmem>>, %arg20: memref<1x1x64xi32, #tpu.memory_space<vmem>>, %arg21: memref<64x128xf32, #tpu.memory_space<vmem>>, %arg22: memref<64x128xf32, #tpu.memory_space<vmem>>, %arg23: memref<64x128xf32, #tpu.memory_space<vmem>>, %arg24: memref<10000x128xf32, #tpu.memory_space<vmem_shared>>, %arg25: memref<!tpu.dma_semaphore, #tpu.memory_space<semaphore_mem>>, %arg26: memref<!tpu.dma_semaphore, #tpu.memory_space<semaphore_mem>>, %arg27: memref<!tpu.dma_semaphore, #tpu.memory_space<semaphore_mem>>, %arg28: memref<!tpu.dma_semaphore, #tpu.memory_space<semaphore_mem>>) attributes {dimension_semantics = [#tpu.dimension_semantics<core_parallel>, #tpu.dimension_semantics<subcore_parallel>], iteration_bounds = array<i64: 2, 16>, scalar_prefetch = 0 : i64, scratch_operands = 21 : i64, tpu.core_type = #tpu.core_type<sc_vector_subcore>, window_params = [{transform_indices = #map}, {transform_indices = #map}, {transform_indices = #map}, {transform_indices = #map1}, {transform_indices = #map1}, {transform_indices = #map}]} {
    %mul3A = arith.constant 10000 : i32
    %mul3A_0 = arith.muli %arg0, %mul3A : i32
    %broadcast_in_dim3A = arith.constant 0.000000e+00 : f32
    %broadcast_in_dim3A_1 = vector.broadcast %broadcast_in_dim3A : f32 to vector<16xf32>
    %scan3A = arith.constant 0 : i32
    %scan3A_2 = arith.constant 64 : i32
    %scan3A_3 = arith.addi %scan3A, %scan3A_2 : i32
    %scan3A_4 = arith.constant 1 : i32
    scf.for %scan3A_597 = %scan3A to %scan3A_3 step %scan3A_4  : i32 {
      %mul3A_598 = arith.constant 1 : i32
      %mul3A_599 = arith.muli %scan3A_597, %mul3A_598 : i32
      %add3A_600 = arith.constant 0 : i32
      %add3A_601 = arith.addi %add3A_600, %mul3A_599 : i32
      %swap3A_602 = arith.index_cast %add3A_601 : i32 to index
      %swap3A_603 = arith.constant 0 : index
      %swap3A_604 = tpu.vector_load %arg13[%swap3A_602, %swap3A_603] {strides = array<i32>} : memref<64x128xf32, #tpu.memory_space<vmem>>, vector<1x16xf32>,
      %swap3A_605 = vector.shape_cast %swap3A_604 : vector<1x16xf32> to vector<16xf32>
      %swap3A_606 = vector.shape_cast %broadcast_in_dim3A_1 : vector<16xf32> to vector<1x16xf32>
      tpu.vector_store %arg13[%swap3A_602, %swap3A_603], %swap3A_606 {strides = array<i32>} : memref<64x128xf32, #tpu.memory_space<vmem>>, vector<1x16xf32>,
      %swap3A_607 = arith.index_cast %add3A_601 : i32 to index
      %swap3A_608 = arith.constant 16 : index
      %swap3A_609 = tpu.vector_load %arg13[%swap3A_607, %swap3A_608] {strides = array<i32>} : memref<64x128xf32, #tpu.memory_space<vmem>>, vector<1x16xf32>,
      %swap3A_610 = vector.shape_cast %swap3A_609 : vector<1x16xf32> to vector<16xf32>
      %swap3A_611 = vector.shape_cast %broadcast_in_dim3A_1 : vector<16xf32> to vector<1x16xf32>
      tpu.vector_store %arg13[%swap3A_607, %swap3A_608], %swap3A_611 {strides = array<i32>} : memref<64x128xf32, #tpu.memory_space<vmem>>, vector<1x16xf32>,
      %swap3A_612 = arith.index_cast %add3A_601 : i32 to index
      %swap3A_613 = arith.constant 32 : index
      %swap3A_614 = tpu.vector_load %arg13[%swap3A_612, %swap3A_613] {strides = array<i32>} : memref<64x128xf32, #tpu.memory_space<vmem>>, vector<1x16xf32>,
      %swap3A_615 = vector.shape_cast %swap3A_614 : vector<1x16xf32> to vector<16xf32>
      %swap3A_616 = vector.shape_cast %broadcast_in_dim3A_1 : vector<16xf32> to vector<1x16xf32>
      tpu.vector_store %arg13[%swap3A_612, %swap3A_613], %swap3A_616 {strides = array<i32>} : memref<64x128xf32, #tpu.memory_space<vmem>>, vector<1x16xf32>,
      %swap3A_617 = arith.index_cast %add3A_601 : i32 to index
      %swap3A_618 = arith.constant 48 : index
      %swap3A_619 = tpu.vector_load %arg13[%swap3A_617, %swap3A_618] {strides = array<i32>} : memref<64x128xf32, #tpu.memory_space<vmem>>, vector<1x16xf32>,
      %swap3A_620 = vector.shape_cast %swap3A_619 : vector<1x16xf32> to vector<16xf32>
      %swap3A_621 = vector.shape_cast %broadcast_in_dim3A_1 : vector<16xf32> to vector<1x16xf32>
      tpu.vector_store %arg13[%swap3A_617, %swap3A_618], %swap3A_621 {strides = array<i32>} : memref<64x128xf32, #tpu.memory_space<vmem>>, vector<1x16xf32>,
      %swap3A_622 = arith.index_cast %add3A_601 : i32 to index
      %swap3A_623 = arith.constant 64 : index
      %swap3A_624 = tpu.vector_load %arg13[%swap3A_622, %swap3A_623] {strides = array<i32>} : memref<64x128xf32, #tpu.memory_space<vmem>>, vector<1x16xf32>,
      %swap3A_625 = vector.shape_cast %swap3A_624 : vector<1x16xf32> to vector<16xf32>
      %swap3A_626 = vector.shape_cast %broadcast_in_dim3A_1 : vector<16xf32> to vector<1x16xf32>
      tpu.vector_store %arg13[%swap3A_622, %swap3A_623], %swap3A_626 {strides = array<i32>} : memref<64x128xf32, #tpu.memory_space<vmem>>, vector<1x16xf32>,
      %swap3A_627 = arith.index_cast %add3A_601 : i32 to index
      %swap3A_628 = arith.constant 80 : index
      %swap3A_629 = tpu.vector_load %arg13[%swap3A_627, %swap3A_628] {strides = array<i32>} : memref<64x128xf32, #tpu.memory_space<vmem>>, vector<1x16xf32>,
      %swap3A_630 = vector.shape_cast %swap3A_629 : vector<1x16xf32> to vector<16xf32>
      %swap3A_631 = vector.shape_cast %broadcast_in_dim3A_1 : vector<16xf32> to vector<1x16xf32>
      tpu.vector_store %arg13[%swap3A_627, %swap3A_628], %swap3A_631 {strides = array<i32>} : memref<64x128xf32, #tpu.memory_space<vmem>>, vector<1x16xf32>,
      %swap3A_632 = arith.index_cast %add3A_601 : i32 to index
      %swap3A_633 = arith.constant 96 : index
      %swap3A_634 = tpu.vector_load %arg13[%swap3A_632, %swap3A_633] {strides = array<i32>} : memref<64x128xf32, #tpu.memory_space<vmem>>, vector<1x16xf32>,
      %swap3A_635 = vector.shape_cast %swap3A_634 : vector<1x16xf32> to vector<16xf32>
      %swap3A_636 = vector.shape_cast %broadcast_in_dim3A_1 : vector<16xf32> to vector<1x16xf32>
      tpu.vector_store %arg13[%swap3A_632, %swap3A_633], %swap3A_636 {strides = array<i32>} : memref<64x128xf32, #tpu.memory_space<vmem>>, vector<1x16xf32>,
      %swap3A_637 = arith.index_cast %add3A_601 : i32 to index
      %swap3A_638 = arith.constant 112 : index
      %swap3A_639 = tpu.vector_load %arg13[%swap3A_637, %swap3A_638] {strides = array<i32>} : memref<64x128xf32, #tpu.memory_space<vmem>>, vector<1x16xf32>,
      %swap3A_640 = vector.shape_cast %swap3A_639 : vector<1x16xf32> to vector<16xf32>
      %swap3A_641 = vector.shape_cast %broadcast_in_dim3A_1 : vector<16xf32> to vector<1x16xf32>
      tpu.vector_store %arg13[%swap3A_637, %swap3A_638], %swap3A_641 {strides = array<i32>} : memref<64x128xf32, #tpu.memory_space<vmem>>, vector<1x16xf32>,
    }
    %scan3A_5 = arith.constant 64 : i32
    %mul3A_6 = arith.constant 625 : i32
    %mul3A_7 = arith.muli %arg1, %mul3A_6 : i32
    %add3A = arith.constant 0 : i32
    %add3A_8 = arith.addi %mul3A_7, %add3A : i32
    "tpu.region"() ({
      %run_scoped3A_597 = tpu.sem_alloc : memref<!tpu.dma_semaphore, #tpu.memory_space<semaphore_mem>>
      %dma_start3A_598 = arith.constant 0 : i32
      %dma_start3A_599 = tpu.memref_slice %arg24[%add3A_8, %dma_start3A_598] : memref<10000x128xf32, #tpu.memory_space<vmem_shared>> -> memref<64x128xf32, #tpu.memory_space<vmem_shared>>
      %dma_start3A_600 = arith.constant 0 : i32
      %dma_start3A_601 = tpu.memref_slice %arg24[%add3A_8, %dma_start3A_600] : memref<10000x128xf32, #tpu.memory_space<vmem_shared>> -> memref<64x128xf32, #tpu.memory_space<vmem_shared>>
      tpu.enqueue_dma source(%arg13 : memref<64x128xf32, #tpu.memory_space<vmem>>) target(%dma_start3A_601 : memref<64x128xf32, #tpu.memory_space<vmem_shared>>) target_semaphore(%run_scoped3A_597 : memref<!tpu.dma_semaphore, #tpu.memory_space<semaphore_mem>>)
      %dma_wait3A_602 = arith.constant 0 : i32
      %dma_wait3A_603 = tpu.memref_slice %arg24[%add3A_8, %dma_wait3A_602] : memref<10000x128xf32, #tpu.memory_space<vmem_shared>> -> memref<64x128xf32, #tpu.memory_space<vmem_shared>>
      %dma_wait3A_604 = arith.constant 0 : i32
      %dma_wait3A_605 = tpu.memref_slice %arg24[%add3A_8, %dma_wait3A_604] : memref<10000x128xf32, #tpu.memory_space<vmem_shared>> -> memref<64x128xf32, #tpu.memory_space<vmem_shared>>
      tpu.wait_dma2 semaphore(%run_scoped3A_597 : memref<!tpu.dma_semaphore, #tpu.memory_space<semaphore_mem>>) src(%arg13 : memref<64x128xf32, #tpu.memory_space<vmem>>) dst(%dma_wait3A_605 : memref<64x128xf32, #tpu.memory_space<vmem_shared>>)
      tpu.yield
    }) : () -> ()
    %add3A_9 = arith.constant 64 : i32
    %add3A_10 = arith.addi %mul3A_7, %add3A_9 : i32
    "tpu.region"() ({
      %run_scoped3A_597 = tpu.sem_alloc : memref<!tpu.dma_semaphore, #tpu.memory_space<semaphore_mem>>
      %dma_start3A_598 = arith.constant 0 : i32
      %dma_start3A_599 = tpu.memref_slice %arg24[%add3A_10, %dma_start3A_598] : memref<10000x128xf32, #tpu.memory_space<vmem_shared>> -> memref<64x128xf32, #tpu.memory_space<vmem_shared>>
      %dma_start3A_600 = arith.constant 0 : i32
      %dma_start3A_601 = tpu.memref_slice %arg24[%add3A_10, %dma_start3A_600] : memref<10000x128xf32, #tpu.memory_space<vmem_shared>> -> memref<64x128xf32, #tpu.memory_space<vmem_shared>>
      tpu.enqueue_dma source(%arg13 : memref<64x128xf32, #tpu.memory_space<vmem>>) target(%dma_start3A_601 : memref<64x128xf32, #tpu.memory_space<vmem_shared>>) target_semaphore(%run_scoped3A_597 : memref<!tpu.dma_semaphore, #tpu.memory_space<semaphore_mem>>)
      %dma_wait3A_602 = arith.constant 0 : i32
      %dma_wait3A_603 = tpu.memref_slice %arg24[%add3A_10, %dma_wait3A_602] : memref<10000x128xf32, #tpu.memory_space<vmem_shared>> -> memref<64x128xf32, #tpu.memory_space<vmem_shared>>
      %dma_wait3A_604 = arith.constant 0 : i32
      %dma_wait3A_605 = tpu.memref_slice %arg24[%add3A_10, %dma_wait3A_604] : memref<10000x128xf32, #tpu.memory_space<vmem_shared>> -> memref<64x128xf32, #tpu.memory_space<vmem_shared>>
      tpu.wait_dma2 semaphore(%run_scoped3A_597 : memref<!tpu.dma_semaphore, #tpu.memory_space<semaphore_mem>>) src(%arg13 : memref<64x128xf32, #tpu.memory_space<vmem>>) dst(%dma_wait3A_605 : memref<64x128xf32, #tpu.memory_space<vmem_shared>>)
      tpu.yield
    }) : () -> ()
    %add3A_11 = arith.constant 128 : i32
    %add3A_12 = arith.addi %mul3A_7, %add3A_11 : i32
    "tpu.region"() ({
      %run_scoped3A_597 = tpu.sem_alloc : memref<!tpu.dma_semaphore, #tpu.memory_space<semaphore_mem>>
      %dma_start3A_598 = arith.constant 0 : i32
      %dma_start3A_599 = tpu.memref_slice %arg24[%add3A_12, %dma_start3A_598] : memref<10000x128xf32, #tpu.memory_space<vmem_shared>> -> memref<64x128xf32, #tpu.memory_space<vmem_shared>>
      %dma_start3A_600 = arith.constant 0 : i32
      %dma_start3A_601 = tpu.memref_slice %arg24[%add3A_12, %dma_start3A_600] : memref<10000x128xf32, #tpu.memory_space<vmem_shared>> -> memref<64x128xf32, #tpu.memory_space<vmem_shared>>
      tpu.enqueue_dma source(%arg13 : memref<64x128xf32, #tpu.memory_space<vmem>>) target(%dma_start3A_601 : memref<64x128xf32, #tpu.memory_space<vmem_shared>>) target_semaphore(%run_scoped3A_597 : memref<!tpu.dma_semaphore, #tpu.memory_space<semaphore_mem>>)
      %dma_wait3A_602 = arith.constant 0 : i32
      %dma_wait3A_603 = tpu.memref_slice %arg24[%add3A_12, %dma_wait3A_602] : memref<10000x128xf32, #tpu.memory_space<vmem_shared>> -> memref<64x128xf32, #tpu.memory_space<vmem_shared>>
      %dma_wait3A_604 = arith.constant 0 : i32
      %dma_wait3A_605 = tpu.memref_slice %arg24[%add3A_12, %dma_wait3A_604] : memref<10000x128xf32, #tpu.memory_space<vmem_shared>> -> memref<64x128xf32, #tpu.memory_space<vmem_shared>>
      tpu.wait_dma2 semaphore(%run_scoped3A_597 : memref<!tpu.dma_semaphore, #tpu.memory_space<semaphore_mem>>) src(%arg13 : memref<64x128xf32, #tpu.memory_space<vmem>>) dst(%dma_wait3A_605 : memref<64x128xf32, #tpu.memory_space<vmem_shared>>)
      tpu.yield
    }) : () -> ()
    %add3A_13 = arith.constant 192 : i32
    %add3A_14 = arith.addi %mul3A_7, %add3A_13 : i32
    "tpu.region"() ({
      %run_scoped3A_597 = tpu.sem_alloc : memref<!tpu.dma_semaphore, #tpu.memory_space<semaphore_mem>>
      %dma_start3A_598 = arith.constant 0 : i32
      %dma_start3A_599 = tpu.memref_slice %arg24[%add3A_14, %dma_start3A_598] : memref<10000x128xf32, #tpu.memory_space<vmem_shared>> -> memref<64x128xf32, #tpu.memory_space<vmem_shared>>
      %dma_start3A_600 = arith.constant 0 : i32
      %dma_start3A_601 = tpu.memref_slice %arg24[%add3A_14, %dma_start3A_600] : memref<10000x128xf32, #tpu.memory_space<vmem_shared>> -> memref<64x128xf32, #tpu.memory_space<vmem_shared>>
      tpu.enqueue_dma source(%arg13 : memref<64x128xf32, #tpu.memory_space<vmem>>) target(%dma_start3A_601 : memref<64x128xf32, #tpu.memory_space<vmem_shared>>) target_semaphore(%run_scoped3A_597 : memref<!tpu.dma_semaphore, #tpu.memory_space<semaphore_mem>>)
      %dma_wait3A_602 = arith.constant 0 : i32
      %dma_wait3A_603 = tpu.memref_slice %arg24[%add3A_14, %dma_wait3A_602] : memref<10000x128xf32, #tpu.memory_space<vmem_shared>> -> memref<64x128xf32, #tpu.memory_space<vmem_shared>>
      %dma_wait3A_604 = arith.constant 0 : i32
      %dma_wait3A_605 = tpu.memref_slice %arg24[%add3A_14, %dma_wait3A_604] : memref<10000x128xf32, #tpu.memory_space<vmem_shared>> -> memref<64x128xf32, #tpu.memory_space<vmem_shared>>
      tpu.wait_dma2 semaphore(%run_scoped3A_597 : memref<!tpu.dma_semaphore, #tpu.memory_space<semaphore_mem>>) src(%arg13 : memref<64x128xf32, #tpu.memory_space<vmem>>) dst(%dma_wait3A_605 : memref<64x128xf32, #tpu.memory_space<vmem_shared>>)
      tpu.yield
    }) : () -> ()
    %add3A_15 = arith.constant 256 : i32
    %add3A_16 = arith.addi %mul3A_7, %add3A_15 : i32
    "tpu.region"() ({
      %run_scoped3A_597 = tpu.sem_alloc : memref<!tpu.dma_semaphore, #tpu.memory_space<semaphore_mem>>
      %dma_start3A_598 = arith.constant 0 : i32
      %dma_start3A_599 = tpu.memref_slice %arg24[%add3A_16, %dma_start3A_598] : memref<10000x128xf32, #tpu.memory_space<vmem_shared>> -> memref<64x128xf32, #tpu.memory_space<vmem_shared>>
      %dma_start3A_600 = arith.constant 0 : i32
      %dma_start3A_601 = tpu.memref_slice %arg24[%add3A_16, %dma_start3A_600] : memref<10000x128xf32, #tpu.memory_space<vmem_shared>> -> memref<64x128xf32, #tpu.memory_space<vmem_shared>>
      tpu.enqueue_dma source(%arg13 : memref<64x128xf32, #tpu.memory_space<vmem>>) target(%dma_start3A_601 : memref<64x128xf32, #tpu.memory_space<vmem_shared>>) target_semaphore(%run_scoped3A_597 : memref<!tpu.dma_semaphore, #tpu.memory_space<semaphore_mem>>)
      %dma_wait3A_602 = arith.constant 0 : i32
      %dma_wait3A_603 = tpu.memref_slice %arg24[%add3A_16, %dma_wait3A_602] : memref<10000x128xf32, #tpu.memory_space<vmem_shared>> -> memref<64x128xf32, #tpu.memory_space<vmem_shared>>
      %dma_wait3A_604 = arith.constant 0 : i32
      %dma_wait3A_605 = tpu.memref_slice %arg24[%add3A_16, %dma_wait3A_604] : memref<10000x128xf32, #tpu.memory_space<vmem_shared>> -> memref<64x128xf32, #tpu.memory_space<vmem_shared>>
      tpu.wait_dma2 semaphore(%run_scoped3A_597 : memref<!tpu.dma_semaphore, #tpu.memory_space<semaphore_mem>>) src(%arg13 : memref<64x128xf32, #tpu.memory_space<vmem>>) dst(%dma_wait3A_605 : memref<64x128xf32, #tpu.memory_space<vmem_shared>>)
      tpu.yield
    }) : () -> ()
    %add3A_17 = arith.constant 320 : i32
    %add3A_18 = arith.addi %mul3A_7, %add3A_17 : i32
    "tpu.region"() ({
      %run_scoped3A_597 = tpu.sem_alloc : memref<!tpu.dma_semaphore, #tpu.memory_space<semaphore_mem>>
      %dma_start3A_598 = arith.constant 0 : i32
      %dma_start3A_599 = tpu.memref_slice %arg24[%add3A_18, %dma_start3A_598] : memref<10000x128xf32, #tpu.memory_space<vmem_shared>> -> memref<64x128xf32, #tpu.memory_space<vmem_shared>>
      %dma_start3A_600 = arith.constant 0 : i32
      %dma_start3A_601 = tpu.memref_slice %arg24[%add3A_18, %dma_start3A_600] : memref<10000x128xf32, #tpu.memory_space<vmem_shared>> -> memref<64x128xf32, #tpu.memory_space<vmem_shared>>
      tpu.enqueue_dma source(%arg13 : memref<64x128xf32, #tpu.memory_space<vmem>>) target(%dma_start3A_601 : memref<64x128xf32, #tpu.memory_space<vmem_shared>>) target_semaphore(%run_scoped3A_597 : memref<!tpu.dma_semaphore, #tpu.memory_space<semaphore_mem>>)
      %dma_wait3A_602 = arith.constant 0 : i32
      %dma_wait3A_603 = tpu.memref_slice %arg24[%add3A_18, %dma_wait3A_602] : memref<10000x128xf32, #tpu.memory_space<vmem_shared>> -> memref<64x128xf32, #tpu.memory_space<vmem_shared>>
      %dma_wait3A_604 = arith.constant 0 : i32
      %dma_wait3A_605 = tpu.memref_slice %arg24[%add3A_18, %dma_wait3A_604] : memref<10000x128xf32, #tpu.memory_space<vmem_shared>> -> memref<64x128xf32, #tpu.memory_space<vmem_shared>>
      tpu.wait_dma2 semaphore(%run_scoped3A_597 : memref<!tpu.dma_semaphore, #tpu.memory_space<semaphore_mem>>) src(%arg13 : memref<64x128xf32, #tpu.memory_space<vmem>>) dst(%dma_wait3A_605 : memref<64x128xf32, #tpu.memory_space<vmem_shared>>)
      tpu.yield
    }) : () -> ()
    %add3A_19 = arith.constant 384 : i32
    %add3A_20 = arith.addi %mul3A_7, %add3A_19 : i32
    "tpu.region"() ({
      %run_scoped3A_597 = tpu.sem_alloc : memref<!tpu.dma_semaphore, #tpu.memory_space<semaphore_mem>>
      %dma_start3A_598 = arith.constant 0 : i32
      %dma_start3A_599 = tpu.memref_slice %arg24[%add3A_20, %dma_start3A_598] : memref<10000x128xf32, #tpu.memory_space<vmem_shared>> -> memref<64x128xf32, #tpu.memory_space<vmem_shared>>
      %dma_start3A_600 = arith.constant 0 : i32
      %dma_start3A_601 = tpu.memref_slice %arg24[%add3A_20, %dma_start3A_600] : memref<10000x128xf32, #tpu.memory_space<vmem_shared>> -> memref<64x128xf32, #tpu.memory_space<vmem_shared>>
      tpu.enqueue_dma source(%arg13 : memref<64x128xf32, #tpu.memory_space<vmem>>) target(%dma_start3A_601 : memref<64x128xf32, #tpu.memory_space<vmem_shared>>) target_semaphore(%run_scoped3A_597 : memref<!tpu.dma_semaphore, #tpu.memory_space<semaphore_mem>>)
      %dma_wait3A_602 = arith.constant 0 : i32
      %dma_wait3A_603 = tpu.memref_slice %arg24[%add3A_20, %dma_wait3A_602] : memref<10000x128xf32, #tpu.memory_space<vmem_shared>> -> memref<64x128xf32, #tpu.memory_space<vmem_shared>>
      %dma_wait3A_604 = arith.constant 0 : i32
      %dma_wait3A_605 = tpu.memref_slice %arg24[%add3A_20, %dma_wait3A_604] : memref<10000x128xf32, #tpu.memory_space<vmem_shared>> -> memref<64x128xf32, #tpu.memory_space<vmem_shared>>
      tpu.wait_dma2 semaphore(%run_scoped3A_597 : memref<!tpu.dma_semaphore, #tpu.memory_space<semaphore_mem>>) src(%arg13 : memref<64x128xf32, #tpu.memory_space<vmem>>) dst(%dma_wait3A_605 : memref<64x128xf32, #tpu.memory_space<vmem_shared>>)
      tpu.yield
    }) : () -> ()
    %add3A_21 = arith.constant 448 : i32
    %add3A_22 = arith.addi %mul3A_7, %add3A_21 : i32
    "tpu.region"() ({
      %run_scoped3A_597 = tpu.sem_alloc : memref<!tpu.dma_semaphore, #tpu.memory_space<semaphore_mem>>
      %dma_start3A_598 = arith.constant 0 : i32
      %dma_start3A_599 = tpu.memref_slice %arg24[%add3A_22, %dma_start3A_598] : memref<10000x128xf32, #tpu.memory_space<vmem_shared>> -> memref<64x128xf32, #tpu.memory_space<vmem_shared>>
      %dma_start3A_600 = arith.constant 0 : i32
      %dma_start3A_601 = tpu.memref_slice %arg24[%add3A_22, %dma_start3A_600] : memref<10000x128xf32, #tpu.memory_space<vmem_shared>> -> memref<64x128xf32, #tpu.memory_space<vmem_shared>>
      tpu.enqueue_dma source(%arg13 : memref<64x128xf32, #tpu.memory_space<vmem>>) target(%dma_start3A_601 : memref<64x128xf32, #tpu.memory_space<vmem_shared>>) target_semaphore(%run_scoped3A_597 : memref<!tpu.dma_semaphore, #tpu.memory_space<semaphore_mem>>)
      %dma_wait3A_602 = arith.constant 0 : i32
      %dma_wait3A_603 = tpu.memref_slice %arg24[%add3A_22, %dma_wait3A_602] : memref<10000x128xf32, #tpu.memory_space<vmem_shared>> -> memref<64x128xf32, #tpu.memory_space<vmem_shared>>
      %dma_wait3A_604 = arith.constant 0 : i32
      %dma_wait3A_605 = tpu.memref_slice %arg24[%add3A_22, %dma_wait3A_604] : memref<10000x128xf32, #tpu.memory_space<vmem_shared>> -> memref<64x128xf32, #tpu.memory_space<vmem_shared>>
      tpu.wait_dma2 semaphore(%run_scoped3A_597 : memref<!tpu.dma_semaphore, #tpu.memory_space<semaphore_mem>>) src(%arg13 : memref<64x128xf32, #tpu.memory_space<vmem>>) dst(%dma_wait3A_605 : memref<64x128xf32, #tpu.memory_space<vmem_shared>>)
      tpu.yield
    }) : () -> ()
    %add3A_23 = arith.constant 512 : i32
    %add3A_24 = arith.addi %mul3A_7, %add3A_23 : i32
    "tpu.region"() ({
      %run_scoped3A_597 = tpu.sem_alloc : memref<!tpu.dma_semaphore, #tpu.memory_space<semaphore_mem>>
      %dma_start3A_598 = arith.constant 0 : i32
      %dma_start3A_599 = tpu.memref_slice %arg24[%add3A_24, %dma_start3A_598] : memref<10000x128xf32, #tpu.memory_space<vmem_shared>> -> memref<64x128xf32, #tpu.memory_space<vmem_shared>>
      %dma_start3A_600 = arith.constant 0 : i32
      %dma_start3A_601 = tpu.memref_slice %arg24[%add3A_24, %dma_start3A_600] : memref<10000x128xf32, #tpu.memory_space<vmem_shared>> -> memref<64x128xf32, #tpu.memory_space<vmem_shared>>
      tpu.enqueue_dma source(%arg13 : memref<64x128xf32, #tpu.memory_space<vmem>>) target(%dma_start3A_601 : memref<64x128xf32, #tpu.memory_space<vmem_shared>>) target_semaphore(%run_scoped3A_597 : memref<!tpu.dma_semaphore, #tpu.memory_space<semaphore_mem>>)
      %dma_wait3A_602 = arith.constant 0 : i32
      %dma_wait3A_603 = tpu.memref_slice %arg24[%add3A_24, %dma_wait3A_602] : memref<10000x128xf32, #tpu.memory_space<vmem_shared>> -> memref<64x128xf32, #tpu.memory_space<vmem_shared>>
      %dma_wait3A_604 = arith.constant 0 : i32
      %dma_wait3A_605 = tpu.memref_slice %arg24[%add3A_24, %dma_wait3A_604] : memref<10000x128xf32, #tpu.memory_space<vmem_shared>> -> memref<64x128xf32, #tpu.memory_space<vmem_shared>>
      tpu.wait_dma2 semaphore(%run_scoped3A_597 : memref<!tpu.dma_semaphore, #tpu.memory_space<semaphore_mem>>) src(%arg13 : memref<64x128xf32, #tpu.memory_space<vmem>>) dst(%dma_wait3A_605 : memref<64x128xf32, #tpu.memory_space<vmem_shared>>)
      tpu.yield
    }) : () -> ()
    %add3A_25 = arith.constant 576 : i32
    %add3A_26 = arith.addi %mul3A_7, %add3A_25 : i32
    "tpu.region"() ({
      %run_scoped3A_597 = tpu.sem_alloc : memref<!tpu.dma_semaphore, #tpu.memory_space<semaphore_mem>>
      %dma_start3A_598 = arith.constant 0 : i32
      %dma_start3A_599 = arith.constant 0 : i32
      %dma_start3A_600 = tpu.memref_slice %arg13[%dma_start3A_598, %dma_start3A_599] : memref<64x128xf32, #tpu.memory_space<vmem>> -> memref<49x128xf32, #tpu.memory_space<vmem>>
      %dma_start3A_601 = arith.constant 0 : i32
      %dma_start3A_602 = tpu.memref_slice %arg24[%add3A_26, %dma_start3A_601] : memref<10000x128xf32, #tpu.memory_space<vmem_shared>> -> memref<49x128xf32, #tpu.memory_space<vmem_shared>>
      %dma_start3A_603 = arith.constant 0 : i32
      %dma_start3A_604 = tpu.memref_slice %arg24[%add3A_26, %dma_start3A_603] : memref<10000x128xf32, #tpu.memory_space<vmem_shared>> -> memref<49x128xf32, #tpu.memory_space<vmem_shared>>
      %dma_start3A_605 = arith.constant 0 : i32
      %dma_start3A_606 = arith.constant 0 : i32
      %dma_start3A_607 = tpu.memref_slice %arg13[%dma_start3A_605, %dma_start3A_606] : memref<64x128xf32, #tpu.memory_space<vmem>> -> memref<49x128xf32, #tpu.memory_space<vmem>>
      tpu.enqueue_dma source(%dma_start3A_607 : memref<49x128xf32, #tpu.memory_space<vmem>>) target(%dma_start3A_604 : memref<49x128xf32, #tpu.memory_space<vmem_shared>>) target_semaphore(%run_scoped3A_597 : memref<!tpu.dma_semaphore, #tpu.memory_space<semaphore_mem>>)
      %dma_wait3A_608 = arith.constant 0 : i32
      %dma_wait3A_609 = arith.constant 0 : i32
      %dma_wait3A_610 = tpu.memref_slice %arg13[%dma_wait3A_608, %dma_wait3A_609] : memref<64x128xf32, #tpu.memory_space<vmem>> -> memref<49x128xf32, #tpu.memory_space<vmem>>
      %dma_wait3A_611 = arith.constant 0 : i32
      %dma_wait3A_612 = tpu.memref_slice %arg24[%add3A_26, %dma_wait3A_611] : memref<10000x128xf32, #tpu.memory_space<vmem_shared>> -> memref<49x128xf32, #tpu.memory_space<vmem_shared>>
      %dma_wait3A_613 = arith.constant 0 : i32
      %dma_wait3A_614 = tpu.memref_slice %arg24[%add3A_26, %dma_wait3A_613] : memref<10000x128xf32, #tpu.memory_space<vmem_shared>> -> memref<49x128xf32, #tpu.memory_space<vmem_shared>>
      %dma_wait3A_615 = arith.constant 0 : i32
      %dma_wait3A_616 = arith.constant 0 : i32
      %dma_wait3A_617 = tpu.memref_slice %arg13[%dma_wait3A_615, %dma_wait3A_616] : memref<64x128xf32, #tpu.memory_space<vmem>> -> memref<49x128xf32, #tpu.memory_space<vmem>>
      tpu.wait_dma2 semaphore(%run_scoped3A_597 : memref<!tpu.dma_semaphore, #tpu.memory_space<semaphore_mem>>) src(%dma_wait3A_617 : memref<49x128xf32, #tpu.memory_space<vmem>>) dst(%dma_wait3A_614 : memref<49x128xf32, #tpu.memory_space<vmem_shared>>)
      tpu.yield
    }) : () -> ()
    %mul3A_27 = arith.constant 156 : i32
    %mul3A_28 = arith.muli %arg1, %mul3A_27 : i32
    %min3A = arith.constant 4 : i32
    %min3A_29 = arith.minsi %arg1, %min3A : i32
    %add3A_30 = arith.addi %mul3A_28, %min3A_29 : i32
    %mul3A_31 = arith.constant 2500 : i32
    %mul3A_32 = arith.muli %arg0, %mul3A_31 : i32
    %add3A_33 = arith.addi %mul3A_32, %add3A_30 : i32
    %barrier3A = arith.constant 0 : index
    tpu.barrier barrier_id(%barrier3A)
    %dma_start3A = arith.constant 0 : i32
    %dma_start3A_34 = arith.constant 0 : i32
    %dma_start3A_35 = tpu.memref_slice %arg6[%add3A_33, %dma_start3A, %dma_start3A_34] : memref<5000x1x64xi32, #tpu.memory_space<hbm>> -> memref<1x1x64xi32, #tpu.memory_space<hbm>>
    %dma_start3A_36 = arith.constant 0 : i32
    %dma_start3A_37 = arith.constant 0 : i32
    %dma_start3A_38 = tpu.memref_slice %arg6[%add3A_33, %dma_start3A_36, %dma_start3A_37] : memref<5000x1x64xi32, #tpu.memory_space<hbm>> -> memref<1x1x64xi32, #tpu.memory_space<hbm>>
    tpu.enqueue_dma source(%dma_start3A_38 : memref<1x1x64xi32, #tpu.memory_space<hbm>>) target(%arg8 : memref<1x1x64xi32, #tpu.memory_space<vmem>>) target_semaphore(%arg25 : memref<!tpu.dma_semaphore, #tpu.memory_space<semaphore_mem>>)
    %dma_start3A_39 = arith.constant 0 : i32
    %dma_start3A_40 = arith.constant 0 : i32
    %dma_start3A_41 = tpu.memref_slice %arg5[%add3A_33, %dma_start3A_39, %dma_start3A_40] : memref<5000x1x64xi32, #tpu.memory_space<hbm>> -> memref<1x1x64xi32, #tpu.memory_space<hbm>>
    %dma_start3A_42 = arith.constant 0 : i32
    %dma_start3A_43 = arith.constant 0 : i32
    %dma_start3A_44 = tpu.memref_slice %arg5[%add3A_33, %dma_start3A_42, %dma_start3A_43] : memref<5000x1x64xi32, #tpu.memory_space<hbm>> -> memref<1x1x64xi32, #tpu.memory_space<hbm>>
    tpu.enqueue_dma source(%dma_start3A_44 : memref<1x1x64xi32, #tpu.memory_space<hbm>>) target(%arg9 : memref<1x1x64xi32, #tpu.memory_space<vmem>>) target_semaphore(%arg25 : memref<!tpu.dma_semaphore, #tpu.memory_space<semaphore_mem>>)
    %add3A_45 = arith.constant 1 : i32
    %add3A_46 = arith.addi %add3A_33, %add3A_45 : i32
    %dma_start3A_47 = arith.constant 0 : i32
    %dma_start3A_48 = arith.constant 0 : i32
    %dma_start3A_49 = tpu.memref_slice %arg6[%add3A_46, %dma_start3A_47, %dma_start3A_48] : memref<5000x1x64xi32, #tpu.memory_space<hbm>> -> memref<1x1x64xi32, #tpu.memory_space<hbm>>
    %dma_start3A_50 = arith.constant 0 : i32
    %dma_start3A_51 = arith.constant 0 : i32
    %dma_start3A_52 = tpu.memref_slice %arg6[%add3A_46, %dma_start3A_50, %dma_start3A_51] : memref<5000x1x64xi32, #tpu.memory_space<hbm>> -> memref<1x1x64xi32, #tpu.memory_space<hbm>>
    tpu.enqueue_dma source(%dma_start3A_52 : memref<1x1x64xi32, #tpu.memory_space<hbm>>) target(%arg16 : memref<1x1x64xi32, #tpu.memory_space<vmem>>) target_semaphore(%arg26 : memref<!tpu.dma_semaphore, #tpu.memory_space<semaphore_mem>>)
    %dma_start3A_53 = arith.constant 0 : i32
    %dma_start3A_54 = arith.constant 0 : i32
    %dma_start3A_55 = tpu.memref_slice %arg5[%add3A_46, %dma_start3A_53, %dma_start3A_54] : memref<5000x1x64xi32, #tpu.memory_space<hbm>> -> memref<1x1x64xi32, #tpu.memory_space<hbm>>
    %dma_start3A_56 = arith.constant 0 : i32
    %dma_start3A_57 = arith.constant 0 : i32
    %dma_start3A_58 = tpu.memref_slice %arg5[%add3A_46, %dma_start3A_56, %dma_start3A_57] : memref<5000x1x64xi32, #tpu.memory_space<hbm>> -> memref<1x1x64xi32, #tpu.memory_space<hbm>>
    tpu.enqueue_dma source(%dma_start3A_58 : memref<1x1x64xi32, #tpu.memory_space<hbm>>) target(%arg17 : memref<1x1x64xi32, #tpu.memory_space<vmem>>) target_semaphore(%arg26 : memref<!tpu.dma_semaphore, #tpu.memory_space<semaphore_mem>>)
    %dma_wait3A = arith.constant 0 : i32
    %dma_wait3A_59 = arith.constant 0 : i32
    %dma_wait3A_60 = arith.constant 0 : i32
    %dma_wait3A_61 = tpu.memref_slice %arg6[%dma_wait3A, %dma_wait3A_59, %dma_wait3A_60] : memref<5000x1x64xi32, #tpu.memory_space<hbm>> -> memref<1x1x64xi32, #tpu.memory_space<hbm>>
    %dma_wait3A_62 = arith.constant 0 : i32
    %dma_wait3A_63 = arith.constant 0 : i32
    %dma_wait3A_64 = arith.constant 0 : i32
    %dma_wait3A_65 = tpu.memref_slice %arg6[%dma_wait3A_62, %dma_wait3A_63, %dma_wait3A_64] : memref<5000x1x64xi32, #tpu.memory_space<hbm>> -> memref<1x1x64xi32, #tpu.memory_space<hbm>>
    tpu.wait_dma2 semaphore(%arg25 : memref<!tpu.dma_semaphore, #tpu.memory_space<semaphore_mem>>) src(%dma_wait3A_65 : memref<1x1x64xi32, #tpu.memory_space<hbm>>) dst(%arg8 : memref<1x1x64xi32, #tpu.memory_space<vmem>>)
    %dma_wait3A_66 = arith.constant 0 : i32
    %dma_wait3A_67 = arith.constant 0 : i32
    %dma_wait3A_68 = arith.constant 0 : i32
    %dma_wait3A_69 = tpu.memref_slice %arg5[%dma_wait3A_66, %dma_wait3A_67, %dma_wait3A_68] : memref<5000x1x64xi32, #tpu.memory_space<hbm>> -> memref<1x1x64xi32, #tpu.memory_space<hbm>>
    %dma_wait3A_70 = arith.constant 0 : i32
    %dma_wait3A_71 = arith.constant 0 : i32
    %dma_wait3A_72 = arith.constant 0 : i32
    %dma_wait3A_73 = tpu.memref_slice %arg5[%dma_wait3A_70, %dma_wait3A_71, %dma_wait3A_72] : memref<5000x1x64xi32, #tpu.memory_space<hbm>> -> memref<1x1x64xi32, #tpu.memory_space<hbm>>
    tpu.wait_dma2 semaphore(%arg25 : memref<!tpu.dma_semaphore, #tpu.memory_space<semaphore_mem>>) src(%dma_wait3A_73 : memref<1x1x64xi32, #tpu.memory_space<hbm>>) dst(%arg9 : memref<1x1x64xi32, #tpu.memory_space<vmem>>)
    %get3A = arith.constant 0 : i32
    %get3A_74 = arith.constant 0 : i32
    %get3A_75 = arith.index_cast %get3A : i32 to index
    %get3A_76 = arith.index_cast %get3A_74 : i32 to index
    %get3A_77 = arith.constant 0 : index
    %get3A_78 = tpu.vector_load %arg8[%get3A_75, %get3A_76, %get3A_77] {strides = array<i32>} : memref<1x1x64xi32, #tpu.memory_space<vmem>>, vector<1x1x16xi32>,
    %get3A_79 = vector.shape_cast %get3A_78 : vector<1x1x16xi32> to vector<16xi32>
    %swap3A = arith.constant 0 : i32
    %swap3A_80 = arith.constant 0 : i32
    %swap3A_81 = arith.index_cast %swap3A : i32 to index
    %swap3A_82 = arith.index_cast %swap3A_80 : i32 to index
    %swap3A_83 = arith.constant 0 : index
    %swap3A_84 = tpu.vector_load %arg12[%swap3A_81, %swap3A_82, %swap3A_83] {strides = array<i32>} : memref<1x1x64xi32, #tpu.memory_space<vmem>>, vector<1x1x16xi32>,
    %swap3A_85 = vector.shape_cast %swap3A_84 : vector<1x1x16xi32> to vector<16xi32>
    %swap3A_86 = vector.shape_cast %get3A_79 : vector<16xi32> to vector<1x1x16xi32>
    tpu.vector_store %arg12[%swap3A_81, %swap3A_82, %swap3A_83], %swap3A_86 {strides = array<i32>} : memref<1x1x64xi32, #tpu.memory_space<vmem>>, vector<1x1x16xi32>,
    %get3A_87 = arith.constant 0 : i32
    %get3A_88 = arith.constant 0 : i32
    %get3A_89 = arith.index_cast %get3A_87 : i32 to index
    %get3A_90 = arith.index_cast %get3A_88 : i32 to index
    %get3A_91 = arith.constant 0 : index
    %get3A_92 = tpu.vector_load %arg8[%get3A_89, %get3A_90, %get3A_91] {strides = array<i32>} : memref<1x1x64xi32, #tpu.memory_space<vmem>>, vector<1x1x16xi32>,
    %get3A_93 = vector.shape_cast %get3A_92 : vector<1x1x16xi32> to vector<16xi32>
    %add3A_94 = vector.broadcast %mul3A_0 : i32 to vector<16xi32>
    %add3A_95 = arith.addi %get3A_93, %add3A_94 : vector<16xi32>
    %swap3A_96 = arith.constant 0 : i32
    %swap3A_97 = arith.constant 0 : i32
    %swap3A_98 = arith.index_cast %swap3A_96 : i32 to index
    %swap3A_99 = arith.index_cast %swap3A_97 : i32 to index
    %swap3A_100 = arith.constant 0 : index
    %swap3A_101 = tpu.vector_load %arg11[%swap3A_98, %swap3A_99, %swap3A_100] {strides = array<i32>} : memref<1x1x64xi32, #tpu.memory_space<vmem>>, vector<1x1x16xi32>,
    %swap3A_102 = vector.shape_cast %swap3A_101 : vector<1x1x16xi32> to vector<16xi32>
    %swap3A_103 = vector.shape_cast %add3A_95 : vector<16xi32> to vector<1x1x16xi32>
    tpu.vector_store %arg11[%swap3A_98, %swap3A_99, %swap3A_100], %swap3A_103 {strides = array<i32>} : memref<1x1x64xi32, #tpu.memory_space<vmem>>, vector<1x1x16xi32>,
    %get3A_104 = arith.constant 0 : i32
    %get3A_105 = arith.constant 0 : i32
    %get3A_106 = arith.index_cast %get3A_104 : i32 to index
    %get3A_107 = arith.index_cast %get3A_105 : i32 to index
    %get3A_108 = arith.constant 0 : index
    %get3A_109 = tpu.vector_load %arg9[%get3A_106, %get3A_107, %get3A_108] {strides = array<i32>} : memref<1x1x64xi32, #tpu.memory_space<vmem>>, vector<1x1x16xi32>,
    %get3A_110 = vector.shape_cast %get3A_109 : vector<1x1x16xi32> to vector<16xi32>
    %add3A_111 = vector.broadcast %mul3A_0 : i32 to vector<16xi32>
    %add3A_112 = arith.addi %get3A_110, %add3A_111 : vector<16xi32>
    %swap3A_113 = arith.constant 0 : i32
    %swap3A_114 = arith.constant 0 : i32
    %swap3A_115 = arith.index_cast %swap3A_113 : i32 to index
    %swap3A_116 = arith.index_cast %swap3A_114 : i32 to index
    %swap3A_117 = arith.constant 0 : index
    %swap3A_118 = tpu.vector_load %arg10[%swap3A_115, %swap3A_116, %swap3A_117] {strides = array<i32>} : memref<1x1x64xi32, #tpu.memory_space<vmem>>, vector<1x1x16xi32>,
    %swap3A_119 = vector.shape_cast %swap3A_118 : vector<1x1x16xi32> to vector<16xi32>
    %swap3A_120 = vector.shape_cast %add3A_112 : vector<16xi32> to vector<1x1x16xi32>
    tpu.vector_store %arg10[%swap3A_115, %swap3A_116, %swap3A_117], %swap3A_120 {strides = array<i32>} : memref<1x1x64xi32, #tpu.memory_space<vmem>>, vector<1x1x16xi32>,
    %get3A_121 = arith.constant 0 : i32
    %get3A_122 = arith.constant 0 : i32
    %get3A_123 = arith.index_cast %get3A_121 : i32 to index
    %get3A_124 = arith.index_cast %get3A_122 : i32 to index
    %get3A_125 = arith.constant 16 : index
    %get3A_126 = tpu.vector_load %arg8[%get3A_123, %get3A_124, %get3A_125] {strides = array<i32>} : memref<1x1x64xi32, #tpu.memory_space<vmem>>, vector<1x1x16xi32>,
    %get3A_127 = vector.shape_cast %get3A_126 : vector<1x1x16xi32> to vector<16xi32>
    %swap3A_128 = arith.constant 0 : i32
    %swap3A_129 = arith.constant 0 : i32
    %swap3A_130 = arith.index_cast %swap3A_128 : i32 to index
    %swap3A_131 = arith.index_cast %swap3A_129 : i32 to index
    %swap3A_132 = arith.constant 16 : index
    %swap3A_133 = tpu.vector_load %arg12[%swap3A_130, %swap3A_131, %swap3A_132] {strides = array<i32>} : memref<1x1x64xi32, #tpu.memory_space<vmem>>, vector<1x1x16xi32>,
    %swap3A_134 = vector.shape_cast %swap3A_133 : vector<1x1x16xi32> to vector<16xi32>
    %swap3A_135 = vector.shape_cast %get3A_127 : vector<16xi32> to vector<1x1x16xi32>
    tpu.vector_store %arg12[%swap3A_130, %swap3A_131, %swap3A_132], %swap3A_135 {strides = array<i32>} : memref<1x1x64xi32, #tpu.memory_space<vmem>>, vector<1x1x16xi32>,
    %get3A_136 = arith.constant 0 : i32
    %get3A_137 = arith.constant 0 : i32
    %get3A_138 = arith.index_cast %get3A_136 : i32 to index
    %get3A_139 = arith.index_cast %get3A_137 : i32 to index
    %get3A_140 = arith.constant 16 : index
    %get3A_141 = tpu.vector_load %arg8[%get3A_138, %get3A_139, %get3A_140] {strides = array<i32>} : memref<1x1x64xi32, #tpu.memory_space<vmem>>, vector<1x1x16xi32>,
    %get3A_142 = vector.shape_cast %get3A_141 : vector<1x1x16xi32> to vector<16xi32>
    %add3A_143 = vector.broadcast %mul3A_0 : i32 to vector<16xi32>
    %add3A_144 = arith.addi %get3A_142, %add3A_143 : vector<16xi32>
    %swap3A_145 = arith.constant 0 : i32
    %swap3A_146 = arith.constant 0 : i32
    %swap3A_147 = arith.index_cast %swap3A_145 : i32 to index
    %swap3A_148 = arith.index_cast %swap3A_146 : i32 to index
    %swap3A_149 = arith.constant 16 : index
    %swap3A_150 = tpu.vector_load %arg11[%swap3A_147, %swap3A_148, %swap3A_149] {strides = array<i32>} : memref<1x1x64xi32, #tpu.memory_space<vmem>>, vector<1x1x16xi32>,
    %swap3A_151 = vector.shape_cast %swap3A_150 : vector<1x1x16xi32> to vector<16xi32>
    %swap3A_152 = vector.shape_cast %add3A_144 : vector<16xi32> to vector<1x1x16xi32>
    tpu.vector_store %arg11[%swap3A_147, %swap3A_148, %swap3A_149], %swap3A_152 {strides = array<i32>} : memref<1x1x64xi32, #tpu.memory_space<vmem>>, vector<1x1x16xi32>,
    %get3A_153 = arith.constant 0 : i32
    %get3A_154 = arith.constant 0 : i32
    %get3A_155 = arith.index_cast %get3A_153 : i32 to index
    %get3A_156 = arith.index_cast %get3A_154 : i32 to index
    %get3A_157 = arith.constant 16 : index
    %get3A_158 = tpu.vector_load %arg9[%get3A_155, %get3A_156, %get3A_157] {strides = array<i32>} : memref<1x1x64xi32, #tpu.memory_space<vmem>>, vector<1x1x16xi32>,
    %get3A_159 = vector.shape_cast %get3A_158 : vector<1x1x16xi32> to vector<16xi32>
    %add3A_160 = vector.broadcast %mul3A_0 : i32 to vector<16xi32>
    %add3A_161 = arith.addi %get3A_159, %add3A_160 : vector<16xi32>
    %swap3A_162 = arith.constant 0 : i32
    %swap3A_163 = arith.constant 0 : i32
    %swap3A_164 = arith.index_cast %swap3A_162 : i32 to index
    %swap3A_165 = arith.index_cast %swap3A_163 : i32 to index
    %swap3A_166 = arith.constant 16 : index
    %swap3A_167 = tpu.vector_load %arg10[%swap3A_164, %swap3A_165, %swap3A_166] {strides = array<i32>} : memref<1x1x64xi32, #tpu.memory_space<vmem>>, vector<1x1x16xi32>,
    %swap3A_168 = vector.shape_cast %swap3A_167 : vector<1x1x16xi32> to vector<16xi32>
    %swap3A_169 = vector.shape_cast %add3A_161 : vector<16xi32> to vector<1x1x16xi32>
    tpu.vector_store %arg10[%swap3A_164, %swap3A_165, %swap3A_166], %swap3A_169 {strides = array<i32>} : memref<1x1x64xi32, #tpu.memory_space<vmem>>, vector<1x1x16xi32>,
    %get3A_170 = arith.constant 0 : i32
    %get3A_171 = arith.constant 0 : i32
    %get3A_172 = arith.index_cast %get3A_170 : i32 to index
    %get3A_173 = arith.index_cast %get3A_171 : i32 to index
    %get3A_174 = arith.constant 32 : index
    %get3A_175 = tpu.vector_load %arg8[%get3A_172, %get3A_173, %get3A_174] {strides = array<i32>} : memref<1x1x64xi32, #tpu.memory_space<vmem>>, vector<1x1x16xi32>,
    %get3A_176 = vector.shape_cast %get3A_175 : vector<1x1x16xi32> to vector<16xi32>
    %swap3A_177 = arith.constant 0 : i32
    %swap3A_178 = arith.constant 0 : i32
    %swap3A_179 = arith.index_cast %swap3A_177 : i32 to index
    %swap3A_180 = arith.index_cast %swap3A_178 : i32 to index
    %swap3A_181 = arith.constant 32 : index
    %swap3A_182 = tpu.vector_load %arg12[%swap3A_179, %swap3A_180, %swap3A_181] {strides = array<i32>} : memref<1x1x64xi32, #tpu.memory_space<vmem>>, vector<1x1x16xi32>,
    %swap3A_183 = vector.shape_cast %swap3A_182 : vector<1x1x16xi32> to vector<16xi32>
    %swap3A_184 = vector.shape_cast %get3A_176 : vector<16xi32> to vector<1x1x16xi32>
    tpu.vector_store %arg12[%swap3A_179, %swap3A_180, %swap3A_181], %swap3A_184 {strides = array<i32>} : memref<1x1x64xi32, #tpu.memory_space<vmem>>, vector<1x1x16xi32>,
    %get3A_185 = arith.constant 0 : i32
    %get3A_186 = arith.constant 0 : i32
    %get3A_187 = arith.index_cast %get3A_185 : i32 to index
    %get3A_188 = arith.index_cast %get3A_186 : i32 to index
    %get3A_189 = arith.constant 32 : index
    %get3A_190 = tpu.vector_load %arg8[%get3A_187, %get3A_188, %get3A_189] {strides = array<i32>} : memref<1x1x64xi32, #tpu.memory_space<vmem>>, vector<1x1x16xi32>,
    %get3A_191 = vector.shape_cast %get3A_190 : vector<1x1x16xi32> to vector<16xi32>
    %add3A_192 = vector.broadcast %mul3A_0 : i32 to vector<16xi32>
    %add3A_193 = arith.addi %get3A_191, %add3A_192 : vector<16xi32>
    %swap3A_194 = arith.constant 0 : i32
    %swap3A_195 = arith.constant 0 : i32
    %swap3A_196 = arith.index_cast %swap3A_194 : i32 to index
    %swap3A_197 = arith.index_cast %swap3A_195 : i32 to index
    %swap3A_198 = arith.constant 32 : index
    %swap3A_199 = tpu.vector_load %arg11[%swap3A_196, %swap3A_197, %swap3A_198] {strides = array<i32>} : memref<1x1x64xi32, #tpu.memory_space<vmem>>, vector<1x1x16xi32>,
    %swap3A_200 = vector.shape_cast %swap3A_199 : vector<1x1x16xi32> to vector<16xi32>
    %swap3A_201 = vector.shape_cast %add3A_193 : vector<16xi32> to vector<1x1x16xi32>
    tpu.vector_store %arg11[%swap3A_196, %swap3A_197, %swap3A_198], %swap3A_201 {strides = array<i32>} : memref<1x1x64xi32, #tpu.memory_space<vmem>>, vector<1x1x16xi32>,
    %get3A_202 = arith.constant 0 : i32
    %get3A_203 = arith.constant 0 : i32
    %get3A_204 = arith.index_cast %get3A_202 : i32 to index
    %get3A_205 = arith.index_cast %get3A_203 : i32 to index
    %get3A_206 = arith.constant 32 : index
    %get3A_207 = tpu.vector_load %arg9[%get3A_204, %get3A_205, %get3A_206] {strides = array<i32>} : memref<1x1x64xi32, #tpu.memory_space<vmem>>, vector<1x1x16xi32>,
    %get3A_208 = vector.shape_cast %get3A_207 : vector<1x1x16xi32> to vector<16xi32>
    %add3A_209 = vector.broadcast %mul3A_0 : i32 to vector<16xi32>
    %add3A_210 = arith.addi %get3A_208, %add3A_209 : vector<16xi32>
    %swap3A_211 = arith.constant 0 : i32
    %swap3A_212 = arith.constant 0 : i32
    %swap3A_213 = arith.index_cast %swap3A_211 : i32 to index
    %swap3A_214 = arith.index_cast %swap3A_212 : i32 to index
    %swap3A_215 = arith.constant 32 : index
    %swap3A_216 = tpu.vector_load %arg10[%swap3A_213, %swap3A_214, %swap3A_215] {strides = array<i32>} : memref<1x1x64xi32, #tpu.memory_space<vmem>>, vector<1x1x16xi32>,
    %swap3A_217 = vector.shape_cast %swap3A_216 : vector<1x1x16xi32> to vector<16xi32>
    %swap3A_218 = vector.shape_cast %add3A_210 : vector<16xi32> to vector<1x1x16xi32>
    tpu.vector_store %arg10[%swap3A_213, %swap3A_214, %swap3A_215], %swap3A_218 {strides = array<i32>} : memref<1x1x64xi32, #tpu.memory_space<vmem>>, vector<1x1x16xi32>,
    %get3A_219 = arith.constant 0 : i32
    %get3A_220 = arith.constant 0 : i32
    %get3A_221 = arith.index_cast %get3A_219 : i32 to index
    %get3A_222 = arith.index_cast %get3A_220 : i32 to index
    %get3A_223 = arith.constant 48 : index
    %get3A_224 = tpu.vector_load %arg8[%get3A_221, %get3A_222, %get3A_223] {strides = array<i32>} : memref<1x1x64xi32, #tpu.memory_space<vmem>>, vector<1x1x16xi32>,
    %get3A_225 = vector.shape_cast %get3A_224 : vector<1x1x16xi32> to vector<16xi32>
    %swap3A_226 = arith.constant 0 : i32
    %swap3A_227 = arith.constant 0 : i32
    %swap3A_228 = arith.index_cast %swap3A_226 : i32 to index
    %swap3A_229 = arith.index_cast %swap3A_227 : i32 to index
    %swap3A_230 = arith.constant 48 : index
    %swap3A_231 = tpu.vector_load %arg12[%swap3A_228, %swap3A_229, %swap3A_230] {strides = array<i32>} : memref<1x1x64xi32, #tpu.memory_space<vmem>>, vector<1x1x16xi32>,
    %swap3A_232 = vector.shape_cast %swap3A_231 : vector<1x1x16xi32> to vector<16xi32>
    %swap3A_233 = vector.shape_cast %get3A_225 : vector<16xi32> to vector<1x1x16xi32>
    tpu.vector_store %arg12[%swap3A_228, %swap3A_229, %swap3A_230], %swap3A_233 {strides = array<i32>} : memref<1x1x64xi32, #tpu.memory_space<vmem>>, vector<1x1x16xi32>,
    %get3A_234 = arith.constant 0 : i32
    %get3A_235 = arith.constant 0 : i32
    %get3A_236 = arith.index_cast %get3A_234 : i32 to index
    %get3A_237 = arith.index_cast %get3A_235 : i32 to index
    %get3A_238 = arith.constant 48 : index
    %get3A_239 = tpu.vector_load %arg8[%get3A_236, %get3A_237, %get3A_238] {strides = array<i32>} : memref<1x1x64xi32, #tpu.memory_space<vmem>>, vector<1x1x16xi32>,
    %get3A_240 = vector.shape_cast %get3A_239 : vector<1x1x16xi32> to vector<16xi32>
    %add3A_241 = vector.broadcast %mul3A_0 : i32 to vector<16xi32>
    %add3A_242 = arith.addi %get3A_240, %add3A_241 : vector<16xi32>
    %swap3A_243 = arith.constant 0 : i32
    %swap3A_244 = arith.constant 0 : i32
    %swap3A_245 = arith.index_cast %swap3A_243 : i32 to index
    %swap3A_246 = arith.index_cast %swap3A_244 : i32 to index
    %swap3A_247 = arith.constant 48 : index
    %swap3A_248 = tpu.vector_load %arg11[%swap3A_245, %swap3A_246, %swap3A_247] {strides = array<i32>} : memref<1x1x64xi32, #tpu.memory_space<vmem>>, vector<1x1x16xi32>,
    %swap3A_249 = vector.shape_cast %swap3A_248 : vector<1x1x16xi32> to vector<16xi32>
    %swap3A_250 = vector.shape_cast %add3A_242 : vector<16xi32> to vector<1x1x16xi32>
    tpu.vector_store %arg11[%swap3A_245, %swap3A_246, %swap3A_247], %swap3A_250 {strides = array<i32>} : memref<1x1x64xi32, #tpu.memory_space<vmem>>, vector<1x1x16xi32>,
    %get3A_251 = arith.constant 0 : i32
    %get3A_252 = arith.constant 0 : i32
    %get3A_253 = arith.index_cast %get3A_251 : i32 to index
    %get3A_254 = arith.index_cast %get3A_252 : i32 to index
    %get3A_255 = arith.constant 48 : index
    %get3A_256 = tpu.vector_load %arg9[%get3A_253, %get3A_254, %get3A_255] {strides = array<i32>} : memref<1x1x64xi32, #tpu.memory_space<vmem>>, vector<1x1x16xi32>,
    %get3A_257 = vector.shape_cast %get3A_256 : vector<1x1x16xi32> to vector<16xi32>
    %add3A_258 = vector.broadcast %mul3A_0 : i32 to vector<16xi32>
    %add3A_259 = arith.addi %get3A_257, %add3A_258 : vector<16xi32>
    %swap3A_260 = arith.constant 0 : i32
    %swap3A_261 = arith.constant 0 : i32
    %swap3A_262 = arith.index_cast %swap3A_260 : i32 to index
    %swap3A_263 = arith.index_cast %swap3A_261 : i32 to index
    %swap3A_264 = arith.constant 48 : index
    %swap3A_265 = tpu.vector_load %arg10[%swap3A_262, %swap3A_263, %swap3A_264] {strides = array<i32>} : memref<1x1x64xi32, #tpu.memory_space<vmem>>, vector<1x1x16xi32>,
    %swap3A_266 = vector.shape_cast %swap3A_265 : vector<1x1x16xi32> to vector<16xi32>
    %swap3A_267 = vector.shape_cast %add3A_259 : vector<16xi32> to vector<1x1x16xi32>
    tpu.vector_store %arg10[%swap3A_262, %swap3A_263, %swap3A_264], %swap3A_267 {strides = array<i32>} : memref<1x1x64xi32, #tpu.memory_space<vmem>>, vector<1x1x16xi32>,
    %dma_start3A_268 = arith.constant 0 : i32
    %dma_start3A_269 = arith.constant 0 : i32
    %dma_start3A_270 = arith.constant 0 : i32
    %dma_start3A_271 = tpu.memref_slice %arg11[%dma_start3A_268, %dma_start3A_269, %dma_start3A_270] : memref<1x1x64xi32, #tpu.memory_space<vmem>> -> memref<1x1x64xi32, #tpu.memory_space<vmem>>
    %dma_start3A_272 = tpu.memref_squeeze %dma_start3A_271 : memref<1x1x64xi32, #tpu.memory_space<vmem>> -> memref<64xi32, #tpu.memory_space<vmem>>
    %dma_start3A_273 = arith.constant 0 : i32
    %dma_start3A_274 = arith.constant 0 : i32
    %dma_start3A_275 = tpu.memref_slice %arg2[%dma_start3A_273, %dma_start3A_274] : memref<20000x128xf32, #tpu.memory_space<hbm>> -> memref<20000x128xf32, #tpu.memory_space<hbm>>
    tpu.enqueue_indirect_dma source(%dma_start3A_275 : memref<20000x128xf32, #tpu.memory_space<hbm>>) target(%arg13 : memref<64x128xf32, #tpu.memory_space<vmem>>) offsets(%dma_start3A_272 : memref<64xi32, #tpu.memory_space<vmem>>) semaphore(%arg27 : memref<!tpu.dma_semaphore, #tpu.memory_space<semaphore_mem>>)
    %dma_start3A_276 = arith.constant 0 : i32
    %dma_start3A_277 = arith.constant 0 : i32
    %dma_start3A_278 = arith.constant 0 : i32
    %dma_start3A_279 = tpu.memref_slice %arg10[%dma_start3A_276, %dma_start3A_277, %dma_start3A_278] : memref<1x1x64xi32, #tpu.memory_space<vmem>> -> memref<1x1x64xi32, #tpu.memory_space<vmem>>
    %dma_start3A_280 = tpu.memref_squeeze %dma_start3A_279 : memref<1x1x64xi32, #tpu.memory_space<vmem>> -> memref<64xi32, #tpu.memory_space<vmem>>
    %dma_start3A_281 = arith.constant 0 : i32
    %dma_start3A_282 = arith.constant 0 : i32
    %dma_start3A_283 = tpu.memref_slice %arg3[%dma_start3A_281, %dma_start3A_282] : memref<20000x128xf32, #tpu.memory_space<hbm>> -> memref<20000x128xf32, #tpu.memory_space<hbm>>
    tpu.enqueue_indirect_dma source(%dma_start3A_283 : memref<20000x128xf32, #tpu.memory_space<hbm>>) target(%arg14 : memref<64x128xf32, #tpu.memory_space<vmem>>) offsets(%dma_start3A_280 : memref<64xi32, #tpu.memory_space<vmem>>) semaphore(%arg27 : memref<!tpu.dma_semaphore, #tpu.memory_space<semaphore_mem>>)
    %mul3A_284 = arith.constant 64 : i32
    %mul3A_285 = arith.muli %add3A_33, %mul3A_284 : i32
    %dma_start3A_286 = arith.constant 0 : i32
    %dma_start3A_287 = tpu.memref_slice %arg4[%mul3A_285, %dma_start3A_286] : memref<320000x128xf32, #tpu.memory_space<hbm>> -> memref<64x128xf32, #tpu.memory_space<hbm>>
    %dma_start3A_288 = arith.constant 0 : i32
    %dma_start3A_289 = tpu.memref_slice %arg4[%mul3A_285, %dma_start3A_288] : memref<320000x128xf32, #tpu.memory_space<hbm>> -> memref<64x128xf32, #tpu.memory_space<hbm>>
    tpu.enqueue_dma source(%dma_start3A_289 : memref<64x128xf32, #tpu.memory_space<hbm>>) target(%arg15 : memref<64x128xf32, #tpu.memory_space<vmem>>) target_semaphore(%arg27 : memref<!tpu.dma_semaphore, #tpu.memory_space<semaphore_mem>>)
    %scan3A_290 = arith.constant 0 : i32
    %scan3A_291 = arith.constant 77 : i32
    %scan3A_292 = arith.addi %scan3A_290, %scan3A_291 : i32
    %scan3A_293 = arith.constant 1 : i32
    scf.for %scan3A_597 = %scan3A_290 to %scan3A_292 step %scan3A_293  : i32 {
      %mul3A_598 = arith.constant 2 : i32
      %mul3A_599 = arith.muli %scan3A_597, %mul3A_598 : i32
      %add3A_600 = arith.constant 0 : i32
      %add3A_601 = arith.addi %add3A_600, %mul3A_599 : i32
      %add3A_602 = arith.addi %add3A_33, %add3A_601 : i32
      %add3A_603 = arith.constant 1 : i32
      %add3A_604 = arith.addi %add3A_602, %add3A_603 : i32
      %dma_wait3A_605 = arith.constant 0 : i32
      %dma_wait3A_606 = arith.constant 0 : i32
      %dma_wait3A_607 = arith.constant 0 : i32
      %dma_wait3A_608 = tpu.memref_slice %arg6[%dma_wait3A_605, %dma_wait3A_606, %dma_wait3A_607] : memref<5000x1x64xi32, #tpu.memory_space<hbm>> -> memref<1x1x64xi32, #tpu.memory_space<hbm>>
      %dma_wait3A_609 = arith.constant 0 : i32
      %dma_wait3A_610 = arith.constant 0 : i32
      %dma_wait3A_611 = arith.constant 0 : i32
      %dma_wait3A_612 = tpu.memref_slice %arg6[%dma_wait3A_609, %dma_wait3A_610, %dma_wait3A_611] : memref<5000x1x64xi32, #tpu.memory_space<hbm>> -> memref<1x1x64xi32, #tpu.memory_space<hbm>>
      tpu.wait_dma2 semaphore(%arg26 : memref<!tpu.dma_semaphore, #tpu.memory_space<semaphore_mem>>) src(%dma_wait3A_612 : memref<1x1x64xi32, #tpu.memory_space<hbm>>) dst(%arg16 : memref<1x1x64xi32, #tpu.memory_space<vmem>>)
      %dma_wait3A_613 = arith.constant 0 : i32
      %dma_wait3A_614 = arith.constant 0 : i32
      %dma_wait3A_615 = arith.constant 0 : i32
      %dma_wait3A_616 = tpu.memref_slice %arg5[%dma_wait3A_613, %dma_wait3A_614, %dma_wait3A_615] : memref<5000x1x64xi32, #tpu.memory_space<hbm>> -> memref<1x1x64xi32, #tpu.memory_space<hbm>>
      %dma_wait3A_617 = arith.constant 0 : i32
      %dma_wait3A_618 = arith.constant 0 : i32
      %dma_wait3A_619 = arith.constant 0 : i32
      %dma_wait3A_620 = tpu.memref_slice %arg5[%dma_wait3A_617, %dma_wait3A_618, %dma_wait3A_619] : memref<5000x1x64xi32, #tpu.memory_space<hbm>> -> memref<1x1x64xi32, #tpu.memory_space<hbm>>
      tpu.wait_dma2 semaphore(%arg26 : memref<!tpu.dma_semaphore, #tpu.memory_space<semaphore_mem>>) src(%dma_wait3A_620 : memref<1x1x64xi32, #tpu.memory_space<hbm>>) dst(%arg17 : memref<1x1x64xi32, #tpu.memory_space<vmem>>)
      %get3A_621 = arith.constant 0 : i32
      %get3A_622 = arith.constant 0 : i32
      %get3A_623 = arith.index_cast %get3A_621 : i32 to index
      %get3A_624 = arith.index_cast %get3A_622 : i32 to index
      %get3A_625 = arith.constant 0 : index
      %get3A_626 = tpu.vector_load %arg16[%get3A_623, %get3A_624, %get3A_625] {strides = array<i32>} : memref<1x1x64xi32, #tpu.memory_space<vmem>>, vector<1x1x16xi32>,
      %get3A_627 = vector.shape_cast %get3A_626 : vector<1x1x16xi32> to vector<16xi32>
      %swap3A_628 = arith.constant 0 : i32
      %swap3A_629 = arith.constant 0 : i32
      %swap3A_630 = arith.index_cast %swap3A_628 : i32 to index
      %swap3A_631 = arith.index_cast %swap3A_629 : i32 to index
      %swap3A_632 = arith.constant 0 : index
      %swap3A_633 = tpu.vector_load %arg20[%swap3A_630, %swap3A_631, %swap3A_632] {strides = array<i32>} : memref<1x1x64xi32, #tpu.memory_space<vmem>>, vector<1x1x16xi32>,
      %swap3A_634 = vector.shape_cast %swap3A_633 : vector<1x1x16xi32> to vector<16xi32>
      %swap3A_635 = vector.shape_cast %get3A_627 : vector<16xi32> to vector<1x1x16xi32>
      tpu.vector_store %arg20[%swap3A_630, %swap3A_631, %swap3A_632], %swap3A_635 {strides = array<i32>} : memref<1x1x64xi32, #tpu.memory_space<vmem>>, vector<1x1x16xi32>,
      %get3A_636 = arith.constant 0 : i32
      %get3A_637 = arith.constant 0 : i32
      %get3A_638 = arith.index_cast %get3A_636 : i32 to index
      %get3A_639 = arith.index_cast %get3A_637 : i32 to index
      %get3A_640 = arith.constant 0 : index
      %get3A_641 = tpu.vector_load %arg16[%get3A_638, %get3A_639, %get3A_640] {strides = array<i32>} : memref<1x1x64xi32, #tpu.memory_space<vmem>>, vector<1x1x16xi32>,
      %get3A_642 = vector.shape_cast %get3A_641 : vector<1x1x16xi32> to vector<16xi32>
      %add3A_643 = vector.broadcast %mul3A_0 : i32 to vector<16xi32>
      %add3A_644 = arith.addi %get3A_642, %add3A_643 : vector<16xi32>
      %swap3A_645 = arith.constant 0 : i32
      %swap3A_646 = arith.constant 0 : i32
      %swap3A_647 = arith.index_cast %swap3A_645 : i32 to index
      %swap3A_648 = arith.index_cast %swap3A_646 : i32 to index
      %swap3A_649 = arith.constant 0 : index
      %swap3A_650 = tpu.vector_load %arg19[%swap3A_647, %swap3A_648, %swap3A_649] {strides = array<i32>} : memref<1x1x64xi32, #tpu.memory_space<vmem>>, vector<1x1x16xi32>,
      %swap3A_651 = vector.shape_cast %swap3A_650 : vector<1x1x16xi32> to vector<16xi32>
      %swap3A_652 = vector.shape_cast %add3A_644 : vector<16xi32> to vector<1x1x16xi32>
      tpu.vector_store %arg19[%swap3A_647, %swap3A_648, %swap3A_649], %swap3A_652 {strides = array<i32>} : memref<1x1x64xi32, #tpu.memory_space<vmem>>, vector<1x1x16xi32>,
      %get3A_653 = arith.constant 0 : i32
      %get3A_654 = arith.constant 0 : i32
      %get3A_655 = arith.index_cast %get3A_653 : i32 to index
      %get3A_656 = arith.index_cast %get3A_654 : i32 to index
      %get3A_657 = arith.constant 0 : index
      %get3A_658 = tpu.vector_load %arg17[%get3A_655, %get3A_656, %get3A_657] {strides = array<i32>} : memref<1x1x64xi32, #tpu.memory_space<vmem>>, vector<1x1x16xi32>,
      %get3A_659 = vector.shape_cast %get3A_658 : vector<1x1x16xi32> to vector<16xi32>
      %add3A_660 = vector.broadcast %mul3A_0 : i32 to vector<16xi32>
      %add3A_661 = arith.addi %get3A_659, %add3A_660 : vector<16xi32>
      %swap3A_662 = arith.constant 0 : i32
      %swap3A_663 = arith.constant 0 : i32
      %swap3A_664 = arith.index_cast %swap3A_662 : i32 to index
      %swap3A_665 = arith.index_cast %swap3A_663 : i32 to index
      %swap3A_666 = arith.constant 0 : index
      %swap3A_667 = tpu.vector_load %arg18[%swap3A_664, %swap3A_665, %swap3A_666] {strides = array<i32>} : memref<1x1x64xi32, #tpu.memory_space<vmem>>, vector<1x1x16xi32>,
      %swap3A_668 = vector.shape_cast %swap3A_667 : vector<1x1x16xi32> to vector<16xi32>
      %swap3A_669 = vector.shape_cast %add3A_661 : vector<16xi32> to vector<1x1x16xi32>
      tpu.vector_store %arg18[%swap3A_664, %swap3A_665, %swap3A_666], %swap3A_669 {strides = array<i32>} : memref<1x1x64xi32, #tpu.memory_space<vmem>>, vector<1x1x16xi32>,
      %get3A_670 = arith.constant 0 : i32
      %get3A_671 = arith.constant 0 : i32
      %get3A_672 = arith.index_cast %get3A_670 : i32 to index
      %get3A_673 = arith.index_cast %get3A_671 : i32 to index
      %get3A_674 = arith.constant 16 : index
      %get3A_675 = tpu.vector_load %arg16[%get3A_672, %get3A_673, %get3A_674] {strides = array<i32>} : memref<1x1x64xi32, #tpu.memory_space<vmem>>, vector<1x1x16xi32>,
      %get3A_676 = vector.shape_cast %get3A_675 : vector<1x1x16xi32> to vector<16xi32>
      %swap3A_677 = arith.constant 0 : i32
      %swap3A_678 = arith.constant 0 : i32
      %swap3A_679 = arith.index_cast %swap3A_677 : i32 to index
      %swap3A_680 = arith.index_cast %swap3A_678 : i32 to index
      %swap3A_681 = arith.constant 16 : index
      %swap3A_682 = tpu.vector_load %arg20[%swap3A_679, %swap3A_680, %swap3A_681] {strides = array<i32>} : memref<1x1x64xi32, #tpu.memory_space<vmem>>, vector<1x1x16xi32>,
      %swap3A_683 = vector.shape_cast %swap3A_682 : vector<1x1x16xi32> to vector<16xi32>
      %swap3A_684 = vector.shape_cast %get3A_676 : vector<16xi32> to vector<1x1x16xi32>
      tpu.vector_store %arg20[%swap3A_679, %swap3A_680, %swap3A_681], %swap3A_684 {strides = array<i32>} : memref<1x1x64xi32, #tpu.memory_space<vmem>>, vector<1x1x16xi32>,
      %get3A_685 = arith.constant 0 : i32
      %get3A_686 = arith.constant 0 : i32
      %get3A_687 = arith.index_cast %get3A_685 : i32 to index
      %get3A_688 = arith.index_cast %get3A_686 : i32 to index
      %get3A_689 = arith.constant 16 : index
      %get3A_690 = tpu.vector_load %arg16[%get3A_687, %get3A_688, %get3A_689] {strides = array<i32>} : memref<1x1x64xi32, #tpu.memory_space<vmem>>, vector<1x1x16xi32>,
      %get3A_691 = vector.shape_cast %get3A_690 : vector<1x1x16xi32> to vector<16xi32>
      %add3A_692 = vector.broadcast %mul3A_0 : i32 to vector<16xi32>
      %add3A_693 = arith.addi %get3A_691, %add3A_692 : vector<16xi32>
      %swap3A_694 = arith.constant 0 : i32
      %swap3A_695 = arith.constant 0 : i32
      %swap3A_696 = arith.index_cast %swap3A_694 : i32 to index
      %swap3A_697 = arith.index_cast %swap3A_695 : i32 to index
      %swap3A_698 = arith.constant 16 : index
      %swap3A_699 = tpu.vector_load %arg19[%swap3A_696, %swap3A_697, %swap3A_698] {strides = array<i32>} : memref<1x1x64xi32, #tpu.memory_space<vmem>>, vector<1x1x16xi32>,
      %swap3A_700 = vector.shape_cast %swap3A_699 : vector<1x1x16xi32> to vector<16xi32>
      %swap3A_701 = vector.shape_cast %add3A_693 : vector<16xi32> to vector<1x1x16xi32>
      tpu.vector_store %arg19[%swap3A_696, %swap3A_697, %swap3A_698], %swap3A_701 {strides = array<i32>} : memref<1x1x64xi32, #tpu.memory_space<vmem>>, vector<1x1x16xi32>,
      %get3A_702 = arith.constant 0 : i32
      %get3A_703 = arith.constant 0 : i32
      %get3A_704 = arith.index_cast %get3A_702 : i32 to index
      %get3A_705 = arith.index_cast %get3A_703 : i32 to index
      %get3A_706 = arith.constant 16 : index
      %get3A_707 = tpu.vector_load %arg17[%get3A_704, %get3A_705, %get3A_706] {strides = array<i32>} : memref<1x1x64xi32, #tpu.memory_space<vmem>>, vector<1x1x16xi32>,
      %get3A_708 = vector.shape_cast %get3A_707 : vector<1x1x16xi32> to vector<16xi32>
      %add3A_709 = vector.broadcast %mul3A_0 : i32 to vector<16xi32>
      %add3A_710 = arith.addi %get3A_708, %add3A_709 : vector<16xi32>
      %swap3A_711 = arith.constant 0 : i32
      %swap3A_712 = arith.constant 0 : i32
      %swap3A_713 = arith.index_cast %swap3A_711 : i32 to index
      %swap3A_714 = arith.index_cast %swap3A_712 : i32 to index
      %swap3A_715 = arith.constant 16 : index
      %swap3A_716 = tpu.vector_load %arg18[%swap3A_713, %swap3A_714, %swap3A_715] {strides = array<i32>} : memref<1x1x64xi32, #tpu.memory_space<vmem>>, vector<1x1x16xi32>,
      %swap3A_717 = vector.shape_cast %swap3A_716 : vector<1x1x16xi32> to vector<16xi32>
      %swap3A_718 = vector.shape_cast %add3A_710 : vector<16xi32> to vector<1x1x16xi32>
      tpu.vector_store %arg18[%swap3A_713, %swap3A_714, %swap3A_715], %swap3A_718 {strides = array<i32>} : memref<1x1x64xi32, #tpu.memory_space<vmem>>, vector<1x1x16xi32>,
      %get3A_719 = arith.constant 0 : i32
      %get3A_720 = arith.constant 0 : i32
      %get3A_721 = arith.index_cast %get3A_719 : i32 to index
      %get3A_722 = arith.index_cast %get3A_720 : i32 to index
      %get3A_723 = arith.constant 32 : index
      %get3A_724 = tpu.vector_load %arg16[%get3A_721, %get3A_722, %get3A_723] {strides = array<i32>} : memref<1x1x64xi32, #tpu.memory_space<vmem>>, vector<1x1x16xi32>,
      %get3A_725 = vector.shape_cast %get3A_724 : vector<1x1x16xi32> to vector<16xi32>
      %swap3A_726 = arith.constant 0 : i32
      %swap3A_727 = arith.constant 0 : i32
      %swap3A_728 = arith.index_cast %swap3A_726 : i32 to index
      %swap3A_729 = arith.index_cast %swap3A_727 : i32 to index
      %swap3A_730 = arith.constant 32 : index
      %swap3A_731 = tpu.vector_load %arg20[%swap3A_728, %swap3A_729, %swap3A_730] {strides = array<i32>} : memref<1x1x64xi32, #tpu.memory_space<vmem>>, vector<1x1x16xi32>,
      %swap3A_732 = vector.shape_cast %swap3A_731 : vector<1x1x16xi32> to vector<16xi32>
      %swap3A_733 = vector.shape_cast %get3A_725 : vector<16xi32> to vector<1x1x16xi32>
      tpu.vector_store %arg20[%swap3A_728, %swap3A_729, %swap3A_730], %swap3A_733 {strides = array<i32>} : memref<1x1x64xi32, #tpu.memory_space<vmem>>, vector<1x1x16xi32>,
      %get3A_734 = arith.constant 0 : i32
      %get3A_735 = arith.constant 0 : i32
      %get3A_736 = arith.index_cast %get3A_734 : i32 to index
      %get3A_737 = arith.index_cast %get3A_735 : i32 to index
      %get3A_738 = arith.constant 32 : index
      %get3A_739 = tpu.vector_load %arg16[%get3A_736, %get3A_737, %get3A_738] {strides = array<i32>} : memref<1x1x64xi32, #tpu.memory_space<vmem>>, vector<1x1x16xi32>,
      %get3A_740 = vector.shape_cast %get3A_739 : vector<1x1x16xi32> to vector<16xi32>
      %add3A_741 = vector.broadcast %mul3A_0 : i32 to vector<16xi32>
      %add3A_742 = arith.addi %get3A_740, %add3A_741 : vector<16xi32>
      %swap3A_743 = arith.constant 0 : i32
      %swap3A_744 = arith.constant 0 : i32
      %swap3A_745 = arith.index_cast %swap3A_743 : i32 to index
      %swap3A_746 = arith.index_cast %swap3A_744 : i32 to index
      %swap3A_747 = arith.constant 32 : index
      %swap3A_748 = tpu.vector_load %arg19[%swap3A_745, %swap3A_746, %swap3A_747] {strides = array<i32>} : memref<1x1x64xi32, #tpu.memory_space<vmem>>, vector<1x1x16xi32>,
      %swap3A_749 = vector.shape_cast %swap3A_748 : vector<1x1x16xi32> to vector<16xi32>
      %swap3A_750 = vector.shape_cast %add3A_742 : vector<16xi32> to vector<1x1x16xi32>
      tpu.vector_store %arg19[%swap3A_745, %swap3A_746, %swap3A_747], %swap3A_750 {strides = array<i32>} : memref<1x1x64xi32, #tpu.memory_space<vmem>>, vector<1x1x16xi32>,
      %get3A_751 = arith.constant 0 : i32
      %get3A_752 = arith.constant 0 : i32
      %get3A_753 = arith.index_cast %get3A_751 : i32 to index
      %get3A_754 = arith.index_cast %get3A_752 : i32 to index
      %get3A_755 = arith.constant 32 : index
      %get3A_756 = tpu.vector_load %arg17[%get3A_753, %get3A_754, %get3A_755] {strides = array<i32>} : memref<1x1x64xi32, #tpu.memory_space<vmem>>, vector<1x1x16xi32>,
      %get3A_757 = vector.shape_cast %get3A_756 : vector<1x1x16xi32> to vector<16xi32>
      %add3A_758 = vector.broadcast %mul3A_0 : i32 to vector<16xi32>
      %add3A_759 = arith.addi %get3A_757, %add3A_758 : vector<16xi32>
      %swap3A_760 = arith.constant 0 : i32
      %swap3A_761 = arith.constant 0 : i32
      %swap3A_762 = arith.index_cast %swap3A_760 : i32 to index
      %swap3A_763 = arith.index_cast %swap3A_761 : i32 to index
      %swap3A_764 = arith.constant 32 : index
      %swap3A_765 = tpu.vector_load %arg18[%swap3A_762, %swap3A_763, %swap3A_764] {strides = array<i32>} : memref<1x1x64xi32, #tpu.memory_space<vmem>>, vector<1x1x16xi32>,
      %swap3A_766 = vector.shape_cast %swap3A_765 : vector<1x1x16xi32> to vector<16xi32>
      %swap3A_767 = vector.shape_cast %add3A_759 : vector<16xi32> to vector<1x1x16xi32>
      tpu.vector_store %arg18[%swap3A_762, %swap3A_763, %swap3A_764], %swap3A_767 {strides = array<i32>} : memref<1x1x64xi32, #tpu.memory_space<vmem>>, vector<1x1x16xi32>,
      %get3A_768 = arith.constant 0 : i32
      %get3A_769 = arith.constant 0 : i32
      %get3A_770 = arith.index_cast %get3A_768 : i32 to index
      %get3A_771 = arith.index_cast %get3A_769 : i32 to index
      %get3A_772 = arith.constant 48 : index
      %get3A_773 = tpu.vector_load %arg16[%get3A_770, %get3A_771, %get3A_772] {strides = array<i32>} : memref<1x1x64xi32, #tpu.memory_space<vmem>>, vector<1x1x16xi32>,
      %get3A_774 = vector.shape_cast %get3A_773 : vector<1x1x16xi32> to vector<16xi32>
      %swap3A_775 = arith.constant 0 : i32
      %swap3A_776 = arith.constant 0 : i32
      %swap3A_777 = arith.index_cast %swap3A_775 : i32 to index
      %swap3A_778 = arith.index_cast %swap3A_776 : i32 to index
      %swap3A_779 = arith.constant 48 : index
      %swap3A_780 = tpu.vector_load %arg20[%swap3A_777, %swap3A_778, %swap3A_779] {strides = array<i32>} : memref<1x1x64xi32, #tpu.memory_space<vmem>>, vector<1x1x16xi32>,
      %swap3A_781 = vector.shape_cast %swap3A_780 : vector<1x1x16xi32> to vector<16xi32>
      %swap3A_782 = vector.shape_cast %get3A_774 : vector<16xi32> to vector<1x1x16xi32>
      tpu.vector_store %arg20[%swap3A_777, %swap3A_778, %swap3A_779], %swap3A_782 {strides = array<i32>} : memref<1x1x64xi32, #tpu.memory_space<vmem>>, vector<1x1x16xi32>,
      %get3A_783 = arith.constant 0 : i32
      %get3A_784 = arith.constant 0 : i32
      %get3A_785 = arith.index_cast %get3A_783 : i32 to index
      %get3A_786 = arith.index_cast %get3A_784 : i32 to index
      %get3A_787 = arith.constant 48 : index
      %get3A_788 = tpu.vector_load %arg16[%get3A_785, %get3A_786, %get3A_787] {strides = array<i32>} : memref<1x1x64xi32, #tpu.memory_space<vmem>>, vector<1x1x16xi32>,
      %get3A_789 = vector.shape_cast %get3A_788 : vector<1x1x16xi32> to vector<16xi32>
      %add3A_790 = vector.broadcast %mul3A_0 : i32 to vector<16xi32>
      %add3A_791 = arith.addi %get3A_789, %add3A_790 : vector<16xi32>
      %swap3A_792 = arith.constant 0 : i32
      %swap3A_793 = arith.constant 0 : i32
      %swap3A_794 = arith.index_cast %swap3A_792 : i32 to index
      %swap3A_795 = arith.index_cast %swap3A_793 : i32 to index
      %swap3A_796 = arith.constant 48 : index
      %swap3A_797 = tpu.vector_load %arg19[%swap3A_794, %swap3A_795, %swap3A_796] {strides = array<i32>} : memref<1x1x64xi32, #tpu.memory_space<vmem>>, vector<1x1x16xi32>,
      %swap3A_798 = vector.shape_cast %swap3A_797 : vector<1x1x16xi32> to vector<16xi32>
      %swap3A_799 = vector.shape_cast %add3A_791 : vector<16xi32> to vector<1x1x16xi32>
      tpu.vector_store %arg19[%swap3A_794, %swap3A_795, %swap3A_796], %swap3A_799 {strides = array<i32>} : memref<1x1x64xi32, #tpu.memory_space<vmem>>, vector<1x1x16xi32>,
      %get3A_800 = arith.constant 0 : i32
      %get3A_801 = arith.constant 0 : i32
      %get3A_802 = arith.index_cast %get3A_800 : i32 to index
      %get3A_803 = arith.index_cast %get3A_801 : i32 to index
      %get3A_804 = arith.constant 48 : index
      %get3A_805 = tpu.vector_load %arg17[%get3A_802, %get3A_803, %get3A_804] {strides = array<i32>} : memref<1x1x64xi32, #tpu.memory_space<vmem>>, vector<1x1x16xi32>,
      %get3A_806 = vector.shape_cast %get3A_805 : vector<1x1x16xi32> to vector<16xi32>
      %add3A_807 = vector.broadcast %mul3A_0 : i32 to vector<16xi32>
      %add3A_808 = arith.addi %get3A_806, %add3A_807 : vector<16xi32>
      %swap3A_809 = arith.constant 0 : i32
      %swap3A_810 = arith.constant 0 : i32
      %swap3A_811 = arith.index_cast %swap3A_809 : i32 to index
      %swap3A_812 = arith.index_cast %swap3A_810 : i32 to index
      %swap3A_813 = arith.constant 48 : index
      %swap3A_814 = tpu.vector_load %arg18[%swap3A_811, %swap3A_812, %swap3A_813] {strides = array<i32>} : memref<1x1x64xi32, #tpu.memory_space<vmem>>, vector<1x1x16xi32>,
      %swap3A_815 = vector.shape_cast %swap3A_814 : vector<1x1x16xi32> to vector<16xi32>
      %swap3A_816 = vector.shape_cast %add3A_808 : vector<16xi32> to vector<1x1x16xi32>
      tpu.vector_store %arg18[%swap3A_811, %swap3A_812, %swap3A_813], %swap3A_816 {strides = array<i32>} : memref<1x1x64xi32, #tpu.memory_space<vmem>>, vector<1x1x16xi32>,
      %dma_start3A_817 = arith.constant 0 : i32
      %dma_start3A_818 = arith.constant 0 : i32
      %dma_start3A_819 = arith.constant 0 : i32
      %dma_start3A_820 = tpu.memref_slice %arg19[%dma_start3A_817, %dma_start3A_818, %dma_start3A_819] : memref<1x1x64xi32, #tpu.memory_space<vmem>> -> memref<1x1x64xi32, #tpu.memory_space<vmem>>
      %dma_start3A_821 = tpu.memref_squeeze %dma_start3A_820 : memref<1x1x64xi32, #tpu.memory_space<vmem>> -> memref<64xi32, #tpu.memory_space<vmem>>
      %dma_start3A_822 = arith.constant 0 : i32
      %dma_start3A_823 = arith.constant 0 : i32
      %dma_start3A_824 = tpu.memref_slice %arg2[%dma_start3A_822, %dma_start3A_823] : memref<20000x128xf32, #tpu.memory_space<hbm>> -> memref<20000x128xf32, #tpu.memory_space<hbm>>
      tpu.enqueue_indirect_dma source(%dma_start3A_824 : memref<20000x128xf32, #tpu.memory_space<hbm>>) target(%arg21 : memref<64x128xf32, #tpu.memory_space<vmem>>) offsets(%dma_start3A_821 : memref<64xi32, #tpu.memory_space<vmem>>) semaphore(%arg28 : memref<!tpu.dma_semaphore, #tpu.memory_space<semaphore_mem>>)
      %dma_start3A_825 = arith.constant 0 : i32
      %dma_start3A_826 = arith.constant 0 : i32
      %dma_start3A_827 = arith.constant 0 : i32
      %dma_start3A_828 = tpu.memref_slice %arg18[%dma_start3A_825, %dma_start3A_826, %dma_start3A_827] : memref<1x1x64xi32, #tpu.memory_space<vmem>> -> memref<1x1x64xi32, #tpu.memory_space<vmem>>
      %dma_start3A_829 = tpu.memref_squeeze %dma_start3A_828 : memref<1x1x64xi32, #tpu.memory_space<vmem>> -> memref<64xi32, #tpu.memory_space<vmem>>
      %dma_start3A_830 = arith.constant 0 : i32
      %dma_start3A_831 = arith.constant 0 : i32
      %dma_start3A_832 = tpu.memref_slice %arg3[%dma_start3A_830, %dma_start3A_831] : memref<20000x128xf32, #tpu.memory_space<hbm>> -> memref<20000x128xf32, #tpu.memory_space<hbm>>
      tpu.enqueue_indirect_dma source(%dma_start3A_832 : memref<20000x128xf32, #tpu.memory_space<hbm>>) target(%arg22 : memref<64x128xf32, #tpu.memory_space<vmem>>) offsets(%dma_start3A_829 : memref<64xi32, #tpu.memory_space<vmem>>) semaphore(%arg28 : memref<!tpu.dma_semaphore, #tpu.memory_space<semaphore_mem>>)
      %mul3A_833 = arith.constant 64 : i32
      %mul3A_834 = arith.muli %add3A_604, %mul3A_833 : i32
      %dma_start3A_835 = arith.constant 0 : i32
      %dma_start3A_836 = tpu.memref_slice %arg4[%mul3A_834, %dma_start3A_835] : memref<320000x128xf32, #tpu.memory_space<hbm>> -> memref<64x128xf32, #tpu.memory_space<hbm>>
      %dma_start3A_837 = arith.constant 0 : i32
      %dma_start3A_838 = tpu.memref_slice %arg4[%mul3A_834, %dma_start3A_837] : memref<320000x128xf32, #tpu.memory_space<hbm>> -> memref<64x128xf32, #tpu.memory_space<hbm>>
      tpu.enqueue_dma source(%dma_start3A_838 : memref<64x128xf32, #tpu.memory_space<hbm>>) target(%arg23 : memref<64x128xf32, #tpu.memory_space<vmem>>) target_semaphore(%arg28 : memref<!tpu.dma_semaphore, #tpu.memory_space<semaphore_mem>>)
      %add3A_839 = arith.constant 2 : i32
      %add3A_840 = arith.addi %add3A_602, %add3A_839 : i32
      %dma_start3A_841 = arith.constant 0 : i32
      %dma_start3A_842 = arith.constant 0 : i32
      %dma_start3A_843 = tpu.memref_slice %arg6[%add3A_840, %dma_start3A_841, %dma_start3A_842] : memref<5000x1x64xi32, #tpu.memory_space<hbm>> -> memref<1x1x64xi32, #tpu.memory_space<hbm>>
      %dma_start3A_844 = arith.constant 0 : i32
      %dma_start3A_845 = arith.constant 0 : i32
      %dma_start3A_846 = tpu.memref_slice %arg6[%add3A_840, %dma_start3A_844, %dma_start3A_845] : memref<5000x1x64xi32, #tpu.memory_space<hbm>> -> memref<1x1x64xi32, #tpu.memory_space<hbm>>
      tpu.enqueue_dma source(%dma_start3A_846 : memref<1x1x64xi32, #tpu.memory_space<hbm>>) target(%arg8 : memref<1x1x64xi32, #tpu.memory_space<vmem>>) target_semaphore(%arg25 : memref<!tpu.dma_semaphore, #tpu.memory_space<semaphore_mem>>)
      %dma_start3A_847 = arith.constant 0 : i32
      %dma_start3A_848 = arith.constant 0 : i32
      %dma_start3A_849 = tpu.memref_slice %arg5[%add3A_840, %dma_start3A_847, %dma_start3A_848] : memref<5000x1x64xi32, #tpu.memory_space<hbm>> -> memref<1x1x64xi32, #tpu.memory_space<hbm>>
      %dma_start3A_850 = arith.constant 0 : i32
      %dma_start3A_851 = arith.constant 0 : i32
      %dma_start3A_852 = tpu.memref_slice %arg5[%add3A_840, %dma_start3A_850, %dma_start3A_851] : memref<5000x1x64xi32, #tpu.memory_space<hbm>> -> memref<1x1x64xi32, #tpu.memory_space<hbm>>
      tpu.enqueue_dma source(%dma_start3A_852 : memref<1x1x64xi32, #tpu.memory_space<hbm>>) target(%arg9 : memref<1x1x64xi32, #tpu.memory_space<vmem>>) target_semaphore(%arg25 : memref<!tpu.dma_semaphore, #tpu.memory_space<semaphore_mem>>)
      %dma_wait3A_853 = arith.constant 0 : i32
      %dma_wait3A_854 = arith.constant 0 : i32
      %dma_wait3A_855 = arith.constant 0 : i32
      %dma_wait3A_856 = tpu.memref_slice %arg11[%dma_wait3A_853, %dma_wait3A_854, %dma_wait3A_855] : memref<1x1x64xi32, #tpu.memory_space<vmem>> -> memref<1x1x64xi32, #tpu.memory_space<vmem>>
      %dma_wait3A_857 = tpu.memref_squeeze %dma_wait3A_856 : memref<1x1x64xi32, #tpu.memory_space<vmem>> -> memref<64xi32, #tpu.memory_space<vmem>>
      %dma_wait3A_858 = arith.constant 0 : i32
      %dma_wait3A_859 = arith.constant 0 : i32
      %dma_wait3A_860 = tpu.memref_slice %arg2[%dma_wait3A_858, %dma_wait3A_859] : memref<20000x128xf32, #tpu.memory_space<hbm>> -> memref<20000x128xf32, #tpu.memory_space<hbm>>
      tpu.wait_indirect_dma semaphore(%arg27 : memref<!tpu.dma_semaphore, #tpu.memory_space<semaphore_mem>>) src(%dma_wait3A_860 : memref<20000x128xf32, #tpu.memory_space<hbm>>) dst(%arg13 : memref<64x128xf32, #tpu.memory_space<vmem>>)
      %dma_wait3A_861 = arith.constant 0 : i32
      %dma_wait3A_862 = arith.constant 0 : i32
      %dma_wait3A_863 = arith.constant 0 : i32
      %dma_wait3A_864 = tpu.memref_slice %arg10[%dma_wait3A_861, %dma_wait3A_862, %dma_wait3A_863] : memref<1x1x64xi32, #tpu.memory_space<vmem>> -> memref<1x1x64xi32, #tpu.memory_space<vmem>>
      %dma_wait3A_865 = tpu.memref_squeeze %dma_wait3A_864 : memref<1x1x64xi32, #tpu.memory_space<vmem>> -> memref<64xi32, #tpu.memory_space<vmem>>
      %dma_wait3A_866 = arith.constant 0 : i32
      %dma_wait3A_867 = arith.constant 0 : i32
      %dma_wait3A_868 = tpu.memref_slice %arg3[%dma_wait3A_866, %dma_wait3A_867] : memref<20000x128xf32, #tpu.memory_space<hbm>> -> memref<20000x128xf32, #tpu.memory_space<hbm>>
      tpu.wait_indirect_dma semaphore(%arg27 : memref<!tpu.dma_semaphore, #tpu.memory_space<semaphore_mem>>) src(%dma_wait3A_868 : memref<20000x128xf32, #tpu.memory_space<hbm>>) dst(%arg14 : memref<64x128xf32, #tpu.memory_space<vmem>>)
      %dma_wait3A_869 = arith.constant 0 : i32
      %dma_wait3A_870 = arith.constant 0 : i32
      %dma_wait3A_871 = tpu.memref_slice %arg4[%dma_wait3A_869, %dma_wait3A_870] : memref<320000x128xf32, #tpu.memory_space<hbm>> -> memref<64x128xf32, #tpu.memory_space<hbm>>
      %dma_wait3A_872 = arith.constant 0 : i32
      %dma_wait3A_873 = arith.constant 0 : i32
      %dma_wait3A_874 = tpu.memref_slice %arg4[%dma_wait3A_872, %dma_wait3A_873] : memref<320000x128xf32, #tpu.memory_space<hbm>> -> memref<64x128xf32, #tpu.memory_space<hbm>>
      tpu.wait_dma2 semaphore(%arg27 : memref<!tpu.dma_semaphore, #tpu.memory_space<semaphore_mem>>) src(%dma_wait3A_874 : memref<64x128xf32, #tpu.memory_space<hbm>>) dst(%arg15 : memref<64x128xf32, #tpu.memory_space<vmem>>)
      %scan3A_875 = arith.constant 0 : i32
      %scan3A_876 = arith.constant 64 : i32
      %scan3A_877 = arith.addi %scan3A_875, %scan3A_876 : i32
      %scan3A_878 = arith.constant 1 : i32
      scf.for %scan3A_1161 = %scan3A_875 to %scan3A_877 step %scan3A_878  : i32 {
        %mul3A_1162 = arith.constant 1 : i32
        %mul3A_1163 = arith.muli %scan3A_1161, %mul3A_1162 : i32
        %add3A_1164 = arith.constant 0 : i32
        %add3A_1165 = arith.addi %add3A_1164, %mul3A_1163 : i32
        %get3A_1166 = arith.index_cast %add3A_1165 : i32 to index
        %get3A_1167 = arith.constant 0 : index
        %get3A_1168 = tpu.vector_load %arg13[%get3A_1166, %get3A_1167] {strides = array<i32>} : memref<64x128xf32, #tpu.memory_space<vmem>>, vector<1x16xf32>,
        %get3A_1169 = vector.shape_cast %get3A_1168 : vector<1x16xf32> to vector<16xf32>
        %get3A_1170 = arith.index_cast %add3A_1165 : i32 to index
        %get3A_1171 = arith.constant 0 : index
        %get3A_1172 = tpu.vector_load %arg14[%get3A_1170, %get3A_1171] {strides = array<i32>} : memref<64x128xf32, #tpu.memory_space<vmem>>, vector<1x16xf32>,
        %get3A_1173 = vector.shape_cast %get3A_1172 : vector<1x16xf32> to vector<16xf32>
        %add3A_1174 = arith.addf %get3A_1169, %get3A_1173 : vector<16xf32>
        %get3A_1175 = arith.index_cast %add3A_1165 : i32 to index
        %get3A_1176 = arith.constant 0 : index
        %get3A_1177 = tpu.vector_load %arg15[%get3A_1175, %get3A_1176] {strides = array<i32>} : memref<64x128xf32, #tpu.memory_space<vmem>>, vector<1x16xf32>,
        %get3A_1178 = vector.shape_cast %get3A_1177 : vector<1x16xf32> to vector<16xf32>
        %add3A_1179 = arith.addf %add3A_1174, %get3A_1178 : vector<16xf32>
        %max3A = arith.constant 0.000000e+00 : f32
        %max3A_1180 = vector.broadcast %max3A : f32 to vector<16xf32>
        %max3A_1181 = arith.maximumf %add3A_1179, %max3A_1180 : vector<16xf32>
        %swap3A_1182 = arith.index_cast %add3A_1165 : i32 to index
        %swap3A_1183 = arith.constant 0 : index
        %swap3A_1184 = tpu.vector_load %arg13[%swap3A_1182, %swap3A_1183] {strides = array<i32>} : memref<64x128xf32, #tpu.memory_space<vmem>>, vector<1x16xf32>,
        %swap3A_1185 = vector.shape_cast %swap3A_1184 : vector<1x16xf32> to vector<16xf32>
        %swap3A_1186 = vector.shape_cast %max3A_1181 : vector<16xf32> to vector<1x16xf32>
        tpu.vector_store %arg13[%swap3A_1182, %swap3A_1183], %swap3A_1186 {strides = array<i32>} : memref<64x128xf32, #tpu.memory_space<vmem>>, vector<1x16xf32>,
        %get3A_1187 = arith.index_cast %add3A_1165 : i32 to index
        %get3A_1188 = arith.constant 16 : index
        %get3A_1189 = tpu.vector_load %arg13[%get3A_1187, %get3A_1188] {strides = array<i32>} : memref<64x128xf32, #tpu.memory_space<vmem>>, vector<1x16xf32>,
        %get3A_1190 = vector.shape_cast %get3A_1189 : vector<1x16xf32> to vector<16xf32>
        %get3A_1191 = arith.index_cast %add3A_1165 : i32 to index
        %get3A_1192 = arith.constant 16 : index
        %get3A_1193 = tpu.vector_load %arg14[%get3A_1191, %get3A_1192] {strides = array<i32>} : memref<64x128xf32, #tpu.memory_space<vmem>>, vector<1x16xf32>,
        %get3A_1194 = vector.shape_cast %get3A_1193 : vector<1x16xf32> to vector<16xf32>
        %add3A_1195 = arith.addf %get3A_1190, %get3A_1194 : vector<16xf32>
        %get3A_1196 = arith.index_cast %add3A_1165 : i32 to index
        %get3A_1197 = arith.constant 16 : index
        %get3A_1198 = tpu.vector_load %arg15[%get3A_1196, %get3A_1197] {strides = array<i32>} : memref<64x128xf32, #tpu.memory_space<vmem>>, vector<1x16xf32>,
        %get3A_1199 = vector.shape_cast %get3A_1198 : vector<1x16xf32> to vector<16xf32>
        %add3A_1200 = arith.addf %add3A_1195, %get3A_1199 : vector<16xf32>
        %max3A_1201 = arith.constant 0.000000e+00 : f32
        %max3A_1202 = vector.broadcast %max3A_1201 : f32 to vector<16xf32>
        %max3A_1203 = arith.maximumf %add3A_1200, %max3A_1202 : vector<16xf32>
        %swap3A_1204 = arith.index_cast %add3A_1165 : i32 to index
        %swap3A_1205 = arith.constant 16 : index
        %swap3A_1206 = tpu.vector_load %arg13[%swap3A_1204, %swap3A_1205] {strides = array<i32>} : memref<64x128xf32, #tpu.memory_space<vmem>>, vector<1x16xf32>,
        %swap3A_1207 = vector.shape_cast %swap3A_1206 : vector<1x16xf32> to vector<16xf32>
        %swap3A_1208 = vector.shape_cast %max3A_1203 : vector<16xf32> to vector<1x16xf32>
        tpu.vector_store %arg13[%swap3A_1204, %swap3A_1205], %swap3A_1208 {strides = array<i32>} : memref<64x128xf32, #tpu.memory_space<vmem>>, vector<1x16xf32>,
        %get3A_1209 = arith.index_cast %add3A_1165 : i32 to index
        %get3A_1210 = arith.constant 32 : index
        %get3A_1211 = tpu.vector_load %arg13[%get3A_1209, %get3A_1210] {strides = array<i32>} : memref<64x128xf32, #tpu.memory_space<vmem>>, vector<1x16xf32>,
        %get3A_1212 = vector.shape_cast %get3A_1211 : vector<1x16xf32> to vector<16xf32>
        %get3A_1213 = arith.index_cast %add3A_1165 : i32 to index
        %get3A_1214 = arith.constant 32 : index
        %get3A_1215 = tpu.vector_load %arg14[%get3A_1213, %get3A_1214] {strides = array<i32>} : memref<64x128xf32, #tpu.memory_space<vmem>>, vector<1x16xf32>,
        %get3A_1216 = vector.shape_cast %get3A_1215 : vector<1x16xf32> to vector<16xf32>
        %add3A_1217 = arith.addf %get3A_1212, %get3A_1216 : vector<16xf32>
        %get3A_1218 = arith.index_cast %add3A_1165 : i32 to index
        %get3A_1219 = arith.constant 32 : index
        %get3A_1220 = tpu.vector_load %arg15[%get3A_1218, %get3A_1219] {strides = array<i32>} : memref<64x128xf32, #tpu.memory_space<vmem>>, vector<1x16xf32>,
        %get3A_1221 = vector.shape_cast %get3A_1220 : vector<1x16xf32> to vector<16xf32>
        %add3A_1222 = arith.addf %add3A_1217, %get3A_1221 : vector<16xf32>
        %max3A_1223 = arith.constant 0.000000e+00 : f32
        %max3A_1224 = vector.broadcast %max3A_1223 : f32 to vector<16xf32>
        %max3A_1225 = arith.maximumf %add3A_1222, %max3A_1224 : vector<16xf32>
        %swap3A_1226 = arith.index_cast %add3A_1165 : i32 to index
        %swap3A_1227 = arith.constant 32 : index
        %swap3A_1228 = tpu.vector_load %arg13[%swap3A_1226, %swap3A_1227] {strides = array<i32>} : memref<64x128xf32, #tpu.memory_space<vmem>>, vector<1x16xf32>,
        %swap3A_1229 = vector.shape_cast %swap3A_1228 : vector<1x16xf32> to vector<16xf32>
        %swap3A_1230 = vector.shape_cast %max3A_1225 : vector<16xf32> to vector<1x16xf32>
        tpu.vector_store %arg13[%swap3A_1226, %swap3A_1227], %swap3A_1230 {strides = array<i32>} : memref<64x128xf32, #tpu.memory_space<vmem>>, vector<1x16xf32>,
        %get3A_1231 = arith.index_cast %add3A_1165 : i32 to index
        %get3A_1232 = arith.constant 48 : index
        %get3A_1233 = tpu.vector_load %arg13[%get3A_1231, %get3A_1232] {strides = array<i32>} : memref<64x128xf32, #tpu.memory_space<vmem>>, vector<1x16xf32>,
        %get3A_1234 = vector.shape_cast %get3A_1233 : vector<1x16xf32> to vector<16xf32>
        %get3A_1235 = arith.index_cast %add3A_1165 : i32 to index
        %get3A_1236 = arith.constant 48 : index
        %get3A_1237 = tpu.vector_load %arg14[%get3A_1235, %get3A_1236] {strides = array<i32>} : memref<64x128xf32, #tpu.memory_space<vmem>>, vector<1x16xf32>,
        %get3A_1238 = vector.shape_cast %get3A_1237 : vector<1x16xf32> to vector<16xf32>
        %add3A_1239 = arith.addf %get3A_1234, %get3A_1238 : vector<16xf32>
        %get3A_1240 = arith.index_cast %add3A_1165 : i32 to index
        %get3A_1241 = arith.constant 48 : index
        %get3A_1242 = tpu.vector_load %arg15[%get3A_1240, %get3A_1241] {strides = array<i32>} : memref<64x128xf32, #tpu.memory_space<vmem>>, vector<1x16xf32>,
        %get3A_1243 = vector.shape_cast %get3A_1242 : vector<1x16xf32> to vector<16xf32>
        %add3A_1244 = arith.addf %add3A_1239, %get3A_1243 : vector<16xf32>
        %max3A_1245 = arith.constant 0.000000e+00 : f32
        %max3A_1246 = vector.broadcast %max3A_1245 : f32 to vector<16xf32>
        %max3A_1247 = arith.maximumf %add3A_1244, %max3A_1246 : vector<16xf32>
        %swap3A_1248 = arith.index_cast %add3A_1165 : i32 to index
        %swap3A_1249 = arith.constant 48 : index
        %swap3A_1250 = tpu.vector_load %arg13[%swap3A_1248, %swap3A_1249] {strides = array<i32>} : memref<64x128xf32, #tpu.memory_space<vmem>>, vector<1x16xf32>,
        %swap3A_1251 = vector.shape_cast %swap3A_1250 : vector<1x16xf32> to vector<16xf32>
        %swap3A_1252 = vector.shape_cast %max3A_1247 : vector<16xf32> to vector<1x16xf32>
        tpu.vector_store %arg13[%swap3A_1248, %swap3A_1249], %swap3A_1252 {strides = array<i32>} : memref<64x128xf32, #tpu.memory_space<vmem>>, vector<1x16xf32>,
        %get3A_1253 = arith.index_cast %add3A_1165 : i32 to index
        %get3A_1254 = arith.constant 64 : index
        %get3A_1255 = tpu.vector_load %arg13[%get3A_1253, %get3A_1254] {strides = array<i32>} : memref<64x128xf32, #tpu.memory_space<vmem>>, vector<1x16xf32>,
        %get3A_1256 = vector.shape_cast %get3A_1255 : vector<1x16xf32> to vector<16xf32>
        %get3A_1257 = arith.index_cast %add3A_1165 : i32 to index
        %get3A_1258 = arith.constant 64 : index
        %get3A_1259 = tpu.vector_load %arg14[%get3A_1257, %get3A_1258] {strides = array<i32>} : memref<64x128xf32, #tpu.memory_space<vmem>>, vector<1x16xf32>,
        %get3A_1260 = vector.shape_cast %get3A_1259 : vector<1x16xf32> to vector<16xf32>
        %add3A_1261 = arith.addf %get3A_1256, %get3A_1260 : vector<16xf32>
        %get3A_1262 = arith.index_cast %add3A_1165 : i32 to index
        %get3A_1263 = arith.constant 64 : index
        %get3A_1264 = tpu.vector_load %arg15[%get3A_1262, %get3A_1263] {strides = array<i32>} : memref<64x128xf32, #tpu.memory_space<vmem>>, vector<1x16xf32>,
        %get3A_1265 = vector.shape_cast %get3A_1264 : vector<1x16xf32> to vector<16xf32>
        %add3A_1266 = arith.addf %add3A_1261, %get3A_1265 : vector<16xf32>
        %max3A_1267 = arith.constant 0.000000e+00 : f32
        %max3A_1268 = vector.broadcast %max3A_1267 : f32 to vector<16xf32>
        %max3A_1269 = arith.maximumf %add3A_1266, %max3A_1268 : vector<16xf32>
        %swap3A_1270 = arith.index_cast %add3A_1165 : i32 to index
        %swap3A_1271 = arith.constant 64 : index
        %swap3A_1272 = tpu.vector_load %arg13[%swap3A_1270, %swap3A_1271] {strides = array<i32>} : memref<64x128xf32, #tpu.memory_space<vmem>>, vector<1x16xf32>,
        %swap3A_1273 = vector.shape_cast %swap3A_1272 : vector<1x16xf32> to vector<16xf32>
        %swap3A_1274 = vector.shape_cast %max3A_1269 : vector<16xf32> to vector<1x16xf32>
        tpu.vector_store %arg13[%swap3A_1270, %swap3A_1271], %swap3A_1274 {strides = array<i32>} : memref<64x128xf32, #tpu.memory_space<vmem>>, vector<1x16xf32>,
        %get3A_1275 = arith.index_cast %add3A_1165 : i32 to index
        %get3A_1276 = arith.constant 80 : index
        %get3A_1277 = tpu.vector_load %arg13[%get3A_1275, %get3A_1276] {strides = array<i32>} : memref<64x128xf32, #tpu.memory_space<vmem>>, vector<1x16xf32>,
        %get3A_1278 = vector.shape_cast %get3A_1277 : vector<1x16xf32> to vector<16xf32>
        %get3A_1279 = arith.index_cast %add3A_1165 : i32 to index
        %get3A_1280 = arith.constant 80 : index
        %get3A_1281 = tpu.vector_load %arg14[%get3A_1279, %get3A_1280] {strides = array<i32>} : memref<64x128xf32, #tpu.memory_space<vmem>>, vector<1x16xf32>,
        %get3A_1282 = vector.shape_cast %get3A_1281 : vector<1x16xf32> to vector<16xf32>
        %add3A_1283 = arith.addf %get3A_1278, %get3A_1282 : vector<16xf32>
        %get3A_1284 = arith.index_cast %add3A_1165 : i32 to index
        %get3A_1285 = arith.constant 80 : index
        %get3A_1286 = tpu.vector_load %arg15[%get3A_1284, %get3A_1285] {strides = array<i32>} : memref<64x128xf32, #tpu.memory_space<vmem>>, vector<1x16xf32>,
        %get3A_1287 = vector.shape_cast %get3A_1286 : vector<1x16xf32> to vector<16xf32>
        %add3A_1288 = arith.addf %add3A_1283, %get3A_1287 : vector<16xf32>
        %max3A_1289 = arith.constant 0.000000e+00 : f32
        %max3A_1290 = vector.broadcast %max3A_1289 : f32 to vector<16xf32>
        %max3A_1291 = arith.maximumf %add3A_1288, %max3A_1290 : vector<16xf32>
        %swap3A_1292 = arith.index_cast %add3A_1165 : i32 to index
        %swap3A_1293 = arith.constant 80 : index
        %swap3A_1294 = tpu.vector_load %arg13[%swap3A_1292, %swap3A_1293] {strides = array<i32>} : memref<64x128xf32, #tpu.memory_space<vmem>>, vector<1x16xf32>,
        %swap3A_1295 = vector.shape_cast %swap3A_1294 : vector<1x16xf32> to vector<16xf32>
        %swap3A_1296 = vector.shape_cast %max3A_1291 : vector<16xf32> to vector<1x16xf32>
        tpu.vector_store %arg13[%swap3A_1292, %swap3A_1293], %swap3A_1296 {strides = array<i32>} : memref<64x128xf32, #tpu.memory_space<vmem>>, vector<1x16xf32>,
        %get3A_1297 = arith.index_cast %add3A_1165 : i32 to index
        %get3A_1298 = arith.constant 96 : index
        %get3A_1299 = tpu.vector_load %arg13[%get3A_1297, %get3A_1298] {strides = array<i32>} : memref<64x128xf32, #tpu.memory_space<vmem>>, vector<1x16xf32>,
        %get3A_1300 = vector.shape_cast %get3A_1299 : vector<1x16xf32> to vector<16xf32>
        %get3A_1301 = arith.index_cast %add3A_1165 : i32 to index
        %get3A_1302 = arith.constant 96 : index
        %get3A_1303 = tpu.vector_load %arg14[%get3A_1301, %get3A_1302] {strides = array<i32>} : memref<64x128xf32, #tpu.memory_space<vmem>>, vector<1x16xf32>,
        %get3A_1304 = vector.shape_cast %get3A_1303 : vector<1x16xf32> to vector<16xf32>
        %add3A_1305 = arith.addf %get3A_1300, %get3A_1304 : vector<16xf32>
        %get3A_1306 = arith.index_cast %add3A_1165 : i32 to index
        %get3A_1307 = arith.constant 96 : index
        %get3A_1308 = tpu.vector_load %arg15[%get3A_1306, %get3A_1307] {strides = array<i32>} : memref<64x128xf32, #tpu.memory_space<vmem>>, vector<1x16xf32>,
        %get3A_1309 = vector.shape_cast %get3A_1308 : vector<1x16xf32> to vector<16xf32>
        %add3A_1310 = arith.addf %add3A_1305, %get3A_1309 : vector<16xf32>
        %max3A_1311 = arith.constant 0.000000e+00 : f32
        %max3A_1312 = vector.broadcast %max3A_1311 : f32 to vector<16xf32>
        %max3A_1313 = arith.maximumf %add3A_1310, %max3A_1312 : vector<16xf32>
        %swap3A_1314 = arith.index_cast %add3A_1165 : i32 to index
        %swap3A_1315 = arith.constant 96 : index
        %swap3A_1316 = tpu.vector_load %arg13[%swap3A_1314, %swap3A_1315] {strides = array<i32>} : memref<64x128xf32, #tpu.memory_space<vmem>>, vector<1x16xf32>,
        %swap3A_1317 = vector.shape_cast %swap3A_1316 : vector<1x16xf32> to vector<16xf32>
        %swap3A_1318 = vector.shape_cast %max3A_1313 : vector<16xf32> to vector<1x16xf32>
        tpu.vector_store %arg13[%swap3A_1314, %swap3A_1315], %swap3A_1318 {strides = array<i32>} : memref<64x128xf32, #tpu.memory_space<vmem>>, vector<1x16xf32>,
        %get3A_1319 = arith.index_cast %add3A_1165 : i32 to index
        %get3A_1320 = arith.constant 112 : index
        %get3A_1321 = tpu.vector_load %arg13[%get3A_1319, %get3A_1320] {strides = array<i32>} : memref<64x128xf32, #tpu.memory_space<vmem>>, vector<1x16xf32>,
        %get3A_1322 = vector.shape_cast %get3A_1321 : vector<1x16xf32> to vector<16xf32>
        %get3A_1323 = arith.index_cast %add3A_1165 : i32 to index
        %get3A_1324 = arith.constant 112 : index
        %get3A_1325 = tpu.vector_load %arg14[%get3A_1323, %get3A_1324] {strides = array<i32>} : memref<64x128xf32, #tpu.memory_space<vmem>>, vector<1x16xf32>,
        %get3A_1326 = vector.shape_cast %get3A_1325 : vector<1x16xf32> to vector<16xf32>
        %add3A_1327 = arith.addf %get3A_1322, %get3A_1326 : vector<16xf32>
        %get3A_1328 = arith.index_cast %add3A_1165 : i32 to index
        %get3A_1329 = arith.constant 112 : index
        %get3A_1330 = tpu.vector_load %arg15[%get3A_1328, %get3A_1329] {strides = array<i32>} : memref<64x128xf32, #tpu.memory_space<vmem>>, vector<1x16xf32>,
        %get3A_1331 = vector.shape_cast %get3A_1330 : vector<1x16xf32> to vector<16xf32>
        %add3A_1332 = arith.addf %add3A_1327, %get3A_1331 : vector<16xf32>
        %max3A_1333 = arith.constant 0.000000e+00 : f32
        %max3A_1334 = vector.broadcast %max3A_1333 : f32 to vector<16xf32>
        %max3A_1335 = arith.maximumf %add3A_1332, %max3A_1334 : vector<16xf32>
        %swap3A_1336 = arith.index_cast %add3A_1165 : i32 to index
        %swap3A_1337 = arith.constant 112 : index
        %swap3A_1338 = tpu.vector_load %arg13[%swap3A_1336, %swap3A_1337] {strides = array<i32>} : memref<64x128xf32, #tpu.memory_space<vmem>>, vector<1x16xf32>,
        %swap3A_1339 = vector.shape_cast %swap3A_1338 : vector<1x16xf32> to vector<16xf32>
        %swap3A_1340 = vector.shape_cast %max3A_1335 : vector<16xf32> to vector<1x16xf32>
        tpu.vector_store %arg13[%swap3A_1336, %swap3A_1337], %swap3A_1340 {strides = array<i32>} : memref<64x128xf32, #tpu.memory_space<vmem>>, vector<1x16xf32>,
      }
      %scan3A_879 = arith.constant 64 : i32
      %run_scoped3A_880 = arith.constant 0 : i32
      %run_scoped3A_881 = arith.constant 0 : i32
      "tpu.region"() ({
        %run_scoped3A_1161 = tpu.sem_alloc : memref<!tpu.dma_semaphore, #tpu.memory_space<semaphore_mem>>
        %dma_start3A_1162 = arith.constant 0 : i32
        %dma_start3A_1163 = tpu.memref_slice %arg12[%run_scoped3A_880, %run_scoped3A_881, %dma_start3A_1162] : memref<1x1x64xi32, #tpu.memory_space<vmem>> -> memref<1x1x64xi32, #tpu.memory_space<vmem>>
        %dma_start3A_1164 = tpu.memref_squeeze %dma_start3A_1163 : memref<1x1x64xi32, #tpu.memory_space<vmem>> -> memref<64xi32, #tpu.memory_space<vmem>>
        %dma_start3A_1165 = arith.constant 0 : i32
        %dma_start3A_1166 = arith.constant 0 : i32
        %dma_start3A_1167 = tpu.memref_slice %arg24[%dma_start3A_1165, %dma_start3A_1166] : memref<10000x128xf32, #tpu.memory_space<vmem_shared>> -> memref<10000x128xf32, #tpu.memory_space<vmem_shared>>
        tpu.enqueue_indirect_dma source(%arg13 : memref<64x128xf32, #tpu.memory_space<vmem>>) target(%dma_start3A_1167 : memref<10000x128xf32, #tpu.memory_space<vmem_shared>>) offsets(%dma_start3A_1164 : memref<64xi32, #tpu.memory_space<vmem>>) semaphore(%run_scoped3A_1161 : memref<!tpu.dma_semaphore, #tpu.memory_space<semaphore_mem>>) {add = true}
        %dma_wait3A_1168 = arith.constant 0 : i32
        %dma_wait3A_1169 = tpu.memref_slice %arg12[%run_scoped3A_880, %run_scoped3A_881, %dma_wait3A_1168] : memref<1x1x64xi32, #tpu.memory_space<vmem>> -> memref<1x1x64xi32, #tpu.memory_space<vmem>>
        %dma_wait3A_1170 = tpu.memref_squeeze %dma_wait3A_1169 : memref<1x1x64xi32, #tpu.memory_space<vmem>> -> memref<64xi32, #tpu.memory_space<vmem>>
        %dma_wait3A_1171 = arith.constant 0 : i32
        %dma_wait3A_1172 = arith.constant 0 : i32
        %dma_wait3A_1173 = tpu.memref_slice %arg24[%dma_wait3A_1171, %dma_wait3A_1172] : memref<10000x128xf32, #tpu.memory_space<vmem_shared>> -> memref<10000x128xf32, #tpu.memory_space<vmem_shared>>
        tpu.wait_indirect_dma semaphore(%run_scoped3A_1161 : memref<!tpu.dma_semaphore, #tpu.memory_space<semaphore_mem>>) src(%arg13 : memref<64x128xf32, #tpu.memory_space<vmem>>) dst(%dma_wait3A_1173 : memref<10000x128xf32, #tpu.memory_space<vmem_shared>>)
        tpu.yield
      }) : () -> ()
      %add3A_882 = arith.constant 2 : i32
      %add3A_883 = arith.addi %add3A_602, %add3A_882 : i32
      %dma_wait3A_884 = arith.constant 0 : i32
      %dma_wait3A_885 = arith.constant 0 : i32
      %dma_wait3A_886 = arith.constant 0 : i32
      %dma_wait3A_887 = tpu.memref_slice %arg6[%dma_wait3A_884, %dma_wait3A_885, %dma_wait3A_886] : memref<5000x1x64xi32, #tpu.memory_space<hbm>> -> memref<1x1x64xi32, #tpu.memory_space<hbm>>
      %dma_wait3A_888 = arith.constant 0 : i32
      %dma_wait3A_889 = arith.constant 0 : i32
      %dma_wait3A_890 = arith.constant 0 : i32
      %dma_wait3A_891 = tpu.memref_slice %arg6[%dma_wait3A_888, %dma_wait3A_889, %dma_wait3A_890] : memref<5000x1x64xi32, #tpu.memory_space<hbm>> -> memref<1x1x64xi32, #tpu.memory_space<hbm>>
      tpu.wait_dma2 semaphore(%arg25 : memref<!tpu.dma_semaphore, #tpu.memory_space<semaphore_mem>>) src(%dma_wait3A_891 : memref<1x1x64xi32, #tpu.memory_space<hbm>>) dst(%arg8 : memref<1x1x64xi32, #tpu.memory_space<vmem>>)
      %dma_wait3A_892 = arith.constant 0 : i32
      %dma_wait3A_893 = arith.constant 0 : i32
      %dma_wait3A_894 = arith.constant 0 : i32
      %dma_wait3A_895 = tpu.memref_slice %arg5[%dma_wait3A_892, %dma_wait3A_893, %dma_wait3A_894] : memref<5000x1x64xi32, #tpu.memory_space<hbm>> -> memref<1x1x64xi32, #tpu.memory_space<hbm>>
      %dma_wait3A_896 = arith.constant 0 : i32
      %dma_wait3A_897 = arith.constant 0 : i32
      %dma_wait3A_898 = arith.constant 0 : i32
      %dma_wait3A_899 = tpu.memref_slice %arg5[%dma_wait3A_896, %dma_wait3A_897, %dma_wait3A_898] : memref<5000x1x64xi32, #tpu.memory_space<hbm>> -> memref<1x1x64xi32, #tpu.memory_space<hbm>>
      tpu.wait_dma2 semaphore(%arg25 : memref<!tpu.dma_semaphore, #tpu.memory_space<semaphore_mem>>) src(%dma_wait3A_899 : memref<1x1x64xi32, #tpu.memory_space<hbm>>) dst(%arg9 : memref<1x1x64xi32, #tpu.memory_space<vmem>>)
      %get3A_900 = arith.constant 0 : i32
      %get3A_901 = arith.constant 0 : i32
      %get3A_902 = arith.index_cast %get3A_900 : i32 to index
      %get3A_903 = arith.index_cast %get3A_901 : i32 to index
      %get3A_904 = arith.constant 0 : index
      %get3A_905 = tpu.vector_load %arg8[%get3A_902, %get3A_903, %get3A_904] {strides = array<i32>} : memref<1x1x64xi32, #tpu.memory_space<vmem>>, vector<1x1x16xi32>,
      %get3A_906 = vector.shape_cast %get3A_905 : vector<1x1x16xi32> to vector<16xi32>
      %swap3A_907 = arith.constant 0 : i32
      %swap3A_908 = arith.constant 0 : i32
      %swap3A_909 = arith.index_cast %swap3A_907 : i32 to index
      %swap3A_910 = arith.index_cast %swap3A_908 : i32 to index
      %swap3A_911 = arith.constant 0 : index
      %swap3A_912 = tpu.vector_load %arg12[%swap3A_909, %swap3A_910, %swap3A_911] {strides = array<i32>} : memref<1x1x64xi32, #tpu.memory_space<vmem>>, vector<1x1x16xi32>,
      %swap3A_913 = vector.shape_cast %swap3A_912 : vector<1x1x16xi32> to vector<16xi32>
      %swap3A_914 = vector.shape_cast %get3A_906 : vector<16xi32> to vector<1x1x16xi32>
      tpu.vector_store %arg12[%swap3A_909, %swap3A_910, %swap3A_911], %swap3A_914 {strides = array<i32>} : memref<1x1x64xi32, #tpu.memory_space<vmem>>, vector<1x1x16xi32>,
      %get3A_915 = arith.constant 0 : i32
      %get3A_916 = arith.constant 0 : i32
      %get3A_917 = arith.index_cast %get3A_915 : i32 to index
      %get3A_918 = arith.index_cast %get3A_916 : i32 to index
      %get3A_919 = arith.constant 0 : index
      %get3A_920 = tpu.vector_load %arg8[%get3A_917, %get3A_918, %get3A_919] {strides = array<i32>} : memref<1x1x64xi32, #tpu.memory_space<vmem>>, vector<1x1x16xi32>,
      %get3A_921 = vector.shape_cast %get3A_920 : vector<1x1x16xi32> to vector<16xi32>
      %add3A_922 = vector.broadcast %mul3A_0 : i32 to vector<16xi32>
      %add3A_923 = arith.addi %get3A_921, %add3A_922 : vector<16xi32>
      %swap3A_924 = arith.constant 0 : i32
      %swap3A_925 = arith.constant 0 : i32
      %swap3A_926 = arith.index_cast %swap3A_924 : i32 to index
      %swap3A_927 = arith.index_cast %swap3A_925 : i32 to index
      %swap3A_928 = arith.constant 0 : index
      %swap3A_929 = tpu.vector_load %arg11[%swap3A_926, %swap3A_927, %swap3A_928] {strides = array<i32>} : memref<1x1x64xi32, #tpu.memory_space<vmem>>, vector<1x1x16xi32>,
      %swap3A_930 = vector.shape_cast %swap3A_929 : vector<1x1x16xi32> to vector<16xi32>
      %swap3A_931 = vector.shape_cast %add3A_923 : vector<16xi32> to vector<1x1x16xi32>
      tpu.vector_store %arg11[%swap3A_926, %swap3A_927, %swap3A_928], %swap3A_931 {strides = array<i32>} : memref<1x1x64xi32, #tpu.memory_space<vmem>>, vector<1x1x16xi32>,
      %get3A_932 = arith.constant 0 : i32
      %get3A_933 = arith.constant 0 : i32
      %get3A_934 = arith.index_cast %get3A_932 : i32 to index
      %get3A_935 = arith.index_cast %get3A_933 : i32 to index
      %get3A_936 = arith.constant 0 : index
      %get3A_937 = tpu.vector_load %arg9[%get3A_934, %get3A_935, %get3A_936] {strides = array<i32>} : memref<1x1x64xi32, #tpu.memory_space<vmem>>, vector<1x1x16xi32>,
      %get3A_938 = vector.shape_cast %get3A_937 : vector<1x1x16xi32> to vector<16xi32>
      %add3A_939 = vector.broadcast %mul3A_0 : i32 to vector<16xi32>
      %add3A_940 = arith.addi %get3A_938, %add3A_939 : vector<16xi32>
      %swap3A_941 = arith.constant 0 : i32
      %swap3A_942 = arith.constant 0 : i32
      %swap3A_943 = arith.index_cast %swap3A_941 : i32 to index
      %swap3A_944 = arith.index_cast %swap3A_942 : i32 to index
      %swap3A_945 = arith.constant 0 : index
      %swap3A_946 = tpu.vector_load %arg10[%swap3A_943, %swap3A_944, %swap3A_945] {strides = array<i32>} : memref<1x1x64xi32, #tpu.memory_space<vmem>>, vector<1x1x16xi32>,
      %swap3A_947 = vector.shape_cast %swap3A_946 : vector<1x1x16xi32> to vector<16xi32>
      %swap3A_948 = vector.shape_cast %add3A_940 : vector<16xi32> to vector<1x1x16xi32>
      tpu.vector_store %arg10[%swap3A_943, %swap3A_944, %swap3A_945], %swap3A_948 {strides = array<i32>} : memref<1x1x64xi32, #tpu.memory_space<vmem>>, vector<1x1x16xi32>,
      %get3A_949 = arith.constant 0 : i32
      %get3A_950 = arith.constant 0 : i32
      %get3A_951 = arith.index_cast %get3A_949 : i32 to index
      %get3A_952 = arith.index_cast %get3A_950 : i32 to index
      %get3A_953 = arith.constant 16 : index
      %get3A_954 = tpu.vector_load %arg8[%get3A_951, %get3A_952, %get3A_953] {strides = array<i32>} : memref<1x1x64xi32, #tpu.memory_space<vmem>>, vector<1x1x16xi32>,
      %get3A_955 = vector.shape_cast %get3A_954 : vector<1x1x16xi32> to vector<16xi32>
      %swap3A_956 = arith.constant 0 : i32
      %swap3A_957 = arith.constant 0 : i32
      %swap3A_958 = arith.index_cast %swap3A_956 : i32 to index
      %swap3A_959 = arith.index_cast %swap3A_957 : i32 to index
      %swap3A_960 = arith.constant 16 : index
      %swap3A_961 = tpu.vector_load %arg12[%swap3A_958, %swap3A_959, %swap3A_960] {strides = array<i32>} : memref<1x1x64xi32, #tpu.memory_space<vmem>>, vector<1x1x16xi32>,
      %swap3A_962 = vector.shape_cast %swap3A_961 : vector<1x1x16xi32> to vector<16xi32>
      %swap3A_963 = vector.shape_cast %get3A_955 : vector<16xi32> to vector<1x1x16xi32>
      tpu.vector_store %arg12[%swap3A_958, %swap3A_959, %swap3A_960], %swap3A_963 {strides = array<i32>} : memref<1x1x64xi32, #tpu.memory_space<vmem>>, vector<1x1x16xi32>,
      %get3A_964 = arith.constant 0 : i32
      %get3A_965 = arith.constant 0 : i32
      %get3A_966 = arith.index_cast %get3A_964 : i32 to index
      %get3A_967 = arith.index_cast %get3A_965 : i32 to index
      %get3A_968 = arith.constant 16 : index
      %get3A_969 = tpu.vector_load %arg8[%get3A_966, %get3A_967, %get3A_968] {strides = array<i32>} : memref<1x1x64xi32, #tpu.memory_space<vmem>>, vector<1x1x16xi32>,
      %get3A_970 = vector.shape_cast %get3A_969 : vector<1x1x16xi32> to vector<16xi32>
      %add3A_971 = vector.broadcast %mul3A_0 : i32 to vector<16xi32>
      %add3A_972 = arith.addi %get3A_970, %add3A_971 : vector<16xi32>
      %swap3A_973 = arith.constant 0 : i32
      %swap3A_974 = arith.constant 0 : i32
      %swap3A_975 = arith.index_cast %swap3A_973 : i32 to index
      %swap3A_976 = arith.index_cast %swap3A_974 : i32 to index
      %swap3A_977 = arith.constant 16 : index
      %swap3A_978 = tpu.vector_load %arg11[%swap3A_975, %swap3A_976, %swap3A_977] {strides = array<i32>} : memref<1x1x64xi32, #tpu.memory_space<vmem>>, vector<1x1x16xi32>,
      %swap3A_979 = vector.shape_cast %swap3A_978 : vector<1x1x16xi32> to vector<16xi32>
      %swap3A_980 = vector.shape_cast %add3A_972 : vector<16xi32> to vector<1x1x16xi32>
      tpu.vector_store %arg11[%swap3A_975, %swap3A_976, %swap3A_977], %swap3A_980 {strides = array<i32>} : memref<1x1x64xi32, #tpu.memory_space<vmem>>, vector<1x1x16xi32>,
      %get3A_981 = arith.constant 0 : i32
      %get3A_982 = arith.constant 0 : i32
      %get3A_983 = arith.index_cast %get3A_981 : i32 to index
      %get3A_984 = arith.index_cast %get3A_982 : i32 to index
      %get3A_985 = arith.constant 16 : index
      %get3A_986 = tpu.vector_load %arg9[%get3A_983, %get3A_984, %get3A_985] {strides = array<i32>} : memref<1x1x64xi32, #tpu.memory_space<vmem>>, vector<1x1x16xi32>,
      %get3A_987 = vector.shape_cast %get3A_986 : vector<1x1x16xi32> to vector<16xi32>
      %add3A_988 = vector.broadcast %mul3A_0 : i32 to vector<16xi32>
      %add3A_989 = arith.addi %get3A_987, %add3A_988 : vector<16xi32>
      %swap3A_990 = arith.constant 0 : i32
      %swap3A_991 = arith.constant 0 : i32
      %swap3A_992 = arith.index_cast %swap3A_990 : i32 to index
      %swap3A_993 = arith.index_cast %swap3A_991 : i32 to index
      %swap3A_994 = arith.constant 16 : index
      %swap3A_995 = tpu.vector_load %arg10[%swap3A_992, %swap3A_993, %swap3A_994] {strides = array<i32>} : memref<1x1x64xi32, #tpu.memory_space<vmem>>, vector<1x1x16xi32>,
      %swap3A_996 = vector.shape_cast %swap3A_995 : vector<1x1x16xi32> to vector<16xi32>
      %swap3A_997 = vector.shape_cast %add3A_989 : vector<16xi32> to vector<1x1x16xi32>
      tpu.vector_store %arg10[%swap3A_992, %swap3A_993, %swap3A_994], %swap3A_997 {strides = array<i32>} : memref<1x1x64xi32, #tpu.memory_space<vmem>>, vector<1x1x16xi32>,
      %get3A_998 = arith.constant 0 : i32
      %get3A_999 = arith.constant 0 : i32
      %get3A_1000 = arith.index_cast %get3A_998 : i32 to index
      %get3A_1001 = arith.index_cast %get3A_999 : i32 to index
      %get3A_1002 = arith.constant 32 : index
      %get3A_1003 = tpu.vector_load %arg8[%get3A_1000, %get3A_1001, %get3A_1002] {strides = array<i32>} : memref<1x1x64xi32, #tpu.memory_space<vmem>>, vector<1x1x16xi32>,
      %get3A_1004 = vector.shape_cast %get3A_1003 : vector<1x1x16xi32> to vector<16xi32>
      %swap3A_1005 = arith.constant 0 : i32
      %swap3A_1006 = arith.constant 0 : i32
      %swap3A_1007 = arith.index_cast %swap3A_1005 : i32 to index
      %swap3A_1008 = arith.index_cast %swap3A_1006 : i32 to index
      %swap3A_1009 = arith.constant 32 : index
      %swap3A_1010 = tpu.vector_load %arg12[%swap3A_1007, %swap3A_1008, %swap3A_1009] {strides = array<i32>} : memref<1x1x64xi32, #tpu.memory_space<vmem>>, vector<1x1x16xi32>,
      %swap3A_1011 = vector.shape_cast %swap3A_1010 : vector<1x1x16xi32> to vector<16xi32>
      %swap3A_1012 = vector.shape_cast %get3A_1004 : vector<16xi32> to vector<1x1x16xi32>
      tpu.vector_store %arg12[%swap3A_1007, %swap3A_1008, %swap3A_1009], %swap3A_1012 {strides = array<i32>} : memref<1x1x64xi32, #tpu.memory_space<vmem>>, vector<1x1x16xi32>,
      %get3A_1013 = arith.constant 0 : i32
      %get3A_1014 = arith.constant 0 : i32
      %get3A_1015 = arith.index_cast %get3A_1013 : i32 to index
      %get3A_1016 = arith.index_cast %get3A_1014 : i32 to index
      %get3A_1017 = arith.constant 32 : index
      %get3A_1018 = tpu.vector_load %arg8[%get3A_1015, %get3A_1016, %get3A_1017] {strides = array<i32>} : memref<1x1x64xi32, #tpu.memory_space<vmem>>, vector<1x1x16xi32>,
      %get3A_1019 = vector.shape_cast %get3A_1018 : vector<1x1x16xi32> to vector<16xi32>
      %add3A_1020 = vector.broadcast %mul3A_0 : i32 to vector<16xi32>
      %add3A_1021 = arith.addi %get3A_1019, %add3A_1020 : vector<16xi32>
      %swap3A_1022 = arith.constant 0 : i32
      %swap3A_1023 = arith.constant 0 : i32
      %swap3A_1024 = arith.index_cast %swap3A_1022 : i32 to index
      %swap3A_1025 = arith.index_cast %swap3A_1023 : i32 to index
      %swap3A_1026 = arith.constant 32 : index
      %swap3A_1027 = tpu.vector_load %arg11[%swap3A_1024, %swap3A_1025, %swap3A_1026] {strides = array<i32>} : memref<1x1x64xi32, #tpu.memory_space<vmem>>, vector<1x1x16xi32>,
      %swap3A_1028 = vector.shape_cast %swap3A_1027 : vector<1x1x16xi32> to vector<16xi32>
      %swap3A_1029 = vector.shape_cast %add3A_1021 : vector<16xi32> to vector<1x1x16xi32>
      tpu.vector_store %arg11[%swap3A_1024, %swap3A_1025, %swap3A_1026], %swap3A_1029 {strides = array<i32>} : memref<1x1x64xi32, #tpu.memory_space<vmem>>, vector<1x1x16xi32>,
      %get3A_1030 = arith.constant 0 : i32
      %get3A_1031 = arith.constant 0 : i32
      %get3A_1032 = arith.index_cast %get3A_1030 : i32 to index
      %get3A_1033 = arith.index_cast %get3A_1031 : i32 to index
      %get3A_1034 = arith.constant 32 : index
      %get3A_1035 = tpu.vector_load %arg9[%get3A_1032, %get3A_1033, %get3A_1034] {strides = array<i32>} : memref<1x1x64xi32, #tpu.memory_space<vmem>>, vector<1x1x16xi32>,
      %get3A_1036 = vector.shape_cast %get3A_1035 : vector<1x1x16xi32> to vector<16xi32>
      %add3A_1037 = vector.broadcast %mul3A_0 : i32 to vector<16xi32>
      %add3A_1038 = arith.addi %get3A_1036, %add3A_1037 : vector<16xi32>
      %swap3A_1039 = arith.constant 0 : i32
      %swap3A_1040 = arith.constant 0 : i32
      %swap3A_1041 = arith.index_cast %swap3A_1039 : i32 to index
      %swap3A_1042 = arith.index_cast %swap3A_1040 : i32 to index
      %swap3A_1043 = arith.constant 32 : index
      %swap3A_1044 = tpu.vector_load %arg10[%swap3A_1041, %swap3A_1042, %swap3A_1043] {strides = array<i32>} : memref<1x1x64xi32, #tpu.memory_space<vmem>>, vector<1x1x16xi32>,
      %swap3A_1045 = vector.shape_cast %swap3A_1044 : vector<1x1x16xi32> to vector<16xi32>
      %swap3A_1046 = vector.shape_cast %add3A_1038 : vector<16xi32> to vector<1x1x16xi32>
      tpu.vector_store %arg10[%swap3A_1041, %swap3A_1042, %swap3A_1043], %swap3A_1046 {strides = array<i32>} : memref<1x1x64xi32, #tpu.memory_space<vmem>>, vector<1x1x16xi32>,
      %get3A_1047 = arith.constant 0 : i32
      %get3A_1048 = arith.constant 0 : i32
      %get3A_1049 = arith.index_cast %get3A_1047 : i32 to index
      %get3A_1050 = arith.index_cast %get3A_1048 : i32 to index
      %get3A_1051 = arith.constant 48 : index
      %get3A_1052 = tpu.vector_load %arg8[%get3A_1049, %get3A_1050, %get3A_1051] {strides = array<i32>} : memref<1x1x64xi32, #tpu.memory_space<vmem>>, vector<1x1x16xi32>,
      %get3A_1053 = vector.shape_cast %get3A_1052 : vector<1x1x16xi32> to vector<16xi32>
      %swap3A_1054 = arith.constant 0 : i32
      %swap3A_1055 = arith.constant 0 : i32
      %swap3A_1056 = arith.index_cast %swap3A_1054 : i32 to index
      %swap3A_1057 = arith.index_cast %swap3A_1055 : i32 to index
      %swap3A_1058 = arith.constant 48 : index
      %swap3A_1059 = tpu.vector_load %arg12[%swap3A_1056, %swap3A_1057, %swap3A_1058] {strides = array<i32>} : memref<1x1x64xi32, #tpu.memory_space<vmem>>, vector<1x1x16xi32>,
      %swap3A_1060 = vector.shape_cast %swap3A_1059 : vector<1x1x16xi32> to vector<16xi32>
      %swap3A_1061 = vector.shape_cast %get3A_1053 : vector<16xi32> to vector<1x1x16xi32>
      tpu.vector_store %arg12[%swap3A_1056, %swap3A_1057, %swap3A_1058], %swap3A_1061 {strides = array<i32>} : memref<1x1x64xi32, #tpu.memory_space<vmem>>, vector<1x1x16xi32>,
      %get3A_1062 = arith.constant 0 : i32
      %get3A_1063 = arith.constant 0 : i32
      %get3A_1064 = arith.index_cast %get3A_1062 : i32 to index
      %get3A_1065 = arith.index_cast %get3A_1063 : i32 to index
      %get3A_1066 = arith.constant 48 : index
      %get3A_1067 = tpu.vector_load %arg8[%get3A_1064, %get3A_1065, %get3A_1066] {strides = array<i32>} : memref<1x1x64xi32, #tpu.memory_space<vmem>>, vector<1x1x16xi32>,
      %get3A_1068 = vector.shape_cast %get3A_1067 : vector<1x1x16xi32> to vector<16xi32>
      %add3A_1069 = vector.broadcast %mul3A_0 : i32 to vector<16xi32>
      %add3A_1070 = arith.addi %get3A_1068, %add3A_1069 : vector<16xi32>
      %swap3A_1071 = arith.constant 0 : i32
      %swap3A_1072 = arith.constant 0 : i32
      %swap3A_1073 = arith.index_cast %swap3A_1071 : i32 to index
      %swap3A_1074 = arith.index_cast %swap3A_1072 : i32 to index
      %swap3A_1075 = arith.constant 48 : index
      %swap3A_1076 = tpu.vector_load %arg11[%swap3A_1073, %swap3A_1074, %swap3A_1075] {strides = array<i32>} : memref<1x1x64xi32, #tpu.memory_space<vmem>>, vector<1x1x16xi32>,
      %swap3A_1077 = vector.shape_cast %swap3A_1076 : vector<1x1x16xi32> to vector<16xi32>
      %swap3A_1078 = vector.shape_cast %add3A_1070 : vector<16xi32> to vector<1x1x16xi32>
      tpu.vector_store %arg11[%swap3A_1073, %swap3A_1074, %swap3A_1075], %swap3A_1078 {strides = array<i32>} : memref<1x1x64xi32, #tpu.memory_space<vmem>>, vector<1x1x16xi32>,
      %get3A_1079 = arith.constant 0 : i32
      %get3A_1080 = arith.constant 0 : i32
      %get3A_1081 = arith.index_cast %get3A_1079 : i32 to index
      %get3A_1082 = arith.index_cast %get3A_1080 : i32 to index
      %get3A_1083 = arith.constant 48 : index
      %get3A_1084 = tpu.vector_load %arg9[%get3A_1081, %get3A_1082, %get3A_1083] {strides = array<i32>} : memref<1x1x64xi32, #tpu.memory_space<vmem>>, vector<1x1x16xi32>,
      %get3A_1085 = vector.shape_cast %get3A_1084 : vector<1x1x16xi32> to vector<16xi32>
      %add3A_1086 = vector.broadcast %mul3A_0 : i32 to vector<16xi32>
      %add3A_1087 = arith.addi %get3A_1085, %add3A_1086 : vector<16xi32>
      %swap3A_1088 = arith.constant 0 : i32
      %swap3A_1089 = arith.constant 0 : i32
      %swap3A_1090 = arith.index_cast %swap3A_1088 : i32 to index
      %swap3A_1091 = arith.index_cast %swap3A_1089 : i32 to index
      %swap3A_1092 = arith.constant 48 : index
      %swap3A_1093 = tpu.vector_load %arg10[%swap3A_1090, %swap3A_1091, %swap3A_1092] {strides = array<i32>} : memref<1x1x64xi32, #tpu.memory_space<vmem>>, vector<1x1x16xi32>,
      %swap3A_1094 = vector.shape_cast %swap3A_1093 : vector<1x1x16xi32> to vector<16xi32>
      %swap3A_1095 = vector.shape_cast %add3A_1087 : vector<16xi32> to vector<1x1x16xi32>
      tpu.vector_store %arg10[%swap3A_1090, %swap3A_1091, %swap3A_1092], %swap3A_1095 {strides = array<i32>} : memref<1x1x64xi32, #tpu.memory_space<vmem>>, vector<1x1x16xi32>,
      %dma_start3A_1096 = arith.constant 0 : i32
      %dma_start3A_1097 = arith.constant 0 : i32
      %dma_start3A_1098 = arith.constant 0 : i32
      %dma_start3A_1099 = tpu.memref_slice %arg11[%dma_start3A_1096, %dma_start3A_1097, %dma_start3A_1098] : memref<1x1x64xi32, #tpu.memory_space<vmem>> -> memref<1x1x64xi32, #tpu.memory_space<vmem>>
      %dma_start3A_1100 = tpu.memref_squeeze %dma_start3A_1099 : memref<1x1x64xi32, #tpu.memory_space<vmem>> -> memref<64xi32, #tpu.memory_space<vmem>>
      %dma_start3A_1101 = arith.constant 0 : i32
      %dma_start3A_1102 = arith.constant 0 : i32
      %dma_start3A_1103 = tpu.memref_slice %arg2[%dma_start3A_1101, %dma_start3A_1102] : memref<20000x128xf32, #tpu.memory_space<hbm>> -> memref<20000x128xf32, #tpu.memory_space<hbm>>
      tpu.enqueue_indirect_dma source(%dma_start3A_1103 : memref<20000x128xf32, #tpu.memory_space<hbm>>) target(%arg13 : memref<64x128xf32, #tpu.memory_space<vmem>>) offsets(%dma_start3A_1100 : memref<64xi32, #tpu.memory_space<vmem>>) semaphore(%arg27 : memref<!tpu.dma_semaphore, #tpu.memory_space<semaphore_mem>>)
      %dma_start3A_1104 = arith.constant 0 : i32
      %dma_start3A_1105 = arith.constant 0 : i32
      %dma_start3A_1106 = arith.constant 0 : i32
      %dma_start3A_1107 = tpu.memref_slice %arg10[%dma_start3A_1104, %dma_start3A_1105, %dma_start3A_1106] : memref<1x1x64xi32, #tpu.memory_space<vmem>> -> memref<1x1x64xi32, #tpu.memory_space<vmem>>
      %dma_start3A_1108 = tpu.memref_squeeze %dma_start3A_1107 : memref<1x1x64xi32, #tpu.memory_space<vmem>> -> memref<64xi32, #tpu.memory_space<vmem>>
      %dma_start3A_1109 = arith.constant 0 : i32
      %dma_start3A_1110 = arith.constant 0 : i32
      %dma_start3A_1111 = tpu.memref_slice %arg3[%dma_start3A_1109, %dma_start3A_1110] : memref<20000x128xf32, #tpu.memory_space<hbm>> -> memref<20000x128xf32, #tpu.memory_space<hbm>>
      tpu.enqueue_indirect_dma source(%dma_start3A_1111 : memref<20000x128xf32, #tpu.memory_space<hbm>>) target(%arg14 : memref<64x128xf32, #tpu.memory_space<vmem>>) offsets(%dma_start3A_1108 : memref<64xi32, #tpu.memory_space<vmem>>) semaphore(%arg27 : memref<!tpu.dma_semaphore, #tpu.memory_space<semaphore_mem>>)
      %mul3A_1112 = arith.constant 64 : i32
      %mul3A_1113 = arith.muli %add3A_883, %mul3A_1112 : i32
      %dma_start3A_1114 = arith.constant 0 : i32
      %dma_start3A_1115 = tpu.memref_slice %arg4[%mul3A_1113, %dma_start3A_1114] : memref<320000x128xf32, #tpu.memory_space<hbm>> -> memref<64x128xf32, #tpu.memory_space<hbm>>
      %dma_start3A_1116 = arith.constant 0 : i32
      %dma_start3A_1117 = tpu.memref_slice %arg4[%mul3A_1113, %dma_start3A_1116] : memref<320000x128xf32, #tpu.memory_space<hbm>> -> memref<64x128xf32, #tpu.memory_space<hbm>>
      tpu.enqueue_dma source(%dma_start3A_1117 : memref<64x128xf32, #tpu.memory_space<hbm>>) target(%arg15 : memref<64x128xf32, #tpu.memory_space<vmem>>) target_semaphore(%arg27 : memref<!tpu.dma_semaphore, #tpu.memory_space<semaphore_mem>>)
      %add3A_1118 = arith.constant 3 : i32
      %add3A_1119 = arith.addi %add3A_602, %add3A_1118 : i32
      %dma_start3A_1120 = arith.constant 0 : i32
      %dma_start3A_1121 = arith.constant 0 : i32
      %dma_start3A_1122 = tpu.memref_slice %arg6[%add3A_1119, %dma_start3A_1120, %dma_start3A_1121] : memref<5000x1x64xi32, #tpu.memory_space<hbm>> -> memref<1x1x64xi32, #tpu.memory_space<hbm>>
      %dma_start3A_1123 = arith.constant 0 : i32
      %dma_start3A_1124 = arith.constant 0 : i32
      %dma_start3A_1125 = tpu.memref_slice %arg6[%add3A_1119, %dma_start3A_1123, %dma_start3A_1124] : memref<5000x1x64xi32, #tpu.memory_space<hbm>> -> memref<1x1x64xi32, #tpu.memory_space<hbm>>
      tpu.enqueue_dma source(%dma_start3A_1125 : memref<1x1x64xi32, #tpu.memory_space<hbm>>) target(%arg16 : memref<1x1x64xi32, #tpu.memory_space<vmem>>) target_semaphore(%arg26 : memref<!tpu.dma_semaphore, #tpu.memory_space<semaphore_mem>>)
      %dma_start3A_1126 = arith.constant 0 : i32
      %dma_start3A_1127 = arith.constant 0 : i32
      %dma_start3A_1128 = tpu.memref_slice %arg5[%add3A_1119, %dma_start3A_1126, %dma_start3A_1127] : memref<5000x1x64xi32, #tpu.memory_space<hbm>> -> memref<1x1x64xi32, #tpu.memory_space<hbm>>
      %dma_start3A_1129 = arith.constant 0 : i32
      %dma_start3A_1130 = arith.constant 0 : i32
      %dma_start3A_1131 = tpu.memref_slice %arg5[%add3A_1119, %dma_start3A_1129, %dma_start3A_1130] : memref<5000x1x64xi32, #tpu.memory_space<hbm>> -> memref<1x1x64xi32, #tpu.memory_space<hbm>>
      tpu.enqueue_dma source(%dma_start3A_1131 : memref<1x1x64xi32, #tpu.memory_space<hbm>>) target(%arg17 : memref<1x1x64xi32, #tpu.memory_space<vmem>>) target_semaphore(%arg26 : memref<!tpu.dma_semaphore, #tpu.memory_space<semaphore_mem>>)
      %dma_wait3A_1132 = arith.constant 0 : i32
      %dma_wait3A_1133 = arith.constant 0 : i32
      %dma_wait3A_1134 = arith.constant 0 : i32
      %dma_wait3A_1135 = tpu.memref_slice %arg19[%dma_wait3A_1132, %dma_wait3A_1133, %dma_wait3A_1134] : memref<1x1x64xi32, #tpu.memory_space<vmem>> -> memref<1x1x64xi32, #tpu.memory_space<vmem>>
      %dma_wait3A_1136 = tpu.memref_squeeze %dma_wait3A_1135 : memref<1x1x64xi32, #tpu.memory_space<vmem>> -> memref<64xi32, #tpu.memory_space<vmem>>
      %dma_wait3A_1137 = arith.constant 0 : i32
      %dma_wait3A_1138 = arith.constant 0 : i32
      %dma_wait3A_1139 = tpu.memref_slice %arg2[%dma_wait3A_1137, %dma_wait3A_1138] : memref<20000x128xf32, #tpu.memory_space<hbm>> -> memref<20000x128xf32, #tpu.memory_space<hbm>>
      tpu.wait_indirect_dma semaphore(%arg28 : memref<!tpu.dma_semaphore, #tpu.memory_space<semaphore_mem>>) src(%dma_wait3A_1139 : memref<20000x128xf32, #tpu.memory_space<hbm>>) dst(%arg21 : memref<64x128xf32, #tpu.memory_space<vmem>>)
      %dma_wait3A_1140 = arith.constant 0 : i32
      %dma_wait3A_1141 = arith.constant 0 : i32
      %dma_wait3A_1142 = arith.constant 0 : i32
      %dma_wait3A_1143 = tpu.memref_slice %arg18[%dma_wait3A_1140, %dma_wait3A_1141, %dma_wait3A_1142] : memref<1x1x64xi32, #tpu.memory_space<vmem>> -> memref<1x1x64xi32, #tpu.memory_space<vmem>>
      %dma_wait3A_1144 = tpu.memref_squeeze %dma_wait3A_1143 : memref<1x1x64xi32, #tpu.memory_space<vmem>> -> memref<64xi32, #tpu.memory_space<vmem>>
      %dma_wait3A_1145 = arith.constant 0 : i32
      %dma_wait3A_1146 = arith.constant 0 : i32
      %dma_wait3A_1147 = tpu.memref_slice %arg3[%dma_wait3A_1145, %dma_wait3A_1146] : memref<20000x128xf32, #tpu.memory_space<hbm>> -> memref<20000x128xf32, #tpu.memory_space<hbm>>
      tpu.wait_indirect_dma semaphore(%arg28 : memref<!tpu.dma_semaphore, #tpu.memory_space<semaphore_mem>>) src(%dma_wait3A_1147 : memref<20000x128xf32, #tpu.memory_space<hbm>>) dst(%arg22 : memref<64x128xf32, #tpu.memory_space<vmem>>)
      %dma_wait3A_1148 = arith.constant 0 : i32
      %dma_wait3A_1149 = arith.constant 0 : i32
      %dma_wait3A_1150 = tpu.memref_slice %arg4[%dma_wait3A_1148, %dma_wait3A_1149] : memref<320000x128xf32, #tpu.memory_space<hbm>> -> memref<64x128xf32, #tpu.memory_space<hbm>>
      %dma_wait3A_1151 = arith.constant 0 : i32
      %dma_wait3A_1152 = arith.constant 0 : i32
      %dma_wait3A_1153 = tpu.memref_slice %arg4[%dma_wait3A_1151, %dma_wait3A_1152] : memref<320000x128xf32, #tpu.memory_space<hbm>> -> memref<64x128xf32, #tpu.memory_space<hbm>>
      tpu.wait_dma2 semaphore(%arg28 : memref<!tpu.dma_semaphore, #tpu.memory_space<semaphore_mem>>) src(%dma_wait3A_1153 : memref<64x128xf32, #tpu.memory_space<hbm>>) dst(%arg23 : memref<64x128xf32, #tpu.memory_space<vmem>>)
      %scan3A_1154 = arith.constant 0 : i32
      %scan3A_1155 = arith.constant 64 : i32
      %scan3A_1156 = arith.addi %scan3A_1154, %scan3A_1155 : i32
      %scan3A_1157 = arith.constant 1 : i32
      scf.for %scan3A_1161 = %scan3A_1154 to %scan3A_1156 step %scan3A_1157  : i32 {
        %mul3A_1162 = arith.constant 1 : i32
        %mul3A_1163 = arith.muli %scan3A_1161, %mul3A_1162 : i32
        %add3A_1164 = arith.constant 0 : i32
        %add3A_1165 = arith.addi %add3A_1164, %mul3A_1163 : i32
        %get3A_1166 = arith.index_cast %add3A_1165 : i32 to index
        %get3A_1167 = arith.constant 0 : index
        %get3A_1168 = tpu.vector_load %arg21[%get3A_1166, %get3A_1167] {strides = array<i32>} : memref<64x128xf32, #tpu.memory_space<vmem>>, vector<1x16xf32>,
        %get3A_1169 = vector.shape_cast %get3A_1168 : vector<1x16xf32> to vector<16xf32>
        %get3A_1170 = arith.index_cast %add3A_1165 : i32 to index
        %get3A_1171 = arith.constant 0 : index
        %get3A_1172 = tpu.vector_load %arg22[%get3A_1170, %get3A_1171] {strides = array<i32>} : memref<64x128xf32, #tpu.memory_space<vmem>>, vector<1x16xf32>,
        %get3A_1173 = vector.shape_cast %get3A_1172 : vector<1x16xf32> to vector<16xf32>
        %add3A_1174 = arith.addf %get3A_1169, %get3A_1173 : vector<16xf32>
        %get3A_1175 = arith.index_cast %add3A_1165 : i32 to index
        %get3A_1176 = arith.constant 0 : index
        %get3A_1177 = tpu.vector_load %arg23[%get3A_1175, %get3A_1176] {strides = array<i32>} : memref<64x128xf32, #tpu.memory_space<vmem>>, vector<1x16xf32>,
        %get3A_1178 = vector.shape_cast %get3A_1177 : vector<1x16xf32> to vector<16xf32>
        %add3A_1179 = arith.addf %add3A_1174, %get3A_1178 : vector<16xf32>
        %max3A = arith.constant 0.000000e+00 : f32
        %max3A_1180 = vector.broadcast %max3A : f32 to vector<16xf32>
        %max3A_1181 = arith.maximumf %add3A_1179, %max3A_1180 : vector<16xf32>
        %swap3A_1182 = arith.index_cast %add3A_1165 : i32 to index
        %swap3A_1183 = arith.constant 0 : index
        %swap3A_1184 = tpu.vector_load %arg21[%swap3A_1182, %swap3A_1183] {strides = array<i32>} : memref<64x128xf32, #tpu.memory_space<vmem>>, vector<1x16xf32>,
        %swap3A_1185 = vector.shape_cast %swap3A_1184 : vector<1x16xf32> to vector<16xf32>
        %swap3A_1186 = vector.shape_cast %max3A_1181 : vector<16xf32> to vector<1x16xf32>
        tpu.vector_store %arg21[%swap3A_1182, %swap3A_1183], %swap3A_1186 {strides = array<i32>} : memref<64x128xf32, #tpu.memory_space<vmem>>, vector<1x16xf32>,
        %get3A_1187 = arith.index_cast %add3A_1165 : i32 to index
        %get3A_1188 = arith.constant 16 : index
        %get3A_1189 = tpu.vector_load %arg21[%get3A_1187, %get3A_1188] {strides = array<i32>} : memref<64x128xf32, #tpu.memory_space<vmem>>, vector<1x16xf32>,
        %get3A_1190 = vector.shape_cast %get3A_1189 : vector<1x16xf32> to vector<16xf32>
        %get3A_1191 = arith.index_cast %add3A_1165 : i32 to index
        %get3A_1192 = arith.constant 16 : index
        %get3A_1193 = tpu.vector_load %arg22[%get3A_1191, %get3A_1192] {strides = array<i32>} : memref<64x128xf32, #tpu.memory_space<vmem>>, vector<1x16xf32>,
        %get3A_1194 = vector.shape_cast %get3A_1193 : vector<1x16xf32> to vector<16xf32>
        %add3A_1195 = arith.addf %get3A_1190, %get3A_1194 : vector<16xf32>
        %get3A_1196 = arith.index_cast %add3A_1165 : i32 to index
        %get3A_1197 = arith.constant 16 : index
        %get3A_1198 = tpu.vector_load %arg23[%get3A_1196, %get3A_1197] {strides = array<i32>} : memref<64x128xf32, #tpu.memory_space<vmem>>, vector<1x16xf32>,
        %get3A_1199 = vector.shape_cast %get3A_1198 : vector<1x16xf32> to vector<16xf32>
        %add3A_1200 = arith.addf %add3A_1195, %get3A_1199 : vector<16xf32>
        %max3A_1201 = arith.constant 0.000000e+00 : f32
        %max3A_1202 = vector.broadcast %max3A_1201 : f32 to vector<16xf32>
        %max3A_1203 = arith.maximumf %add3A_1200, %max3A_1202 : vector<16xf32>
        %swap3A_1204 = arith.index_cast %add3A_1165 : i32 to index
        %swap3A_1205 = arith.constant 16 : index
        %swap3A_1206 = tpu.vector_load %arg21[%swap3A_1204, %swap3A_1205] {strides = array<i32>} : memref<64x128xf32, #tpu.memory_space<vmem>>, vector<1x16xf32>,
        %swap3A_1207 = vector.shape_cast %swap3A_1206 : vector<1x16xf32> to vector<16xf32>
        %swap3A_1208 = vector.shape_cast %max3A_1203 : vector<16xf32> to vector<1x16xf32>
        tpu.vector_store %arg21[%swap3A_1204, %swap3A_1205], %swap3A_1208 {strides = array<i32>} : memref<64x128xf32, #tpu.memory_space<vmem>>, vector<1x16xf32>,
        %get3A_1209 = arith.index_cast %add3A_1165 : i32 to index
        %get3A_1210 = arith.constant 32 : index
        %get3A_1211 = tpu.vector_load %arg21[%get3A_1209, %get3A_1210] {strides = array<i32>} : memref<64x128xf32, #tpu.memory_space<vmem>>, vector<1x16xf32>,
        %get3A_1212 = vector.shape_cast %get3A_1211 : vector<1x16xf32> to vector<16xf32>
        %get3A_1213 = arith.index_cast %add3A_1165 : i32 to index
        %get3A_1214 = arith.constant 32 : index
        %get3A_1215 = tpu.vector_load %arg22[%get3A_1213, %get3A_1214] {strides = array<i32>} : memref<64x128xf32, #tpu.memory_space<vmem>>, vector<1x16xf32>,
        %get3A_1216 = vector.shape_cast %get3A_1215 : vector<1x16xf32> to vector<16xf32>
        %add3A_1217 = arith.addf %get3A_1212, %get3A_1216 : vector<16xf32>
        %get3A_1218 = arith.index_cast %add3A_1165 : i32 to index
        %get3A_1219 = arith.constant 32 : index
        %get3A_1220 = tpu.vector_load %arg23[%get3A_1218, %get3A_1219] {strides = array<i32>} : memref<64x128xf32, #tpu.memory_space<vmem>>, vector<1x16xf32>,
        %get3A_1221 = vector.shape_cast %get3A_1220 : vector<1x16xf32> to vector<16xf32>
        %add3A_1222 = arith.addf %add3A_1217, %get3A_1221 : vector<16xf32>
        %max3A_1223 = arith.constant 0.000000e+00 : f32
        %max3A_1224 = vector.broadcast %max3A_1223 : f32 to vector<16xf32>
        %max3A_1225 = arith.maximumf %add3A_1222, %max3A_1224 : vector<16xf32>
        %swap3A_1226 = arith.index_cast %add3A_1165 : i32 to index
        %swap3A_1227 = arith.constant 32 : index
        %swap3A_1228 = tpu.vector_load %arg21[%swap3A_1226, %swap3A_1227] {strides = array<i32>} : memref<64x128xf32, #tpu.memory_space<vmem>>, vector<1x16xf32>,
        %swap3A_1229 = vector.shape_cast %swap3A_1228 : vector<1x16xf32> to vector<16xf32>
        %swap3A_1230 = vector.shape_cast %max3A_1225 : vector<16xf32> to vector<1x16xf32>
        tpu.vector_store %arg21[%swap3A_1226, %swap3A_1227], %swap3A_1230 {strides = array<i32>} : memref<64x128xf32, #tpu.memory_space<vmem>>, vector<1x16xf32>,
        %get3A_1231 = arith.index_cast %add3A_1165 : i32 to index
        %get3A_1232 = arith.constant 48 : index
        %get3A_1233 = tpu.vector_load %arg21[%get3A_1231, %get3A_1232] {strides = array<i32>} : memref<64x128xf32, #tpu.memory_space<vmem>>, vector<1x16xf32>,
        %get3A_1234 = vector.shape_cast %get3A_1233 : vector<1x16xf32> to vector<16xf32>
        %get3A_1235 = arith.index_cast %add3A_1165 : i32 to index
        %get3A_1236 = arith.constant 48 : index
        %get3A_1237 = tpu.vector_load %arg22[%get3A_1235, %get3A_1236] {strides = array<i32>} : memref<64x128xf32, #tpu.memory_space<vmem>>, vector<1x16xf32>,
        %get3A_1238 = vector.shape_cast %get3A_1237 : vector<1x16xf32> to vector<16xf32>
        %add3A_1239 = arith.addf %get3A_1234, %get3A_1238 : vector<16xf32>
        %get3A_1240 = arith.index_cast %add3A_1165 : i32 to index
        %get3A_1241 = arith.constant 48 : index
        %get3A_1242 = tpu.vector_load %arg23[%get3A_1240, %get3A_1241] {strides = array<i32>} : memref<64x128xf32, #tpu.memory_space<vmem>>, vector<1x16xf32>,
        %get3A_1243 = vector.shape_cast %get3A_1242 : vector<1x16xf32> to vector<16xf32>
        %add3A_1244 = arith.addf %add3A_1239, %get3A_1243 : vector<16xf32>
        %max3A_1245 = arith.constant 0.000000e+00 : f32
        %max3A_1246 = vector.broadcast %max3A_1245 : f32 to vector<16xf32>
        %max3A_1247 = arith.maximumf %add3A_1244, %max3A_1246 : vector<16xf32>
        %swap3A_1248 = arith.index_cast %add3A_1165 : i32 to index
        %swap3A_1249 = arith.constant 48 : index
        %swap3A_1250 = tpu.vector_load %arg21[%swap3A_1248, %swap3A_1249] {strides = array<i32>} : memref<64x128xf32, #tpu.memory_space<vmem>>, vector<1x16xf32>,
        %swap3A_1251 = vector.shape_cast %swap3A_1250 : vector<1x16xf32> to vector<16xf32>
        %swap3A_1252 = vector.shape_cast %max3A_1247 : vector<16xf32> to vector<1x16xf32>
        tpu.vector_store %arg21[%swap3A_1248, %swap3A_1249], %swap3A_1252 {strides = array<i32>} : memref<64x128xf32, #tpu.memory_space<vmem>>, vector<1x16xf32>,
        %get3A_1253 = arith.index_cast %add3A_1165 : i32 to index
        %get3A_1254 = arith.constant 64 : index
        %get3A_1255 = tpu.vector_load %arg21[%get3A_1253, %get3A_1254] {strides = array<i32>} : memref<64x128xf32, #tpu.memory_space<vmem>>, vector<1x16xf32>,
        %get3A_1256 = vector.shape_cast %get3A_1255 : vector<1x16xf32> to vector<16xf32>
        %get3A_1257 = arith.index_cast %add3A_1165 : i32 to index
        %get3A_1258 = arith.constant 64 : index
        %get3A_1259 = tpu.vector_load %arg22[%get3A_1257, %get3A_1258] {strides = array<i32>} : memref<64x128xf32, #tpu.memory_space<vmem>>, vector<1x16xf32>,
        %get3A_1260 = vector.shape_cast %get3A_1259 : vector<1x16xf32> to vector<16xf32>
        %add3A_1261 = arith.addf %get3A_1256, %get3A_1260 : vector<16xf32>
        %get3A_1262 = arith.index_cast %add3A_1165 : i32 to index
        %get3A_1263 = arith.constant 64 : index
        %get3A_1264 = tpu.vector_load %arg23[%get3A_1262, %get3A_1263] {strides = array<i32>} : memref<64x128xf32, #tpu.memory_space<vmem>>, vector<1x16xf32>,
        %get3A_1265 = vector.shape_cast %get3A_1264 : vector<1x16xf32> to vector<16xf32>
        %add3A_1266 = arith.addf %add3A_1261, %get3A_1265 : vector<16xf32>
        %max3A_1267 = arith.constant 0.000000e+00 : f32
        %max3A_1268 = vector.broadcast %max3A_1267 : f32 to vector<16xf32>
        %max3A_1269 = arith.maximumf %add3A_1266, %max3A_1268 : vector<16xf32>
        %swap3A_1270 = arith.index_cast %add3A_1165 : i32 to index
        %swap3A_1271 = arith.constant 64 : index
        %swap3A_1272 = tpu.vector_load %arg21[%swap3A_1270, %swap3A_1271] {strides = array<i32>} : memref<64x128xf32, #tpu.memory_space<vmem>>, vector<1x16xf32>,
        %swap3A_1273 = vector.shape_cast %swap3A_1272 : vector<1x16xf32> to vector<16xf32>
        %swap3A_1274 = vector.shape_cast %max3A_1269 : vector<16xf32> to vector<1x16xf32>
        tpu.vector_store %arg21[%swap3A_1270, %swap3A_1271], %swap3A_1274 {strides = array<i32>} : memref<64x128xf32, #tpu.memory_space<vmem>>, vector<1x16xf32>,
        %get3A_1275 = arith.index_cast %add3A_1165 : i32 to index
        %get3A_1276 = arith.constant 80 : index
        %get3A_1277 = tpu.vector_load %arg21[%get3A_1275, %get3A_1276] {strides = array<i32>} : memref<64x128xf32, #tpu.memory_space<vmem>>, vector<1x16xf32>,
        %get3A_1278 = vector.shape_cast %get3A_1277 : vector<1x16xf32> to vector<16xf32>
        %get3A_1279 = arith.index_cast %add3A_1165 : i32 to index
        %get3A_1280 = arith.constant 80 : index
        %get3A_1281 = tpu.vector_load %arg22[%get3A_1279, %get3A_1280] {strides = array<i32>} : memref<64x128xf32, #tpu.memory_space<vmem>>, vector<1x16xf32>,
        %get3A_1282 = vector.shape_cast %get3A_1281 : vector<1x16xf32> to vector<16xf32>
        %add3A_1283 = arith.addf %get3A_1278, %get3A_1282 : vector<16xf32>
        %get3A_1284 = arith.index_cast %add3A_1165 : i32 to index
        %get3A_1285 = arith.constant 80 : index
        %get3A_1286 = tpu.vector_load %arg23[%get3A_1284, %get3A_1285] {strides = array<i32>} : memref<64x128xf32, #tpu.memory_space<vmem>>, vector<1x16xf32>,
        %get3A_1287 = vector.shape_cast %get3A_1286 : vector<1x16xf32> to vector<16xf32>
        %add3A_1288 = arith.addf %add3A_1283, %get3A_1287 : vector<16xf32>
        %max3A_1289 = arith.constant 0.000000e+00 : f32
        %max3A_1290 = vector.broadcast %max3A_1289 : f32 to vector<16xf32>
        %max3A_1291 = arith.maximumf %add3A_1288, %max3A_1290 : vector<16xf32>
        %swap3A_1292 = arith.index_cast %add3A_1165 : i32 to index
        %swap3A_1293 = arith.constant 80 : index
        %swap3A_1294 = tpu.vector_load %arg21[%swap3A_1292, %swap3A_1293] {strides = array<i32>} : memref<64x128xf32, #tpu.memory_space<vmem>>, vector<1x16xf32>,
        %swap3A_1295 = vector.shape_cast %swap3A_1294 : vector<1x16xf32> to vector<16xf32>
        %swap3A_1296 = vector.shape_cast %max3A_1291 : vector<16xf32> to vector<1x16xf32>
        tpu.vector_store %arg21[%swap3A_1292, %swap3A_1293], %swap3A_1296 {strides = array<i32>} : memref<64x128xf32, #tpu.memory_space<vmem>>, vector<1x16xf32>,
        %get3A_1297 = arith.index_cast %add3A_1165 : i32 to index
        %get3A_1298 = arith.constant 96 : index
        %get3A_1299 = tpu.vector_load %arg21[%get3A_1297, %get3A_1298] {strides = array<i32>} : memref<64x128xf32, #tpu.memory_space<vmem>>, vector<1x16xf32>,
        %get3A_1300 = vector.shape_cast %get3A_1299 : vector<1x16xf32> to vector<16xf32>
        %get3A_1301 = arith.index_cast %add3A_1165 : i32 to index
        %get3A_1302 = arith.constant 96 : index
        %get3A_1303 = tpu.vector_load %arg22[%get3A_1301, %get3A_1302] {strides = array<i32>} : memref<64x128xf32, #tpu.memory_space<vmem>>, vector<1x16xf32>,
        %get3A_1304 = vector.shape_cast %get3A_1303 : vector<1x16xf32> to vector<16xf32>
        %add3A_1305 = arith.addf %get3A_1300, %get3A_1304 : vector<16xf32>
        %get3A_1306 = arith.index_cast %add3A_1165 : i32 to index
        %get3A_1307 = arith.constant 96 : index
        %get3A_1308 = tpu.vector_load %arg23[%get3A_1306, %get3A_1307] {strides = array<i32>} : memref<64x128xf32, #tpu.memory_space<vmem>>, vector<1x16xf32>,
        %get3A_1309 = vector.shape_cast %get3A_1308 : vector<1x16xf32> to vector<16xf32>
        %add3A_1310 = arith.addf %add3A_1305, %get3A_1309 : vector<16xf32>
        %max3A_1311 = arith.constant 0.000000e+00 : f32
        %max3A_1312 = vector.broadcast %max3A_1311 : f32 to vector<16xf32>
        %max3A_1313 = arith.maximumf %add3A_1310, %max3A_1312 : vector<16xf32>
        %swap3A_1314 = arith.index_cast %add3A_1165 : i32 to index
        %swap3A_1315 = arith.constant 96 : index
        %swap3A_1316 = tpu.vector_load %arg21[%swap3A_1314, %swap3A_1315] {strides = array<i32>} : memref<64x128xf32, #tpu.memory_space<vmem>>, vector<1x16xf32>,
        %swap3A_1317 = vector.shape_cast %swap3A_1316 : vector<1x16xf32> to vector<16xf32>
        %swap3A_1318 = vector.shape_cast %max3A_1313 : vector<16xf32> to vector<1x16xf32>
        tpu.vector_store %arg21[%swap3A_1314, %swap3A_1315], %swap3A_1318 {strides = array<i32>} : memref<64x128xf32, #tpu.memory_space<vmem>>, vector<1x16xf32>,
        %get3A_1319 = arith.index_cast %add3A_1165 : i32 to index
        %get3A_1320 = arith.constant 112 : index
        %get3A_1321 = tpu.vector_load %arg21[%get3A_1319, %get3A_1320] {strides = array<i32>} : memref<64x128xf32, #tpu.memory_space<vmem>>, vector<1x16xf32>,
        %get3A_1322 = vector.shape_cast %get3A_1321 : vector<1x16xf32> to vector<16xf32>
        %get3A_1323 = arith.index_cast %add3A_1165 : i32 to index
        %get3A_1324 = arith.constant 112 : index
        %get3A_1325 = tpu.vector_load %arg22[%get3A_1323, %get3A_1324] {strides = array<i32>} : memref<64x128xf32, #tpu.memory_space<vmem>>, vector<1x16xf32>,
        %get3A_1326 = vector.shape_cast %get3A_1325 : vector<1x16xf32> to vector<16xf32>
        %add3A_1327 = arith.addf %get3A_1322, %get3A_1326 : vector<16xf32>
        %get3A_1328 = arith.index_cast %add3A_1165 : i32 to index
        %get3A_1329 = arith.constant 112 : index
        %get3A_1330 = tpu.vector_load %arg23[%get3A_1328, %get3A_1329] {strides = array<i32>} : memref<64x128xf32, #tpu.memory_space<vmem>>, vector<1x16xf32>,
        %get3A_1331 = vector.shape_cast %get3A_1330 : vector<1x16xf32> to vector<16xf32>
        %add3A_1332 = arith.addf %add3A_1327, %get3A_1331 : vector<16xf32>
        %max3A_1333 = arith.constant 0.000000e+00 : f32
        %max3A_1334 = vector.broadcast %max3A_1333 : f32 to vector<16xf32>
        %max3A_1335 = arith.maximumf %add3A_1332, %max3A_1334 : vector<16xf32>
        %swap3A_1336 = arith.index_cast %add3A_1165 : i32 to index
        %swap3A_1337 = arith.constant 112 : index
        %swap3A_1338 = tpu.vector_load %arg21[%swap3A_1336, %swap3A_1337] {strides = array<i32>} : memref<64x128xf32, #tpu.memory_space<vmem>>, vector<1x16xf32>,
        %swap3A_1339 = vector.shape_cast %swap3A_1338 : vector<1x16xf32> to vector<16xf32>
        %swap3A_1340 = vector.shape_cast %max3A_1335 : vector<16xf32> to vector<1x16xf32>
        tpu.vector_store %arg21[%swap3A_1336, %swap3A_1337], %swap3A_1340 {strides = array<i32>} : memref<64x128xf32, #tpu.memory_space<vmem>>, vector<1x16xf32>,
      }
      %scan3A_1158 = arith.constant 64 : i32
      %run_scoped3A_1159 = arith.constant 0 : i32
      %run_scoped3A_1160 = arith.constant 0 : i32
      "tpu.region"() ({
        %run_scoped3A_1161 = tpu.sem_alloc : memref<!tpu.dma_semaphore, #tpu.memory_space<semaphore_mem>>
        %dma_start3A_1162 = arith.constant 0 : i32
        %dma_start3A_1163 = tpu.memref_slice %arg20[%run_scoped3A_1159, %run_scoped3A_1160, %dma_start3A_1162] : memref<1x1x64xi32, #tpu.memory_space<vmem>> -> memref<1x1x64xi32, #tpu.memory_space<vmem>>
        %dma_start3A_1164 = tpu.memref_squeeze %dma_start3A_1163 : memref<1x1x64xi32, #tpu.memory_space<vmem>> -> memref<64xi32, #tpu.memory_space<vmem>>
        %dma_start3A_1165 = arith.constant 0 : i32
        %dma_start3A_1166 = arith.constant 0 : i32
        %dma_start3A_1167 = tpu.memref_slice %arg24[%dma_start3A_1165, %dma_start3A_1166] : memref<10000x128xf32, #tpu.memory_space<vmem_shared>> -> memref<10000x128xf32, #tpu.memory_space<vmem_shared>>
        tpu.enqueue_indirect_dma source(%arg21 : memref<64x128xf32, #tpu.memory_space<vmem>>) target(%dma_start3A_1167 : memref<10000x128xf32, #tpu.memory_space<vmem_shared>>) offsets(%dma_start3A_1164 : memref<64xi32, #tpu.memory_space<vmem>>) semaphore(%run_scoped3A_1161 : memref<!tpu.dma_semaphore, #tpu.memory_space<semaphore_mem>>) {add = true}
        %dma_wait3A_1168 = arith.constant 0 : i32
        %dma_wait3A_1169 = tpu.memref_slice %arg20[%run_scoped3A_1159, %run_scoped3A_1160, %dma_wait3A_1168] : memref<1x1x64xi32, #tpu.memory_space<vmem>> -> memref<1x1x64xi32, #tpu.memory_space<vmem>>
        %dma_wait3A_1170 = tpu.memref_squeeze %dma_wait3A_1169 : memref<1x1x64xi32, #tpu.memory_space<vmem>> -> memref<64xi32, #tpu.memory_space<vmem>>
        %dma_wait3A_1171 = arith.constant 0 : i32
        %dma_wait3A_1172 = arith.constant 0 : i32
        %dma_wait3A_1173 = tpu.memref_slice %arg24[%dma_wait3A_1171, %dma_wait3A_1172] : memref<10000x128xf32, #tpu.memory_space<vmem_shared>> -> memref<10000x128xf32, #tpu.memory_space<vmem_shared>>
        tpu.wait_indirect_dma semaphore(%run_scoped3A_1161 : memref<!tpu.dma_semaphore, #tpu.memory_space<semaphore_mem>>) src(%arg21 : memref<64x128xf32, #tpu.memory_space<vmem>>) dst(%dma_wait3A_1173 : memref<10000x128xf32, #tpu.memory_space<vmem_shared>>)
        tpu.yield
      }) : () -> ()
    }
    %scan3A_294 = arith.constant 77 : i32
    %add3A_295 = arith.constant 156 : i32
    %add3A_296 = arith.addi %add3A_33, %add3A_295 : i32
    %sub3A = arith.constant 1 : i32
    %sub3A_297 = arith.subi %add3A_296, %sub3A : i32
    %dma_wait3A_298 = arith.constant 0 : i32
    %dma_wait3A_299 = arith.constant 0 : i32
    %dma_wait3A_300 = arith.constant 0 : i32
    %dma_wait3A_301 = tpu.memref_slice %arg6[%dma_wait3A_298, %dma_wait3A_299, %dma_wait3A_300] : memref<5000x1x64xi32, #tpu.memory_space<hbm>> -> memref<1x1x64xi32, #tpu.memory_space<hbm>>
    %dma_wait3A_302 = arith.constant 0 : i32
    %dma_wait3A_303 = arith.constant 0 : i32
    %dma_wait3A_304 = arith.constant 0 : i32
    %dma_wait3A_305 = tpu.memref_slice %arg6[%dma_wait3A_302, %dma_wait3A_303, %dma_wait3A_304] : memref<5000x1x64xi32, #tpu.memory_space<hbm>> -> memref<1x1x64xi32, #tpu.memory_space<hbm>>
    tpu.wait_dma2 semaphore(%arg26 : memref<!tpu.dma_semaphore, #tpu.memory_space<semaphore_mem>>) src(%dma_wait3A_305 : memref<1x1x64xi32, #tpu.memory_space<hbm>>) dst(%arg16 : memref<1x1x64xi32, #tpu.memory_space<vmem>>)
    %dma_wait3A_306 = arith.constant 0 : i32
    %dma_wait3A_307 = arith.constant 0 : i32
    %dma_wait3A_308 = arith.constant 0 : i32
    %dma_wait3A_309 = tpu.memref_slice %arg5[%dma_wait3A_306, %dma_wait3A_307, %dma_wait3A_308] : memref<5000x1x64xi32, #tpu.memory_space<hbm>> -> memref<1x1x64xi32, #tpu.memory_space<hbm>>
    %dma_wait3A_310 = arith.constant 0 : i32
    %dma_wait3A_311 = arith.constant 0 : i32
    %dma_wait3A_312 = arith.constant 0 : i32
    %dma_wait3A_313 = tpu.memref_slice %arg5[%dma_wait3A_310, %dma_wait3A_311, %dma_wait3A_312] : memref<5000x1x64xi32, #tpu.memory_space<hbm>> -> memref<1x1x64xi32, #tpu.memory_space<hbm>>
    tpu.wait_dma2 semaphore(%arg26 : memref<!tpu.dma_semaphore, #tpu.memory_space<semaphore_mem>>) src(%dma_wait3A_313 : memref<1x1x64xi32, #tpu.memory_space<hbm>>) dst(%arg17 : memref<1x1x64xi32, #tpu.memory_space<vmem>>)
    %get3A_314 = arith.constant 0 : i32
    %get3A_315 = arith.constant 0 : i32
    %get3A_316 = arith.index_cast %get3A_314 : i32 to index
    %get3A_317 = arith.index_cast %get3A_315 : i32 to index
    %get3A_318 = arith.constant 0 : index
    %get3A_319 = tpu.vector_load %arg16[%get3A_316, %get3A_317, %get3A_318] {strides = array<i32>} : memref<1x1x64xi32, #tpu.memory_space<vmem>>, vector<1x1x16xi32>,
    %get3A_320 = vector.shape_cast %get3A_319 : vector<1x1x16xi32> to vector<16xi32>
    %swap3A_321 = arith.constant 0 : i32
    %swap3A_322 = arith.constant 0 : i32
    %swap3A_323 = arith.index_cast %swap3A_321 : i32 to index
    %swap3A_324 = arith.index_cast %swap3A_322 : i32 to index
    %swap3A_325 = arith.constant 0 : index
    %swap3A_326 = tpu.vector_load %arg20[%swap3A_323, %swap3A_324, %swap3A_325] {strides = array<i32>} : memref<1x1x64xi32, #tpu.memory_space<vmem>>, vector<1x1x16xi32>,
    %swap3A_327 = vector.shape_cast %swap3A_326 : vector<1x1x16xi32> to vector<16xi32>
    %swap3A_328 = vector.shape_cast %get3A_320 : vector<16xi32> to vector<1x1x16xi32>
    tpu.vector_store %arg20[%swap3A_323, %swap3A_324, %swap3A_325], %swap3A_328 {strides = array<i32>} : memref<1x1x64xi32, #tpu.memory_space<vmem>>, vector<1x1x16xi32>,
    %get3A_329 = arith.constant 0 : i32
    %get3A_330 = arith.constant 0 : i32
    %get3A_331 = arith.index_cast %get3A_329 : i32 to index
    %get3A_332 = arith.index_cast %get3A_330 : i32 to index
    %get3A_333 = arith.constant 0 : index
    %get3A_334 = tpu.vector_load %arg16[%get3A_331, %get3A_332, %get3A_333] {strides = array<i32>} : memref<1x1x64xi32, #tpu.memory_space<vmem>>, vector<1x1x16xi32>,
    %get3A_335 = vector.shape_cast %get3A_334 : vector<1x1x16xi32> to vector<16xi32>
    %add3A_336 = vector.broadcast %mul3A_0 : i32 to vector<16xi32>
    %add3A_337 = arith.addi %get3A_335, %add3A_336 : vector<16xi32>
    %swap3A_338 = arith.constant 0 : i32
    %swap3A_339 = arith.constant 0 : i32
    %swap3A_340 = arith.index_cast %swap3A_338 : i32 to index
    %swap3A_341 = arith.index_cast %swap3A_339 : i32 to index
    %swap3A_342 = arith.constant 0 : index
    %swap3A_343 = tpu.vector_load %arg19[%swap3A_340, %swap3A_341, %swap3A_342] {strides = array<i32>} : memref<1x1x64xi32, #tpu.memory_space<vmem>>, vector<1x1x16xi32>,
    %swap3A_344 = vector.shape_cast %swap3A_343 : vector<1x1x16xi32> to vector<16xi32>
    %swap3A_345 = vector.shape_cast %add3A_337 : vector<16xi32> to vector<1x1x16xi32>
    tpu.vector_store %arg19[%swap3A_340, %swap3A_341, %swap3A_342], %swap3A_345 {strides = array<i32>} : memref<1x1x64xi32, #tpu.memory_space<vmem>>, vector<1x1x16xi32>,
    %get3A_346 = arith.constant 0 : i32
    %get3A_347 = arith.constant 0 : i32
    %get3A_348 = arith.index_cast %get3A_346 : i32 to index
    %get3A_349 = arith.index_cast %get3A_347 : i32 to index
    %get3A_350 = arith.constant 0 : index
    %get3A_351 = tpu.vector_load %arg17[%get3A_348, %get3A_349, %get3A_350] {strides = array<i32>} : memref<1x1x64xi32, #tpu.memory_space<vmem>>, vector<1x1x16xi32>,
    %get3A_352 = vector.shape_cast %get3A_351 : vector<1x1x16xi32> to vector<16xi32>
    %add3A_353 = vector.broadcast %mul3A_0 : i32 to vector<16xi32>
    %add3A_354 = arith.addi %get3A_352, %add3A_353 : vector<16xi32>
    %swap3A_355 = arith.constant 0 : i32
    %swap3A_356 = arith.constant 0 : i32
    %swap3A_357 = arith.index_cast %swap3A_355 : i32 to index
    %swap3A_358 = arith.index_cast %swap3A_356 : i32 to index
    %swap3A_359 = arith.constant 0 : index
    %swap3A_360 = tpu.vector_load %arg18[%swap3A_357, %swap3A_358, %swap3A_359] {strides = array<i32>} : memref<1x1x64xi32, #tpu.memory_space<vmem>>, vector<1x1x16xi32>,
    %swap3A_361 = vector.shape_cast %swap3A_360 : vector<1x1x16xi32> to vector<16xi32>
    %swap3A_362 = vector.shape_cast %add3A_354 : vector<16xi32> to vector<1x1x16xi32>
    tpu.vector_store %arg18[%swap3A_357, %swap3A_358, %swap3A_359], %swap3A_362 {strides = array<i32>} : memref<1x1x64xi32, #tpu.memory_space<vmem>>, vector<1x1x16xi32>,
    %get3A_363 = arith.constant 0 : i32
    %get3A_364 = arith.constant 0 : i32
    %get3A_365 = arith.index_cast %get3A_363 : i32 to index
    %get3A_366 = arith.index_cast %get3A_364 : i32 to index
    %get3A_367 = arith.constant 16 : index
    %get3A_368 = tpu.vector_load %arg16[%get3A_365, %get3A_366, %get3A_367] {strides = array<i32>} : memref<1x1x64xi32, #tpu.memory_space<vmem>>, vector<1x1x16xi32>,
    %get3A_369 = vector.shape_cast %get3A_368 : vector<1x1x16xi32> to vector<16xi32>
    %swap3A_370 = arith.constant 0 : i32
    %swap3A_371 = arith.constant 0 : i32
    %swap3A_372 = arith.index_cast %swap3A_370 : i32 to index
    %swap3A_373 = arith.index_cast %swap3A_371 : i32 to index
    %swap3A_374 = arith.constant 16 : index
    %swap3A_375 = tpu.vector_load %arg20[%swap3A_372, %swap3A_373, %swap3A_374] {strides = array<i32>} : memref<1x1x64xi32, #tpu.memory_space<vmem>>, vector<1x1x16xi32>,
    %swap3A_376 = vector.shape_cast %swap3A_375 : vector<1x1x16xi32> to vector<16xi32>
    %swap3A_377 = vector.shape_cast %get3A_369 : vector<16xi32> to vector<1x1x16xi32>
    tpu.vector_store %arg20[%swap3A_372, %swap3A_373, %swap3A_374], %swap3A_377 {strides = array<i32>} : memref<1x1x64xi32, #tpu.memory_space<vmem>>, vector<1x1x16xi32>,
    %get3A_378 = arith.constant 0 : i32
    %get3A_379 = arith.constant 0 : i32
    %get3A_380 = arith.index_cast %get3A_378 : i32 to index
    %get3A_381 = arith.index_cast %get3A_379 : i32 to index
    %get3A_382 = arith.constant 16 : index
    %get3A_383 = tpu.vector_load %arg16[%get3A_380, %get3A_381, %get3A_382] {strides = array<i32>} : memref<1x1x64xi32, #tpu.memory_space<vmem>>, vector<1x1x16xi32>,
    %get3A_384 = vector.shape_cast %get3A_383 : vector<1x1x16xi32> to vector<16xi32>
    %add3A_385 = vector.broadcast %mul3A_0 : i32 to vector<16xi32>
    %add3A_386 = arith.addi %get3A_384, %add3A_385 : vector<16xi32>
    %swap3A_387 = arith.constant 0 : i32
    %swap3A_388 = arith.constant 0 : i32
    %swap3A_389 = arith.index_cast %swap3A_387 : i32 to index
    %swap3A_390 = arith.index_cast %swap3A_388 : i32 to index
    %swap3A_391 = arith.constant 16 : index
    %swap3A_392 = tpu.vector_load %arg19[%swap3A_389, %swap3A_390, %swap3A_391] {strides = array<i32>} : memref<1x1x64xi32, #tpu.memory_space<vmem>>, vector<1x1x16xi32>,
    %swap3A_393 = vector.shape_cast %swap3A_392 : vector<1x1x16xi32> to vector<16xi32>
    %swap3A_394 = vector.shape_cast %add3A_386 : vector<16xi32> to vector<1x1x16xi32>
    tpu.vector_store %arg19[%swap3A_389, %swap3A_390, %swap3A_391], %swap3A_394 {strides = array<i32>} : memref<1x1x64xi32, #tpu.memory_space<vmem>>, vector<1x1x16xi32>,
    %get3A_395 = arith.constant 0 : i32
    %get3A_396 = arith.constant 0 : i32
    %get3A_397 = arith.index_cast %get3A_395 : i32 to index
    %get3A_398 = arith.index_cast %get3A_396 : i32 to index
    %get3A_399 = arith.constant 16 : index
    %get3A_400 = tpu.vector_load %arg17[%get3A_397, %get3A_398, %get3A_399] {strides = array<i32>} : memref<1x1x64xi32, #tpu.memory_space<vmem>>, vector<1x1x16xi32>,
    %get3A_401 = vector.shape_cast %get3A_400 : vector<1x1x16xi32> to vector<16xi32>
    %add3A_402 = vector.broadcast %mul3A_0 : i32 to vector<16xi32>
    %add3A_403 = arith.addi %get3A_401, %add3A_402 : vector<16xi32>
    %swap3A_404 = arith.constant 0 : i32
    %swap3A_405 = arith.constant 0 : i32
    %swap3A_406 = arith.index_cast %swap3A_404 : i32 to index
    %swap3A_407 = arith.index_cast %swap3A_405 : i32 to index
    %swap3A_408 = arith.constant 16 : index
    %swap3A_409 = tpu.vector_load %arg18[%swap3A_406, %swap3A_407, %swap3A_408] {strides = array<i32>} : memref<1x1x64xi32, #tpu.memory_space<vmem>>, vector<1x1x16xi32>,
    %swap3A_410 = vector.shape_cast %swap3A_409 : vector<1x1x16xi32> to vector<16xi32>
    %swap3A_411 = vector.shape_cast %add3A_403 : vector<16xi32> to vector<1x1x16xi32>
    tpu.vector_store %arg18[%swap3A_406, %swap3A_407, %swap3A_408], %swap3A_411 {strides = array<i32>} : memref<1x1x64xi32, #tpu.memory_space<vmem>>, vector<1x1x16xi32>,
    %get3A_412 = arith.constant 0 : i32
    %get3A_413 = arith.constant 0 : i32
    %get3A_414 = arith.index_cast %get3A_412 : i32 to index
    %get3A_415 = arith.index_cast %get3A_413 : i32 to index
    %get3A_416 = arith.constant 32 : index
    %get3A_417 = tpu.vector_load %arg16[%get3A_414, %get3A_415, %get3A_416] {strides = array<i32>} : memref<1x1x64xi32, #tpu.memory_space<vmem>>, vector<1x1x16xi32>,
    %get3A_418 = vector.shape_cast %get3A_417 : vector<1x1x16xi32> to vector<16xi32>
    %swap3A_419 = arith.constant 0 : i32
    %swap3A_420 = arith.constant 0 : i32
    %swap3A_421 = arith.index_cast %swap3A_419 : i32 to index
    %swap3A_422 = arith.index_cast %swap3A_420 : i32 to index
    %swap3A_423 = arith.constant 32 : index
    %swap3A_424 = tpu.vector_load %arg20[%swap3A_421, %swap3A_422, %swap3A_423] {strides = array<i32>} : memref<1x1x64xi32, #tpu.memory_space<vmem>>, vector<1x1x16xi32>,
    %swap3A_425 = vector.shape_cast %swap3A_424 : vector<1x1x16xi32> to vector<16xi32>
    %swap3A_426 = vector.shape_cast %get3A_418 : vector<16xi32> to vector<1x1x16xi32>
    tpu.vector_store %arg20[%swap3A_421, %swap3A_422, %swap3A_423], %swap3A_426 {strides = array<i32>} : memref<1x1x64xi32, #tpu.memory_space<vmem>>, vector<1x1x16xi32>,
    %get3A_427 = arith.constant 0 : i32
    %get3A_428 = arith.constant 0 : i32
    %get3A_429 = arith.index_cast %get3A_427 : i32 to index
    %get3A_430 = arith.index_cast %get3A_428 : i32 to index
    %get3A_431 = arith.constant 32 : index
    %get3A_432 = tpu.vector_load %arg16[%get3A_429, %get3A_430, %get3A_431] {strides = array<i32>} : memref<1x1x64xi32, #tpu.memory_space<vmem>>, vector<1x1x16xi32>,
    %get3A_433 = vector.shape_cast %get3A_432 : vector<1x1x16xi32> to vector<16xi32>
    %add3A_434 = vector.broadcast %mul3A_0 : i32 to vector<16xi32>
    %add3A_435 = arith.addi %get3A_433, %add3A_434 : vector<16xi32>
    %swap3A_436 = arith.constant 0 : i32
    %swap3A_437 = arith.constant 0 : i32
    %swap3A_438 = arith.index_cast %swap3A_436 : i32 to index
    %swap3A_439 = arith.index_cast %swap3A_437 : i32 to index
    %swap3A_440 = arith.constant 32 : index
    %swap3A_441 = tpu.vector_load %arg19[%swap3A_438, %swap3A_439, %swap3A_440] {strides = array<i32>} : memref<1x1x64xi32, #tpu.memory_space<vmem>>, vector<1x1x16xi32>,
    %swap3A_442 = vector.shape_cast %swap3A_441 : vector<1x1x16xi32> to vector<16xi32>
    %swap3A_443 = vector.shape_cast %add3A_435 : vector<16xi32> to vector<1x1x16xi32>
    tpu.vector_store %arg19[%swap3A_438, %swap3A_439, %swap3A_440], %swap3A_443 {strides = array<i32>} : memref<1x1x64xi32, #tpu.memory_space<vmem>>, vector<1x1x16xi32>,
    %get3A_444 = arith.constant 0 : i32
    %get3A_445 = arith.constant 0 : i32
    %get3A_446 = arith.index_cast %get3A_444 : i32 to index
    %get3A_447 = arith.index_cast %get3A_445 : i32 to index
    %get3A_448 = arith.constant 32 : index
    %get3A_449 = tpu.vector_load %arg17[%get3A_446, %get3A_447, %get3A_448] {strides = array<i32>} : memref<1x1x64xi32, #tpu.memory_space<vmem>>, vector<1x1x16xi32>,
    %get3A_450 = vector.shape_cast %get3A_449 : vector<1x1x16xi32> to vector<16xi32>
    %add3A_451 = vector.broadcast %mul3A_0 : i32 to vector<16xi32>
    %add3A_452 = arith.addi %get3A_450, %add3A_451 : vector<16xi32>
    %swap3A_453 = arith.constant 0 : i32
    %swap3A_454 = arith.constant 0 : i32
    %swap3A_455 = arith.index_cast %swap3A_453 : i32 to index
    %swap3A_456 = arith.index_cast %swap3A_454 : i32 to index
    %swap3A_457 = arith.constant 32 : index
    %swap3A_458 = tpu.vector_load %arg18[%swap3A_455, %swap3A_456, %swap3A_457] {strides = array<i32>} : memref<1x1x64xi32, #tpu.memory_space<vmem>>, vector<1x1x16xi32>,
    %swap3A_459 = vector.shape_cast %swap3A_458 : vector<1x1x16xi32> to vector<16xi32>
    %swap3A_460 = vector.shape_cast %add3A_452 : vector<16xi32> to vector<1x1x16xi32>
    tpu.vector_store %arg18[%swap3A_455, %swap3A_456, %swap3A_457], %swap3A_460 {strides = array<i32>} : memref<1x1x64xi32, #tpu.memory_space<vmem>>, vector<1x1x16xi32>,
    %get3A_461 = arith.constant 0 : i32
    %get3A_462 = arith.constant 0 : i32
    %get3A_463 = arith.index_cast %get3A_461 : i32 to index
    %get3A_464 = arith.index_cast %get3A_462 : i32 to index
    %get3A_465 = arith.constant 48 : index
    %get3A_466 = tpu.vector_load %arg16[%get3A_463, %get3A_464, %get3A_465] {strides = array<i32>} : memref<1x1x64xi32, #tpu.memory_space<vmem>>, vector<1x1x16xi32>,
    %get3A_467 = vector.shape_cast %get3A_466 : vector<1x1x16xi32> to vector<16xi32>
    %swap3A_468 = arith.constant 0 : i32
    %swap3A_469 = arith.constant 0 : i32
    %swap3A_470 = arith.index_cast %swap3A_468 : i32 to index
    %swap3A_471 = arith.index_cast %swap3A_469 : i32 to index
    %swap3A_472 = arith.constant 48 : index
    %swap3A_473 = tpu.vector_load %arg20[%swap3A_470, %swap3A_471, %swap3A_472] {strides = array<i32>} : memref<1x1x64xi32, #tpu.memory_space<vmem>>, vector<1x1x16xi32>,
    %swap3A_474 = vector.shape_cast %swap3A_473 : vector<1x1x16xi32> to vector<16xi32>
    %swap3A_475 = vector.shape_cast %get3A_467 : vector<16xi32> to vector<1x1x16xi32>
    tpu.vector_store %arg20[%swap3A_470, %swap3A_471, %swap3A_472], %swap3A_475 {strides = array<i32>} : memref<1x1x64xi32, #tpu.memory_space<vmem>>, vector<1x1x16xi32>,
    %get3A_476 = arith.constant 0 : i32
    %get3A_477 = arith.constant 0 : i32
    %get3A_478 = arith.index_cast %get3A_476 : i32 to index
    %get3A_479 = arith.index_cast %get3A_477 : i32 to index
    %get3A_480 = arith.constant 48 : index
    %get3A_481 = tpu.vector_load %arg16[%get3A_478, %get3A_479, %get3A_480] {strides = array<i32>} : memref<1x1x64xi32, #tpu.memory_space<vmem>>, vector<1x1x16xi32>,
    %get3A_482 = vector.shape_cast %get3A_481 : vector<1x1x16xi32> to vector<16xi32>
    %add3A_483 = vector.broadcast %mul3A_0 : i32 to vector<16xi32>
    %add3A_484 = arith.addi %get3A_482, %add3A_483 : vector<16xi32>
    %swap3A_485 = arith.constant 0 : i32
    %swap3A_486 = arith.constant 0 : i32
    %swap3A_487 = arith.index_cast %swap3A_485 : i32 to index
    %swap3A_488 = arith.index_cast %swap3A_486 : i32 to index
    %swap3A_489 = arith.constant 48 : index
    %swap3A_490 = tpu.vector_load %arg19[%swap3A_487, %swap3A_488, %swap3A_489] {strides = array<i32>} : memref<1x1x64xi32, #tpu.memory_space<vmem>>, vector<1x1x16xi32>,
    %swap3A_491 = vector.shape_cast %swap3A_490 : vector<1x1x16xi32> to vector<16xi32>
    %swap3A_492 = vector.shape_cast %add3A_484 : vector<16xi32> to vector<1x1x16xi32>
    tpu.vector_store %arg19[%swap3A_487, %swap3A_488, %swap3A_489], %swap3A_492 {strides = array<i32>} : memref<1x1x64xi32, #tpu.memory_space<vmem>>, vector<1x1x16xi32>,
    %get3A_493 = arith.constant 0 : i32
    %get3A_494 = arith.constant 0 : i32
    %get3A_495 = arith.index_cast %get3A_493 : i32 to index
    %get3A_496 = arith.index_cast %get3A_494 : i32 to index
    %get3A_497 = arith.constant 48 : index
    %get3A_498 = tpu.vector_load %arg17[%get3A_495, %get3A_496, %get3A_497] {strides = array<i32>} : memref<1x1x64xi32, #tpu.memory_space<vmem>>, vector<1x1x16xi32>,
    %get3A_499 = vector.shape_cast %get3A_498 : vector<1x1x16xi32> to vector<16xi32>
    %add3A_500 = vector.broadcast %mul3A_0 : i32 to vector<16xi32>
    %add3A_501 = arith.addi %get3A_499, %add3A_500 : vector<16xi32>
    %swap3A_502 = arith.constant 0 : i32
    %swap3A_503 = arith.constant 0 : i32
    %swap3A_504 = arith.index_cast %swap3A_502 : i32 to index
    %swap3A_505 = arith.index_cast %swap3A_503 : i32 to index
    %swap3A_506 = arith.constant 48 : index
    %swap3A_507 = tpu.vector_load %arg18[%swap3A_504, %swap3A_505, %swap3A_506] {strides = array<i32>} : memref<1x1x64xi32, #tpu.memory_space<vmem>>, vector<1x1x16xi32>,
    %swap3A_508 = vector.shape_cast %swap3A_507 : vector<1x1x16xi32> to vector<16xi32>
    %swap3A_509 = vector.shape_cast %add3A_501 : vector<16xi32> to vector<1x1x16xi32>
    tpu.vector_store %arg18[%swap3A_504, %swap3A_505, %swap3A_506], %swap3A_509 {strides = array<i32>} : memref<1x1x64xi32, #tpu.memory_space<vmem>>, vector<1x1x16xi32>,
    %dma_start3A_510 = arith.constant 0 : i32
    %dma_start3A_511 = arith.constant 0 : i32
    %dma_start3A_512 = arith.constant 0 : i32
    %dma_start3A_513 = tpu.memref_slice %arg19[%dma_start3A_510, %dma_start3A_511, %dma_start3A_512] : memref<1x1x64xi32, #tpu.memory_space<vmem>> -> memref<1x1x64xi32, #tpu.memory_space<vmem>>
    %dma_start3A_514 = tpu.memref_squeeze %dma_start3A_513 : memref<1x1x64xi32, #tpu.memory_space<vmem>> -> memref<64xi32, #tpu.memory_space<vmem>>
    %dma_start3A_515 = arith.constant 0 : i32
    %dma_start3A_516 = arith.constant 0 : i32
    %dma_start3A_517 = tpu.memref_slice %arg2[%dma_start3A_515, %dma_start3A_516] : memref<20000x128xf32, #tpu.memory_space<hbm>> -> memref<20000x128xf32, #tpu.memory_space<hbm>>
    tpu.enqueue_indirect_dma source(%dma_start3A_517 : memref<20000x128xf32, #tpu.memory_space<hbm>>) target(%arg21 : memref<64x128xf32, #tpu.memory_space<vmem>>) offsets(%dma_start3A_514 : memref<64xi32, #tpu.memory_space<vmem>>) semaphore(%arg28 : memref<!tpu.dma_semaphore, #tpu.memory_space<semaphore_mem>>)
    %dma_start3A_518 = arith.constant 0 : i32
    %dma_start3A_519 = arith.constant 0 : i32
    %dma_start3A_520 = arith.constant 0 : i32
    %dma_start3A_521 = tpu.memref_slice %arg18[%dma_start3A_518, %dma_start3A_519, %dma_start3A_520] : memref<1x1x64xi32, #tpu.memory_space<vmem>> -> memref<1x1x64xi32, #tpu.memory_space<vmem>>
    %dma_start3A_522 = tpu.memref_squeeze %dma_start3A_521 : memref<1x1x64xi32, #tpu.memory_space<vmem>> -> memref<64xi32, #tpu.memory_space<vmem>>
    %dma_start3A_523 = arith.constant 0 : i32
    %dma_start3A_524 = arith.constant 0 : i32
    %dma_start3A_525 = tpu.memref_slice %arg3[%dma_start3A_523, %dma_start3A_524] : memref<20000x128xf32, #tpu.memory_space<hbm>> -> memref<20000x128xf32, #tpu.memory_space<hbm>>
    tpu.enqueue_indirect_dma source(%dma_start3A_525 : memref<20000x128xf32, #tpu.memory_space<hbm>>) target(%arg22 : memref<64x128xf32, #tpu.memory_space<vmem>>) offsets(%dma_start3A_522 : memref<64xi32, #tpu.memory_space<vmem>>) semaphore(%arg28 : memref<!tpu.dma_semaphore, #tpu.memory_space<semaphore_mem>>)
    %mul3A_526 = arith.constant 64 : i32
    %mul3A_527 = arith.muli %sub3A_297, %mul3A_526 : i32
    %dma_start3A_528 = arith.constant 0 : i32
    %dma_start3A_529 = tpu.memref_slice %arg4[%mul3A_527, %dma_start3A_528] : memref<320000x128xf32, #tpu.memory_space<hbm>> -> memref<64x128xf32, #tpu.memory_space<hbm>>
    %dma_start3A_530 = arith.constant 0 : i32
    %dma_start3A_531 = tpu.memref_slice %arg4[%mul3A_527, %dma_start3A_530] : memref<320000x128xf32, #tpu.memory_space<hbm>> -> memref<64x128xf32, #tpu.memory_space<hbm>>
    tpu.enqueue_dma source(%dma_start3A_531 : memref<64x128xf32, #tpu.memory_space<hbm>>) target(%arg23 : memref<64x128xf32, #tpu.memory_space<vmem>>) target_semaphore(%arg28 : memref<!tpu.dma_semaphore, #tpu.memory_space<semaphore_mem>>)
    %dma_wait3A_532 = arith.constant 0 : i32
    %dma_wait3A_533 = arith.constant 0 : i32
    %dma_wait3A_534 = arith.constant 0 : i32
    %dma_wait3A_535 = tpu.memref_slice %arg11[%dma_wait3A_532, %dma_wait3A_533, %dma_wait3A_534] : memref<1x1x64xi32, #tpu.memory_space<vmem>> -> memref<1x1x64xi32, #tpu.memory_space<vmem>>
    %dma_wait3A_536 = tpu.memref_squeeze %dma_wait3A_535 : memref<1x1x64xi32, #tpu.memory_space<vmem>> -> memref<64xi32, #tpu.memory_space<vmem>>
    %dma_wait3A_537 = arith.constant 0 : i32
    %dma_wait3A_538 = arith.constant 0 : i32
    %dma_wait3A_539 = tpu.memref_slice %arg2[%dma_wait3A_537, %dma_wait3A_538] : memref<20000x128xf32, #tpu.memory_space<hbm>> -> memref<20000x128xf32, #tpu.memory_space<hbm>>
    tpu.wait_indirect_dma semaphore(%arg27 : memref<!tpu.dma_semaphore, #tpu.memory_space<semaphore_mem>>) src(%dma_wait3A_539 : memref<20000x128xf32, #tpu.memory_space<hbm>>) dst(%arg13 : memref<64x128xf32, #tpu.memory_space<vmem>>)
    %dma_wait3A_540 = arith.constant 0 : i32
    %dma_wait3A_541 = arith.constant 0 : i32
    %dma_wait3A_542 = arith.constant 0 : i32
    %dma_wait3A_543 = tpu.memref_slice %arg10[%dma_wait3A_540, %dma_wait3A_541, %dma_wait3A_542] : memref<1x1x64xi32, #tpu.memory_space<vmem>> -> memref<1x1x64xi32, #tpu.memory_space<vmem>>
    %dma_wait3A_544 = tpu.memref_squeeze %dma_wait3A_543 : memref<1x1x64xi32, #tpu.memory_space<vmem>> -> memref<64xi32, #tpu.memory_space<vmem>>
    %dma_wait3A_545 = arith.constant 0 : i32
    %dma_wait3A_546 = arith.constant 0 : i32
    %dma_wait3A_547 = tpu.memref_slice %arg3[%dma_wait3A_545, %dma_wait3A_546] : memref<20000x128xf32, #tpu.memory_space<hbm>> -> memref<20000x128xf32, #tpu.memory_space<hbm>>
    tpu.wait_indirect_dma semaphore(%arg27 : memref<!tpu.dma_semaphore, #tpu.memory_space<semaphore_mem>>) src(%dma_wait3A_547 : memref<20000x128xf32, #tpu.memory_space<hbm>>) dst(%arg14 : memref<64x128xf32, #tpu.memory_space<vmem>>)
    %dma_wait3A_548 = arith.constant 0 : i32
    %dma_wait3A_549 = arith.constant 0 : i32
    %dma_wait3A_550 = tpu.memref_slice %arg4[%dma_wait3A_548, %dma_wait3A_549] : memref<320000x128xf32, #tpu.memory_space<hbm>> -> memref<64x128xf32, #tpu.memory_space<hbm>>
    %dma_wait3A_551 = arith.constant 0 : i32
    %dma_wait3A_552 = arith.constant 0 : i32
    %dma_wait3A_553 = tpu.memref_slice %arg4[%dma_wait3A_551, %dma_wait3A_552] : memref<320000x128xf32, #tpu.memory_space<hbm>> -> memref<64x128xf32, #tpu.memory_space<hbm>>
    tpu.wait_dma2 semaphore(%arg27 : memref<!tpu.dma_semaphore, #tpu.memory_space<semaphore_mem>>) src(%dma_wait3A_553 : memref<64x128xf32, #tpu.memory_space<hbm>>) dst(%arg15 : memref<64x128xf32, #tpu.memory_space<vmem>>)
    %scan3A_554 = arith.constant 0 : i32
    %scan3A_555 = arith.constant 64 : i32
    %scan3A_556 = arith.addi %scan3A_554, %scan3A_555 : i32
    %scan3A_557 = arith.constant 1 : i32
    scf.for %scan3A_597 = %scan3A_554 to %scan3A_556 step %scan3A_557  : i32 {
      %mul3A_598 = arith.constant 1 : i32
      %mul3A_599 = arith.muli %scan3A_597, %mul3A_598 : i32
      %add3A_600 = arith.constant 0 : i32
      %add3A_601 = arith.addi %add3A_600, %mul3A_599 : i32
      %get3A_602 = arith.index_cast %add3A_601 : i32 to index
      %get3A_603 = arith.constant 0 : index
      %get3A_604 = tpu.vector_load %arg13[%get3A_602, %get3A_603] {strides = array<i32>} : memref<64x128xf32, #tpu.memory_space<vmem>>, vector<1x16xf32>,
      %get3A_605 = vector.shape_cast %get3A_604 : vector<1x16xf32> to vector<16xf32>
      %get3A_606 = arith.index_cast %add3A_601 : i32 to index
      %get3A_607 = arith.constant 0 : index
      %get3A_608 = tpu.vector_load %arg14[%get3A_606, %get3A_607] {strides = array<i32>} : memref<64x128xf32, #tpu.memory_space<vmem>>, vector<1x16xf32>,
      %get3A_609 = vector.shape_cast %get3A_608 : vector<1x16xf32> to vector<16xf32>
      %add3A_610 = arith.addf %get3A_605, %get3A_609 : vector<16xf32>
      %get3A_611 = arith.index_cast %add3A_601 : i32 to index
      %get3A_612 = arith.constant 0 : index
      %get3A_613 = tpu.vector_load %arg15[%get3A_611, %get3A_612] {strides = array<i32>} : memref<64x128xf32, #tpu.memory_space<vmem>>, vector<1x16xf32>,
      %get3A_614 = vector.shape_cast %get3A_613 : vector<1x16xf32> to vector<16xf32>
      %add3A_615 = arith.addf %add3A_610, %get3A_614 : vector<16xf32>
      %max3A = arith.constant 0.000000e+00 : f32
      %max3A_616 = vector.broadcast %max3A : f32 to vector<16xf32>
      %max3A_617 = arith.maximumf %add3A_615, %max3A_616 : vector<16xf32>
      %swap3A_618 = arith.index_cast %add3A_601 : i32 to index
      %swap3A_619 = arith.constant 0 : index
      %swap3A_620 = tpu.vector_load %arg13[%swap3A_618, %swap3A_619] {strides = array<i32>} : memref<64x128xf32, #tpu.memory_space<vmem>>, vector<1x16xf32>,
      %swap3A_621 = vector.shape_cast %swap3A_620 : vector<1x16xf32> to vector<16xf32>
      %swap3A_622 = vector.shape_cast %max3A_617 : vector<16xf32> to vector<1x16xf32>
      tpu.vector_store %arg13[%swap3A_618, %swap3A_619], %swap3A_622 {strides = array<i32>} : memref<64x128xf32, #tpu.memory_space<vmem>>, vector<1x16xf32>,
      %get3A_623 = arith.index_cast %add3A_601 : i32 to index
      %get3A_624 = arith.constant 16 : index
      %get3A_625 = tpu.vector_load %arg13[%get3A_623, %get3A_624] {strides = array<i32>} : memref<64x128xf32, #tpu.memory_space<vmem>>, vector<1x16xf32>,
      %get3A_626 = vector.shape_cast %get3A_625 : vector<1x16xf32> to vector<16xf32>
      %get3A_627 = arith.index_cast %add3A_601 : i32 to index
      %get3A_628 = arith.constant 16 : index
      %get3A_629 = tpu.vector_load %arg14[%get3A_627, %get3A_628] {strides = array<i32>} : memref<64x128xf32, #tpu.memory_space<vmem>>, vector<1x16xf32>,
      %get3A_630 = vector.shape_cast %get3A_629 : vector<1x16xf32> to vector<16xf32>
      %add3A_631 = arith.addf %get3A_626, %get3A_630 : vector<16xf32>
      %get3A_632 = arith.index_cast %add3A_601 : i32 to index
      %get3A_633 = arith.constant 16 : index
      %get3A_634 = tpu.vector_load %arg15[%get3A_632, %get3A_633] {strides = array<i32>} : memref<64x128xf32, #tpu.memory_space<vmem>>, vector<1x16xf32>,
      %get3A_635 = vector.shape_cast %get3A_634 : vector<1x16xf32> to vector<16xf32>
      %add3A_636 = arith.addf %add3A_631, %get3A_635 : vector<16xf32>
      %max3A_637 = arith.constant 0.000000e+00 : f32
      %max3A_638 = vector.broadcast %max3A_637 : f32 to vector<16xf32>
      %max3A_639 = arith.maximumf %add3A_636, %max3A_638 : vector<16xf32>
      %swap3A_640 = arith.index_cast %add3A_601 : i32 to index
      %swap3A_641 = arith.constant 16 : index
      %swap3A_642 = tpu.vector_load %arg13[%swap3A_640, %swap3A_641] {strides = array<i32>} : memref<64x128xf32, #tpu.memory_space<vmem>>, vector<1x16xf32>,
      %swap3A_643 = vector.shape_cast %swap3A_642 : vector<1x16xf32> to vector<16xf32>
      %swap3A_644 = vector.shape_cast %max3A_639 : vector<16xf32> to vector<1x16xf32>
      tpu.vector_store %arg13[%swap3A_640, %swap3A_641], %swap3A_644 {strides = array<i32>} : memref<64x128xf32, #tpu.memory_space<vmem>>, vector<1x16xf32>,
      %get3A_645 = arith.index_cast %add3A_601 : i32 to index
      %get3A_646 = arith.constant 32 : index
      %get3A_647 = tpu.vector_load %arg13[%get3A_645, %get3A_646] {strides = array<i32>} : memref<64x128xf32, #tpu.memory_space<vmem>>, vector<1x16xf32>,
      %get3A_648 = vector.shape_cast %get3A_647 : vector<1x16xf32> to vector<16xf32>
      %get3A_649 = arith.index_cast %add3A_601 : i32 to index
      %get3A_650 = arith.constant 32 : index
      %get3A_651 = tpu.vector_load %arg14[%get3A_649, %get3A_650] {strides = array<i32>} : memref<64x128xf32, #tpu.memory_space<vmem>>, vector<1x16xf32>,
      %get3A_652 = vector.shape_cast %get3A_651 : vector<1x16xf32> to vector<16xf32>
      %add3A_653 = arith.addf %get3A_648, %get3A_652 : vector<16xf32>
      %get3A_654 = arith.index_cast %add3A_601 : i32 to index
      %get3A_655 = arith.constant 32 : index
      %get3A_656 = tpu.vector_load %arg15[%get3A_654, %get3A_655] {strides = array<i32>} : memref<64x128xf32, #tpu.memory_space<vmem>>, vector<1x16xf32>,
      %get3A_657 = vector.shape_cast %get3A_656 : vector<1x16xf32> to vector<16xf32>
      %add3A_658 = arith.addf %add3A_653, %get3A_657 : vector<16xf32>
      %max3A_659 = arith.constant 0.000000e+00 : f32
      %max3A_660 = vector.broadcast %max3A_659 : f32 to vector<16xf32>
      %max3A_661 = arith.maximumf %add3A_658, %max3A_660 : vector<16xf32>
      %swap3A_662 = arith.index_cast %add3A_601 : i32 to index
      %swap3A_663 = arith.constant 32 : index
      %swap3A_664 = tpu.vector_load %arg13[%swap3A_662, %swap3A_663] {strides = array<i32>} : memref<64x128xf32, #tpu.memory_space<vmem>>, vector<1x16xf32>,
      %swap3A_665 = vector.shape_cast %swap3A_664 : vector<1x16xf32> to vector<16xf32>
      %swap3A_666 = vector.shape_cast %max3A_661 : vector<16xf32> to vector<1x16xf32>
      tpu.vector_store %arg13[%swap3A_662, %swap3A_663], %swap3A_666 {strides = array<i32>} : memref<64x128xf32, #tpu.memory_space<vmem>>, vector<1x16xf32>,
      %get3A_667 = arith.index_cast %add3A_601 : i32 to index
      %get3A_668 = arith.constant 48 : index
      %get3A_669 = tpu.vector_load %arg13[%get3A_667, %get3A_668] {strides = array<i32>} : memref<64x128xf32, #tpu.memory_space<vmem>>, vector<1x16xf32>,
      %get3A_670 = vector.shape_cast %get3A_669 : vector<1x16xf32> to vector<16xf32>
      %get3A_671 = arith.index_cast %add3A_601 : i32 to index
      %get3A_672 = arith.constant 48 : index
      %get3A_673 = tpu.vector_load %arg14[%get3A_671, %get3A_672] {strides = array<i32>} : memref<64x128xf32, #tpu.memory_space<vmem>>, vector<1x16xf32>,
      %get3A_674 = vector.shape_cast %get3A_673 : vector<1x16xf32> to vector<16xf32>
      %add3A_675 = arith.addf %get3A_670, %get3A_674 : vector<16xf32>
      %get3A_676 = arith.index_cast %add3A_601 : i32 to index
      %get3A_677 = arith.constant 48 : index
      %get3A_678 = tpu.vector_load %arg15[%get3A_676, %get3A_677] {strides = array<i32>} : memref<64x128xf32, #tpu.memory_space<vmem>>, vector<1x16xf32>,
      %get3A_679 = vector.shape_cast %get3A_678 : vector<1x16xf32> to vector<16xf32>
      %add3A_680 = arith.addf %add3A_675, %get3A_679 : vector<16xf32>
      %max3A_681 = arith.constant 0.000000e+00 : f32
      %max3A_682 = vector.broadcast %max3A_681 : f32 to vector<16xf32>
      %max3A_683 = arith.maximumf %add3A_680, %max3A_682 : vector<16xf32>
      %swap3A_684 = arith.index_cast %add3A_601 : i32 to index
      %swap3A_685 = arith.constant 48 : index
      %swap3A_686 = tpu.vector_load %arg13[%swap3A_684, %swap3A_685] {strides = array<i32>} : memref<64x128xf32, #tpu.memory_space<vmem>>, vector<1x16xf32>,
      %swap3A_687 = vector.shape_cast %swap3A_686 : vector<1x16xf32> to vector<16xf32>
      %swap3A_688 = vector.shape_cast %max3A_683 : vector<16xf32> to vector<1x16xf32>
      tpu.vector_store %arg13[%swap3A_684, %swap3A_685], %swap3A_688 {strides = array<i32>} : memref<64x128xf32, #tpu.memory_space<vmem>>, vector<1x16xf32>,
      %get3A_689 = arith.index_cast %add3A_601 : i32 to index
      %get3A_690 = arith.constant 64 : index
      %get3A_691 = tpu.vector_load %arg13[%get3A_689, %get3A_690] {strides = array<i32>} : memref<64x128xf32, #tpu.memory_space<vmem>>, vector<1x16xf32>,
      %get3A_692 = vector.shape_cast %get3A_691 : vector<1x16xf32> to vector<16xf32>
      %get3A_693 = arith.index_cast %add3A_601 : i32 to index
      %get3A_694 = arith.constant 64 : index
      %get3A_695 = tpu.vector_load %arg14[%get3A_693, %get3A_694] {strides = array<i32>} : memref<64x128xf32, #tpu.memory_space<vmem>>, vector<1x16xf32>,
      %get3A_696 = vector.shape_cast %get3A_695 : vector<1x16xf32> to vector<16xf32>
      %add3A_697 = arith.addf %get3A_692, %get3A_696 : vector<16xf32>
      %get3A_698 = arith.index_cast %add3A_601 : i32 to index
      %get3A_699 = arith.constant 64 : index
      %get3A_700 = tpu.vector_load %arg15[%get3A_698, %get3A_699] {strides = array<i32>} : memref<64x128xf32, #tpu.memory_space<vmem>>, vector<1x16xf32>,
      %get3A_701 = vector.shape_cast %get3A_700 : vector<1x16xf32> to vector<16xf32>
      %add3A_702 = arith.addf %add3A_697, %get3A_701 : vector<16xf32>
      %max3A_703 = arith.constant 0.000000e+00 : f32
      %max3A_704 = vector.broadcast %max3A_703 : f32 to vector<16xf32>
      %max3A_705 = arith.maximumf %add3A_702, %max3A_704 : vector<16xf32>
      %swap3A_706 = arith.index_cast %add3A_601 : i32 to index
      %swap3A_707 = arith.constant 64 : index
      %swap3A_708 = tpu.vector_load %arg13[%swap3A_706, %swap3A_707] {strides = array<i32>} : memref<64x128xf32, #tpu.memory_space<vmem>>, vector<1x16xf32>,
      %swap3A_709 = vector.shape_cast %swap3A_708 : vector<1x16xf32> to vector<16xf32>
      %swap3A_710 = vector.shape_cast %max3A_705 : vector<16xf32> to vector<1x16xf32>
      tpu.vector_store %arg13[%swap3A_706, %swap3A_707], %swap3A_710 {strides = array<i32>} : memref<64x128xf32, #tpu.memory_space<vmem>>, vector<1x16xf32>,
      %get3A_711 = arith.index_cast %add3A_601 : i32 to index
      %get3A_712 = arith.constant 80 : index
      %get3A_713 = tpu.vector_load %arg13[%get3A_711, %get3A_712] {strides = array<i32>} : memref<64x128xf32, #tpu.memory_space<vmem>>, vector<1x16xf32>,
      %get3A_714 = vector.shape_cast %get3A_713 : vector<1x16xf32> to vector<16xf32>
      %get3A_715 = arith.index_cast %add3A_601 : i32 to index
      %get3A_716 = arith.constant 80 : index
      %get3A_717 = tpu.vector_load %arg14[%get3A_715, %get3A_716] {strides = array<i32>} : memref<64x128xf32, #tpu.memory_space<vmem>>, vector<1x16xf32>,
      %get3A_718 = vector.shape_cast %get3A_717 : vector<1x16xf32> to vector<16xf32>
      %add3A_719 = arith.addf %get3A_714, %get3A_718 : vector<16xf32>
      %get3A_720 = arith.index_cast %add3A_601 : i32 to index
      %get3A_721 = arith.constant 80 : index
      %get3A_722 = tpu.vector_load %arg15[%get3A_720, %get3A_721] {strides = array<i32>} : memref<64x128xf32, #tpu.memory_space<vmem>>, vector<1x16xf32>,
      %get3A_723 = vector.shape_cast %get3A_722 : vector<1x16xf32> to vector<16xf32>
      %add3A_724 = arith.addf %add3A_719, %get3A_723 : vector<16xf32>
      %max3A_725 = arith.constant 0.000000e+00 : f32
      %max3A_726 = vector.broadcast %max3A_725 : f32 to vector<16xf32>
      %max3A_727 = arith.maximumf %add3A_724, %max3A_726 : vector<16xf32>
      %swap3A_728 = arith.index_cast %add3A_601 : i32 to index
      %swap3A_729 = arith.constant 80 : index
      %swap3A_730 = tpu.vector_load %arg13[%swap3A_728, %swap3A_729] {strides = array<i32>} : memref<64x128xf32, #tpu.memory_space<vmem>>, vector<1x16xf32>,
      %swap3A_731 = vector.shape_cast %swap3A_730 : vector<1x16xf32> to vector<16xf32>
      %swap3A_732 = vector.shape_cast %max3A_727 : vector<16xf32> to vector<1x16xf32>
      tpu.vector_store %arg13[%swap3A_728, %swap3A_729], %swap3A_732 {strides = array<i32>} : memref<64x128xf32, #tpu.memory_space<vmem>>, vector<1x16xf32>,
      %get3A_733 = arith.index_cast %add3A_601 : i32 to index
      %get3A_734 = arith.constant 96 : index
      %get3A_735 = tpu.vector_load %arg13[%get3A_733, %get3A_734] {strides = array<i32>} : memref<64x128xf32, #tpu.memory_space<vmem>>, vector<1x16xf32>,
      %get3A_736 = vector.shape_cast %get3A_735 : vector<1x16xf32> to vector<16xf32>
      %get3A_737 = arith.index_cast %add3A_601 : i32 to index
      %get3A_738 = arith.constant 96 : index
      %get3A_739 = tpu.vector_load %arg14[%get3A_737, %get3A_738] {strides = array<i32>} : memref<64x128xf32, #tpu.memory_space<vmem>>, vector<1x16xf32>,
      %get3A_740 = vector.shape_cast %get3A_739 : vector<1x16xf32> to vector<16xf32>
      %add3A_741 = arith.addf %get3A_736, %get3A_740 : vector<16xf32>
      %get3A_742 = arith.index_cast %add3A_601 : i32 to index
      %get3A_743 = arith.constant 96 : index
      %get3A_744 = tpu.vector_load %arg15[%get3A_742, %get3A_743] {strides = array<i32>} : memref<64x128xf32, #tpu.memory_space<vmem>>, vector<1x16xf32>,
      %get3A_745 = vector.shape_cast %get3A_744 : vector<1x16xf32> to vector<16xf32>
      %add3A_746 = arith.addf %add3A_741, %get3A_745 : vector<16xf32>
      %max3A_747 = arith.constant 0.000000e+00 : f32
      %max3A_748 = vector.broadcast %max3A_747 : f32 to vector<16xf32>
      %max3A_749 = arith.maximumf %add3A_746, %max3A_748 : vector<16xf32>
      %swap3A_750 = arith.index_cast %add3A_601 : i32 to index
      %swap3A_751 = arith.constant 96 : index
      %swap3A_752 = tpu.vector_load %arg13[%swap3A_750, %swap3A_751] {strides = array<i32>} : memref<64x128xf32, #tpu.memory_space<vmem>>, vector<1x16xf32>,
      %swap3A_753 = vector.shape_cast %swap3A_752 : vector<1x16xf32> to vector<16xf32>
      %swap3A_754 = vector.shape_cast %max3A_749 : vector<16xf32> to vector<1x16xf32>
      tpu.vector_store %arg13[%swap3A_750, %swap3A_751], %swap3A_754 {strides = array<i32>} : memref<64x128xf32, #tpu.memory_space<vmem>>, vector<1x16xf32>,
      %get3A_755 = arith.index_cast %add3A_601 : i32 to index
      %get3A_756 = arith.constant 112 : index
      %get3A_757 = tpu.vector_load %arg13[%get3A_755, %get3A_756] {strides = array<i32>} : memref<64x128xf32, #tpu.memory_space<vmem>>, vector<1x16xf32>,
      %get3A_758 = vector.shape_cast %get3A_757 : vector<1x16xf32> to vector<16xf32>
      %get3A_759 = arith.index_cast %add3A_601 : i32 to index
      %get3A_760 = arith.constant 112 : index
      %get3A_761 = tpu.vector_load %arg14[%get3A_759, %get3A_760] {strides = array<i32>} : memref<64x128xf32, #tpu.memory_space<vmem>>, vector<1x16xf32>,
      %get3A_762 = vector.shape_cast %get3A_761 : vector<1x16xf32> to vector<16xf32>
      %add3A_763 = arith.addf %get3A_758, %get3A_762 : vector<16xf32>
      %get3A_764 = arith.index_cast %add3A_601 : i32 to index
      %get3A_765 = arith.constant 112 : index
      %get3A_766 = tpu.vector_load %arg15[%get3A_764, %get3A_765] {strides = array<i32>} : memref<64x128xf32, #tpu.memory_space<vmem>>, vector<1x16xf32>,
      %get3A_767 = vector.shape_cast %get3A_766 : vector<1x16xf32> to vector<16xf32>
      %add3A_768 = arith.addf %add3A_763, %get3A_767 : vector<16xf32>
      %max3A_769 = arith.constant 0.000000e+00 : f32
      %max3A_770 = vector.broadcast %max3A_769 : f32 to vector<16xf32>
      %max3A_771 = arith.maximumf %add3A_768, %max3A_770 : vector<16xf32>
      %swap3A_772 = arith.index_cast %add3A_601 : i32 to index
      %swap3A_773 = arith.constant 112 : index
      %swap3A_774 = tpu.vector_load %arg13[%swap3A_772, %swap3A_773] {strides = array<i32>} : memref<64x128xf32, #tpu.memory_space<vmem>>, vector<1x16xf32>,
      %swap3A_775 = vector.shape_cast %swap3A_774 : vector<1x16xf32> to vector<16xf32>
      %swap3A_776 = vector.shape_cast %max3A_771 : vector<16xf32> to vector<1x16xf32>
      tpu.vector_store %arg13[%swap3A_772, %swap3A_773], %swap3A_776 {strides = array<i32>} : memref<64x128xf32, #tpu.memory_space<vmem>>, vector<1x16xf32>,
    }
    %scan3A_558 = arith.constant 64 : i32
    %run_scoped3A = arith.constant 0 : i32
    %run_scoped3A_559 = arith.constant 0 : i32
    "tpu.region"() ({
      %run_scoped3A_597 = tpu.sem_alloc : memref<!tpu.dma_semaphore, #tpu.memory_space<semaphore_mem>>
      %dma_start3A_598 = arith.constant 0 : i32
      %dma_start3A_599 = tpu.memref_slice %arg12[%run_scoped3A, %run_scoped3A_559, %dma_start3A_598] : memref<1x1x64xi32, #tpu.memory_space<vmem>> -> memref<1x1x64xi32, #tpu.memory_space<vmem>>
      %dma_start3A_600 = tpu.memref_squeeze %dma_start3A_599 : memref<1x1x64xi32, #tpu.memory_space<vmem>> -> memref<64xi32, #tpu.memory_space<vmem>>
      %dma_start3A_601 = arith.constant 0 : i32
      %dma_start3A_602 = arith.constant 0 : i32
      %dma_start3A_603 = tpu.memref_slice %arg24[%dma_start3A_601, %dma_start3A_602] : memref<10000x128xf32, #tpu.memory_space<vmem_shared>> -> memref<10000x128xf32, #tpu.memory_space<vmem_shared>>
      tpu.enqueue_indirect_dma source(%arg13 : memref<64x128xf32, #tpu.memory_space<vmem>>) target(%dma_start3A_603 : memref<10000x128xf32, #tpu.memory_space<vmem_shared>>) offsets(%dma_start3A_600 : memref<64xi32, #tpu.memory_space<vmem>>) semaphore(%run_scoped3A_597 : memref<!tpu.dma_semaphore, #tpu.memory_space<semaphore_mem>>) {add = true}
      %dma_wait3A_604 = arith.constant 0 : i32
      %dma_wait3A_605 = tpu.memref_slice %arg12[%run_scoped3A, %run_scoped3A_559, %dma_wait3A_604] : memref<1x1x64xi32, #tpu.memory_space<vmem>> -> memref<1x1x64xi32, #tpu.memory_space<vmem>>
      %dma_wait3A_606 = tpu.memref_squeeze %dma_wait3A_605 : memref<1x1x64xi32, #tpu.memory_space<vmem>> -> memref<64xi32, #tpu.memory_space<vmem>>
      %dma_wait3A_607 = arith.constant 0 : i32
      %dma_wait3A_608 = arith.constant 0 : i32
      %dma_wait3A_609 = tpu.memref_slice %arg24[%dma_wait3A_607, %dma_wait3A_608] : memref<10000x128xf32, #tpu.memory_space<vmem_shared>> -> memref<10000x128xf32, #tpu.memory_space<vmem_shared>>
      tpu.wait_indirect_dma semaphore(%run_scoped3A_597 : memref<!tpu.dma_semaphore, #tpu.memory_space<semaphore_mem>>) src(%arg13 : memref<64x128xf32, #tpu.memory_space<vmem>>) dst(%dma_wait3A_609 : memref<10000x128xf32, #tpu.memory_space<vmem_shared>>)
      tpu.yield
    }) : () -> ()
    %dma_wait3A_560 = arith.constant 0 : i32
    %dma_wait3A_561 = arith.constant 0 : i32
    %dma_wait3A_562 = arith.constant 0 : i32
    %dma_wait3A_563 = tpu.memref_slice %arg19[%dma_wait3A_560, %dma_wait3A_561, %dma_wait3A_562] : memref<1x1x64xi32, #tpu.memory_space<vmem>> -> memref<1x1x64xi32, #tpu.memory_space<vmem>>
    %dma_wait3A_564 = tpu.memref_squeeze %dma_wait3A_563 : memref<1x1x64xi32, #tpu.memory_space<vmem>> -> memref<64xi32, #tpu.memory_space<vmem>>
    %dma_wait3A_565 = arith.constant 0 : i32
    %dma_wait3A_566 = arith.constant 0 : i32
    %dma_wait3A_567 = tpu.memref_slice %arg2[%dma_wait3A_565, %dma_wait3A_566] : memref<20000x128xf32, #tpu.memory_space<hbm>> -> memref<20000x128xf32, #tpu.memory_space<hbm>>
    tpu.wait_indirect_dma semaphore(%arg28 : memref<!tpu.dma_semaphore, #tpu.memory_space<semaphore_mem>>) src(%dma_wait3A_567 : memref<20000x128xf32, #tpu.memory_space<hbm>>) dst(%arg21 : memref<64x128xf32, #tpu.memory_space<vmem>>)
    %dma_wait3A_568 = arith.constant 0 : i32
    %dma_wait3A_569 = arith.constant 0 : i32
    %dma_wait3A_570 = arith.constant 0 : i32
    %dma_wait3A_571 = tpu.memref_slice %arg18[%dma_wait3A_568, %dma_wait3A_569, %dma_wait3A_570] : memref<1x1x64xi32, #tpu.memory_space<vmem>> -> memref<1x1x64xi32, #tpu.memory_space<vmem>>
    %dma_wait3A_572 = tpu.memref_squeeze %dma_wait3A_571 : memref<1x1x64xi32, #tpu.memory_space<vmem>> -> memref<64xi32, #tpu.memory_space<vmem>>
    %dma_wait3A_573 = arith.constant 0 : i32
    %dma_wait3A_574 = arith.constant 0 : i32
    %dma_wait3A_575 = tpu.memref_slice %arg3[%dma_wait3A_573, %dma_wait3A_574] : memref<20000x128xf32, #tpu.memory_space<hbm>> -> memref<20000x128xf32, #tpu.memory_space<hbm>>
    tpu.wait_indirect_dma semaphore(%arg28 : memref<!tpu.dma_semaphore, #tpu.memory_space<semaphore_mem>>) src(%dma_wait3A_575 : memref<20000x128xf32, #tpu.memory_space<hbm>>) dst(%arg22 : memref<64x128xf32, #tpu.memory_space<vmem>>)
    %dma_wait3A_576 = arith.constant 0 : i32
    %dma_wait3A_577 = arith.constant 0 : i32
    %dma_wait3A_578 = tpu.memref_slice %arg4[%dma_wait3A_576, %dma_wait3A_577] : memref<320000x128xf32, #tpu.memory_space<hbm>> -> memref<64x128xf32, #tpu.memory_space<hbm>>
    %dma_wait3A_579 = arith.constant 0 : i32
    %dma_wait3A_580 = arith.constant 0 : i32
    %dma_wait3A_581 = tpu.memref_slice %arg4[%dma_wait3A_579, %dma_wait3A_580] : memref<320000x128xf32, #tpu.memory_space<hbm>> -> memref<64x128xf32, #tpu.memory_space<hbm>>
    tpu.wait_dma2 semaphore(%arg28 : memref<!tpu.dma_semaphore, #tpu.memory_space<semaphore_mem>>) src(%dma_wait3A_581 : memref<64x128xf32, #tpu.memory_space<hbm>>) dst(%arg23 : memref<64x128xf32, #tpu.memory_space<vmem>>)
    %scan3A_582 = arith.constant 0 : i32
    %scan3A_583 = arith.constant 64 : i32
    %scan3A_584 = arith.addi %scan3A_582, %scan3A_583 : i32
    %scan3A_585 = arith.constant 1 : i32
    scf.for %scan3A_597 = %scan3A_582 to %scan3A_584 step %scan3A_585  : i32 {
      %mul3A_598 = arith.constant 1 : i32
      %mul3A_599 = arith.muli %scan3A_597, %mul3A_598 : i32
      %add3A_600 = arith.constant 0 : i32
      %add3A_601 = arith.addi %add3A_600, %mul3A_599 : i32
      %get3A_602 = arith.index_cast %add3A_601 : i32 to index
      %get3A_603 = arith.constant 0 : index
      %get3A_604 = tpu.vector_load %arg21[%get3A_602, %get3A_603] {strides = array<i32>} : memref<64x128xf32, #tpu.memory_space<vmem>>, vector<1x16xf32>,
      %get3A_605 = vector.shape_cast %get3A_604 : vector<1x16xf32> to vector<16xf32>
      %get3A_606 = arith.index_cast %add3A_601 : i32 to index
      %get3A_607 = arith.constant 0 : index
      %get3A_608 = tpu.vector_load %arg22[%get3A_606, %get3A_607] {strides = array<i32>} : memref<64x128xf32, #tpu.memory_space<vmem>>, vector<1x16xf32>,
      %get3A_609 = vector.shape_cast %get3A_608 : vector<1x16xf32> to vector<16xf32>
      %add3A_610 = arith.addf %get3A_605, %get3A_609 : vector<16xf32>
      %get3A_611 = arith.index_cast %add3A_601 : i32 to index
      %get3A_612 = arith.constant 0 : index
      %get3A_613 = tpu.vector_load %arg23[%get3A_611, %get3A_612] {strides = array<i32>} : memref<64x128xf32, #tpu.memory_space<vmem>>, vector<1x16xf32>,
      %get3A_614 = vector.shape_cast %get3A_613 : vector<1x16xf32> to vector<16xf32>
      %add3A_615 = arith.addf %add3A_610, %get3A_614 : vector<16xf32>
      %max3A = arith.constant 0.000000e+00 : f32
      %max3A_616 = vector.broadcast %max3A : f32 to vector<16xf32>
      %max3A_617 = arith.maximumf %add3A_615, %max3A_616 : vector<16xf32>
      %swap3A_618 = arith.index_cast %add3A_601 : i32 to index
      %swap3A_619 = arith.constant 0 : index
      %swap3A_620 = tpu.vector_load %arg21[%swap3A_618, %swap3A_619] {strides = array<i32>} : memref<64x128xf32, #tpu.memory_space<vmem>>, vector<1x16xf32>,
      %swap3A_621 = vector.shape_cast %swap3A_620 : vector<1x16xf32> to vector<16xf32>
      %swap3A_622 = vector.shape_cast %max3A_617 : vector<16xf32> to vector<1x16xf32>
      tpu.vector_store %arg21[%swap3A_618, %swap3A_619], %swap3A_622 {strides = array<i32>} : memref<64x128xf32, #tpu.memory_space<vmem>>, vector<1x16xf32>,
      %get3A_623 = arith.index_cast %add3A_601 : i32 to index
      %get3A_624 = arith.constant 16 : index
      %get3A_625 = tpu.vector_load %arg21[%get3A_623, %get3A_624] {strides = array<i32>} : memref<64x128xf32, #tpu.memory_space<vmem>>, vector<1x16xf32>,
      %get3A_626 = vector.shape_cast %get3A_625 : vector<1x16xf32> to vector<16xf32>
      %get3A_627 = arith.index_cast %add3A_601 : i32 to index
      %get3A_628 = arith.constant 16 : index
      %get3A_629 = tpu.vector_load %arg22[%get3A_627, %get3A_628] {strides = array<i32>} : memref<64x128xf32, #tpu.memory_space<vmem>>, vector<1x16xf32>,
      %get3A_630 = vector.shape_cast %get3A_629 : vector<1x16xf32> to vector<16xf32>
      %add3A_631 = arith.addf %get3A_626, %get3A_630 : vector<16xf32>
      %get3A_632 = arith.index_cast %add3A_601 : i32 to index
      %get3A_633 = arith.constant 16 : index
      %get3A_634 = tpu.vector_load %arg23[%get3A_632, %get3A_633] {strides = array<i32>} : memref<64x128xf32, #tpu.memory_space<vmem>>, vector<1x16xf32>,
      %get3A_635 = vector.shape_cast %get3A_634 : vector<1x16xf32> to vector<16xf32>
      %add3A_636 = arith.addf %add3A_631, %get3A_635 : vector<16xf32>
      %max3A_637 = arith.constant 0.000000e+00 : f32
      %max3A_638 = vector.broadcast %max3A_637 : f32 to vector<16xf32>
      %max3A_639 = arith.maximumf %add3A_636, %max3A_638 : vector<16xf32>
      %swap3A_640 = arith.index_cast %add3A_601 : i32 to index
      %swap3A_641 = arith.constant 16 : index
      %swap3A_642 = tpu.vector_load %arg21[%swap3A_640, %swap3A_641] {strides = array<i32>} : memref<64x128xf32, #tpu.memory_space<vmem>>, vector<1x16xf32>,
      %swap3A_643 = vector.shape_cast %swap3A_642 : vector<1x16xf32> to vector<16xf32>
      %swap3A_644 = vector.shape_cast %max3A_639 : vector<16xf32> to vector<1x16xf32>
      tpu.vector_store %arg21[%swap3A_640, %swap3A_641], %swap3A_644 {strides = array<i32>} : memref<64x128xf32, #tpu.memory_space<vmem>>, vector<1x16xf32>,
      %get3A_645 = arith.index_cast %add3A_601 : i32 to index
      %get3A_646 = arith.constant 32 : index
      %get3A_647 = tpu.vector_load %arg21[%get3A_645, %get3A_646] {strides = array<i32>} : memref<64x128xf32, #tpu.memory_space<vmem>>, vector<1x16xf32>,
      %get3A_648 = vector.shape_cast %get3A_647 : vector<1x16xf32> to vector<16xf32>
      %get3A_649 = arith.index_cast %add3A_601 : i32 to index
      %get3A_650 = arith.constant 32 : index
      %get3A_651 = tpu.vector_load %arg22[%get3A_649, %get3A_650] {strides = array<i32>} : memref<64x128xf32, #tpu.memory_space<vmem>>, vector<1x16xf32>,
      %get3A_652 = vector.shape_cast %get3A_651 : vector<1x16xf32> to vector<16xf32>
      %add3A_653 = arith.addf %get3A_648, %get3A_652 : vector<16xf32>
      %get3A_654 = arith.index_cast %add3A_601 : i32 to index
      %get3A_655 = arith.constant 32 : index
      %get3A_656 = tpu.vector_load %arg23[%get3A_654, %get3A_655] {strides = array<i32>} : memref<64x128xf32, #tpu.memory_space<vmem>>, vector<1x16xf32>,
      %get3A_657 = vector.shape_cast %get3A_656 : vector<1x16xf32> to vector<16xf32>
      %add3A_658 = arith.addf %add3A_653, %get3A_657 : vector<16xf32>
      %max3A_659 = arith.constant 0.000000e+00 : f32
      %max3A_660 = vector.broadcast %max3A_659 : f32 to vector<16xf32>
      %max3A_661 = arith.maximumf %add3A_658, %max3A_660 : vector<16xf32>
      %swap3A_662 = arith.index_cast %add3A_601 : i32 to index
      %swap3A_663 = arith.constant 32 : index
      %swap3A_664 = tpu.vector_load %arg21[%swap3A_662, %swap3A_663] {strides = array<i32>} : memref<64x128xf32, #tpu.memory_space<vmem>>, vector<1x16xf32>,
      %swap3A_665 = vector.shape_cast %swap3A_664 : vector<1x16xf32> to vector<16xf32>
      %swap3A_666 = vector.shape_cast %max3A_661 : vector<16xf32> to vector<1x16xf32>
      tpu.vector_store %arg21[%swap3A_662, %swap3A_663], %swap3A_666 {strides = array<i32>} : memref<64x128xf32, #tpu.memory_space<vmem>>, vector<1x16xf32>,
      %get3A_667 = arith.index_cast %add3A_601 : i32 to index
      %get3A_668 = arith.constant 48 : index
      %get3A_669 = tpu.vector_load %arg21[%get3A_667, %get3A_668] {strides = array<i32>} : memref<64x128xf32, #tpu.memory_space<vmem>>, vector<1x16xf32>,
      %get3A_670 = vector.shape_cast %get3A_669 : vector<1x16xf32> to vector<16xf32>
      %get3A_671 = arith.index_cast %add3A_601 : i32 to index
      %get3A_672 = arith.constant 48 : index
      %get3A_673 = tpu.vector_load %arg22[%get3A_671, %get3A_672] {strides = array<i32>} : memref<64x128xf32, #tpu.memory_space<vmem>>, vector<1x16xf32>,
      %get3A_674 = vector.shape_cast %get3A_673 : vector<1x16xf32> to vector<16xf32>
      %add3A_675 = arith.addf %get3A_670, %get3A_674 : vector<16xf32>
      %get3A_676 = arith.index_cast %add3A_601 : i32 to index
      %get3A_677 = arith.constant 48 : index
      %get3A_678 = tpu.vector_load %arg23[%get3A_676, %get3A_677] {strides = array<i32>} : memref<64x128xf32, #tpu.memory_space<vmem>>, vector<1x16xf32>,
      %get3A_679 = vector.shape_cast %get3A_678 : vector<1x16xf32> to vector<16xf32>
      %add3A_680 = arith.addf %add3A_675, %get3A_679 : vector<16xf32>
      %max3A_681 = arith.constant 0.000000e+00 : f32
      %max3A_682 = vector.broadcast %max3A_681 : f32 to vector<16xf32>
      %max3A_683 = arith.maximumf %add3A_680, %max3A_682 : vector<16xf32>
      %swap3A_684 = arith.index_cast %add3A_601 : i32 to index
      %swap3A_685 = arith.constant 48 : index
      %swap3A_686 = tpu.vector_load %arg21[%swap3A_684, %swap3A_685] {strides = array<i32>} : memref<64x128xf32, #tpu.memory_space<vmem>>, vector<1x16xf32>,
      %swap3A_687 = vector.shape_cast %swap3A_686 : vector<1x16xf32> to vector<16xf32>
      %swap3A_688 = vector.shape_cast %max3A_683 : vector<16xf32> to vector<1x16xf32>
      tpu.vector_store %arg21[%swap3A_684, %swap3A_685], %swap3A_688 {strides = array<i32>} : memref<64x128xf32, #tpu.memory_space<vmem>>, vector<1x16xf32>,
      %get3A_689 = arith.index_cast %add3A_601 : i32 to index
      %get3A_690 = arith.constant 64 : index
      %get3A_691 = tpu.vector_load %arg21[%get3A_689, %get3A_690] {strides = array<i32>} : memref<64x128xf32, #tpu.memory_space<vmem>>, vector<1x16xf32>,
      %get3A_692 = vector.shape_cast %get3A_691 : vector<1x16xf32> to vector<16xf32>
      %get3A_693 = arith.index_cast %add3A_601 : i32 to index
      %get3A_694 = arith.constant 64 : index
      %get3A_695 = tpu.vector_load %arg22[%get3A_693, %get3A_694] {strides = array<i32>} : memref<64x128xf32, #tpu.memory_space<vmem>>, vector<1x16xf32>,
      %get3A_696 = vector.shape_cast %get3A_695 : vector<1x16xf32> to vector<16xf32>
      %add3A_697 = arith.addf %get3A_692, %get3A_696 : vector<16xf32>
      %get3A_698 = arith.index_cast %add3A_601 : i32 to index
      %get3A_699 = arith.constant 64 : index
      %get3A_700 = tpu.vector_load %arg23[%get3A_698, %get3A_699] {strides = array<i32>} : memref<64x128xf32, #tpu.memory_space<vmem>>, vector<1x16xf32>,
      %get3A_701 = vector.shape_cast %get3A_700 : vector<1x16xf32> to vector<16xf32>
      %add3A_702 = arith.addf %add3A_697, %get3A_701 : vector<16xf32>
      %max3A_703 = arith.constant 0.000000e+00 : f32
      %max3A_704 = vector.broadcast %max3A_703 : f32 to vector<16xf32>
      %max3A_705 = arith.maximumf %add3A_702, %max3A_704 : vector<16xf32>
      %swap3A_706 = arith.index_cast %add3A_601 : i32 to index
      %swap3A_707 = arith.constant 64 : index
      %swap3A_708 = tpu.vector_load %arg21[%swap3A_706, %swap3A_707] {strides = array<i32>} : memref<64x128xf32, #tpu.memory_space<vmem>>, vector<1x16xf32>,
      %swap3A_709 = vector.shape_cast %swap3A_708 : vector<1x16xf32> to vector<16xf32>
      %swap3A_710 = vector.shape_cast %max3A_705 : vector<16xf32> to vector<1x16xf32>
      tpu.vector_store %arg21[%swap3A_706, %swap3A_707], %swap3A_710 {strides = array<i32>} : memref<64x128xf32, #tpu.memory_space<vmem>>, vector<1x16xf32>,
      %get3A_711 = arith.index_cast %add3A_601 : i32 to index
      %get3A_712 = arith.constant 80 : index
      %get3A_713 = tpu.vector_load %arg21[%get3A_711, %get3A_712] {strides = array<i32>} : memref<64x128xf32, #tpu.memory_space<vmem>>, vector<1x16xf32>,
      %get3A_714 = vector.shape_cast %get3A_713 : vector<1x16xf32> to vector<16xf32>
      %get3A_715 = arith.index_cast %add3A_601 : i32 to index
      %get3A_716 = arith.constant 80 : index
      %get3A_717 = tpu.vector_load %arg22[%get3A_715, %get3A_716] {strides = array<i32>} : memref<64x128xf32, #tpu.memory_space<vmem>>, vector<1x16xf32>,
      %get3A_718 = vector.shape_cast %get3A_717 : vector<1x16xf32> to vector<16xf32>
      %add3A_719 = arith.addf %get3A_714, %get3A_718 : vector<16xf32>
      %get3A_720 = arith.index_cast %add3A_601 : i32 to index
      %get3A_721 = arith.constant 80 : index
      %get3A_722 = tpu.vector_load %arg23[%get3A_720, %get3A_721] {strides = array<i32>} : memref<64x128xf32, #tpu.memory_space<vmem>>, vector<1x16xf32>,
      %get3A_723 = vector.shape_cast %get3A_722 : vector<1x16xf32> to vector<16xf32>
      %add3A_724 = arith.addf %add3A_719, %get3A_723 : vector<16xf32>
      %max3A_725 = arith.constant 0.000000e+00 : f32
      %max3A_726 = vector.broadcast %max3A_725 : f32 to vector<16xf32>
      %max3A_727 = arith.maximumf %add3A_724, %max3A_726 : vector<16xf32>
      %swap3A_728 = arith.index_cast %add3A_601 : i32 to index
      %swap3A_729 = arith.constant 80 : index
      %swap3A_730 = tpu.vector_load %arg21[%swap3A_728, %swap3A_729] {strides = array<i32>} : memref<64x128xf32, #tpu.memory_space<vmem>>, vector<1x16xf32>,
      %swap3A_731 = vector.shape_cast %swap3A_730 : vector<1x16xf32> to vector<16xf32>
      %swap3A_732 = vector.shape_cast %max3A_727 : vector<16xf32> to vector<1x16xf32>
      tpu.vector_store %arg21[%swap3A_728, %swap3A_729], %swap3A_732 {strides = array<i32>} : memref<64x128xf32, #tpu.memory_space<vmem>>, vector<1x16xf32>,
      %get3A_733 = arith.index_cast %add3A_601 : i32 to index
      %get3A_734 = arith.constant 96 : index
      %get3A_735 = tpu.vector_load %arg21[%get3A_733, %get3A_734] {strides = array<i32>} : memref<64x128xf32, #tpu.memory_space<vmem>>, vector<1x16xf32>,
      %get3A_736 = vector.shape_cast %get3A_735 : vector<1x16xf32> to vector<16xf32>
      %get3A_737 = arith.index_cast %add3A_601 : i32 to index
      %get3A_738 = arith.constant 96 : index
      %get3A_739 = tpu.vector_load %arg22[%get3A_737, %get3A_738] {strides = array<i32>} : memref<64x128xf32, #tpu.memory_space<vmem>>, vector<1x16xf32>,
      %get3A_740 = vector.shape_cast %get3A_739 : vector<1x16xf32> to vector<16xf32>
      %add3A_741 = arith.addf %get3A_736, %get3A_740 : vector<16xf32>
      %get3A_742 = arith.index_cast %add3A_601 : i32 to index
      %get3A_743 = arith.constant 96 : index
      %get3A_744 = tpu.vector_load %arg23[%get3A_742, %get3A_743] {strides = array<i32>} : memref<64x128xf32, #tpu.memory_space<vmem>>, vector<1x16xf32>,
      %get3A_745 = vector.shape_cast %get3A_744 : vector<1x16xf32> to vector<16xf32>
      %add3A_746 = arith.addf %add3A_741, %get3A_745 : vector<16xf32>
      %max3A_747 = arith.constant 0.000000e+00 : f32
      %max3A_748 = vector.broadcast %max3A_747 : f32 to vector<16xf32>
      %max3A_749 = arith.maximumf %add3A_746, %max3A_748 : vector<16xf32>
      %swap3A_750 = arith.index_cast %add3A_601 : i32 to index
      %swap3A_751 = arith.constant 96 : index
      %swap3A_752 = tpu.vector_load %arg21[%swap3A_750, %swap3A_751] {strides = array<i32>} : memref<64x128xf32, #tpu.memory_space<vmem>>, vector<1x16xf32>,
      %swap3A_753 = vector.shape_cast %swap3A_752 : vector<1x16xf32> to vector<16xf32>
      %swap3A_754 = vector.shape_cast %max3A_749 : vector<16xf32> to vector<1x16xf32>
      tpu.vector_store %arg21[%swap3A_750, %swap3A_751], %swap3A_754 {strides = array<i32>} : memref<64x128xf32, #tpu.memory_space<vmem>>, vector<1x16xf32>,
      %get3A_755 = arith.index_cast %add3A_601 : i32 to index
      %get3A_756 = arith.constant 112 : index
      %get3A_757 = tpu.vector_load %arg21[%get3A_755, %get3A_756] {strides = array<i32>} : memref<64x128xf32, #tpu.memory_space<vmem>>, vector<1x16xf32>,
      %get3A_758 = vector.shape_cast %get3A_757 : vector<1x16xf32> to vector<16xf32>
      %get3A_759 = arith.index_cast %add3A_601 : i32 to index
      %get3A_760 = arith.constant 112 : index
      %get3A_761 = tpu.vector_load %arg22[%get3A_759, %get3A_760] {strides = array<i32>} : memref<64x128xf32, #tpu.memory_space<vmem>>, vector<1x16xf32>,
      %get3A_762 = vector.shape_cast %get3A_761 : vector<1x16xf32> to vector<16xf32>
      %add3A_763 = arith.addf %get3A_758, %get3A_762 : vector<16xf32>
      %get3A_764 = arith.index_cast %add3A_601 : i32 to index
      %get3A_765 = arith.constant 112 : index
      %get3A_766 = tpu.vector_load %arg23[%get3A_764, %get3A_765] {strides = array<i32>} : memref<64x128xf32, #tpu.memory_space<vmem>>, vector<1x16xf32>,
      %get3A_767 = vector.shape_cast %get3A_766 : vector<1x16xf32> to vector<16xf32>
      %add3A_768 = arith.addf %add3A_763, %get3A_767 : vector<16xf32>
      %max3A_769 = arith.constant 0.000000e+00 : f32
      %max3A_770 = vector.broadcast %max3A_769 : f32 to vector<16xf32>
      %max3A_771 = arith.maximumf %add3A_768, %max3A_770 : vector<16xf32>
      %swap3A_772 = arith.index_cast %add3A_601 : i32 to index
      %swap3A_773 = arith.constant 112 : index
      %swap3A_774 = tpu.vector_load %arg21[%swap3A_772, %swap3A_773] {strides = array<i32>} : memref<64x128xf32, #tpu.memory_space<vmem>>, vector<1x16xf32>,
      %swap3A_775 = vector.shape_cast %swap3A_774 : vector<1x16xf32> to vector<16xf32>
      %swap3A_776 = vector.shape_cast %max3A_771 : vector<16xf32> to vector<1x16xf32>
      tpu.vector_store %arg21[%swap3A_772, %swap3A_773], %swap3A_776 {strides = array<i32>} : memref<64x128xf32, #tpu.memory_space<vmem>>, vector<1x16xf32>,
    }
    %scan3A_586 = arith.constant 64 : i32
    %run_scoped3A_587 = arith.constant 0 : i32
    %run_scoped3A_588 = arith.constant 0 : i32
    "tpu.region"() ({
      %run_scoped3A_597 = tpu.sem_alloc : memref<!tpu.dma_semaphore, #tpu.memory_space<semaphore_mem>>
      %dma_start3A_598 = arith.constant 0 : i32
      %dma_start3A_599 = tpu.memref_slice %arg20[%run_scoped3A_587, %run_scoped3A_588, %dma_start3A_598] : memref<1x1x64xi32, #tpu.memory_space<vmem>> -> memref<1x1x64xi32, #tpu.memory_space<vmem>>
      %dma_start3A_600 = tpu.memref_squeeze %dma_start3A_599 : memref<1x1x64xi32, #tpu.memory_space<vmem>> -> memref<64xi32, #tpu.memory_space<vmem>>
      %dma_start3A_601 = arith.constant 0 : i32
      %dma_start3A_602 = arith.constant 0 : i32
      %dma_start3A_603 = tpu.memref_slice %arg24[%dma_start3A_601, %dma_start3A_602] : memref<10000x128xf32, #tpu.memory_space<vmem_shared>> -> memref<10000x128xf32, #tpu.memory_space<vmem_shared>>
      tpu.enqueue_indirect_dma source(%arg21 : memref<64x128xf32, #tpu.memory_space<vmem>>) target(%dma_start3A_603 : memref<10000x128xf32, #tpu.memory_space<vmem_shared>>) offsets(%dma_start3A_600 : memref<64xi32, #tpu.memory_space<vmem>>) semaphore(%run_scoped3A_597 : memref<!tpu.dma_semaphore, #tpu.memory_space<semaphore_mem>>) {add = true}
      %dma_wait3A_604 = arith.constant 0 : i32
      %dma_wait3A_605 = tpu.memref_slice %arg20[%run_scoped3A_587, %run_scoped3A_588, %dma_wait3A_604] : memref<1x1x64xi32, #tpu.memory_space<vmem>> -> memref<1x1x64xi32, #tpu.memory_space<vmem>>
      %dma_wait3A_606 = tpu.memref_squeeze %dma_wait3A_605 : memref<1x1x64xi32, #tpu.memory_space<vmem>> -> memref<64xi32, #tpu.memory_space<vmem>>
      %dma_wait3A_607 = arith.constant 0 : i32
      %dma_wait3A_608 = arith.constant 0 : i32
      %dma_wait3A_609 = tpu.memref_slice %arg24[%dma_wait3A_607, %dma_wait3A_608] : memref<10000x128xf32, #tpu.memory_space<vmem_shared>> -> memref<10000x128xf32, #tpu.memory_space<vmem_shared>>
      tpu.wait_indirect_dma semaphore(%run_scoped3A_597 : memref<!tpu.dma_semaphore, #tpu.memory_space<semaphore_mem>>) src(%arg21 : memref<64x128xf32, #tpu.memory_space<vmem>>) dst(%dma_wait3A_609 : memref<10000x128xf32, #tpu.memory_space<vmem_shared>>)
      tpu.yield
    }) : () -> ()
    %lt3A = arith.constant 4 : i32
    %lt3A_589 = arith.cmpi slt, %arg1, %lt3A : i32
    %convert_element_type3A = arith.extui %lt3A_589 : i1 to i32
    %cond3A = arith.constant 0 : i32
    %cond3A_590 = arith.cmpi ne, %convert_element_type3A, %cond3A : i32
    scf.if %cond3A_590 {
      %add3A_597 = arith.constant 156 : i32
      %add3A_598 = arith.addi %add3A_33, %add3A_597 : i32
      %dma_start3A_599 = arith.constant 0 : i32
      %dma_start3A_600 = arith.constant 0 : i32
      %dma_start3A_601 = tpu.memref_slice %arg6[%add3A_598, %dma_start3A_599, %dma_start3A_600] : memref<5000x1x64xi32, #tpu.memory_space<hbm>> -> memref<1x1x64xi32, #tpu.memory_space<hbm>>
      %dma_start3A_602 = arith.constant 0 : i32
      %dma_start3A_603 = arith.constant 0 : i32
      %dma_start3A_604 = tpu.memref_slice %arg6[%add3A_598, %dma_start3A_602, %dma_start3A_603] : memref<5000x1x64xi32, #tpu.memory_space<hbm>> -> memref<1x1x64xi32, #tpu.memory_space<hbm>>
      tpu.enqueue_dma source(%dma_start3A_604 : memref<1x1x64xi32, #tpu.memory_space<hbm>>) target(%arg8 : memref<1x1x64xi32, #tpu.memory_space<vmem>>) target_semaphore(%arg25 : memref<!tpu.dma_semaphore, #tpu.memory_space<semaphore_mem>>)
      %dma_start3A_605 = arith.constant 0 : i32
      %dma_start3A_606 = arith.constant 0 : i32
      %dma_start3A_607 = tpu.memref_slice %arg5[%add3A_598, %dma_start3A_605, %dma_start3A_606] : memref<5000x1x64xi32, #tpu.memory_space<hbm>> -> memref<1x1x64xi32, #tpu.memory_space<hbm>>
      %dma_start3A_608 = arith.constant 0 : i32
      %dma_start3A_609 = arith.constant 0 : i32
      %dma_start3A_610 = tpu.memref_slice %arg5[%add3A_598, %dma_start3A_608, %dma_start3A_609] : memref<5000x1x64xi32, #tpu.memory_space<hbm>> -> memref<1x1x64xi32, #tpu.memory_space<hbm>>
      tpu.enqueue_dma source(%dma_start3A_610 : memref<1x1x64xi32, #tpu.memory_space<hbm>>) target(%arg9 : memref<1x1x64xi32, #tpu.memory_space<vmem>>) target_semaphore(%arg25 : memref<!tpu.dma_semaphore, #tpu.memory_space<semaphore_mem>>)
      %dma_wait3A_611 = arith.constant 0 : i32
      %dma_wait3A_612 = arith.constant 0 : i32
      %dma_wait3A_613 = arith.constant 0 : i32
      %dma_wait3A_614 = tpu.memref_slice %arg6[%dma_wait3A_611, %dma_wait3A_612, %dma_wait3A_613] : memref<5000x1x64xi32, #tpu.memory_space<hbm>> -> memref<1x1x64xi32, #tpu.memory_space<hbm>>
      %dma_wait3A_615 = arith.constant 0 : i32
      %dma_wait3A_616 = arith.constant 0 : i32
      %dma_wait3A_617 = arith.constant 0 : i32
      %dma_wait3A_618 = tpu.memref_slice %arg6[%dma_wait3A_615, %dma_wait3A_616, %dma_wait3A_617] : memref<5000x1x64xi32, #tpu.memory_space<hbm>> -> memref<1x1x64xi32, #tpu.memory_space<hbm>>
      tpu.wait_dma2 semaphore(%arg25 : memref<!tpu.dma_semaphore, #tpu.memory_space<semaphore_mem>>) src(%dma_wait3A_618 : memref<1x1x64xi32, #tpu.memory_space<hbm>>) dst(%arg8 : memref<1x1x64xi32, #tpu.memory_space<vmem>>)
      %dma_wait3A_619 = arith.constant 0 : i32
      %dma_wait3A_620 = arith.constant 0 : i32
      %dma_wait3A_621 = arith.constant 0 : i32
      %dma_wait3A_622 = tpu.memref_slice %arg5[%dma_wait3A_619, %dma_wait3A_620, %dma_wait3A_621] : memref<5000x1x64xi32, #tpu.memory_space<hbm>> -> memref<1x1x64xi32, #tpu.memory_space<hbm>>
      %dma_wait3A_623 = arith.constant 0 : i32
      %dma_wait3A_624 = arith.constant 0 : i32
      %dma_wait3A_625 = arith.constant 0 : i32
      %dma_wait3A_626 = tpu.memref_slice %arg5[%dma_wait3A_623, %dma_wait3A_624, %dma_wait3A_625] : memref<5000x1x64xi32, #tpu.memory_space<hbm>> -> memref<1x1x64xi32, #tpu.memory_space<hbm>>
      tpu.wait_dma2 semaphore(%arg25 : memref<!tpu.dma_semaphore, #tpu.memory_space<semaphore_mem>>) src(%dma_wait3A_626 : memref<1x1x64xi32, #tpu.memory_space<hbm>>) dst(%arg9 : memref<1x1x64xi32, #tpu.memory_space<vmem>>)
      %get3A_627 = arith.constant 0 : i32
      %get3A_628 = arith.constant 0 : i32
      %get3A_629 = arith.index_cast %get3A_627 : i32 to index
      %get3A_630 = arith.index_cast %get3A_628 : i32 to index
      %get3A_631 = arith.constant 0 : index
      %get3A_632 = tpu.vector_load %arg8[%get3A_629, %get3A_630, %get3A_631] {strides = array<i32>} : memref<1x1x64xi32, #tpu.memory_space<vmem>>, vector<1x1x16xi32>,
      %get3A_633 = vector.shape_cast %get3A_632 : vector<1x1x16xi32> to vector<16xi32>
      %swap3A_634 = arith.constant 0 : i32
      %swap3A_635 = arith.constant 0 : i32
      %swap3A_636 = arith.index_cast %swap3A_634 : i32 to index
      %swap3A_637 = arith.index_cast %swap3A_635 : i32 to index
      %swap3A_638 = arith.constant 0 : index
      %swap3A_639 = tpu.vector_load %arg12[%swap3A_636, %swap3A_637, %swap3A_638] {strides = array<i32>} : memref<1x1x64xi32, #tpu.memory_space<vmem>>, vector<1x1x16xi32>,
      %swap3A_640 = vector.shape_cast %swap3A_639 : vector<1x1x16xi32> to vector<16xi32>
      %swap3A_641 = vector.shape_cast %get3A_633 : vector<16xi32> to vector<1x1x16xi32>
      tpu.vector_store %arg12[%swap3A_636, %swap3A_637, %swap3A_638], %swap3A_641 {strides = array<i32>} : memref<1x1x64xi32, #tpu.memory_space<vmem>>, vector<1x1x16xi32>,
      %get3A_642 = arith.constant 0 : i32
      %get3A_643 = arith.constant 0 : i32
      %get3A_644 = arith.index_cast %get3A_642 : i32 to index
      %get3A_645 = arith.index_cast %get3A_643 : i32 to index
      %get3A_646 = arith.constant 0 : index
      %get3A_647 = tpu.vector_load %arg8[%get3A_644, %get3A_645, %get3A_646] {strides = array<i32>} : memref<1x1x64xi32, #tpu.memory_space<vmem>>, vector<1x1x16xi32>,
      %get3A_648 = vector.shape_cast %get3A_647 : vector<1x1x16xi32> to vector<16xi32>
      %add3A_649 = vector.broadcast %mul3A_0 : i32 to vector<16xi32>
      %add3A_650 = arith.addi %get3A_648, %add3A_649 : vector<16xi32>
      %swap3A_651 = arith.constant 0 : i32
      %swap3A_652 = arith.constant 0 : i32
      %swap3A_653 = arith.index_cast %swap3A_651 : i32 to index
      %swap3A_654 = arith.index_cast %swap3A_652 : i32 to index
      %swap3A_655 = arith.constant 0 : index
      %swap3A_656 = tpu.vector_load %arg11[%swap3A_653, %swap3A_654, %swap3A_655] {strides = array<i32>} : memref<1x1x64xi32, #tpu.memory_space<vmem>>, vector<1x1x16xi32>,
      %swap3A_657 = vector.shape_cast %swap3A_656 : vector<1x1x16xi32> to vector<16xi32>
      %swap3A_658 = vector.shape_cast %add3A_650 : vector<16xi32> to vector<1x1x16xi32>
      tpu.vector_store %arg11[%swap3A_653, %swap3A_654, %swap3A_655], %swap3A_658 {strides = array<i32>} : memref<1x1x64xi32, #tpu.memory_space<vmem>>, vector<1x1x16xi32>,
      %get3A_659 = arith.constant 0 : i32
      %get3A_660 = arith.constant 0 : i32
      %get3A_661 = arith.index_cast %get3A_659 : i32 to index
      %get3A_662 = arith.index_cast %get3A_660 : i32 to index
      %get3A_663 = arith.constant 0 : index
      %get3A_664 = tpu.vector_load %arg9[%get3A_661, %get3A_662, %get3A_663] {strides = array<i32>} : memref<1x1x64xi32, #tpu.memory_space<vmem>>, vector<1x1x16xi32>,
      %get3A_665 = vector.shape_cast %get3A_664 : vector<1x1x16xi32> to vector<16xi32>
      %add3A_666 = vector.broadcast %mul3A_0 : i32 to vector<16xi32>
      %add3A_667 = arith.addi %get3A_665, %add3A_666 : vector<16xi32>
      %swap3A_668 = arith.constant 0 : i32
      %swap3A_669 = arith.constant 0 : i32
      %swap3A_670 = arith.index_cast %swap3A_668 : i32 to index
      %swap3A_671 = arith.index_cast %swap3A_669 : i32 to index
      %swap3A_672 = arith.constant 0 : index
      %swap3A_673 = tpu.vector_load %arg10[%swap3A_670, %swap3A_671, %swap3A_672] {strides = array<i32>} : memref<1x1x64xi32, #tpu.memory_space<vmem>>, vector<1x1x16xi32>,
      %swap3A_674 = vector.shape_cast %swap3A_673 : vector<1x1x16xi32> to vector<16xi32>
      %swap3A_675 = vector.shape_cast %add3A_667 : vector<16xi32> to vector<1x1x16xi32>
      tpu.vector_store %arg10[%swap3A_670, %swap3A_671, %swap3A_672], %swap3A_675 {strides = array<i32>} : memref<1x1x64xi32, #tpu.memory_space<vmem>>, vector<1x1x16xi32>,
      %get3A_676 = arith.constant 0 : i32
      %get3A_677 = arith.constant 0 : i32
      %get3A_678 = arith.index_cast %get3A_676 : i32 to index
      %get3A_679 = arith.index_cast %get3A_677 : i32 to index
      %get3A_680 = arith.constant 16 : index
      %get3A_681 = tpu.vector_load %arg8[%get3A_678, %get3A_679, %get3A_680] {strides = array<i32>} : memref<1x1x64xi32, #tpu.memory_space<vmem>>, vector<1x1x16xi32>,
      %get3A_682 = vector.shape_cast %get3A_681 : vector<1x1x16xi32> to vector<16xi32>
      %swap3A_683 = arith.constant 0 : i32
      %swap3A_684 = arith.constant 0 : i32
      %swap3A_685 = arith.index_cast %swap3A_683 : i32 to index
      %swap3A_686 = arith.index_cast %swap3A_684 : i32 to index
      %swap3A_687 = arith.constant 16 : index
      %swap3A_688 = tpu.vector_load %arg12[%swap3A_685, %swap3A_686, %swap3A_687] {strides = array<i32>} : memref<1x1x64xi32, #tpu.memory_space<vmem>>, vector<1x1x16xi32>,
      %swap3A_689 = vector.shape_cast %swap3A_688 : vector<1x1x16xi32> to vector<16xi32>
      %swap3A_690 = vector.shape_cast %get3A_682 : vector<16xi32> to vector<1x1x16xi32>
      tpu.vector_store %arg12[%swap3A_685, %swap3A_686, %swap3A_687], %swap3A_690 {strides = array<i32>} : memref<1x1x64xi32, #tpu.memory_space<vmem>>, vector<1x1x16xi32>,
      %get3A_691 = arith.constant 0 : i32
      %get3A_692 = arith.constant 0 : i32
      %get3A_693 = arith.index_cast %get3A_691 : i32 to index
      %get3A_694 = arith.index_cast %get3A_692 : i32 to index
      %get3A_695 = arith.constant 16 : index
      %get3A_696 = tpu.vector_load %arg8[%get3A_693, %get3A_694, %get3A_695] {strides = array<i32>} : memref<1x1x64xi32, #tpu.memory_space<vmem>>, vector<1x1x16xi32>,
      %get3A_697 = vector.shape_cast %get3A_696 : vector<1x1x16xi32> to vector<16xi32>
      %add3A_698 = vector.broadcast %mul3A_0 : i32 to vector<16xi32>
      %add3A_699 = arith.addi %get3A_697, %add3A_698 : vector<16xi32>
      %swap3A_700 = arith.constant 0 : i32
      %swap3A_701 = arith.constant 0 : i32
      %swap3A_702 = arith.index_cast %swap3A_700 : i32 to index
      %swap3A_703 = arith.index_cast %swap3A_701 : i32 to index
      %swap3A_704 = arith.constant 16 : index
      %swap3A_705 = tpu.vector_load %arg11[%swap3A_702, %swap3A_703, %swap3A_704] {strides = array<i32>} : memref<1x1x64xi32, #tpu.memory_space<vmem>>, vector<1x1x16xi32>,
      %swap3A_706 = vector.shape_cast %swap3A_705 : vector<1x1x16xi32> to vector<16xi32>
      %swap3A_707 = vector.shape_cast %add3A_699 : vector<16xi32> to vector<1x1x16xi32>
      tpu.vector_store %arg11[%swap3A_702, %swap3A_703, %swap3A_704], %swap3A_707 {strides = array<i32>} : memref<1x1x64xi32, #tpu.memory_space<vmem>>, vector<1x1x16xi32>,
      %get3A_708 = arith.constant 0 : i32
      %get3A_709 = arith.constant 0 : i32
      %get3A_710 = arith.index_cast %get3A_708 : i32 to index
      %get3A_711 = arith.index_cast %get3A_709 : i32 to index
      %get3A_712 = arith.constant 16 : index
      %get3A_713 = tpu.vector_load %arg9[%get3A_710, %get3A_711, %get3A_712] {strides = array<i32>} : memref<1x1x64xi32, #tpu.memory_space<vmem>>, vector<1x1x16xi32>,
      %get3A_714 = vector.shape_cast %get3A_713 : vector<1x1x16xi32> to vector<16xi32>
      %add3A_715 = vector.broadcast %mul3A_0 : i32 to vector<16xi32>
      %add3A_716 = arith.addi %get3A_714, %add3A_715 : vector<16xi32>
      %swap3A_717 = arith.constant 0 : i32
      %swap3A_718 = arith.constant 0 : i32
      %swap3A_719 = arith.index_cast %swap3A_717 : i32 to index
      %swap3A_720 = arith.index_cast %swap3A_718 : i32 to index
      %swap3A_721 = arith.constant 16 : index
      %swap3A_722 = tpu.vector_load %arg10[%swap3A_719, %swap3A_720, %swap3A_721] {strides = array<i32>} : memref<1x1x64xi32, #tpu.memory_space<vmem>>, vector<1x1x16xi32>,
      %swap3A_723 = vector.shape_cast %swap3A_722 : vector<1x1x16xi32> to vector<16xi32>
      %swap3A_724 = vector.shape_cast %add3A_716 : vector<16xi32> to vector<1x1x16xi32>
      tpu.vector_store %arg10[%swap3A_719, %swap3A_720, %swap3A_721], %swap3A_724 {strides = array<i32>} : memref<1x1x64xi32, #tpu.memory_space<vmem>>, vector<1x1x16xi32>,
      %get3A_725 = arith.constant 0 : i32
      %get3A_726 = arith.constant 0 : i32
      %get3A_727 = arith.index_cast %get3A_725 : i32 to index
      %get3A_728 = arith.index_cast %get3A_726 : i32 to index
      %get3A_729 = arith.constant 32 : index
      %get3A_730 = tpu.vector_load %arg8[%get3A_727, %get3A_728, %get3A_729] {strides = array<i32>} : memref<1x1x64xi32, #tpu.memory_space<vmem>>, vector<1x1x16xi32>,
      %get3A_731 = vector.shape_cast %get3A_730 : vector<1x1x16xi32> to vector<16xi32>
      %swap3A_732 = arith.constant 0 : i32
      %swap3A_733 = arith.constant 0 : i32
      %swap3A_734 = arith.index_cast %swap3A_732 : i32 to index
      %swap3A_735 = arith.index_cast %swap3A_733 : i32 to index
      %swap3A_736 = arith.constant 32 : index
      %swap3A_737 = tpu.vector_load %arg12[%swap3A_734, %swap3A_735, %swap3A_736] {strides = array<i32>} : memref<1x1x64xi32, #tpu.memory_space<vmem>>, vector<1x1x16xi32>,
      %swap3A_738 = vector.shape_cast %swap3A_737 : vector<1x1x16xi32> to vector<16xi32>
      %swap3A_739 = vector.shape_cast %get3A_731 : vector<16xi32> to vector<1x1x16xi32>
      tpu.vector_store %arg12[%swap3A_734, %swap3A_735, %swap3A_736], %swap3A_739 {strides = array<i32>} : memref<1x1x64xi32, #tpu.memory_space<vmem>>, vector<1x1x16xi32>,
      %get3A_740 = arith.constant 0 : i32
      %get3A_741 = arith.constant 0 : i32
      %get3A_742 = arith.index_cast %get3A_740 : i32 to index
      %get3A_743 = arith.index_cast %get3A_741 : i32 to index
      %get3A_744 = arith.constant 32 : index
      %get3A_745 = tpu.vector_load %arg8[%get3A_742, %get3A_743, %get3A_744] {strides = array<i32>} : memref<1x1x64xi32, #tpu.memory_space<vmem>>, vector<1x1x16xi32>,
      %get3A_746 = vector.shape_cast %get3A_745 : vector<1x1x16xi32> to vector<16xi32>
      %add3A_747 = vector.broadcast %mul3A_0 : i32 to vector<16xi32>
      %add3A_748 = arith.addi %get3A_746, %add3A_747 : vector<16xi32>
      %swap3A_749 = arith.constant 0 : i32
      %swap3A_750 = arith.constant 0 : i32
      %swap3A_751 = arith.index_cast %swap3A_749 : i32 to index
      %swap3A_752 = arith.index_cast %swap3A_750 : i32 to index
      %swap3A_753 = arith.constant 32 : index
      %swap3A_754 = tpu.vector_load %arg11[%swap3A_751, %swap3A_752, %swap3A_753] {strides = array<i32>} : memref<1x1x64xi32, #tpu.memory_space<vmem>>, vector<1x1x16xi32>,
      %swap3A_755 = vector.shape_cast %swap3A_754 : vector<1x1x16xi32> to vector<16xi32>
      %swap3A_756 = vector.shape_cast %add3A_748 : vector<16xi32> to vector<1x1x16xi32>
      tpu.vector_store %arg11[%swap3A_751, %swap3A_752, %swap3A_753], %swap3A_756 {strides = array<i32>} : memref<1x1x64xi32, #tpu.memory_space<vmem>>, vector<1x1x16xi32>,
      %get3A_757 = arith.constant 0 : i32
      %get3A_758 = arith.constant 0 : i32
      %get3A_759 = arith.index_cast %get3A_757 : i32 to index
      %get3A_760 = arith.index_cast %get3A_758 : i32 to index
      %get3A_761 = arith.constant 32 : index
      %get3A_762 = tpu.vector_load %arg9[%get3A_759, %get3A_760, %get3A_761] {strides = array<i32>} : memref<1x1x64xi32, #tpu.memory_space<vmem>>, vector<1x1x16xi32>,
      %get3A_763 = vector.shape_cast %get3A_762 : vector<1x1x16xi32> to vector<16xi32>
      %add3A_764 = vector.broadcast %mul3A_0 : i32 to vector<16xi32>
      %add3A_765 = arith.addi %get3A_763, %add3A_764 : vector<16xi32>
      %swap3A_766 = arith.constant 0 : i32
      %swap3A_767 = arith.constant 0 : i32
      %swap3A_768 = arith.index_cast %swap3A_766 : i32 to index
      %swap3A_769 = arith.index_cast %swap3A_767 : i32 to index
      %swap3A_770 = arith.constant 32 : index
      %swap3A_771 = tpu.vector_load %arg10[%swap3A_768, %swap3A_769, %swap3A_770] {strides = array<i32>} : memref<1x1x64xi32, #tpu.memory_space<vmem>>, vector<1x1x16xi32>,
      %swap3A_772 = vector.shape_cast %swap3A_771 : vector<1x1x16xi32> to vector<16xi32>
      %swap3A_773 = vector.shape_cast %add3A_765 : vector<16xi32> to vector<1x1x16xi32>
      tpu.vector_store %arg10[%swap3A_768, %swap3A_769, %swap3A_770], %swap3A_773 {strides = array<i32>} : memref<1x1x64xi32, #tpu.memory_space<vmem>>, vector<1x1x16xi32>,
      %get3A_774 = arith.constant 0 : i32
      %get3A_775 = arith.constant 0 : i32
      %get3A_776 = arith.index_cast %get3A_774 : i32 to index
      %get3A_777 = arith.index_cast %get3A_775 : i32 to index
      %get3A_778 = arith.constant 48 : index
      %get3A_779 = tpu.vector_load %arg8[%get3A_776, %get3A_777, %get3A_778] {strides = array<i32>} : memref<1x1x64xi32, #tpu.memory_space<vmem>>, vector<1x1x16xi32>,
      %get3A_780 = vector.shape_cast %get3A_779 : vector<1x1x16xi32> to vector<16xi32>
      %swap3A_781 = arith.constant 0 : i32
      %swap3A_782 = arith.constant 0 : i32
      %swap3A_783 = arith.index_cast %swap3A_781 : i32 to index
      %swap3A_784 = arith.index_cast %swap3A_782 : i32 to index
      %swap3A_785 = arith.constant 48 : index
      %swap3A_786 = tpu.vector_load %arg12[%swap3A_783, %swap3A_784, %swap3A_785] {strides = array<i32>} : memref<1x1x64xi32, #tpu.memory_space<vmem>>, vector<1x1x16xi32>,
      %swap3A_787 = vector.shape_cast %swap3A_786 : vector<1x1x16xi32> to vector<16xi32>
      %swap3A_788 = vector.shape_cast %get3A_780 : vector<16xi32> to vector<1x1x16xi32>
      tpu.vector_store %arg12[%swap3A_783, %swap3A_784, %swap3A_785], %swap3A_788 {strides = array<i32>} : memref<1x1x64xi32, #tpu.memory_space<vmem>>, vector<1x1x16xi32>,
      %get3A_789 = arith.constant 0 : i32
      %get3A_790 = arith.constant 0 : i32
      %get3A_791 = arith.index_cast %get3A_789 : i32 to index
      %get3A_792 = arith.index_cast %get3A_790 : i32 to index
      %get3A_793 = arith.constant 48 : index
      %get3A_794 = tpu.vector_load %arg8[%get3A_791, %get3A_792, %get3A_793] {strides = array<i32>} : memref<1x1x64xi32, #tpu.memory_space<vmem>>, vector<1x1x16xi32>,
      %get3A_795 = vector.shape_cast %get3A_794 : vector<1x1x16xi32> to vector<16xi32>
      %add3A_796 = vector.broadcast %mul3A_0 : i32 to vector<16xi32>
      %add3A_797 = arith.addi %get3A_795, %add3A_796 : vector<16xi32>
      %swap3A_798 = arith.constant 0 : i32
      %swap3A_799 = arith.constant 0 : i32
      %swap3A_800 = arith.index_cast %swap3A_798 : i32 to index
      %swap3A_801 = arith.index_cast %swap3A_799 : i32 to index
      %swap3A_802 = arith.constant 48 : index
      %swap3A_803 = tpu.vector_load %arg11[%swap3A_800, %swap3A_801, %swap3A_802] {strides = array<i32>} : memref<1x1x64xi32, #tpu.memory_space<vmem>>, vector<1x1x16xi32>,
      %swap3A_804 = vector.shape_cast %swap3A_803 : vector<1x1x16xi32> to vector<16xi32>
      %swap3A_805 = vector.shape_cast %add3A_797 : vector<16xi32> to vector<1x1x16xi32>
      tpu.vector_store %arg11[%swap3A_800, %swap3A_801, %swap3A_802], %swap3A_805 {strides = array<i32>} : memref<1x1x64xi32, #tpu.memory_space<vmem>>, vector<1x1x16xi32>,
      %get3A_806 = arith.constant 0 : i32
      %get3A_807 = arith.constant 0 : i32
      %get3A_808 = arith.index_cast %get3A_806 : i32 to index
      %get3A_809 = arith.index_cast %get3A_807 : i32 to index
      %get3A_810 = arith.constant 48 : index
      %get3A_811 = tpu.vector_load %arg9[%get3A_808, %get3A_809, %get3A_810] {strides = array<i32>} : memref<1x1x64xi32, #tpu.memory_space<vmem>>, vector<1x1x16xi32>,
      %get3A_812 = vector.shape_cast %get3A_811 : vector<1x1x16xi32> to vector<16xi32>
      %add3A_813 = vector.broadcast %mul3A_0 : i32 to vector<16xi32>
      %add3A_814 = arith.addi %get3A_812, %add3A_813 : vector<16xi32>
      %swap3A_815 = arith.constant 0 : i32
      %swap3A_816 = arith.constant 0 : i32
      %swap3A_817 = arith.index_cast %swap3A_815 : i32 to index
      %swap3A_818 = arith.index_cast %swap3A_816 : i32 to index
      %swap3A_819 = arith.constant 48 : index
      %swap3A_820 = tpu.vector_load %arg10[%swap3A_817, %swap3A_818, %swap3A_819] {strides = array<i32>} : memref<1x1x64xi32, #tpu.memory_space<vmem>>, vector<1x1x16xi32>,
      %swap3A_821 = vector.shape_cast %swap3A_820 : vector<1x1x16xi32> to vector<16xi32>
      %swap3A_822 = vector.shape_cast %add3A_814 : vector<16xi32> to vector<1x1x16xi32>
      tpu.vector_store %arg10[%swap3A_817, %swap3A_818, %swap3A_819], %swap3A_822 {strides = array<i32>} : memref<1x1x64xi32, #tpu.memory_space<vmem>>, vector<1x1x16xi32>,
      %dma_start3A_823 = arith.constant 0 : i32
      %dma_start3A_824 = arith.constant 0 : i32
      %dma_start3A_825 = arith.constant 0 : i32
      %dma_start3A_826 = tpu.memref_slice %arg11[%dma_start3A_823, %dma_start3A_824, %dma_start3A_825] : memref<1x1x64xi32, #tpu.memory_space<vmem>> -> memref<1x1x64xi32, #tpu.memory_space<vmem>>
      %dma_start3A_827 = tpu.memref_squeeze %dma_start3A_826 : memref<1x1x64xi32, #tpu.memory_space<vmem>> -> memref<64xi32, #tpu.memory_space<vmem>>
      %dma_start3A_828 = arith.constant 0 : i32
      %dma_start3A_829 = arith.constant 0 : i32
      %dma_start3A_830 = tpu.memref_slice %arg2[%dma_start3A_828, %dma_start3A_829] : memref<20000x128xf32, #tpu.memory_space<hbm>> -> memref<20000x128xf32, #tpu.memory_space<hbm>>
      tpu.enqueue_indirect_dma source(%dma_start3A_830 : memref<20000x128xf32, #tpu.memory_space<hbm>>) target(%arg13 : memref<64x128xf32, #tpu.memory_space<vmem>>) offsets(%dma_start3A_827 : memref<64xi32, #tpu.memory_space<vmem>>) semaphore(%arg27 : memref<!tpu.dma_semaphore, #tpu.memory_space<semaphore_mem>>)
      %dma_start3A_831 = arith.constant 0 : i32
      %dma_start3A_832 = arith.constant 0 : i32
      %dma_start3A_833 = arith.constant 0 : i32
      %dma_start3A_834 = tpu.memref_slice %arg10[%dma_start3A_831, %dma_start3A_832, %dma_start3A_833] : memref<1x1x64xi32, #tpu.memory_space<vmem>> -> memref<1x1x64xi32, #tpu.memory_space<vmem>>
      %dma_start3A_835 = tpu.memref_squeeze %dma_start3A_834 : memref<1x1x64xi32, #tpu.memory_space<vmem>> -> memref<64xi32, #tpu.memory_space<vmem>>
      %dma_start3A_836 = arith.constant 0 : i32
      %dma_start3A_837 = arith.constant 0 : i32
      %dma_start3A_838 = tpu.memref_slice %arg3[%dma_start3A_836, %dma_start3A_837] : memref<20000x128xf32, #tpu.memory_space<hbm>> -> memref<20000x128xf32, #tpu.memory_space<hbm>>
      tpu.enqueue_indirect_dma source(%dma_start3A_838 : memref<20000x128xf32, #tpu.memory_space<hbm>>) target(%arg14 : memref<64x128xf32, #tpu.memory_space<vmem>>) offsets(%dma_start3A_835 : memref<64xi32, #tpu.memory_space<vmem>>) semaphore(%arg27 : memref<!tpu.dma_semaphore, #tpu.memory_space<semaphore_mem>>)
      %mul3A_839 = arith.constant 64 : i32
      %mul3A_840 = arith.muli %add3A_598, %mul3A_839 : i32
      %dma_start3A_841 = arith.constant 0 : i32
      %dma_start3A_842 = tpu.memref_slice %arg4[%mul3A_840, %dma_start3A_841] : memref<320000x128xf32, #tpu.memory_space<hbm>> -> memref<64x128xf32, #tpu.memory_space<hbm>>
      %dma_start3A_843 = arith.constant 0 : i32
      %dma_start3A_844 = tpu.memref_slice %arg4[%mul3A_840, %dma_start3A_843] : memref<320000x128xf32, #tpu.memory_space<hbm>> -> memref<64x128xf32, #tpu.memory_space<hbm>>
      tpu.enqueue_dma source(%dma_start3A_844 : memref<64x128xf32, #tpu.memory_space<hbm>>) target(%arg15 : memref<64x128xf32, #tpu.memory_space<vmem>>) target_semaphore(%arg27 : memref<!tpu.dma_semaphore, #tpu.memory_space<semaphore_mem>>)
      %dma_wait3A_845 = arith.constant 0 : i32
      %dma_wait3A_846 = arith.constant 0 : i32
      %dma_wait3A_847 = arith.constant 0 : i32
      %dma_wait3A_848 = tpu.memref_slice %arg11[%dma_wait3A_845, %dma_wait3A_846, %dma_wait3A_847] : memref<1x1x64xi32, #tpu.memory_space<vmem>> -> memref<1x1x64xi32, #tpu.memory_space<vmem>>
      %dma_wait3A_849 = tpu.memref_squeeze %dma_wait3A_848 : memref<1x1x64xi32, #tpu.memory_space<vmem>> -> memref<64xi32, #tpu.memory_space<vmem>>
      %dma_wait3A_850 = arith.constant 0 : i32
      %dma_wait3A_851 = arith.constant 0 : i32
      %dma_wait3A_852 = tpu.memref_slice %arg2[%dma_wait3A_850, %dma_wait3A_851] : memref<20000x128xf32, #tpu.memory_space<hbm>> -> memref<20000x128xf32, #tpu.memory_space<hbm>>
      tpu.wait_indirect_dma semaphore(%arg27 : memref<!tpu.dma_semaphore, #tpu.memory_space<semaphore_mem>>) src(%dma_wait3A_852 : memref<20000x128xf32, #tpu.memory_space<hbm>>) dst(%arg13 : memref<64x128xf32, #tpu.memory_space<vmem>>)
      %dma_wait3A_853 = arith.constant 0 : i32
      %dma_wait3A_854 = arith.constant 0 : i32
      %dma_wait3A_855 = arith.constant 0 : i32
      %dma_wait3A_856 = tpu.memref_slice %arg10[%dma_wait3A_853, %dma_wait3A_854, %dma_wait3A_855] : memref<1x1x64xi32, #tpu.memory_space<vmem>> -> memref<1x1x64xi32, #tpu.memory_space<vmem>>
      %dma_wait3A_857 = tpu.memref_squeeze %dma_wait3A_856 : memref<1x1x64xi32, #tpu.memory_space<vmem>> -> memref<64xi32, #tpu.memory_space<vmem>>
      %dma_wait3A_858 = arith.constant 0 : i32
      %dma_wait3A_859 = arith.constant 0 : i32
      %dma_wait3A_860 = tpu.memref_slice %arg3[%dma_wait3A_858, %dma_wait3A_859] : memref<20000x128xf32, #tpu.memory_space<hbm>> -> memref<20000x128xf32, #tpu.memory_space<hbm>>
      tpu.wait_indirect_dma semaphore(%arg27 : memref<!tpu.dma_semaphore, #tpu.memory_space<semaphore_mem>>) src(%dma_wait3A_860 : memref<20000x128xf32, #tpu.memory_space<hbm>>) dst(%arg14 : memref<64x128xf32, #tpu.memory_space<vmem>>)
      %dma_wait3A_861 = arith.constant 0 : i32
      %dma_wait3A_862 = arith.constant 0 : i32
      %dma_wait3A_863 = tpu.memref_slice %arg4[%dma_wait3A_861, %dma_wait3A_862] : memref<320000x128xf32, #tpu.memory_space<hbm>> -> memref<64x128xf32, #tpu.memory_space<hbm>>
      %dma_wait3A_864 = arith.constant 0 : i32
      %dma_wait3A_865 = arith.constant 0 : i32
      %dma_wait3A_866 = tpu.memref_slice %arg4[%dma_wait3A_864, %dma_wait3A_865] : memref<320000x128xf32, #tpu.memory_space<hbm>> -> memref<64x128xf32, #tpu.memory_space<hbm>>
      tpu.wait_dma2 semaphore(%arg27 : memref<!tpu.dma_semaphore, #tpu.memory_space<semaphore_mem>>) src(%dma_wait3A_866 : memref<64x128xf32, #tpu.memory_space<hbm>>) dst(%arg15 : memref<64x128xf32, #tpu.memory_space<vmem>>)
      %scan3A_867 = arith.constant 0 : i32
      %scan3A_868 = arith.constant 64 : i32
      %scan3A_869 = arith.addi %scan3A_867, %scan3A_868 : i32
      %scan3A_870 = arith.constant 1 : i32
      scf.for %scan3A_874 = %scan3A_867 to %scan3A_869 step %scan3A_870  : i32 {
        %mul3A_875 = arith.constant 1 : i32
        %mul3A_876 = arith.muli %scan3A_874, %mul3A_875 : i32
        %add3A_877 = arith.constant 0 : i32
        %add3A_878 = arith.addi %add3A_877, %mul3A_876 : i32
        %get3A_879 = arith.index_cast %add3A_878 : i32 to index
        %get3A_880 = arith.constant 0 : index
        %get3A_881 = tpu.vector_load %arg13[%get3A_879, %get3A_880] {strides = array<i32>} : memref<64x128xf32, #tpu.memory_space<vmem>>, vector<1x16xf32>,
        %get3A_882 = vector.shape_cast %get3A_881 : vector<1x16xf32> to vector<16xf32>
        %get3A_883 = arith.index_cast %add3A_878 : i32 to index
        %get3A_884 = arith.constant 0 : index
        %get3A_885 = tpu.vector_load %arg14[%get3A_883, %get3A_884] {strides = array<i32>} : memref<64x128xf32, #tpu.memory_space<vmem>>, vector<1x16xf32>,
        %get3A_886 = vector.shape_cast %get3A_885 : vector<1x16xf32> to vector<16xf32>
        %add3A_887 = arith.addf %get3A_882, %get3A_886 : vector<16xf32>
        %get3A_888 = arith.index_cast %add3A_878 : i32 to index
        %get3A_889 = arith.constant 0 : index
        %get3A_890 = tpu.vector_load %arg15[%get3A_888, %get3A_889] {strides = array<i32>} : memref<64x128xf32, #tpu.memory_space<vmem>>, vector<1x16xf32>,
        %get3A_891 = vector.shape_cast %get3A_890 : vector<1x16xf32> to vector<16xf32>
        %add3A_892 = arith.addf %add3A_887, %get3A_891 : vector<16xf32>
        %max3A = arith.constant 0.000000e+00 : f32
        %max3A_893 = vector.broadcast %max3A : f32 to vector<16xf32>
        %max3A_894 = arith.maximumf %add3A_892, %max3A_893 : vector<16xf32>
        %swap3A_895 = arith.index_cast %add3A_878 : i32 to index
        %swap3A_896 = arith.constant 0 : index
        %swap3A_897 = tpu.vector_load %arg13[%swap3A_895, %swap3A_896] {strides = array<i32>} : memref<64x128xf32, #tpu.memory_space<vmem>>, vector<1x16xf32>,
        %swap3A_898 = vector.shape_cast %swap3A_897 : vector<1x16xf32> to vector<16xf32>
        %swap3A_899 = vector.shape_cast %max3A_894 : vector<16xf32> to vector<1x16xf32>
        tpu.vector_store %arg13[%swap3A_895, %swap3A_896], %swap3A_899 {strides = array<i32>} : memref<64x128xf32, #tpu.memory_space<vmem>>, vector<1x16xf32>,
        %get3A_900 = arith.index_cast %add3A_878 : i32 to index
        %get3A_901 = arith.constant 16 : index
        %get3A_902 = tpu.vector_load %arg13[%get3A_900, %get3A_901] {strides = array<i32>} : memref<64x128xf32, #tpu.memory_space<vmem>>, vector<1x16xf32>,
        %get3A_903 = vector.shape_cast %get3A_902 : vector<1x16xf32> to vector<16xf32>
        %get3A_904 = arith.index_cast %add3A_878 : i32 to index
        %get3A_905 = arith.constant 16 : index
        %get3A_906 = tpu.vector_load %arg14[%get3A_904, %get3A_905] {strides = array<i32>} : memref<64x128xf32, #tpu.memory_space<vmem>>, vector<1x16xf32>,
        %get3A_907 = vector.shape_cast %get3A_906 : vector<1x16xf32> to vector<16xf32>
        %add3A_908 = arith.addf %get3A_903, %get3A_907 : vector<16xf32>
        %get3A_909 = arith.index_cast %add3A_878 : i32 to index
        %get3A_910 = arith.constant 16 : index
        %get3A_911 = tpu.vector_load %arg15[%get3A_909, %get3A_910] {strides = array<i32>} : memref<64x128xf32, #tpu.memory_space<vmem>>, vector<1x16xf32>,
        %get3A_912 = vector.shape_cast %get3A_911 : vector<1x16xf32> to vector<16xf32>
        %add3A_913 = arith.addf %add3A_908, %get3A_912 : vector<16xf32>
        %max3A_914 = arith.constant 0.000000e+00 : f32
        %max3A_915 = vector.broadcast %max3A_914 : f32 to vector<16xf32>
        %max3A_916 = arith.maximumf %add3A_913, %max3A_915 : vector<16xf32>
        %swap3A_917 = arith.index_cast %add3A_878 : i32 to index
        %swap3A_918 = arith.constant 16 : index
        %swap3A_919 = tpu.vector_load %arg13[%swap3A_917, %swap3A_918] {strides = array<i32>} : memref<64x128xf32, #tpu.memory_space<vmem>>, vector<1x16xf32>,
        %swap3A_920 = vector.shape_cast %swap3A_919 : vector<1x16xf32> to vector<16xf32>
        %swap3A_921 = vector.shape_cast %max3A_916 : vector<16xf32> to vector<1x16xf32>
        tpu.vector_store %arg13[%swap3A_917, %swap3A_918], %swap3A_921 {strides = array<i32>} : memref<64x128xf32, #tpu.memory_space<vmem>>, vector<1x16xf32>,
        %get3A_922 = arith.index_cast %add3A_878 : i32 to index
        %get3A_923 = arith.constant 32 : index
        %get3A_924 = tpu.vector_load %arg13[%get3A_922, %get3A_923] {strides = array<i32>} : memref<64x128xf32, #tpu.memory_space<vmem>>, vector<1x16xf32>,
        %get3A_925 = vector.shape_cast %get3A_924 : vector<1x16xf32> to vector<16xf32>
        %get3A_926 = arith.index_cast %add3A_878 : i32 to index
        %get3A_927 = arith.constant 32 : index
        %get3A_928 = tpu.vector_load %arg14[%get3A_926, %get3A_927] {strides = array<i32>} : memref<64x128xf32, #tpu.memory_space<vmem>>, vector<1x16xf32>,
        %get3A_929 = vector.shape_cast %get3A_928 : vector<1x16xf32> to vector<16xf32>
        %add3A_930 = arith.addf %get3A_925, %get3A_929 : vector<16xf32>
        %get3A_931 = arith.index_cast %add3A_878 : i32 to index
        %get3A_932 = arith.constant 32 : index
        %get3A_933 = tpu.vector_load %arg15[%get3A_931, %get3A_932] {strides = array<i32>} : memref<64x128xf32, #tpu.memory_space<vmem>>, vector<1x16xf32>,
        %get3A_934 = vector.shape_cast %get3A_933 : vector<1x16xf32> to vector<16xf32>
        %add3A_935 = arith.addf %add3A_930, %get3A_934 : vector<16xf32>
        %max3A_936 = arith.constant 0.000000e+00 : f32
        %max3A_937 = vector.broadcast %max3A_936 : f32 to vector<16xf32>
        %max3A_938 = arith.maximumf %add3A_935, %max3A_937 : vector<16xf32>
        %swap3A_939 = arith.index_cast %add3A_878 : i32 to index
        %swap3A_940 = arith.constant 32 : index
        %swap3A_941 = tpu.vector_load %arg13[%swap3A_939, %swap3A_940] {strides = array<i32>} : memref<64x128xf32, #tpu.memory_space<vmem>>, vector<1x16xf32>,
        %swap3A_942 = vector.shape_cast %swap3A_941 : vector<1x16xf32> to vector<16xf32>
        %swap3A_943 = vector.shape_cast %max3A_938 : vector<16xf32> to vector<1x16xf32>
        tpu.vector_store %arg13[%swap3A_939, %swap3A_940], %swap3A_943 {strides = array<i32>} : memref<64x128xf32, #tpu.memory_space<vmem>>, vector<1x16xf32>,
        %get3A_944 = arith.index_cast %add3A_878 : i32 to index
        %get3A_945 = arith.constant 48 : index
        %get3A_946 = tpu.vector_load %arg13[%get3A_944, %get3A_945] {strides = array<i32>} : memref<64x128xf32, #tpu.memory_space<vmem>>, vector<1x16xf32>,
        %get3A_947 = vector.shape_cast %get3A_946 : vector<1x16xf32> to vector<16xf32>
        %get3A_948 = arith.index_cast %add3A_878 : i32 to index
        %get3A_949 = arith.constant 48 : index
        %get3A_950 = tpu.vector_load %arg14[%get3A_948, %get3A_949] {strides = array<i32>} : memref<64x128xf32, #tpu.memory_space<vmem>>, vector<1x16xf32>,
        %get3A_951 = vector.shape_cast %get3A_950 : vector<1x16xf32> to vector<16xf32>
        %add3A_952 = arith.addf %get3A_947, %get3A_951 : vector<16xf32>
        %get3A_953 = arith.index_cast %add3A_878 : i32 to index
        %get3A_954 = arith.constant 48 : index
        %get3A_955 = tpu.vector_load %arg15[%get3A_953, %get3A_954] {strides = array<i32>} : memref<64x128xf32, #tpu.memory_space<vmem>>, vector<1x16xf32>,
        %get3A_956 = vector.shape_cast %get3A_955 : vector<1x16xf32> to vector<16xf32>
        %add3A_957 = arith.addf %add3A_952, %get3A_956 : vector<16xf32>
        %max3A_958 = arith.constant 0.000000e+00 : f32
        %max3A_959 = vector.broadcast %max3A_958 : f32 to vector<16xf32>
        %max3A_960 = arith.maximumf %add3A_957, %max3A_959 : vector<16xf32>
        %swap3A_961 = arith.index_cast %add3A_878 : i32 to index
        %swap3A_962 = arith.constant 48 : index
        %swap3A_963 = tpu.vector_load %arg13[%swap3A_961, %swap3A_962] {strides = array<i32>} : memref<64x128xf32, #tpu.memory_space<vmem>>, vector<1x16xf32>,
        %swap3A_964 = vector.shape_cast %swap3A_963 : vector<1x16xf32> to vector<16xf32>
        %swap3A_965 = vector.shape_cast %max3A_960 : vector<16xf32> to vector<1x16xf32>
        tpu.vector_store %arg13[%swap3A_961, %swap3A_962], %swap3A_965 {strides = array<i32>} : memref<64x128xf32, #tpu.memory_space<vmem>>, vector<1x16xf32>,
        %get3A_966 = arith.index_cast %add3A_878 : i32 to index
        %get3A_967 = arith.constant 64 : index
        %get3A_968 = tpu.vector_load %arg13[%get3A_966, %get3A_967] {strides = array<i32>} : memref<64x128xf32, #tpu.memory_space<vmem>>, vector<1x16xf32>,
        %get3A_969 = vector.shape_cast %get3A_968 : vector<1x16xf32> to vector<16xf32>
        %get3A_970 = arith.index_cast %add3A_878 : i32 to index
        %get3A_971 = arith.constant 64 : index
        %get3A_972 = tpu.vector_load %arg14[%get3A_970, %get3A_971] {strides = array<i32>} : memref<64x128xf32, #tpu.memory_space<vmem>>, vector<1x16xf32>,
        %get3A_973 = vector.shape_cast %get3A_972 : vector<1x16xf32> to vector<16xf32>
        %add3A_974 = arith.addf %get3A_969, %get3A_973 : vector<16xf32>
        %get3A_975 = arith.index_cast %add3A_878 : i32 to index
        %get3A_976 = arith.constant 64 : index
        %get3A_977 = tpu.vector_load %arg15[%get3A_975, %get3A_976] {strides = array<i32>} : memref<64x128xf32, #tpu.memory_space<vmem>>, vector<1x16xf32>,
        %get3A_978 = vector.shape_cast %get3A_977 : vector<1x16xf32> to vector<16xf32>
        %add3A_979 = arith.addf %add3A_974, %get3A_978 : vector<16xf32>
        %max3A_980 = arith.constant 0.000000e+00 : f32
        %max3A_981 = vector.broadcast %max3A_980 : f32 to vector<16xf32>
        %max3A_982 = arith.maximumf %add3A_979, %max3A_981 : vector<16xf32>
        %swap3A_983 = arith.index_cast %add3A_878 : i32 to index
        %swap3A_984 = arith.constant 64 : index
        %swap3A_985 = tpu.vector_load %arg13[%swap3A_983, %swap3A_984] {strides = array<i32>} : memref<64x128xf32, #tpu.memory_space<vmem>>, vector<1x16xf32>,
        %swap3A_986 = vector.shape_cast %swap3A_985 : vector<1x16xf32> to vector<16xf32>
        %swap3A_987 = vector.shape_cast %max3A_982 : vector<16xf32> to vector<1x16xf32>
        tpu.vector_store %arg13[%swap3A_983, %swap3A_984], %swap3A_987 {strides = array<i32>} : memref<64x128xf32, #tpu.memory_space<vmem>>, vector<1x16xf32>,
        %get3A_988 = arith.index_cast %add3A_878 : i32 to index
        %get3A_989 = arith.constant 80 : index
        %get3A_990 = tpu.vector_load %arg13[%get3A_988, %get3A_989] {strides = array<i32>} : memref<64x128xf32, #tpu.memory_space<vmem>>, vector<1x16xf32>,
        %get3A_991 = vector.shape_cast %get3A_990 : vector<1x16xf32> to vector<16xf32>
        %get3A_992 = arith.index_cast %add3A_878 : i32 to index
        %get3A_993 = arith.constant 80 : index
        %get3A_994 = tpu.vector_load %arg14[%get3A_992, %get3A_993] {strides = array<i32>} : memref<64x128xf32, #tpu.memory_space<vmem>>, vector<1x16xf32>,
        %get3A_995 = vector.shape_cast %get3A_994 : vector<1x16xf32> to vector<16xf32>
        %add3A_996 = arith.addf %get3A_991, %get3A_995 : vector<16xf32>
        %get3A_997 = arith.index_cast %add3A_878 : i32 to index
        %get3A_998 = arith.constant 80 : index
        %get3A_999 = tpu.vector_load %arg15[%get3A_997, %get3A_998] {strides = array<i32>} : memref<64x128xf32, #tpu.memory_space<vmem>>, vector<1x16xf32>,
        %get3A_1000 = vector.shape_cast %get3A_999 : vector<1x16xf32> to vector<16xf32>
        %add3A_1001 = arith.addf %add3A_996, %get3A_1000 : vector<16xf32>
        %max3A_1002 = arith.constant 0.000000e+00 : f32
        %max3A_1003 = vector.broadcast %max3A_1002 : f32 to vector<16xf32>
        %max3A_1004 = arith.maximumf %add3A_1001, %max3A_1003 : vector<16xf32>
        %swap3A_1005 = arith.index_cast %add3A_878 : i32 to index
        %swap3A_1006 = arith.constant 80 : index
        %swap3A_1007 = tpu.vector_load %arg13[%swap3A_1005, %swap3A_1006] {strides = array<i32>} : memref<64x128xf32, #tpu.memory_space<vmem>>, vector<1x16xf32>,
        %swap3A_1008 = vector.shape_cast %swap3A_1007 : vector<1x16xf32> to vector<16xf32>
        %swap3A_1009 = vector.shape_cast %max3A_1004 : vector<16xf32> to vector<1x16xf32>
        tpu.vector_store %arg13[%swap3A_1005, %swap3A_1006], %swap3A_1009 {strides = array<i32>} : memref<64x128xf32, #tpu.memory_space<vmem>>, vector<1x16xf32>,
        %get3A_1010 = arith.index_cast %add3A_878 : i32 to index
        %get3A_1011 = arith.constant 96 : index
        %get3A_1012 = tpu.vector_load %arg13[%get3A_1010, %get3A_1011] {strides = array<i32>} : memref<64x128xf32, #tpu.memory_space<vmem>>, vector<1x16xf32>,
        %get3A_1013 = vector.shape_cast %get3A_1012 : vector<1x16xf32> to vector<16xf32>
        %get3A_1014 = arith.index_cast %add3A_878 : i32 to index
        %get3A_1015 = arith.constant 96 : index
        %get3A_1016 = tpu.vector_load %arg14[%get3A_1014, %get3A_1015] {strides = array<i32>} : memref<64x128xf32, #tpu.memory_space<vmem>>, vector<1x16xf32>,
        %get3A_1017 = vector.shape_cast %get3A_1016 : vector<1x16xf32> to vector<16xf32>
        %add3A_1018 = arith.addf %get3A_1013, %get3A_1017 : vector<16xf32>
        %get3A_1019 = arith.index_cast %add3A_878 : i32 to index
        %get3A_1020 = arith.constant 96 : index
        %get3A_1021 = tpu.vector_load %arg15[%get3A_1019, %get3A_1020] {strides = array<i32>} : memref<64x128xf32, #tpu.memory_space<vmem>>, vector<1x16xf32>,
        %get3A_1022 = vector.shape_cast %get3A_1021 : vector<1x16xf32> to vector<16xf32>
        %add3A_1023 = arith.addf %add3A_1018, %get3A_1022 : vector<16xf32>
        %max3A_1024 = arith.constant 0.000000e+00 : f32
        %max3A_1025 = vector.broadcast %max3A_1024 : f32 to vector<16xf32>
        %max3A_1026 = arith.maximumf %add3A_1023, %max3A_1025 : vector<16xf32>
        %swap3A_1027 = arith.index_cast %add3A_878 : i32 to index
        %swap3A_1028 = arith.constant 96 : index
        %swap3A_1029 = tpu.vector_load %arg13[%swap3A_1027, %swap3A_1028] {strides = array<i32>} : memref<64x128xf32, #tpu.memory_space<vmem>>, vector<1x16xf32>,
        %swap3A_1030 = vector.shape_cast %swap3A_1029 : vector<1x16xf32> to vector<16xf32>
        %swap3A_1031 = vector.shape_cast %max3A_1026 : vector<16xf32> to vector<1x16xf32>
        tpu.vector_store %arg13[%swap3A_1027, %swap3A_1028], %swap3A_1031 {strides = array<i32>} : memref<64x128xf32, #tpu.memory_space<vmem>>, vector<1x16xf32>,
        %get3A_1032 = arith.index_cast %add3A_878 : i32 to index
        %get3A_1033 = arith.constant 112 : index
        %get3A_1034 = tpu.vector_load %arg13[%get3A_1032, %get3A_1033] {strides = array<i32>} : memref<64x128xf32, #tpu.memory_space<vmem>>, vector<1x16xf32>,
        %get3A_1035 = vector.shape_cast %get3A_1034 : vector<1x16xf32> to vector<16xf32>
        %get3A_1036 = arith.index_cast %add3A_878 : i32 to index
        %get3A_1037 = arith.constant 112 : index
        %get3A_1038 = tpu.vector_load %arg14[%get3A_1036, %get3A_1037] {strides = array<i32>} : memref<64x128xf32, #tpu.memory_space<vmem>>, vector<1x16xf32>,
        %get3A_1039 = vector.shape_cast %get3A_1038 : vector<1x16xf32> to vector<16xf32>
        %add3A_1040 = arith.addf %get3A_1035, %get3A_1039 : vector<16xf32>
        %get3A_1041 = arith.index_cast %add3A_878 : i32 to index
        %get3A_1042 = arith.constant 112 : index
        %get3A_1043 = tpu.vector_load %arg15[%get3A_1041, %get3A_1042] {strides = array<i32>} : memref<64x128xf32, #tpu.memory_space<vmem>>, vector<1x16xf32>,
        %get3A_1044 = vector.shape_cast %get3A_1043 : vector<1x16xf32> to vector<16xf32>
        %add3A_1045 = arith.addf %add3A_1040, %get3A_1044 : vector<16xf32>
        %max3A_1046 = arith.constant 0.000000e+00 : f32
        %max3A_1047 = vector.broadcast %max3A_1046 : f32 to vector<16xf32>
        %max3A_1048 = arith.maximumf %add3A_1045, %max3A_1047 : vector<16xf32>
        %swap3A_1049 = arith.index_cast %add3A_878 : i32 to index
        %swap3A_1050 = arith.constant 112 : index
        %swap3A_1051 = tpu.vector_load %arg13[%swap3A_1049, %swap3A_1050] {strides = array<i32>} : memref<64x128xf32, #tpu.memory_space<vmem>>, vector<1x16xf32>,
        %swap3A_1052 = vector.shape_cast %swap3A_1051 : vector<1x16xf32> to vector<16xf32>
        %swap3A_1053 = vector.shape_cast %max3A_1048 : vector<16xf32> to vector<1x16xf32>
        tpu.vector_store %arg13[%swap3A_1049, %swap3A_1050], %swap3A_1053 {strides = array<i32>} : memref<64x128xf32, #tpu.memory_space<vmem>>, vector<1x16xf32>,
      }
      %scan3A_871 = arith.constant 64 : i32
      %run_scoped3A_872 = arith.constant 0 : i32
      %run_scoped3A_873 = arith.constant 0 : i32
      "tpu.region"() ({
        %run_scoped3A_874 = tpu.sem_alloc : memref<!tpu.dma_semaphore, #tpu.memory_space<semaphore_mem>>
        %dma_start3A_875 = arith.constant 0 : i32
        %dma_start3A_876 = tpu.memref_slice %arg12[%run_scoped3A_872, %run_scoped3A_873, %dma_start3A_875] : memref<1x1x64xi32, #tpu.memory_space<vmem>> -> memref<1x1x64xi32, #tpu.memory_space<vmem>>
        %dma_start3A_877 = tpu.memref_squeeze %dma_start3A_876 : memref<1x1x64xi32, #tpu.memory_space<vmem>> -> memref<64xi32, #tpu.memory_space<vmem>>
        %dma_start3A_878 = arith.constant 0 : i32
        %dma_start3A_879 = arith.constant 0 : i32
        %dma_start3A_880 = tpu.memref_slice %arg24[%dma_start3A_878, %dma_start3A_879] : memref<10000x128xf32, #tpu.memory_space<vmem_shared>> -> memref<10000x128xf32, #tpu.memory_space<vmem_shared>>
        tpu.enqueue_indirect_dma source(%arg13 : memref<64x128xf32, #tpu.memory_space<vmem>>) target(%dma_start3A_880 : memref<10000x128xf32, #tpu.memory_space<vmem_shared>>) offsets(%dma_start3A_877 : memref<64xi32, #tpu.memory_space<vmem>>) semaphore(%run_scoped3A_874 : memref<!tpu.dma_semaphore, #tpu.memory_space<semaphore_mem>>) {add = true}
        %dma_wait3A_881 = arith.constant 0 : i32
        %dma_wait3A_882 = tpu.memref_slice %arg12[%run_scoped3A_872, %run_scoped3A_873, %dma_wait3A_881] : memref<1x1x64xi32, #tpu.memory_space<vmem>> -> memref<1x1x64xi32, #tpu.memory_space<vmem>>
        %dma_wait3A_883 = tpu.memref_squeeze %dma_wait3A_882 : memref<1x1x64xi32, #tpu.memory_space<vmem>> -> memref<64xi32, #tpu.memory_space<vmem>>
        %dma_wait3A_884 = arith.constant 0 : i32
        %dma_wait3A_885 = arith.constant 0 : i32
        %dma_wait3A_886 = tpu.memref_slice %arg24[%dma_wait3A_884, %dma_wait3A_885] : memref<10000x128xf32, #tpu.memory_space<vmem_shared>> -> memref<10000x128xf32, #tpu.memory_space<vmem_shared>>
        tpu.wait_indirect_dma semaphore(%run_scoped3A_874 : memref<!tpu.dma_semaphore, #tpu.memory_space<semaphore_mem>>) src(%arg13 : memref<64x128xf32, #tpu.memory_space<vmem>>) dst(%dma_wait3A_886 : memref<10000x128xf32, #tpu.memory_space<vmem_shared>>)
        tpu.yield
      }) : () -> ()
    } else {
    }
    %barrier3A_591 = arith.constant 0 : index
    tpu.barrier barrier_id(%barrier3A_591)
    %lt3A_592 = arith.constant 10 : i32
    %lt3A_593 = arith.cmpi slt, %arg1, %lt3A_592 : i32
    %convert_element_type3A_594 = arith.extui %lt3A_593 : i1 to i32
    %cond3A_595 = arith.constant 0 : i32
    %cond3A_596 = arith.cmpi ne, %convert_element_type3A_594, %cond3A_595 : i32
    scf.if %cond3A_596 {
      %mul3A_597 = arith.constant 1000 : i32
      %mul3A_598 = arith.muli %arg1, %mul3A_597 : i32
      %mul3A_599 = arith.constant 10000 : i32
      %mul3A_600 = arith.muli %arg0, %mul3A_599 : i32
      %mul3A_601 = arith.constant 1000 : i32
      %mul3A_602 = arith.muli %arg1, %mul3A_601 : i32
      %add3A_603 = arith.addi %mul3A_600, %mul3A_602 : i32
      "tpu.region"() ({
        %run_scoped3A_604 = tpu.sem_alloc : memref<!tpu.dma_semaphore, #tpu.memory_space<semaphore_mem>>
        %dma_start3A_605 = arith.constant 0 : i32
        %dma_start3A_606 = tpu.memref_slice %arg7[%add3A_603, %dma_start3A_605] : memref<20000x128xf32, #tpu.memory_space<hbm>> -> memref<1000x128xf32, #tpu.memory_space<hbm>>
        %dma_start3A_607 = arith.constant 0 : i32
        %dma_start3A_608 = tpu.memref_slice %arg24[%mul3A_598, %dma_start3A_607] : memref<10000x128xf32, #tpu.memory_space<vmem_shared>> -> memref<1000x128xf32, #tpu.memory_space<vmem_shared>>
        tpu.enqueue_dma source(%dma_start3A_608 : memref<1000x128xf32, #tpu.memory_space<vmem_shared>>) target(%dma_start3A_606 : memref<1000x128xf32, #tpu.memory_space<hbm>>) target_semaphore(%run_scoped3A_604 : memref<!tpu.dma_semaphore, #tpu.memory_space<semaphore_mem>>)
        %dma_wait3A_609 = arith.constant 0 : i32
        %dma_wait3A_610 = tpu.memref_slice %arg7[%add3A_603, %dma_wait3A_609] : memref<20000x128xf32, #tpu.memory_space<hbm>> -> memref<1000x128xf32, #tpu.memory_space<hbm>>
        %dma_wait3A_611 = arith.constant 0 : i32
        %dma_wait3A_612 = tpu.memref_slice %arg24[%mul3A_598, %dma_wait3A_611] : memref<10000x128xf32, #tpu.memory_space<vmem_shared>> -> memref<1000x128xf32, #tpu.memory_space<vmem_shared>>
        tpu.wait_dma2 semaphore(%run_scoped3A_604 : memref<!tpu.dma_semaphore, #tpu.memory_space<semaphore_mem>>) src(%dma_wait3A_612 : memref<1000x128xf32, #tpu.memory_space<vmem_shared>>) dst(%dma_wait3A_610 : memref<1000x128xf32, #tpu.memory_space<hbm>>)
        tpu.yield
      }) : () -> ()
    } else {
    }
    return
  }
}

module attributes {stable_mosaic.version = 14 : i64} {
  func.func @_ea_body(%arg0: i32, %arg1: i32, %arg2: memref<1x2000x16xf32, #tpu.memory_space<vmem>>, %arg3: memref<1x16x128xf32, #tpu.memory_space<vmem>>, %arg4: memref<1x2000x128xf32, #tpu.memory_space<vmem>>) attributes {dimension_semantics = [#tpu.dimension_semantics<arbitrary>, #tpu.dimension_semantics<arbitrary>], iteration_bounds = array<i64: 2, 80>, scalar_prefetch = 0 : i64, scratch_operands = 0 : i64, tpu.core_type = #tpu.core_type<tc>, window_params = [{transform_indices = @transform_0, window_bounds = array<i64: 1, 2000, 16>}, {transform_indices = @transform_1, window_bounds = array<i64: 1, 16, 128>}, {transform_indices = @transform_2, window_bounds = array<i64: 1, 2000, 128>}]} {
    %get3A = arith.constant 0 : index
    %get3A_0 = arith.constant 0 : index
    %get3A_1 = arith.constant 0 : index
    %get3A_2 = vector.load %arg2[%get3A, %get3A_0, %get3A_1] : memref<1x2000x16xf32, #tpu.memory_space<vmem>>, vector<1x2000x16xf32>
    %get3A_3 = vector.shape_cast %get3A_2 : vector<1x2000x16xf32> to vector<2000x16xf32>
    %get3A_4 = arith.constant 0 : index
    %get3A_5 = arith.constant 0 : index
    %get3A_6 = arith.constant 0 : index
    %get3A_7 = vector.load %arg3[%get3A_4, %get3A_5, %get3A_6] : memref<1x16x128xf32, #tpu.memory_space<vmem>>, vector<1x16x128xf32>
    %get3A_8 = vector.shape_cast %get3A_7 : vector<1x16x128xf32> to vector<16x128xf32>
    %dot_general3A = arith.constant dense<0.000000e+00> : vector<2000x128xf32>
    %dot_general3A_9 = tpu.matmul %get3A_3, %get3A_8, %dot_general3A {dimension_numbers = #tpu.dot_dimension_numbers<[1], [0], [0], [1], [0, 0, 1, 1], [], []>, transpose_lhs_hint = false} : vector<2000x16xf32>, vector<16x128xf32>, vector<2000x128xf32> -> vector<2000x128xf32>
    %swap3A = arith.constant 0 : index
    %swap3A_10 = arith.constant 0 : index
    %swap3A_11 = arith.constant 0 : index
    %swap3A_12 = vector.load %arg4[%swap3A, %swap3A_10, %swap3A_11] : memref<1x2000x128xf32, #tpu.memory_space<vmem>>, vector<1x2000x128xf32>
    %swap3A_13 = vector.shape_cast %swap3A_12 : vector<1x2000x128xf32> to vector<2000x128xf32>
    %swap3A_14 = vector.shape_cast %dot_general3A_9 : vector<2000x128xf32> to vector<1x2000x128xf32>
    tpu.vector_store %arg4[%swap3A, %swap3A_10, %swap3A_11], %swap3A_14 {strides = array<i32>} : memref<1x2000x128xf32, #tpu.memory_space<vmem>>, vector<1x2000x128xf32>,
    return
  }
  func.func @transform_0(%arg0: i32, %arg1: i32) -> (i32, i32, i32) {
    %c0_i32 = arith.constant 0 : i32
    %c0_i32_0 = arith.constant 0 : i32
    return %arg0, %arg1, %c0_i32 : i32, i32, i32
  }
  func.func @transform_1(%arg0: i32, %arg1: i32) -> (i32, i32, i32) {
    %c0_i32 = arith.constant 0 : i32
    %c0_i32_0 = arith.constant 0 : i32
    %c0_i32_1 = arith.constant 0 : i32
    return %arg0, %c0_i32, %c0_i32_0 : i32, i32, i32
  }
  func.func @transform_2(%arg0: i32, %arg1: i32) -> (i32, i32, i32) {
    %c0_i32 = arith.constant 0 : i32
    %c0_i32_0 = arith.constant 0 : i32
    return %arg0, %arg1, %c0_i32 : i32, i32, i32
  }
}

module attributes {stable_mosaic.version = 14 : i64} {
  func.func @_tables_body(%arg0: i32, %arg1: i32, %arg2: memref<2000x128xf32, #tpu.memory_space<vmem>>, %arg3: memref<1x128x128xf32, #tpu.memory_space<vmem>>, %arg4: memref<1x128x128xf32, #tpu.memory_space<vmem>>, %arg5: memref<1x1x128xf32, #tpu.memory_space<vmem>>, %arg6: memref<1x2000x128xf32, #tpu.memory_space<vmem>>, %arg7: memref<1x2000x128xf32, #tpu.memory_space<vmem>>) attributes {dimension_semantics = [#tpu.dimension_semantics<arbitrary>, #tpu.dimension_semantics<arbitrary>], iteration_bounds = array<i64: 2, 5>, scalar_prefetch = 0 : i64, scratch_operands = 0 : i64, tpu.core_type = #tpu.core_type<tc>, window_params = [{transform_indices = @transform_0, window_bounds = array<i64: 2000, 128>}, {transform_indices = @transform_1, window_bounds = array<i64: 1, 128, 128>}, {transform_indices = @transform_2, window_bounds = array<i64: 1, 128, 128>}, {transform_indices = @transform_3, window_bounds = array<i64: 1, 1, 128>}, {transform_indices = @transform_4, window_bounds = array<i64: 1, 2000, 128>}, {transform_indices = @transform_5, window_bounds = array<i64: 1, 2000, 128>}]} {
    %get3A = arith.constant 0 : index
    %get3A_0 = arith.constant 0 : index
    %get3A_1 = vector.load %arg2[%get3A, %get3A_0] : memref<2000x128xf32, #tpu.memory_space<vmem>>, vector<2000x128xf32>
    %get3A_2 = arith.constant 0 : index
    %get3A_3 = arith.constant 0 : index
    %get3A_4 = arith.constant 0 : index
    %get3A_5 = vector.load %arg3[%get3A_2, %get3A_3, %get3A_4] : memref<1x128x128xf32, #tpu.memory_space<vmem>>, vector<1x128x128xf32>
    %get3A_6 = vector.shape_cast %get3A_5 : vector<1x128x128xf32> to vector<128x128xf32>
    %dot_general3A = arith.constant dense<0.000000e+00> : vector<2000x128xf32>
    %dot_general3A_7 = tpu.matmul %get3A_1, %get3A_6, %dot_general3A {dimension_numbers = #tpu.dot_dimension_numbers<[1], [0], [0], [1], [0, 0, 1, 1], [], []>, transpose_lhs_hint = false} : vector<2000x128xf32>, vector<128x128xf32>, vector<2000x128xf32> -> vector<2000x128xf32>
    %get3A_8 = arith.constant 0 : index
    %get3A_9 = arith.constant 0 : index
    %get3A_10 = arith.constant 0 : index
    %get3A_11 = vector.load %arg5[%get3A_8, %get3A_9, %get3A_10] : memref<1x1x128xf32, #tpu.memory_space<vmem>>, vector<1x1x128xf32>
    %get3A_12 = vector.shape_cast %get3A_11 : vector<1x1x128xf32> to vector<1x128xf32>
    %add3A = vector.broadcast %get3A_12 : vector<1x128xf32> to vector<2000x128xf32>
    %add3A_13 = arith.addf %dot_general3A_7, %add3A : vector<2000x128xf32>
    %swap3A = arith.constant 0 : index
    %swap3A_14 = arith.constant 0 : index
    %swap3A_15 = arith.constant 0 : index
    %swap3A_16 = vector.load %arg6[%swap3A, %swap3A_14, %swap3A_15] : memref<1x2000x128xf32, #tpu.memory_space<vmem>>, vector<1x2000x128xf32>
    %swap3A_17 = vector.shape_cast %swap3A_16 : vector<1x2000x128xf32> to vector<2000x128xf32>
    %swap3A_18 = vector.shape_cast %add3A_13 : vector<2000x128xf32> to vector<1x2000x128xf32>
    tpu.vector_store %arg6[%swap3A, %swap3A_14, %swap3A_15], %swap3A_18 {strides = array<i32>} : memref<1x2000x128xf32, #tpu.memory_space<vmem>>, vector<1x2000x128xf32>,
    %get3A_19 = arith.constant 0 : index
    %get3A_20 = arith.constant 0 : index
    %get3A_21 = arith.constant 0 : index
    %get3A_22 = vector.load %arg4[%get3A_19, %get3A_20, %get3A_21] : memref<1x128x128xf32, #tpu.memory_space<vmem>>, vector<1x128x128xf32>
    %get3A_23 = vector.shape_cast %get3A_22 : vector<1x128x128xf32> to vector<128x128xf32>
    %dot_general3A_24 = arith.constant dense<0.000000e+00> : vector<2000x128xf32>
    %dot_general3A_25 = tpu.matmul %get3A_1, %get3A_23, %dot_general3A_24 {dimension_numbers = #tpu.dot_dimension_numbers<[1], [0], [0], [1], [0, 0, 1, 1], [], []>, transpose_lhs_hint = false} : vector<2000x128xf32>, vector<128x128xf32>, vector<2000x128xf32> -> vector<2000x128xf32>
    %swap3A_26 = arith.constant 0 : index
    %swap3A_27 = arith.constant 0 : index
    %swap3A_28 = arith.constant 0 : index
    %swap3A_29 = vector.load %arg7[%swap3A_26, %swap3A_27, %swap3A_28] : memref<1x2000x128xf32, #tpu.memory_space<vmem>>, vector<1x2000x128xf32>
    %swap3A_30 = vector.shape_cast %swap3A_29 : vector<1x2000x128xf32> to vector<2000x128xf32>
    %swap3A_31 = vector.shape_cast %dot_general3A_25 : vector<2000x128xf32> to vector<1x2000x128xf32>
    tpu.vector_store %arg7[%swap3A_26, %swap3A_27, %swap3A_28], %swap3A_31 {strides = array<i32>} : memref<1x2000x128xf32, #tpu.memory_space<vmem>>, vector<1x2000x128xf32>,
    return
  }
  func.func @transform_0(%arg0: i32, %arg1: i32) -> (i32, i32) {
    %c0_i32 = arith.constant 0 : i32
    %c0_i32_0 = arith.constant 0 : i32
    return %arg1, %c0_i32 : i32, i32
  }
  func.func @transform_1(%arg0: i32, %arg1: i32) -> (i32, i32, i32) {
    %c0_i32 = arith.constant 0 : i32
    %c0_i32_0 = arith.constant 0 : i32
    %c0_i32_1 = arith.constant 0 : i32
    return %arg0, %c0_i32, %c0_i32_0 : i32, i32, i32
  }
  func.func @transform_2(%arg0: i32, %arg1: i32) -> (i32, i32, i32) {
    %c0_i32 = arith.constant 0 : i32
    %c0_i32_0 = arith.constant 0 : i32
    %c0_i32_1 = arith.constant 0 : i32
    return %arg0, %c0_i32, %c0_i32_0 : i32, i32, i32
  }
  func.func @transform_3(%arg0: i32, %arg1: i32) -> (i32, i32, i32) {
    %c0_i32 = arith.constant 0 : i32
    %c0_i32_0 = arith.constant 0 : i32
    %c0_i32_1 = arith.constant 0 : i32
    return %arg0, %c0_i32, %c0_i32_0 : i32, i32, i32
  }
  func.func @transform_4(%arg0: i32, %arg1: i32) -> (i32, i32, i32) {
    %c0_i32 = arith.constant 0 : i32
    %c0_i32_0 = arith.constant 0 : i32
    return %arg0, %arg1, %c0_i32 : i32, i32, i32
  }
  func.func @transform_5(%arg0: i32, %arg1: i32) -> (i32, i32, i32) {
    %c0_i32 = arith.constant 0 : i32
    %c0_i32_0 = arith.constant 0 : i32
    return %arg0, %arg1, %c0_i32 : i32, i32, i32
  }
}

module attributes {stable_mosaic.version = 14 : i64} {
  func.func @_final_body(%arg0: i32, %arg1: memref<2x2000x128xf32, #tpu.memory_space<vmem>>, %arg2: memref<2000x128xf32, #tpu.memory_space<vmem>>, %arg3: memref<128x128xf32, #tpu.memory_space<vmem>>, %arg4: memref<1x128xf32, #tpu.memory_space<vmem>>, %arg5: memref<128x128xf32, #tpu.memory_space<vmem>>, %arg6: memref<1x128xf32, #tpu.memory_space<vmem>>, %arg7: memref<2000x128xf32, #tpu.memory_space<vmem>>) attributes {dimension_semantics = [#tpu.dimension_semantics<arbitrary>], iteration_bounds = array<i64: 5>, scalar_prefetch = 0 : i64, scratch_operands = 0 : i64, tpu.core_type = #tpu.core_type<tc>, window_params = [{transform_indices = @transform_0, window_bounds = array<i64: 2, 2000, 128>}, {transform_indices = @transform_1, window_bounds = array<i64: 2000, 128>}, {pipeline_mode = #tpu.pipeline_mode<synchronous>, transform_indices = @transform_2, window_bounds = array<i64: 128, 128>}, {pipeline_mode = #tpu.pipeline_mode<synchronous>, transform_indices = @transform_3, window_bounds = array<i64: 1, 128>}, {pipeline_mode = #tpu.pipeline_mode<synchronous>, transform_indices = @transform_4, window_bounds = array<i64: 128, 128>}, {pipeline_mode = #tpu.pipeline_mode<synchronous>, transform_indices = @transform_5, window_bounds = array<i64: 1, 128>}, {transform_indices = @transform_6, window_bounds = array<i64: 2000, 128>}]} {
    %get3A = arith.constant 0 : index
    %get3A_0 = arith.constant 0 : index
    %get3A_1 = arith.constant 0 : index
    %get3A_2 = vector.load %arg1[%get3A, %get3A_0, %get3A_1] : memref<2x2000x128xf32, #tpu.memory_space<vmem>>, vector<1x2000x128xf32>
    %get3A_3 = vector.shape_cast %get3A_2 : vector<1x2000x128xf32> to vector<2000x128xf32>
    %get3A_4 = arith.constant 1 : index
    %get3A_5 = arith.constant 0 : index
    %get3A_6 = arith.constant 0 : index
    %get3A_7 = vector.load %arg1[%get3A_4, %get3A_5, %get3A_6] : memref<2x2000x128xf32, #tpu.memory_space<vmem>>, vector<1x2000x128xf32>
    %get3A_8 = vector.shape_cast %get3A_7 : vector<1x2000x128xf32> to vector<2000x128xf32>
    %add3A = arith.addf %get3A_3, %get3A_8 : vector<2000x128xf32>
    %get3A_9 = arith.constant 0 : index
    %get3A_10 = arith.constant 0 : index
    %get3A_11 = vector.load %arg2[%get3A_9, %get3A_10] : memref<2000x128xf32, #tpu.memory_space<vmem>>, vector<2000x128xf32>
    %add3A_12 = arith.addf %add3A, %get3A_11 : vector<2000x128xf32>
    %get3A_13 = arith.constant 0 : index
    %get3A_14 = arith.constant 0 : index
    %get3A_15 = vector.load %arg3[%get3A_13, %get3A_14] : memref<128x128xf32, #tpu.memory_space<vmem>>, vector<128x128xf32>
    %dot_general3A = arith.constant dense<0.000000e+00> : vector<2000x128xf32>
    %dot_general3A_16 = tpu.matmul %add3A_12, %get3A_15, %dot_general3A {dimension_numbers = #tpu.dot_dimension_numbers<[1], [0], [0], [1], [0, 0, 1, 1], [], []>, transpose_lhs_hint = false} : vector<2000x128xf32>, vector<128x128xf32>, vector<2000x128xf32> -> vector<2000x128xf32>
    %get3A_17 = arith.constant 0 : index
    %get3A_18 = arith.constant 0 : index
    %get3A_19 = vector.load %arg4[%get3A_17, %get3A_18] : memref<1x128xf32, #tpu.memory_space<vmem>>, vector<1x128xf32>
    %add3A_20 = vector.broadcast %get3A_19 : vector<1x128xf32> to vector<2000x128xf32>
    %add3A_21 = arith.addf %dot_general3A_16, %add3A_20 : vector<2000x128xf32>
    %max3A = arith.constant 0.000000e+00 : f32
    %max3A_22 = vector.broadcast %max3A : f32 to vector<2000x128xf32>
    %max3A_23 = arith.maximumf %add3A_21, %max3A_22 : vector<2000x128xf32>
    %get3A_24 = arith.constant 0 : index
    %get3A_25 = arith.constant 0 : index
    %get3A_26 = vector.load %arg5[%get3A_24, %get3A_25] : memref<128x128xf32, #tpu.memory_space<vmem>>, vector<128x128xf32>
    %dot_general3A_27 = arith.constant dense<0.000000e+00> : vector<2000x128xf32>
    %dot_general3A_28 = tpu.matmul %max3A_23, %get3A_26, %dot_general3A_27 {dimension_numbers = #tpu.dot_dimension_numbers<[1], [0], [0], [1], [0, 0, 1, 1], [], []>, transpose_lhs_hint = false} : vector<2000x128xf32>, vector<128x128xf32>, vector<2000x128xf32> -> vector<2000x128xf32>
    %get3A_29 = arith.constant 0 : index
    %get3A_30 = arith.constant 0 : index
    %get3A_31 = vector.load %arg6[%get3A_29, %get3A_30] : memref<1x128xf32, #tpu.memory_space<vmem>>, vector<1x128xf32>
    %add3A_32 = vector.broadcast %get3A_31 : vector<1x128xf32> to vector<2000x128xf32>
    %add3A_33 = arith.addf %dot_general3A_28, %add3A_32 : vector<2000x128xf32>
    %swap3A = arith.constant 0 : index
    %swap3A_34 = arith.constant 0 : index
    %swap3A_35 = vector.load %arg7[%swap3A, %swap3A_34] : memref<2000x128xf32, #tpu.memory_space<vmem>>, vector<2000x128xf32>
    tpu.vector_store %arg7[%swap3A, %swap3A_34], %add3A_33 {strides = array<i32>} : memref<2000x128xf32, #tpu.memory_space<vmem>>, vector<2000x128xf32>,
    return
  }
  func.func @transform_0(%arg0: i32) -> (i32, i32, i32) {
    %c0_i32 = arith.constant 0 : i32
    %c0_i32_0 = arith.constant 0 : i32
    %c0_i32_1 = arith.constant 0 : i32
    return %c0_i32, %arg0, %c0_i32_0 : i32, i32, i32
  }
  func.func @transform_1(%arg0: i32) -> (i32, i32) {
    %c0_i32 = arith.constant 0 : i32
    %c0_i32_0 = arith.constant 0 : i32
    return %arg0, %c0_i32 : i32, i32
  }
  func.func @transform_2(%arg0: i32) -> (i32, i32) {
    %c0_i32 = arith.constant 0 : i32
    %c0_i32_0 = arith.constant 0 : i32
    %c0_i32_1 = arith.constant 0 : i32
    return %c0_i32, %c0_i32_0 : i32, i32
  }
  func.func @transform_3(%arg0: i32) -> (i32, i32) {
    %c0_i32 = arith.constant 0 : i32
    %c0_i32_0 = arith.constant 0 : i32
    %c0_i32_1 = arith.constant 0 : i32
    return %c0_i32, %c0_i32_0 : i32, i32
  }
  func.func @transform_4(%arg0: i32) -> (i32, i32) {
    %c0_i32 = arith.constant 0 : i32
    %c0_i32_0 = arith.constant 0 : i32
    %c0_i32_1 = arith.constant 0 : i32
    return %c0_i32, %c0_i32_0 : i32, i32
  }
  func.func @transform_5(%arg0: i32) -> (i32, i32) {
    %c0_i32 = arith.constant 0 : i32
    %c0_i32_0 = arith.constant 0 : i32
    %c0_i32_1 = arith.constant 0 : i32
    return %c0_i32, %c0_i32_0 : i32, i32
  }
  func.func @transform_6(%arg0: i32) -> (i32, i32) {
    %c0_i32 = arith.constant 0 : i32
    %c0_i32_0 = arith.constant 0 : i32
    return %arg0, %c0_i32 : i32, i32
  }
}

</mosaic_0001>

<sc_bundles>
// kernel: kernel.6.cloned.1.call-start
scs
__scs_entry_jumppad:
0x0: {  	(pc) =	sbr.rel $0x88, $3  }
0x1: {  	(tag) =	ssettag $0x0;
	lr =	simm.s32 $0x1  }
0x2: {  	[smem:$0x3F96] =	sst lr;
	_ =	strace $0xD0000000  }
0x3: {  	_ = 	snop  }
0x4: {  	_ = 	snop  }
0x5: {  	_ = 	snop  }
0x6: {  	_ = 	snop  }
0x7: {  	_ = 	snop  }
__scs_overlays_trampoline_lowered:
0x8: {  	[smem:$0x3FA5] =	sst s0  }
0x9: {  	[smem:$0x3FA6] =	sst s1  }
0xa: {  	[smem:$0x3FA7] =	sst s2  }
0xb: {  	[smem:$0x3FA8] =	sst s3  }
0xc: {  	[smem:$0x3FA9] =	sst s4  }
0xd: {  	[smem:$0x3FAA] =	sst s5  }
0xe: {  	[smem:$0x3FAB] =	sst s6  }
0xf: {  	[smem:$0x3FAC] =	sst s7  }
0x10: {  	[smem:$0x3FAD] =	sst s8  }
0x11: {  	[smem:$0x3FAE] =	sst s9;
	s0 =	simm.s32 @!p0 $0x0  }
0x12: {  	s1 =	sld [smem:$0x3F94];
	s0 =	simm.s32 @p0 $0x1  }
0x13: {  	[smem:$0x3FAF] =	sst s0;
	s0 =	simm.s32 @!p1 $0x0  }
0x14: {  	s2 =	sld [smem:$0x3F93];
	s0 =	simm.s32 @p1 $0x1  }
0x15: {  	[smem:$0x3FB0] =	sst s0;
	s0 =	simm.s32 @!p2 $0x0  }
0x16: {  	s3 =	sld [smem:$0x3FDB];
	s0 =	simm.s32 @p2 $0x1  }
0x17: {  	s4 =	simm.s32 $0x1BF5;
	[smem:$0x3FB2] =	sst s0  }
0x18: {  	s0 =	sld [smem:$0x3F95];
	_ =	swait.ge [sflag:s4], $0x0  }
0x19: {  	s7 =	sld [smem:$0x3F96]  }
0x1a: {  	s8 =	sadd.s32 $0xFFFFE003, lr  }
0x1b: {  	s9 =	sadd.s32 $0xFFFFFEF7, lr;
	s5 =	simm.s32 $0xFFFFFFFF;
	p2 =	slt.u32 s8, $0xFFFFF086  }
0x1c: {  	p1 =	slt.u32 s9, $0xF7A;
	s5 =	simm.s32 @!p2 $0x0  }
0x1d: {  	s5 =	simm.s32 @p1 $0x1;
	p0 =	seq.s32 s7, s2  }
0x1e: {  	s7 =	smul.u32 @!p0 $0xF7A, s2;
	p2 =	seq.s32 @!p0 s5, $0x0  }
0x1f: {  	s9 =	smul.u32 $0xF7A, s1;
	s8 =	simm.s32 @!p0 $0x1BF5;
	p2 =	por !p2, p0  }
0x20: {  	[sflag:s8] =	ssyncset.s32 @!p0 $0xFFFFF086;
	s6 =	sadd.s32 @!p0 s3, s7;
	s7 =	simm.s32 @!p0 $0x108  }
0x21: {  	s3 =	sadd.s32 s3, s9;
	s6 =	sadd.s32 @!p0 $0x88, s6;
	s7 =	simm.s32 @p2 $0x1082  }
0x22: {  	[simem:s7], [sflag:s8] =	dma.local @!p0 [hbm:s6], $0xF7A  }
0x23: {  	s9 =	sor.u32 $0xD0000000, s2;
	s6 =	simm.s32 $0x108;
	_ =	swait.ge @!p0 [sflag:s8], $0x0  }
0x24: {  	s3 =	sadd.s32 $0x88, s3;
	s6 =	simm.s32 @!p1 $0x1082;
	[sflag:s4] =	ssyncset.s32 $0xFFFFF086  }
0x25: {  	[simem:s6], [sflag:s4] =	dma.local [hbm:s3], $0xF7A  }
0x26: {  	[smem:$0x3F96] =	sst s1;
	(tag) =	ssettag s2;
	_ =	strace s9  }
0x27: {  	s1 =	sld [smem:$0x3FA6]  }
0x28: {  	s2 =	sld [smem:$0x3FA7]  }
0x29: {  	s4 =	sld [smem:$0x3FA9]  }
0x2a: {  	p0 =	seq.s32 s5, $0x0;
	s5 =	sld [smem:$0x3FAA]  }
0x2b: {  	s6 =	sld [smem:$0x3FAB]  }
0x2c: {  	s7 =	sld [smem:$0x3FAC]  }
0x2d: {  	s3 =	simm.s32 $0x108;
	s8 =	sld [smem:$0x3FAD]  }
0x2e: {  	s3 =	simm.s32 @!p0 $0x1082;
	s9 =	sld [smem:$0x3FAE]  }
0x2f: {  	lr =	sadd.s32 s0, s3;
	s0 =	sld [smem:$0x3FA5]  }
0x30: {  	s3 =	sld [smem:$0x3FA8]  }
0x31: {  	[smem:$0x3FB1] =	sst s10  }
0x32: {  	s10 =	sld [smem:$0x3FAF];
	_ =	sdelay $0x3  }
0x33: {  	p0 =	seq.s32 s10, $0x1;
	s10 =	sld [smem:$0x3FB1];
	_ =	sdelay $0x3  }
0x34: {  	[smem:$0x3FB1] =	sst s10  }
0x35: {  	s10 =	sld [smem:$0x3FB0];
	_ =	sdelay $0x3  }
0x36: {  	p1 =	seq.s32 s10, $0x1;
	s10 =	sld [smem:$0x3FB1];
	_ =	sdelay $0x3  }
0x37: {  	[smem:$0x3FB1] =	sst s10  }
0x38: {  	s10 =	sld [smem:$0x3FB2]  }
0x39: {  	_ = 	snop;
	(pc) =	sbr.ind lr, $3  }
0x3a: {  	_ = 	snop  }
0x3b: {  	_ = 	snop  }
0x3c: {  	p2 =	seq.s32 s10, $0x1;
	s10 =	sld [smem:$0x3FB1]  }
0x3d: {  	_ =	shalt  }
0x3e: {  	_ =	shalt  }
0x3f: {  	_ =	shalt  }
0x40: {  	_ =	shalt  }
0x41: {  	_ =	shalt  }
0x42: {  	_ =	shalt  }
0x43: {  	_ =	shalt  }
0x44: {  	_ =	shalt  }
0x45: {  	_ =	shalt  }
0x46: {  	_ =	shalt  }
0x47: {  	_ =	shalt  }
0x48: {  	_ =	shalt  }
0x49: {  	_ =	shalt  }
0x4a: {  	_ =	shalt  }
0x4b: {  	_ =	shalt  }
0x4c: {  	_ =	shalt  }
0x4d: {  	_ =	shalt  }
0x4e: {  	_ =	shalt  }
0x4f: {  	_ =	shalt  }
0x50: {  	_ =	shalt  }
0x51: {  	_ =	shalt  }
0x52: {  	_ =	shalt  }
0x53: {  	_ =	shalt  }
0x54: {  	_ =	shalt  }
0x55: {  	_ =	shalt  }
0x56: {  	_ =	shalt  }
0x57: {  	_ =	shalt  }
0x58: {  	_ =	shalt  }
0x59: {  	_ =	shalt  }
0x5a: {  	_ =	shalt  }
0x5b: {  	_ =	shalt  }
0x5c: {  	_ =	shalt  }
0x5d: {  	_ =	shalt  }
0x5e: {  	_ =	shalt  }
0x5f: {  	_ =	shalt  }
0x60: {  	_ =	shalt  }
0x61: {  	_ =	shalt  }
0x62: {  	_ =	shalt  }
0x63: {  	_ =	shalt  }
0x64: {  	_ =	shalt  }
0x65: {  	_ =	shalt  }
0x66: {  	_ =	shalt  }
0x67: {  	_ =	shalt  }
0x68: {  	_ =	shalt  }
0x69: {  	_ =	shalt  }
0x6a: {  	_ =	shalt  }
0x6b: {  	_ =	shalt  }
0x6c: {  	_ =	shalt  }
0x6d: {  	_ =	shalt  }
0x6e: {  	_ =	shalt  }
0x6f: {  	_ =	shalt  }
0x70: {  	_ =	shalt  }
0x71: {  	_ =	shalt  }
0x72: {  	_ =	shalt  }
0x73: {  	_ =	shalt  }
0x74: {  	_ =	shalt  }
0x75: {  	_ =	shalt  }
0x76: {  	_ =	shalt  }
0x77: {  	_ =	shalt  }
0x78: {  	_ =	shalt  }
0x79: {  	_ =	shalt  }
0x7a: {  	_ =	shalt  }
0x7b: {  	_ =	shalt  }
0x7c: {  	_ =	shalt  }
0x7d: {  	_ =	shalt  }
0x7e: {  	_ =	shalt  }
0x7f: {  	_ =	shalt  }
0x80: {  	_ =	shalt  }
0x81: {  	_ =	shalt  }
0x82: {  	_ =	shalt  }
0x83: {  	_ =	shalt  }
0x84: {  	_ =	shalt  }
0x85: {  	_ =	shalt  }
0x86: {  	_ =	shalt  }
0x87: {  	_ =	shalt  }
.Lfunc_end0:
.L_simem_size_0:
called_computation_lowered:
.L_overlay_start_0:
0x88: {  	s2 =	sld [smem:$0x3FD9]  }
0x89: {  	s3 =	sld [smem:$0x3FFE];
	_ =	sdelay $0x1  }
0x8a: {  	s1 =	srdreg.scid  }
0x8b: {  	s0 =	sand.u32 $0x1, s1  }
0x8c: {  	s17 =	sshll.u32 s0, $0xA;
	s2 =	sadd.s32 s3, s2  }
0x8d: {  	s2 =	sadd.s32 s2, s17  }
0x8e: {  	[smem:$0x3FBD] =	sst s2  }
0x8f: {  	_ = 	snop  }
0x90: {  	s2 =	sld [smem:$0x3FD0];
	(tm) =	ssettm $0x1  }
0x91: {  	s18 =	sld [smem:$0x3FFB];
	_ =	sdelay $0x3  }
0x92: {  	_ =	strace s18  }
0x93: {  	s3 =	sld [smem:$0x3FFC];
	_ =	sdelay $0x3  }
0x94: {  	_ =	strace s3  }
0x95: {  	s3 =	sld [smem:$0x3FFD];
	_ =	sdelay $0x3  }
0x96: {  	_ =	strace s3  }
0x97: {  	_ =	strace $0x8FFFFFFF  }
0x98: {  	s19 =	sld [smem:$0x3FDB];
	_ =	sdelay $0x1  }
0x99: {  	s4 =	simm.s32 $_scs_section_size  }
0x9a: {  	s5 =	simm.s32 $_size__tile_overlayer_lowered;
	s6 =	simm.s32 $_tile_overlayer_lowered  }
0x9b: {  	s22 =	simm.s32 $0x1BFF;
	s21 =	sshll.u32 s6, $0x1;
	s3 =	sadd.s32 s4, s19  }
0x9c: {  	s7 =	simm.s32 $0x0;
	s20 =	sshll.u32 s5, $0x1;
	s5 =	sadd.s32 s21, s3  }
0x9d: {  	[timem:s7], [sflag:s22] =	dma.local [hbm:s5], s20  }
0x9e: {  	_ =	swait.ge [sflag:s22], s20  }
0x9f: {  	s4 =	ssub.s32 $0x0, s20;
	[sflag:s22] =	ssyncset.done $0x0  }
0xa0: {  	[sflag:s22] =	ssyncadd.s32 s4;
	_ =	sdelay $0x1  }
0xa1: {  	s23 =	simm.s32 $0x1B8B  }
0xa2: {  	_ =	swait.ge [sflag:s23], $0x1  }
0xa3: {  	[sflag:s23] =	ssyncset.done $0x0  }
0xa4: {  	s25 =	simm.s32 $0x1B8E;
	s24 =	sld [smem:$0x3FFE];
	[sflag:s23] =	ssyncadd.s32 $0xFFFFFFFF  }
0xa5: {  	s26 =	simm.s32 $execute0_lowered;
	[smem:$0x3FD2] =	sst s25  }
0xa6: {  	s5 =	sshll.u32 s26, $0x1;
	_ =	strace $0x80000046;
	[dreg:$0x1] =	wrdreg $0xFFFFFFFF  }
0xa7: {  	s28 =	simm.s32 $_size_execute0_lowered;
	s3 =	sadd.s32 s3, s5;
	[dreg:$0x0] =	wrdreg $0x0  }
0xa8: {  	s5 =	sshll.u32 s28, $0x1;
	[dreg:$0x2] =	wrdreg s3  }
0xa9: {  	[dreg:$0x3] =	wrdreg s5  }
0xaa: {  	[dreg:$0x4] =	wrdreg $0xC0  }
0xab: {  	_ =	task [dreg:s7], $0x5FFFF  }
0xac: {  	[dreg:$0x1] =	wrdreg $0xFFFFFFFF  }
0xad: {  	[dreg:$0x0] =	wrdreg $0x60  }
0xae: {  	[dreg:$0x2] =	wrdreg s24  }
0xaf: {  	[dreg:$0x3] =	wrdreg s2  }
0xb0: {  	[dreg:$0x4] =	wrdreg $0xC5000  }
0xb1: {  	[dreg:$0x5] =	wrdreg $0x9  }
0xb2: {  	_ =	task.clear_ibuf [dreg:s7], $0x6FFFF;
	_ =	strace $0x90000046  }
0xb3: {  	s29 =	simm.s32 $0x9;
	_ =	strace $0x80000048  }
0xb4: {  	_ =	swait.ge [sflag:s29], $0x1  }
0xb5: {  	[sflag:s29] =	ssyncadd.s32 $0xFFFFFFFF  }
0xb6: {  	_ =	strace $0x90000048  }
0xb7: {  	_ =	sfence  }
0xb8: {  	s30 =	sld [smem:$0x0];
	_ =	sdelay $0x2  }
0xb9: {  	s31 =	sshll.u32 s1, $0xD;
	s1 =	sshrl.u32 s1, $0x2  }
0xba: {  	s3 =	sand.u32 $0x4000, s31;
	s1 =	sadd.s32 s1, s30  }
0xbb: {  	s0 =	sor.u32 s3, s0;
	s1 =	sshll.u32 s1, $0x11  }
0xbc: {  	s0 =	sor.u32 s1, s0  }
0xbd: {  	s0 =	sadd.s32 $0x8F2B, s0  }
0xbe: {  	[sflag:s0] =	ssyncadd.remote.s32 $0x1  }
0xbf: {  	_ =	sfence.sel $0xFFFF  }
0xc0: {  	[dreg:$0x0] =	wrdreg $0xFFFFFFFF;
	(pc) =	sbr.abs _section_cstart, $3  }
0xc1: {  	[dreg:$0x1] =	wrdreg $0xFFFFFFFF  }
0xc2: {  	_ =	task.clear_ibuf [dreg:s7], $0x2FFFF;
	_ =	strace $0x9FFFFFFF  }
0xc3: {  	(tm) =	ssettm $0x7FFFFFFF  }
tec
execute0_lowered:
.L_overlay_start_1:
0x0: {  	(tag) =	ssettag $0x1  }
0x1: {  	s3 =	rddreg [dreg:$0x0]  }
0x2: {  	s1 =	rddreg [dreg:$0x1]  }
0x3: {  	s2 =	rddreg [dreg:$0x2]  }
0x4: {  	s0 =	srdreg.scid;
	s15 =	stileid.u32  }
0x5: {  	s22 =	simm.s32 $0x0;
	s30 =	simm.s32 $0xA500;
	s7 =	smul.u32 $0x3E8, s15  }
0x6: {  	s31 =	simm.s32 $0x3;
	s4 =	sand.u32 $0x1, s0;
	s10 =	smul.u32 $0x4E200, s15  }
0x7: {  	[smem:$0x7FF] =	sst s22;
	s5 =	sadd.s32 $0x50400, s3;
	s11 =	smul.u32 $0x9C, s15  }
0x8: {  	s6 =	sadd.s32 $0x2200, s3;
	s13 =	smin.u32 s15, $0x4;
	s26 =	smul.u32 $0x7D000, s15  }
0x9: {  	p0 =	sgt.u32 s15, $0x3;
	p1 =	sgt.u32 s15, $0x9;
	s15 =	simm.s32 $0x2280  }
0xa: {  	s0 =	smul.u32 $0x2710, s4;
	_ =	strace $0x80000047;
	s12 =	ssub.s32 $0x2, s4  }
0xb: {  	s4 =	smul.u32 $0x9C4, s4;
	s14 =	sshrl.u32 s12, $0x1;
	s10 =	sshrl.u32 s10, $0x2  }
0xc: {  	s11 =	sadd.s32 s13, s11;
	s13 =	sshrl.u32 s26, $0x2;
	s8 =	sadd.s32 s7, s0  }
0xd: {  	s7 =	sadd.s32 $0x4F7C00, s3;
	s12 =	ssub.s32 s12, s14;
	s16 =	sadd.s32 s10, s2  }
0xe: {  	s10 =	sadd.s32 s4, s11;
	v0 =	vmov s0;
	s0 =	simm.s32 $0x200;
	s9 =	sshll.u32 s8, $0x4  }
0xf: {  	s8 =	sadd.s32 $0x4E4200, s3;
	s14 =	sadd.s32 $0x2000, s16;
	[dreg:$0x5] =	wrdreg s16  }
0x10: {  	s17 =	sadd.s32 $0x4000, s16;
	s18 =	sshll.u32 s10, $0x4;
	[dreg:$0x6] =	wrdreg s14  }
0x11: {  	s23 =	sadd.s32 $0x9C, s10;
	s26 =	sadd.s32 $0x10000, s16;
	[dreg:$0x7] =	wrdreg s17  }
0x12: {  	s24 =	sshll.u32 s10, $0xA;
	s19 =	sadd.s32 s8, s18;
	[dreg:$0x18] =	wrdreg s26  }
0x13: {  	s9 =	sadd.s32 s9, s3;
	s20 =	sadd.s32 s1, s18;
	[dreg:$0x8] =	wrdreg s19  }
0x14: {  	s11 =	sadd.s32 s7, s24;
	s24 =	sadd.s32 $0xC000, s16;
	[dreg:$0x9] =	wrdreg s20  }
0x15: {  	s4 =	sadd.s32 $0x10, s18;
	s25 =	sshll.u32 s23, $0x4;
	[dreg:$0x16] =	wrdreg s24  }
0x16: {  	s18 =	sadd.s32 $0x4F8000, s3;
	s21 =	sadd.s32 s8, s4;
	[dreg:$0xc] =	wrdreg s11  }
0x17: {  	s14 =	sadd.s32 s13, s2;
	s4 =	sadd.s32 s1, s4;
	[dreg:$0xa] =	wrdreg s21  }
0x18: {  	s13 =	simm.s32 $0x180;
	s28 =	sadd.s32 s8, s25;
	[dreg:$0xb] =	wrdreg s4  }
0x19: {  	s26 =	simm.s32 $0x6500;
	s29 =	sadd.s32 s1, s25;
	[dreg:$0xd] =	wrdreg s28  }
0x1a: {  	s17 =	sadd.s32 $0x9E600, s9;
	s19 =	smax.u32 s12, $0x1;
	[dreg:$0xe] =	wrdreg s29  }
0x1b: {  	s20 =	sadd.s32 $0x6000, s16;
	s25 =	sadd.s32 $0xE000, s16;
	[dreg:$0x10] =	wrdreg s17  }
0x1c: {  	s12 =	simm.s32 $0x40;
	s4 =	sshll.u32 s23, $0xA;
	[dreg:$0x11] =	wrdreg s19  }
0x1d: {  	[dreg:$0x13] =	wrdreg s20;
	s21 =	sadd.s32 $0x8000, s16;
	s23 =	sadd.s32 $0xA000, s16  }
0x1e: {  	[dreg:$0x17] =	wrdreg s25;
	s28 =	sadd.s32 $0x12000, s16;
	s29 =	sadd.s32 $0x26C00, s11  }
0x1f: {  	s19 =	simm.s32 $0x280;
	s20 =	simm.s32 $0x5;
	[dreg:$0x14] =	wrdreg s21  }
.Ltmp0:
0x20: {  	s11 =	simm.s32 $0x1;
	[dreg:$0x15] =	wrdreg s23;
	(pc) =	sbr.rel .LBB2_1-.Ltmp0, $4  }
0x21: {  	s16 =	simm.s32 $0x4280;
	s17 =	simm.s32 $0x6480;
	[dreg:$0x19] =	wrdreg s28  }
0x22: {  	s3 =	sadd.s32 s7, s4;
	[dreg:$0x1a] =	wrdreg s29;
	s21 =	simm.s32 $0x80  }
0x23: {  	s23 =	simm.s32 $0x2;
	[dreg:$0xf] =	wrdreg s3;
	s3 =	sshrl.u32 s14, $0x3  }
0x24: {  	v1 =	vimm.f32 $0.0e+00;
	s14 =	simm.s32 $0x100;
	[dreg:$0x12] =	wrdreg s3;
	s3 =	simm.s32 $0x4  }
.LBB2_18:
0x25: {  	s4 =	stileid.u32  }
0x26: {  	s9 =	rddreg [dreg:$0x10];
	s4 =	sshll.u32 s4, $0x6  }
0x27: {  	s24 =	rddreg [dreg:$0x12];
	s4 =	sor.u32 $0x1C05, s4  }
0x28: {  	[hbm:s9], [sflag:s4] =	dma.local [spmem:s24], $0x3E80  }
0x29: {  	_ =	swait.ge [sflag:s20], $0x3E80  }
0x2a: {  	[sflag:s20] =	ssyncset.done $0x0  }
0x2b: {  	[sflag:s20] =	ssyncadd.s32 $0xFFFFC180  }
.LBB2_19:
0x2c: {  	s22 =	sadd.s32 $0x1, s22;
	s4 =	rddreg [dreg:$0x11]  }
0x2d: {  	p2 =	sne.s32 s22, s4  }
.Ltmp1:
0x2e: {  	_ = 	snop;
	(pc) =	sbr.rel @!p2 .LBB2_20-.Ltmp1, $1  }
0x2f: {  	_ =	sdelay $0x3  }
.LBB2_1:
0x30: {  	[dreg:$0x4] =	wrdreg s22;
	s4 =	simm.s32 $0x0;
	s9 =	simm.s32 $0x200  }
.LBB2_2:
0x31: {  	p2 =	sne.s32 s9, $0x7E00;
	[tilespmem:s4+$0x2F0] =	vst v1  }
0x32: {  	[tilespmem:s4+$0x280] =	vst v1  }
0x33: {  	[tilespmem:s4+$0x290] =	vst v1  }
.Ltmp2:
0x34: {  	[tilespmem:s4+$0x2A0] =	vst v1;
	(pc) =	sbr.rel @p2 .LBB2_2-.Ltmp2, $4  }
0x35: {  	[tilespmem:s4+$0x2B0] =	vst v1  }
0x36: {  	[tilespmem:s4+$0x2C0] =	vst v1  }
0x37: {  	[tilespmem:s4+$0x2D0] =	vst v1  }
0x38: {  	[tilespmem:s4+$0x2E0] =	vst v1;
	s4 =	sshra.s32 s9, $0x2;
	s9 =	sadd.s32 $0x200, s9  }
0x39: {  	[tilespmem:s4+$0x2F0] =	vst v1  }
0x3a: {  	[tilespmem:s4+$0x280] =	vst v1  }
0x3b: {  	[tilespmem:s4+$0x290] =	vst v1  }
0x3c: {  	[tilespmem:s4+$0x2A0] =	vst v1  }
0x3d: {  	[tilespmem:s4+$0x2B0] =	vst v1  }
0x3e: {  	[tilespmem:s4+$0x2C0] =	vst v1  }
0x3f: {  	[tilespmem:s4+$0x2D0] =	vst v1  }
0x40: {  	[tilespmem:s4+$0x2E0] =	vst v1;
	s22 =	rddreg [dreg:$0x5]  }
0x41: {  	[spmem:s22] =	stream.linear.scatter [tilespmem:s19], [sflag:$0x5], $0x2000, $0x38;
	[tilespmem:$0x1FD80] =	vst v63  }
0x42: {  	_ =	swait.ge [sflag:s20], $0x2000  }
0x43: {  	[sflag:s20] =	ssyncset.done $0x0  }
0x44: {  	s24 =	rddreg [dreg:$0x6];
	[sflag:s20] =	ssyncadd.s32 $0xFFFFE000  }
0x45: {  	[spmem:s24] =	stream.linear.scatter [tilespmem:s19], [sflag:$0x5], $0x2000, $0x38;
	[tilespmem:$0x1FD80] =	vst v63  }
0x46: {  	_ =	swait.ge [sflag:s20], $0x2000  }
0x47: {  	[sflag:s20] =	ssyncset.done $0x0  }
0x48: {  	s25 =	rddreg [dreg:$0x7];
	[sflag:s20] =	ssyncadd.s32 $0xFFFFE000  }
0x49: {  	[spmem:s25] =	stream.linear.scatter [tilespmem:s19], [sflag:$0x5], $0x2000, $0x38;
	[tilespmem:$0x1FD80] =	vst v63  }
0x4a: {  	_ =	swait.ge [sflag:s20], $0x2000  }
0x4b: {  	[sflag:s20] =	ssyncset.done $0x0  }
0x4c: {  	s28 =	rddreg [dreg:$0x13];
	[sflag:s20] =	ssyncadd.s32 $0xFFFFE000  }
0x4d: {  	[spmem:s28] =	stream.linear.scatter [tilespmem:s19], [sflag:$0x5], $0x2000, $0x38;
	[tilespmem:$0x1FD80] =	vst v63  }
0x4e: {  	_ =	swait.ge [sflag:s20], $0x2000  }
0x4f: {  	[sflag:s20] =	ssyncset.done $0x0  }
0x50: {  	s29 =	rddreg [dreg:$0x14];
	[sflag:s20] =	ssyncadd.s32 $0xFFFFE000  }
0x51: {  	[spmem:s29] =	stream.linear.scatter [tilespmem:s19], [sflag:$0x5], $0x2000, $0x38;
	[tilespmem:$0x1FD80] =	vst v63  }
0x52: {  	_ =	swait.ge [sflag:s20], $0x2000  }
0x53: {  	[sflag:s20] =	ssyncset.done $0x0  }
0x54: {  	s9 =	rddreg [dreg:$0x15];
	[sflag:s20] =	ssyncadd.s32 $0xFFFFE000  }
0x55: {  	[spmem:s9] =	stream.linear.scatter [tilespmem:s19], [sflag:$0x5], $0x2000, $0x38;
	[tilespmem:$0x1FD80] =	vst v63  }
0x56: {  	_ =	swait.ge [sflag:s20], $0x2000  }
0x57: {  	[sflag:s20] =	ssyncset.done $0x0  }
0x58: {  	s22 =	rddreg [dreg:$0x16];
	[sflag:s20] =	ssyncadd.s32 $0xFFFFE000  }
0x59: {  	[spmem:s22] =	stream.linear.scatter [tilespmem:s19], [sflag:$0x5], $0x2000, $0x38;
	[tilespmem:$0x1FD80] =	vst v63  }
0x5a: {  	_ =	swait.ge [sflag:s20], $0x2000  }
0x5b: {  	[sflag:s20] =	ssyncset.done $0x0  }
0x5c: {  	s24 =	rddreg [dreg:$0x17];
	[sflag:s20] =	ssyncadd.s32 $0xFFFFE000  }
0x5d: {  	[spmem:s24] =	stream.linear.scatter [tilespmem:s19], [sflag:$0x5], $0x2000, $0x38;
	[tilespmem:$0x1FD80] =	vst v63  }
0x5e: {  	_ =	swait.ge [sflag:s20], $0x2000  }
0x5f: {  	[sflag:s20] =	ssyncset.done $0x0  }
0x60: {  	s25 =	rddreg [dreg:$0x18];
	[sflag:s20] =	ssyncadd.s32 $0xFFFFE000  }
0x61: {  	[spmem:s25] =	stream.linear.scatter [tilespmem:s19], [sflag:$0x5], $0x2000, $0x38;
	[tilespmem:$0x1FD80] =	vst v63  }
0x62: {  	_ =	swait.ge [sflag:s20], $0x2000  }
0x63: {  	[sflag:s20] =	ssyncset.done $0x0  }
0x64: {  	s28 =	rddreg [dreg:$0x19];
	[sflag:s20] =	ssyncadd.s32 $0xFFFFE000  }
0x65: {  	[spmem:s28] =	stream.linear.scatter [tilespmem:s19], [sflag:$0x5], $0x1880, $0x38;
	[tilespmem:$0x1FD80] =	vst v63  }
0x66: {  	_ =	swait.ge [sflag:s20], $0x1880  }
0x67: {  	[sflag:s20] =	ssyncset.done $0x0  }
0x68: {  	[sflag:s20] =	ssyncadd.s32 $0xFFFFE780  }
0x69: {  	[bflag:$0x0] =	sbarrier.arrive $0xFFFF  }
0x6a: {  	s9 =	simm.s32 $0x0;
	s29 =	rddreg [dreg:$0x8]  }
0x6b: {  	[tilespmem:s9], [sflag:$0x1] =	stream.linear.gather [hbm4b:s29+s9], $0x80, $0x38;
	[tilespmem:$0x1FD80] =	vst v63  }
0x6c: {  	s22 =	rddreg [dreg:$0x9]  }
0x6d: {  	[tilespmem:s21], [sflag:$0x1] =	stream.linear.gather [hbm4b:s22+s9], $0x80, $0x38;
	[tilespmem:$0x1FD80] =	vst v63  }
0x6e: {  	s24 =	rddreg [dreg:$0xa];
	s22 =	simm.s32 $0x6280  }
0x6f: {  	[tilespmem:s22], [sflag:$0x2] =	stream.linear.gather [hbm4b:s24+s9], $0x80, $0x38;
	[tilespmem:$0x1FD80] =	vst v63  }
0x70: {  	s28 =	simm.s32 $0x6300;
	s25 =	rddreg [dreg:$0xb]  }
0x71: {  	[tilespmem:s28], [sflag:$0x2] =	stream.linear.gather [hbm4b:s25+s9], $0x80, $0x38;
	[tilespmem:$0x1FD80] =	vst v63  }
0x72: {  	_ =	swait.ge [sflag:s11], $0x80  }
0x73: {  	[sflag:s11] =	ssyncset.done $0x0  }
0x74: {  	[sflag:s11] =	ssyncadd.s32 $0xFFFFFF80  }
0x75: {  	_ =	swait.ge [sflag:s11], $0x80  }
0x76: {  	[sflag:s11] =	ssyncset.done $0x0  }
0x77: {  	[sflag:s11] =	ssyncadd.s32 $0xFFFFFF80  }
0x78: {  	v2 =	vld [tilespmem:$0x0]  }
0x79: {  	v4 =	vld [tilespmem:$0x10]  }
0x7a: {  	v3 =	vld [tilespmem:$0x80];
	_ =	sdelay $0x1  }
0x7b: {  	v62 =	vld [tilespmem:$0x30]  }
0x7c: {  	v5 =	vld [tilespmem:$0x90];
	[tilespmem:$0x200] =	vst v2  }
0x7d: {  	v2 =	vadd.s32 v0, v2;
	[tilespmem:$0x210] =	vst v4  }
0x7e: {  	[tilespmem:$0x180] =	vst v2;
	v2 =	vadd.s32 v0, v3;
	v3 =	vld [tilespmem:$0x20]  }
0x7f: {  	[tilespmem:$0x100] =	vst v2;
	v2 =	vld [tilespmem:$0xA0]  }
0x80: {  	v4 =	vadd.s32 v0, v4;
	[tilespmem:$0x230] =	vst v62  }
0x81: {  	v63 =	vld [tilespmem:$0xB0];
	v61 =	vadd.s32 v0, v5;
	[tilespmem:$0x190] =	vst v4  }
0x82: {  	[tilespmem:$0x110] =	vst v61  }
0x83: {  	[tilespmem:$0x220] =	vst v3;
	v3 =	vadd.s32 v0, v3  }
0x84: {  	[tilespmem:$0x1A0] =	vst v3;
	v2 =	vadd.s32 v0, v2  }
0x85: {  	[tilespmem:$0x120] =	vst v2;
	v2 =	vadd.s32 v0, v62  }
0x86: {  	[tilespmem:$0x1B0] =	vst v2;
	v2 =	vadd.s32 v0, v63  }
0x87: {  	[tilespmem:$0x130] =	vst v2  }
0x88: {  	[tilespmem:s19], [sflag:$0x3] =	stream.indirect.gather [hbm4b:s5+s12], $0x80, s13, s12, $0xb8;
	[tilespmem:$0x1FD80] =	vst v63  }
0x89: {  	_ = 	snop  }
0x8a: {  	[tilespmem:s15], [sflag:$0x3] =	stream.indirect.gather [hbm4b:s6+s12], $0x80, s14, s12, $0xb8;
	[tilespmem:$0x1FD80] =	vst v63  }
0x8b: {  	s4 =	simm.s32 $0x0;
	s29 =	rddreg [dreg:$0xc]  }
0x8c: {  	[tilespmem:s16], [sflag:$0x3] =	stream.linear.gather [hbm4b:s29+s9], $0x2000, $0x38;
	[tilespmem:$0x1FD80] =	vst v63  }
.LBB2_4:
0x8d: {  	_ =	swait.ge [sflag:s23], $0x80  }
0x8e: {  	[sflag:s23] =	ssyncset.done $0x0  }
0x8f: {  	[sflag:s23] =	ssyncadd.s32 $0xFFFFFF80  }
0x90: {  	_ =	swait.ge [sflag:s23], $0x80  }
0x91: {  	[sflag:s23] =	ssyncset.done $0x0  }
0x92: {  	[sflag:s23] =	ssyncadd.s32 $0xFFFFFF80  }
0x93: {  	v2 =	vld [tilespmem:$0x6280]  }
0x94: {  	v4 =	vld [tilespmem:$0x6290]  }
0x95: {  	v3 =	vld [tilespmem:$0x6300]  }
0x96: {  	v5 =	vld [tilespmem:$0x6310];
	_ =	sdelay $0x1  }
0x97: {  	[tilespmem:$0x6480] =	vst v2  }
0x98: {  	v2 =	vadd.s32 v0, v2;
	[tilespmem:$0x6490] =	vst v4  }
0x99: {  	v4 =	vadd.s32 v0, v4;
	[tilespmem:$0x6400] =	vst v2;
	v2 =	vadd.s32 v0, v3;
	v3 =	vld [tilespmem:$0x62A0]  }
0x9a: {  	[tilespmem:$0x6410] =	vst v4;
	v4 =	vadd.s32 v0, v5;
	v5 =	vld [tilespmem:$0x62B0]  }
0x9b: {  	[tilespmem:$0x6380] =	vst v2;
	v2 =	vld [tilespmem:$0x6320];
	_ =	sdelay $0x1  }
0x9c: {  	[tilespmem:$0x6390] =	vst v4;
	v4 =	vld [tilespmem:$0x6330]  }
0x9d: {  	[tilespmem:$0x64A0] =	vst v3  }
0x9e: {  	v3 =	vadd.s32 v0, v3;
	[tilespmem:$0x64B0] =	vst v5  }
0x9f: {  	[tilespmem:$0x6420] =	vst v3;
	v2 =	vadd.s32 v0, v2  }
0xa0: {  	[tilespmem:$0x63A0] =	vst v2;
	v2 =	vadd.s32 v0, v5  }
0xa1: {  	[tilespmem:$0x6430] =	vst v2;
	v2 =	vadd.s32 v0, v4  }
0xa2: {  	s22 =	sshll.u32 s4, $0x1;
	s24 =	simm.s32 $0x6400;
	[tilespmem:$0x63B0] =	vst v2  }
0xa3: {  	[tilespmem:s26], [sflag:$0x4] =	stream.indirect.gather [hbm4b:s5+s12], $0x80, s24, s12, $0xb8;
	[tilespmem:$0x1FD80] =	vst v63  }
0xa4: {  	s29 =	simm.s32 $0x6380;
	s25 =	simm.s32 $0x8500;
	s22 =	sadd.s32 s10, s22  }
0xa5: {  	[tilespmem:s25], [sflag:$0x4] =	stream.indirect.gather [hbm4b:s6+s12], $0x80, s29, s12, $0xb8;
	[tilespmem:$0x1FD80] =	vst v63  }
0xa6: {  	s25 =	sshll.u32 s22, $0xA  }
0xa7: {  	s24 =	sadd.s32 s25, s18  }
0xa8: {  	[tilespmem:s30], [sflag:$0x4] =	stream.linear.gather [hbm4b:s24+s9], $0x2000, $0x38;
	[tilespmem:$0x1FD80] =	vst v63  }
0xa9: {  	s24 =	sadd.s32 $0x2, s22  }
0xaa: {  	s29 =	sshll.u32 s24, $0x4  }
0xab: {  	s25 =	sand.u32 $0x1FFFFFF0, s29  }
0xac: {  	s28 =	sadd.s32 s8, s25  }
0xad: {  	[tilespmem:s9], [sflag:$0x1] =	stream.linear.gather [hbm4b:s28+s9], $0x80, $0x38;
	[tilespmem:$0x1FD80] =	vst v63  }
0xae: {  	s25 =	sadd.s32 s1, s25  }
0xaf: {  	[tilespmem:s21], [sflag:$0x1] =	stream.linear.gather [hbm4b:s25+s9], $0x80, $0x38;
	[tilespmem:$0x1FD80] =	vst v63  }
0xb0: {  	_ =	swait.ge [sflag:s31], $0x2000  }
0xb1: {  	[sflag:s31] =	ssyncset.done $0x0  }
0xb2: {  	[sflag:s31] =	ssyncadd.s32 $0xFFFFE000  }
0xb3: {  	_ =	swait.ge [sflag:s31], $0x2000  }
0xb4: {  	[sflag:s31] =	ssyncset.done $0x0  }
0xb5: {  	[sflag:s31] =	ssyncadd.s32 $0xFFFFE000  }
0xb6: {  	_ =	swait.ge [sflag:s31], $0x2000  }
0xb7: {  	[sflag:s31] =	ssyncset.done $0x0  }
0xb8: {  	s25 =	simm.s32 $0x0;
	[sflag:s31] =	ssyncadd.s32 $0xFFFFE000  }
0xb9: {  	v6 =	vld [tilespmem:s25+$0x4280]  }
0xba: {  	v7 =	vld [tilespmem:s25+$0x4290]  }
0xbb: {  	v5 =	vld [tilespmem:s25+$0x42A0]  }
0xbc: {  	v4 =	vld [tilespmem:s25+$0x42B0]  }
0xbd: {  	v3 =	vld [tilespmem:s25+$0x42C0]  }
0xbe: {  	v2 =	vld [tilespmem:s25+$0x42D0]  }
0xbf: {  	v14 =	vld [tilespmem:s25+$0x2280]  }
0xc0: {  	v19 =	vld [tilespmem:s25+$0x2290]  }
0xc1: {  	v13 =	vld [tilespmem:s25+$0x22A0]  }
0xc2: {  	v12 =	vld [tilespmem:s25+$0x22B0]  }
0xc3: {  	v11 =	vld [tilespmem:s25+$0x22C0]  }
0xc4: {  	v10 =	vld [tilespmem:s25+$0x22D0]  }
0xc5: {  	v9 =	vld [tilespmem:s25+$0x22E0]  }
0xc6: {  	v8 =	vld [tilespmem:s25+$0x22F0]  }
0xc7: {  	v20 =	vld [tilespmem:s25+$0x280]  }
0xc8: {  	v21 =	vld [tilespmem:s25+$0x290]  }
0xc9: {  	v18 =	vld [tilespmem:s25+$0x2A0]  }
0xca: {  	v17 =	vld [tilespmem:s25+$0x2B0]  }
0xcb: {  	v16 =	vld [tilespmem:s25+$0x2C0]  }
0xcc: {  	v15 =	vld [tilespmem:s25+$0x2D0];
	v20 =	vadd.f32 v14, v20  }
0xcd: {  	s28 =	simm.s32 $0x200;
	v19 =	vadd.f32 v19, v21;
	v14 =	vld [tilespmem:s25+$0x2E0]  }
.LBB2_5:
0xce: {  	p2 =	sne.s32 s28, $0x7E00;
	v6 =	vadd.f32 v6, v20;
	v13 =	vadd.f32 v13, v18;
	v18 =	vld [tilespmem:s25+$0x2F0]  }
0xcf: {  	v7 =	vadd.f32 v7, v19;
	v12 =	vadd.f32 v12, v17;
	v17 =	vld [tilespmem:s25+$0x42E0]  }
0xd0: {  	s29 =	sshra.s32 s28, $0x2;
	v19 =	vmax.f32 v6, $0.0e+00;
	v5 =	vadd.f32 v5, v13;
	v11 =	vadd.f32 v11, v16;
	v13 =	vld [tilespmem:s25+$0x42F0]  }
0xd1: {  	v6 =	vld [tilespmem:s29+$0x4280];
	[tilespmem:s25+$0x280] =	vst v19;
	v16 =	vmax.f32 v7, $0.0e+00;
	v4 =	vadd.f32 v4, v12;
	v10 =	vadd.f32 v10, v15  }
0xd2: {  	v7 =	vld [tilespmem:s29+$0x4290];
	[tilespmem:s25+$0x290] =	vst v16;
	v12 =	vmax.f32 v5, $0.0e+00;
	v3 =	vadd.f32 v3, v11;
	v9 =	vadd.f32 v9, v14  }
0xd3: {  	v5 =	vld [tilespmem:s29+$0x42A0];
	[tilespmem:s25+$0x2A0] =	vst v12;
	v11 =	vmax.f32 v4, $0.0e+00;
	v2 =	vadd.f32 v2, v10;
	v8 =	vadd.f32 v8, v18  }
0xd4: {  	v4 =	vld [tilespmem:s29+$0x42B0];
	[tilespmem:s25+$0x2B0] =	vst v11;
	v10 =	vmax.f32 v3, $0.0e+00;
	v9 =	vadd.f32 v17, v9  }
0xd5: {  	v3 =	vld [tilespmem:s29+$0x42C0];
	[tilespmem:s25+$0x2C0] =	vst v10;
	v10 =	vmax.f32 v2, $0.0e+00;
	v8 =	vadd.f32 v13, v8  }
0xd6: {  	v2 =	vld [tilespmem:s29+$0x42D0];
	[tilespmem:s25+$0x2D0] =	vst v10;
	v9 =	vmax.f32 v9, $0.0e+00  }
0xd7: {  	v14 =	vld [tilespmem:s29+$0x2280];
	[tilespmem:s25+$0x2E0] =	vst v9;
	v8 =	vmax.f32 v8, $0.0e+00  }
0xd8: {  	v19 =	vld [tilespmem:s29+$0x2290];
	[tilespmem:s25+$0x2F0] =	vst v8;
	s25 =	smov.u32 s29  }
0xd9: {  	v13 =	vld [tilespmem:s25+$0x22A0]  }
0xda: {  	v12 =	vld [tilespmem:s25+$0x22B0]  }
0xdb: {  	v11 =	vld [tilespmem:s25+$0x22C0]  }
0xdc: {  	v10 =	vld [tilespmem:s25+$0x22D0]  }
0xdd: {  	v9 =	vld [tilespmem:s25+$0x22E0]  }
0xde: {  	v8 =	vld [tilespmem:s25+$0x22F0]  }
0xdf: {  	v15 =	vld [tilespmem:s25+$0x280]  }
0xe0: {  	v21 =	vld [tilespmem:s25+$0x290]  }
.Ltmp3:
0xe1: {  	v18 =	vld [tilespmem:s25+$0x2A0];
	(pc) =	sbr.rel @p2 .LBB2_5-.Ltmp3, $4  }
0xe2: {  	v17 =	vld [tilespmem:s25+$0x2B0]  }
0xe3: {  	v16 =	vld [tilespmem:s25+$0x2C0]  }
0xe4: {  	v20 =	vadd.f32 v14, v15;
	v15 =	vld [tilespmem:s25+$0x2D0]  }
0xe5: {  	s28 =	sadd.s32 $0x200, s28;
	v19 =	vadd.f32 v19, v21;
	v14 =	vld [tilespmem:s25+$0x2E0]  }
0xe6: {  	v6 =	vadd.f32 v6, v20;
	v13 =	vadd.f32 v13, v18;
	v18 =	vld [tilespmem:s25+$0x2F0]  }
0xe7: {  	v7 =	vadd.f32 v7, v19;
	v12 =	vadd.f32 v12, v17;
	v17 =	vld [tilespmem:s25+$0x42E0]  }
0xe8: {  	v6 =	vmax.f32 v6, $0.0e+00;
	v5 =	vadd.f32 v5, v13;
	v11 =	vadd.f32 v11, v16;
	v13 =	vld [tilespmem:s25+$0x42F0]  }
0xe9: {  	[tilespmem:s25+$0x280] =	vst v6;
	v6 =	vmax.f32 v7, $0.0e+00;
	v4 =	vadd.f32 v4, v12;
	v7 =	vadd.f32 v10, v15  }
0xea: {  	[tilespmem:s25+$0x290] =	vst v6;
	v5 =	vmax.f32 v5, $0.0e+00;
	v3 =	vadd.f32 v3, v11;
	v6 =	vadd.f32 v9, v14  }
0xeb: {  	[tilespmem:s25+$0x2A0] =	vst v5;
	v4 =	vmax.f32 v4, $0.0e+00;
	v2 =	vadd.f32 v2, v7;
	v5 =	vadd.f32 v8, v18  }
0xec: {  	[tilespmem:s25+$0x2B0] =	vst v4;
	v3 =	vmax.f32 v3, $0.0e+00;
	v4 =	vadd.f32 v17, v6  }
0xed: {  	[tilespmem:s25+$0x2C0] =	vst v3;
	v2 =	vmax.f32 v2, $0.0e+00;
	v3 =	vadd.f32 v13, v5  }
0xee: {  	[tilespmem:s25+$0x2D0] =	vst v2;
	v2 =	vmax.f32 v4, $0.0e+00  }
0xef: {  	[tilespmem:s25+$0x2E0] =	vst v2;
	v2 =	vmax.f32 v3, $0.0e+00  }
0xf0: {  	[tilespmem:s25+$0x2F0] =	vst v2  }
0xf1: {  	[spmem:s2] =	stream.indirect.scatter.add.f32 [tilespmem:s19], [sflag:$0x5], $0x80, s0, s12, $0xb8;
	[tilespmem:$0x1FD80] =	vst v63  }
0xf2: {  	_ =	swait.ge [sflag:s20], $0x2000  }
0xf3: {  	[sflag:s20] =	ssyncset.done $0x0  }
0xf4: {  	[sflag:s20] =	ssyncadd.s32 $0xFFFFE000  }
0xf5: {  	_ =	swait.ge [sflag:s11], $0x80  }
0xf6: {  	[sflag:s11] =	ssyncset.done $0x0  }
0xf7: {  	[sflag:s11] =	ssyncadd.s32 $0xFFFFFF80  }
0xf8: {  	_ =	swait.ge [sflag:s11], $0x80  }
0xf9: {  	[sflag:s11] =	ssyncset.done $0x0  }
0xfa: {  	[sflag:s11] =	ssyncadd.s32 $0xFFFFFF80  }
0xfb: {  	v2 =	vld [tilespmem:$0x0]  }
0xfc: {  	v4 =	vld [tilespmem:$0x10]  }
0xfd: {  	v3 =	vld [tilespmem:$0x80]  }
0xfe: {  	v5 =	vld [tilespmem:$0x90];
	_ =	sdelay $0x1  }
0xff: {  	[tilespmem:$0x200] =	vst v2  }
0x100: {  	v2 =	vadd.s32 v0, v2;
	[tilespmem:$0x210] =	vst v4  }
0x101: {  	v4 =	vadd.s32 v0, v4;
	[tilespmem:$0x180] =	vst v2;
	v2 =	vadd.s32 v0, v3;
	v3 =	vld [tilespmem:$0x20]  }
0x102: {  	[tilespmem:$0x190] =	vst v4;
	v4 =	vadd.s32 v0, v5;
	v5 =	vld [tilespmem:$0x30]  }
0x103: {  	[tilespmem:$0x100] =	vst v2;
	v2 =	vld [tilespmem:$0xA0];
	_ =	sdelay $0x1  }
0x104: {  	[tilespmem:$0x110] =	vst v4;
	v4 =	vld [tilespmem:$0xB0]  }
0x105: {  	[tilespmem:$0x220] =	vst v3  }
0x106: {  	v3 =	vadd.s32 v0, v3;
	[tilespmem:$0x230] =	vst v5  }
0x107: {  	[tilespmem:$0x1A0] =	vst v3;
	v2 =	vadd.s32 v0, v2  }
0x108: {  	[tilespmem:$0x120] =	vst v2;
	v2 =	vadd.s32 v0, v5  }
0x109: {  	[tilespmem:$0x1B0] =	vst v2;
	v2 =	vadd.s32 v0, v4  }
0x10a: {  	s24 =	sshll.u32 s24, $0xA;
	[tilespmem:$0x130] =	vst v2  }
0x10b: {  	[tilespmem:s19], [sflag:$0x3] =	stream.indirect.gather [hbm4b:s5+s12], $0x80, s13, s12, $0xb8;
	[tilespmem:$0x1FD80] =	vst v63  }
0x10c: {  	s22 =	sshll.u32 s22, $0x4;
	s24 =	sand.u32 $0x1FFFFC00, s24  }
0x10d: {  	[tilespmem:s15], [sflag:$0x3] =	stream.indirect.gather [hbm4b:s6+s12], $0x80, s14, s12, $0xb8;
	[tilespmem:$0x1FD80] =	vst v63  }
0x10e: {  	s22 =	sadd.s32 $0x30, s22;
	s24 =	sadd.s32 s7, s24;
	s25 =	simm.s32 $0x0  }
0x10f: {  	[tilespmem:s16], [sflag:$0x3] =	stream.linear.gather [hbm4b:s24+s25], $0x2000, $0x38;
	[tilespmem:$0x1FD80] =	vst v63  }
0x110: {  	s28 =	simm.s32 $0x6280;
	s29 =	sadd.s32 s8, s22  }
0x111: {  	[tilespmem:s28], [sflag:$0x2] =	stream.linear.gather [hbm4b:s29+s25], $0x80, $0x38;
	[tilespmem:$0x1FD80] =	vst v63  }
0x112: {  	s22 =	sadd.s32 s1, s22;
	s29 =	simm.s32 $0x6300  }
0x113: {  	[tilespmem:s29], [sflag:$0x2] =	stream.linear.gather [hbm4b:s22+s25], $0x80, $0x38;
	[tilespmem:$0x1FD80] =	vst v63  }
0x114: {  	_ =	swait.ge [sflag:s3], $0x2000  }
0x115: {  	[sflag:s3] =	ssyncset.done $0x0  }
0x116: {  	[sflag:s3] =	ssyncadd.s32 $0xFFFFE000  }
0x117: {  	_ =	swait.ge [sflag:s3], $0x2000  }
0x118: {  	[sflag:s3] =	ssyncset.done $0x0  }
0x119: {  	[sflag:s3] =	ssyncadd.s32 $0xFFFFE000  }
0x11a: {  	_ =	swait.ge [sflag:s3], $0x2000  }
0x11b: {  	[sflag:s3] =	ssyncset.done $0x0  }
0x11c: {  	s22 =	simm.s32 $0x0;
	[sflag:s3] =	ssyncadd.s32 $0xFFFFE000  }
0x11d: {  	v6 =	vld [tilespmem:s22+$0xA500]  }
0x11e: {  	v7 =	vld [tilespmem:s22+$0xA510]  }
0x11f: {  	v5 =	vld [tilespmem:s22+$0xA520]  }
0x120: {  	v4 =	vld [tilespmem:s22+$0xA530]  }
0x121: {  	v3 =	vld [tilespmem:s22+$0xA540]  }
0x122: {  	v2 =	vld [tilespmem:s22+$0xA550]  }
0x123: {  	v14 =	vld [tilespmem:s22+$0x8500]  }
0x124: {  	v19 =	vld [tilespmem:s22+$0x8510]  }
0x125: {  	v13 =	vld [tilespmem:s22+$0x8520]  }
0x126: {  	v12 =	vld [tilespmem:s22+$0x8530]  }
0x127: {  	v11 =	vld [tilespmem:s22+$0x8540]  }
0x128: {  	v10 =	vld [tilespmem:s22+$0x8550]  }
0x129: {  	v9 =	vld [tilespmem:s22+$0x8560]  }
0x12a: {  	v8 =	vld [tilespmem:s22+$0x8570]  }
0x12b: {  	v20 =	vld [tilespmem:s22+$0x6500]  }
0x12c: {  	v21 =	vld [tilespmem:s22+$0x6510]  }
0x12d: {  	v18 =	vld [tilespmem:s22+$0x6520]  }
0x12e: {  	v17 =	vld [tilespmem:s22+$0x6530]  }
0x12f: {  	v16 =	vld [tilespmem:s22+$0x6540]  }
0x130: {  	v15 =	vld [tilespmem:s22+$0x6550];
	v20 =	vadd.f32 v14, v20  }
0x131: {  	s24 =	simm.s32 $0x200;
	v19 =	vadd.f32 v19, v21;
	v14 =	vld [tilespmem:s22+$0x6560]  }
.LBB2_7:
0x132: {  	p2 =	sne.s32 s24, $0x7E00;
	v6 =	vadd.f32 v6, v20;
	v13 =	vadd.f32 v13, v18;
	v18 =	vld [tilespmem:s22+$0x6570]  }
0x133: {  	v7 =	vadd.f32 v7, v19;
	v12 =	vadd.f32 v12, v17;
	v17 =	vld [tilespmem:s22+$0xA560]  }
0x134: {  	s25 =	sshra.s32 s24, $0x2;
	v19 =	vmax.f32 v6, $0.0e+00;
	v5 =	vadd.f32 v5, v13;
	v11 =	vadd.f32 v11, v16;
	v13 =	vld [tilespmem:s22+$0xA570]  }
0x135: {  	v6 =	vld [tilespmem:s25+$0xA500];
	[tilespmem:s22+$0x6500] =	vst v19;
	v16 =	vmax.f32 v7, $0.0e+00;
	v4 =	vadd.f32 v4, v12;
	v10 =	vadd.f32 v10, v15  }
0x136: {  	v7 =	vld [tilespmem:s25+$0xA510];
	[tilespmem:s22+$0x6510] =	vst v16;
	v12 =	vmax.f32 v5, $0.0e+00;
	v3 =	vadd.f32 v3, v11;
	v9 =	vadd.f32 v9, v14  }
0x137: {  	v5 =	vld [tilespmem:s25+$0xA520];
	[tilespmem:s22+$0x6520] =	vst v12;
	v11 =	vmax.f32 v4, $0.0e+00;
	v2 =	vadd.f32 v2, v10;
	v8 =	vadd.f32 v8, v18  }
0x138: {  	v4 =	vld [tilespmem:s25+$0xA530];
	[tilespmem:s22+$0x6530] =	vst v11;
	v10 =	vmax.f32 v3, $0.0e+00;
	v9 =	vadd.f32 v17, v9  }
0x139: {  	v3 =	vld [tilespmem:s25+$0xA540];
	[tilespmem:s22+$0x6540] =	vst v10;
	v10 =	vmax.f32 v2, $0.0e+00;
	v8 =	vadd.f32 v13, v8  }
0x13a: {  	v2 =	vld [tilespmem:s25+$0xA550];
	[tilespmem:s22+$0x6550] =	vst v10;
	v9 =	vmax.f32 v9, $0.0e+00  }
0x13b: {  	v14 =	vld [tilespmem:s25+$0x8500];
	[tilespmem:s22+$0x6560] =	vst v9;
	v8 =	vmax.f32 v8, $0.0e+00  }
0x13c: {  	v19 =	vld [tilespmem:s25+$0x8510];
	[tilespmem:s22+$0x6570] =	vst v8;
	s22 =	smov.u32 s25  }
0x13d: {  	v13 =	vld [tilespmem:s22+$0x8520]  }
0x13e: {  	v12 =	vld [tilespmem:s22+$0x8530]  }
0x13f: {  	v11 =	vld [tilespmem:s22+$0x8540]  }
0x140: {  	v10 =	vld [tilespmem:s22+$0x8550]  }
0x141: {  	v9 =	vld [tilespmem:s22+$0x8560]  }
0x142: {  	v8 =	vld [tilespmem:s22+$0x8570]  }
0x143: {  	v15 =	vld [tilespmem:s22+$0x6500]  }
0x144: {  	v21 =	vld [tilespmem:s22+$0x6510]  }
.Ltmp4:
0x145: {  	v18 =	vld [tilespmem:s22+$0x6520];
	(pc) =	sbr.rel @p2 .LBB2_7-.Ltmp4, $4  }
0x146: {  	v17 =	vld [tilespmem:s22+$0x6530]  }
0x147: {  	v16 =	vld [tilespmem:s22+$0x6540]  }
0x148: {  	v20 =	vadd.f32 v14, v15;
	v15 =	vld [tilespmem:s22+$0x6550]  }
0x149: {  	s24 =	sadd.s32 $0x200, s24;
	v19 =	vadd.f32 v19, v21;
	v14 =	vld [tilespmem:s22+$0x6560]  }
0x14a: {  	v6 =	vadd.f32 v6, v20;
	v13 =	vadd.f32 v13, v18;
	v56 =	vld [tilespmem:s22+$0x6570]  }
0x14b: {  	v57 =	vld [tilespmem:s22+$0xA560];
	v7 =	vadd.f32 v7, v19;
	v12 =	vadd.f32 v12, v17  }
0x14c: {  	v58 =	vld [tilespmem:s22+$0xA570];
	v6 =	vmax.f32 v6, $0.0e+00;
	v5 =	vadd.f32 v5, v13;
	v11 =	vadd.f32 v11, v16  }
0x14d: {  	[tilespmem:s22+$0x6500] =	vst v6;
	v59 =	vmax.f32 v7, $0.0e+00;
	v4 =	vadd.f32 v4, v12;
	v60 =	vadd.f32 v10, v15  }
0x14e: {  	[tilespmem:s22+$0x6510] =	vst v59;
	v5 =	vmax.f32 v5, $0.0e+00;
	v3 =	vadd.f32 v3, v11;
	v61 =	vadd.f32 v9, v14  }
0x14f: {  	[tilespmem:s22+$0x6520] =	vst v5;
	v4 =	vmax.f32 v4, $0.0e+00;
	v2 =	vadd.f32 v2, v60;
	v62 =	vadd.f32 v8, v56  }
0x150: {  	[tilespmem:s22+$0x6530] =	vst v4;
	v3 =	vmax.f32 v3, $0.0e+00;
	v63 =	vadd.f32 v57, v61  }
0x151: {  	[tilespmem:s22+$0x6540] =	vst v3;
	v2 =	vmax.f32 v2, $0.0e+00;
	v3 =	vadd.f32 v58, v62  }
0x152: {  	s4 =	sadd.s32 $0x1, s4;
	[tilespmem:s22+$0x6550] =	vst v2;
	v2 =	vmax.f32 v63, $0.0e+00  }
0x153: {  	p2 =	sne.s32 s4, $0x4D;
	[tilespmem:s22+$0x6560] =	vst v2;
	v2 =	vmax.f32 v3, $0.0e+00  }
.Ltmp5:
0x154: {  	[tilespmem:s22+$0x6570] =	vst v2;
	(pc) =	sbr.rel @p2 .LBB2_4-.Ltmp5, $4  }
0x155: {  	[spmem:s2] =	stream.indirect.scatter.add.f32 [tilespmem:s26], [sflag:$0x5], $0x80, s17, s12, $0xb8;
	[tilespmem:$0x1FD80] =	vst v63  }
0x156: {  	_ =	swait.ge [sflag:s20], $0x2000  }
0x157: {  	[sflag:s20] =	ssyncset.done $0x0  }
0x158: {  	[sflag:s20] =	ssyncadd.s32 $0xFFFFE000  }
0x159: {  	_ =	swait.ge [sflag:s23], $0x80  }
0x15a: {  	[sflag:s23] =	ssyncset.done $0x0  }
0x15b: {  	[sflag:s23] =	ssyncadd.s32 $0xFFFFFF80  }
0x15c: {  	_ =	swait.ge [sflag:s23], $0x80  }
0x15d: {  	[sflag:s23] =	ssyncset.done $0x0  }
0x15e: {  	[sflag:s23] =	ssyncadd.s32 $0xFFFFFF80  }
0x15f: {  	v2 =	vld [tilespmem:$0x6280]  }
0x160: {  	v4 =	vld [tilespmem:$0x6290]  }
0x161: {  	v3 =	vld [tilespmem:$0x6300]  }
0x162: {  	v5 =	vld [tilespmem:$0x6310];
	_ =	sdelay $0x1  }
0x163: {  	[tilespmem:$0x6480] =	vst v2  }
0x164: {  	v2 =	vadd.s32 v0, v2;
	[tilespmem:$0x6490] =	vst v4  }
0x165: {  	v4 =	vadd.s32 v0, v4;
	[tilespmem:$0x6400] =	vst v2;
	v2 =	vadd.s32 v0, v3;
	v3 =	vld [tilespmem:$0x62A0]  }
0x166: {  	[tilespmem:$0x6410] =	vst v4;
	v4 =	vadd.s32 v0, v5;
	v5 =	vld [tilespmem:$0x62B0]  }
0x167: {  	[tilespmem:$0x6380] =	vst v2;
	v2 =	vld [tilespmem:$0x6320];
	_ =	sdelay $0x1  }
0x168: {  	[tilespmem:$0x6390] =	vst v4;
	v4 =	vld [tilespmem:$0x6330]  }
0x169: {  	[tilespmem:$0x64A0] =	vst v3  }
0x16a: {  	v3 =	vadd.s32 v0, v3;
	[tilespmem:$0x64B0] =	vst v5  }
0x16b: {  	[tilespmem:$0x6420] =	vst v3;
	v2 =	vadd.s32 v0, v2  }
0x16c: {  	[tilespmem:$0x63A0] =	vst v2;
	v2 =	vadd.s32 v0, v5  }
0x16d: {  	[tilespmem:$0x6430] =	vst v2;
	v2 =	vadd.s32 v0, v4  }
0x16e: {  	s4 =	simm.s32 $0x6400;
	[tilespmem:$0x63B0] =	vst v2  }
0x16f: {  	[tilespmem:s26], [sflag:$0x4] =	stream.indirect.gather [hbm4b:s5+s12], $0x80, s4, s12, $0xb8;
	[tilespmem:$0x1FD80] =	vst v63  }
0x170: {  	s25 =	simm.s32 $0x6380;
	s9 =	simm.s32 $0x8500  }
0x171: {  	[tilespmem:s9], [sflag:$0x4] =	stream.indirect.gather [hbm4b:s6+s12], $0x80, s25, s12, $0xb8;
	[tilespmem:$0x1FD80] =	vst v63  }
0x172: {  	s28 =	simm.s32 $0x0;
	s29 =	rddreg [dreg:$0x1a]  }
0x173: {  	[tilespmem:s30], [sflag:$0x4] =	stream.linear.gather [hbm4b:s29+s28], $0x2000, $0x38;
	[tilespmem:$0x1FD80] =	vst v63  }
0x174: {  	_ =	swait.ge [sflag:s31], $0x2000  }
0x175: {  	[sflag:s31] =	ssyncset.done $0x0  }
0x176: {  	[sflag:s31] =	ssyncadd.s32 $0xFFFFE000  }
0x177: {  	_ =	swait.ge [sflag:s31], $0x2000  }
0x178: {  	[sflag:s31] =	ssyncset.done $0x0  }
0x179: {  	[sflag:s31] =	ssyncadd.s32 $0xFFFFE000  }
0x17a: {  	_ =	swait.ge [sflag:s31], $0x2000  }
0x17b: {  	[sflag:s31] =	ssyncset.done $0x0  }
0x17c: {  	s4 =	simm.s32 $0x0;
	[sflag:s31] =	ssyncadd.s32 $0xFFFFE000  }
0x17d: {  	v6 =	vld [tilespmem:s4+$0x4280]  }
0x17e: {  	v7 =	vld [tilespmem:s4+$0x4290]  }
0x17f: {  	v5 =	vld [tilespmem:s4+$0x42A0]  }
0x180: {  	v4 =	vld [tilespmem:s4+$0x42B0]  }
0x181: {  	v3 =	vld [tilespmem:s4+$0x42C0]  }
0x182: {  	v2 =	vld [tilespmem:s4+$0x42D0]  }
0x183: {  	v14 =	vld [tilespmem:s4+$0x2280]  }
0x184: {  	v19 =	vld [tilespmem:s4+$0x2290]  }
0x185: {  	v13 =	vld [tilespmem:s4+$0x22A0]  }
0x186: {  	v12 =	vld [tilespmem:s4+$0x22B0]  }
0x187: {  	v11 =	vld [tilespmem:s4+$0x22C0]  }
0x188: {  	v10 =	vld [tilespmem:s4+$0x22D0]  }
0x189: {  	v9 =	vld [tilespmem:s4+$0x22E0]  }
0x18a: {  	v8 =	vld [tilespmem:s4+$0x22F0]  }
0x18b: {  	v20 =	vld [tilespmem:s4+$0x280]  }
0x18c: {  	v21 =	vld [tilespmem:s4+$0x290]  }
0x18d: {  	v18 =	vld [tilespmem:s4+$0x2A0]  }
0x18e: {  	v17 =	vld [tilespmem:s4+$0x2B0]  }
0x18f: {  	v16 =	vld [tilespmem:s4+$0x2C0]  }
0x190: {  	v15 =	vld [tilespmem:s4+$0x2D0];
	v20 =	vadd.f32 v14, v20  }
0x191: {  	s9 =	simm.s32 $0x200;
	v19 =	vadd.f32 v19, v21;
	v14 =	vld [tilespmem:s4+$0x2E0]  }
.LBB2_10:
0x192: {  	p2 =	sne.s32 s9, $0x7E00;
	v6 =	vadd.f32 v6, v20;
	v13 =	vadd.f32 v13, v18;
	v18 =	vld [tilespmem:s4+$0x2F0]  }
0x193: {  	v7 =	vadd.f32 v7, v19;
	v12 =	vadd.f32 v12, v17;
	v17 =	vld [tilespmem:s4+$0x42E0]  }
0x194: {  	s22 =	sshra.s32 s9, $0x2;
	v19 =	vmax.f32 v6, $0.0e+00;
	v5 =	vadd.f32 v5, v13;
	v11 =	vadd.f32 v11, v16;
	v13 =	vld [tilespmem:s4+$0x42F0]  }
0x195: {  	v6 =	vld [tilespmem:s22+$0x4280];
	[tilespmem:s4+$0x280] =	vst v19;
	v16 =	vmax.f32 v7, $0.0e+00;
	v4 =	vadd.f32 v4, v12;
	v10 =	vadd.f32 v10, v15  }
0x196: {  	v7 =	vld [tilespmem:s22+$0x4290];
	[tilespmem:s4+$0x290] =	vst v16;
	v12 =	vmax.f32 v5, $0.0e+00;
	v3 =	vadd.f32 v3, v11;
	v9 =	vadd.f32 v9, v14  }
0x197: {  	v5 =	vld [tilespmem:s22+$0x42A0];
	[tilespmem:s4+$0x2A0] =	vst v12;
	v11 =	vmax.f32 v4, $0.0e+00;
	v2 =	vadd.f32 v2, v10;
	v8 =	vadd.f32 v8, v18  }
0x198: {  	v4 =	vld [tilespmem:s22+$0x42B0];
	[tilespmem:s4+$0x2B0] =	vst v11;
	v10 =	vmax.f32 v3, $0.0e+00;
	v9 =	vadd.f32 v17, v9  }
0x199: {  	v3 =	vld [tilespmem:s22+$0x42C0];
	[tilespmem:s4+$0x2C0] =	vst v10;
	v10 =	vmax.f32 v2, $0.0e+00;
	v8 =	vadd.f32 v13, v8  }
0x19a: {  	v2 =	vld [tilespmem:s22+$0x42D0];
	[tilespmem:s4+$0x2D0] =	vst v10;
	v9 =	vmax.f32 v9, $0.0e+00  }
0x19b: {  	v14 =	vld [tilespmem:s22+$0x2280];
	[tilespmem:s4+$0x2E0] =	vst v9;
	v8 =	vmax.f32 v8, $0.0e+00  }
0x19c: {  	v19 =	vld [tilespmem:s22+$0x2290];
	[tilespmem:s4+$0x2F0] =	vst v8;
	s4 =	smov.u32 s22  }
0x19d: {  	v13 =	vld [tilespmem:s4+$0x22A0]  }
0x19e: {  	v12 =	vld [tilespmem:s4+$0x22B0]  }
0x19f: {  	v11 =	vld [tilespmem:s4+$0x22C0]  }
0x1a0: {  	v10 =	vld [tilespmem:s4+$0x22D0]  }
0x1a1: {  	v9 =	vld [tilespmem:s4+$0x22E0]  }
0x1a2: {  	v8 =	vld [tilespmem:s4+$0x22F0]  }
0x1a3: {  	v15 =	vld [tilespmem:s4+$0x280]  }
0x1a4: {  	v21 =	vld [tilespmem:s4+$0x290]  }
.Ltmp6:
0x1a5: {  	v18 =	vld [tilespmem:s4+$0x2A0];
	(pc) =	sbr.rel @p2 .LBB2_10-.Ltmp6, $4  }
0x1a6: {  	v17 =	vld [tilespmem:s4+$0x2B0]  }
0x1a7: {  	v16 =	vld [tilespmem:s4+$0x2C0]  }
0x1a8: {  	v20 =	vadd.f32 v14, v15;
	v15 =	vld [tilespmem:s4+$0x2D0]  }
0x1a9: {  	s9 =	sadd.s32 $0x200, s9;
	v19 =	vadd.f32 v19, v21;
	v14 =	vld [tilespmem:s4+$0x2E0]  }
0x1aa: {  	v6 =	vadd.f32 v6, v20;
	v13 =	vadd.f32 v13, v18;
	v18 =	vld [tilespmem:s4+$0x2F0]  }
0x1ab: {  	v7 =	vadd.f32 v7, v19;
	v12 =	vadd.f32 v12, v17;
	v17 =	vld [tilespmem:s4+$0x42E0]  }
0x1ac: {  	v6 =	vmax.f32 v6, $0.0e+00;
	v5 =	vadd.f32 v5, v13;
	v11 =	vadd.f32 v11, v16;
	v13 =	vld [tilespmem:s4+$0x42F0]  }
0x1ad: {  	[tilespmem:s4+$0x280] =	vst v6;
	v6 =	vmax.f32 v7, $0.0e+00;
	v4 =	vadd.f32 v4, v12;
	v7 =	vadd.f32 v10, v15  }
0x1ae: {  	[tilespmem:s4+$0x290] =	vst v6;
	v5 =	vmax.f32 v5, $0.0e+00;
	v3 =	vadd.f32 v3, v11;
	v6 =	vadd.f32 v9, v14  }
0x1af: {  	[tilespmem:s4+$0x2A0] =	vst v5;
	v4 =	vmax.f32 v4, $0.0e+00;
	v2 =	vadd.f32 v2, v7;
	v5 =	vadd.f32 v8, v18  }
0x1b0: {  	[tilespmem:s4+$0x2B0] =	vst v4;
	v3 =	vmax.f32 v3, $0.0e+00;
	v4 =	vadd.f32 v17, v6  }
0x1b1: {  	[tilespmem:s4+$0x2C0] =	vst v3;
	v2 =	vmax.f32 v2, $0.0e+00;
	v3 =	vadd.f32 v13, v5  }
0x1b2: {  	[tilespmem:s4+$0x2D0] =	vst v2;
	v2 =	vmax.f32 v4, $0.0e+00  }
0x1b3: {  	[tilespmem:s4+$0x2E0] =	vst v2;
	v2 =	vmax.f32 v3, $0.0e+00  }
0x1b4: {  	[tilespmem:s4+$0x2F0] =	vst v2  }
0x1b5: {  	[spmem:s2] =	stream.indirect.scatter.add.f32 [tilespmem:s19], [sflag:$0x5], $0x80, s0, s12, $0xb8;
	[tilespmem:$0x1FD80] =	vst v63  }
0x1b6: {  	_ =	swait.ge [sflag:s20], $0x2000  }
0x1b7: {  	[sflag:s20] =	ssyncset.done $0x0  }
0x1b8: {  	[sflag:s20] =	ssyncadd.s32 $0xFFFFE000  }
0x1b9: {  	_ =	swait.ge [sflag:s3], $0x2000  }
0x1ba: {  	[sflag:s3] =	ssyncset.done $0x0  }
0x1bb: {  	[sflag:s3] =	ssyncadd.s32 $0xFFFFE000  }
0x1bc: {  	_ =	swait.ge [sflag:s3], $0x2000  }
0x1bd: {  	[sflag:s3] =	ssyncset.done $0x0  }
0x1be: {  	[sflag:s3] =	ssyncadd.s32 $0xFFFFE000  }
0x1bf: {  	_ =	swait.ge [sflag:s3], $0x2000  }
0x1c0: {  	[sflag:s3] =	ssyncset.done $0x0  }
0x1c1: {  	s4 =	simm.s32 $0x0;
	[sflag:s3] =	ssyncadd.s32 $0xFFFFE000  }
0x1c2: {  	v6 =	vld [tilespmem:s4+$0xA500]  }
0x1c3: {  	v7 =	vld [tilespmem:s4+$0xA510]  }
0x1c4: {  	v5 =	vld [tilespmem:s4+$0xA520]  }
0x1c5: {  	v4 =	vld [tilespmem:s4+$0xA530]  }
0x1c6: {  	v3 =	vld [tilespmem:s4+$0xA540]  }
0x1c7: {  	v2 =	vld [tilespmem:s4+$0xA550]  }
0x1c8: {  	v14 =	vld [tilespmem:s4+$0x8500]  }
0x1c9: {  	v19 =	vld [tilespmem:s4+$0x8510]  }
0x1ca: {  	v13 =	vld [tilespmem:s4+$0x8520]  }
0x1cb: {  	v12 =	vld [tilespmem:s4+$0x8530]  }
0x1cc: {  	v11 =	vld [tilespmem:s4+$0x8540]  }
0x1cd: {  	v10 =	vld [tilespmem:s4+$0x8550]  }
0x1ce: {  	v9 =	vld [tilespmem:s4+$0x8560]  }
0x1cf: {  	v8 =	vld [tilespmem:s4+$0x8570]  }
0x1d0: {  	v20 =	vld [tilespmem:s4+$0x6500]  }
0x1d1: {  	v21 =	vld [tilespmem:s4+$0x6510]  }
0x1d2: {  	v18 =	vld [tilespmem:s4+$0x6520]  }
0x1d3: {  	v17 =	vld [tilespmem:s4+$0x6530]  }
0x1d4: {  	v16 =	vld [tilespmem:s4+$0x6540]  }
0x1d5: {  	v15 =	vld [tilespmem:s4+$0x6550];
	v20 =	vadd.f32 v14, v20  }
0x1d6: {  	s9 =	simm.s32 $0x200;
	v19 =	vadd.f32 v19, v21;
	v14 =	vld [tilespmem:s4+$0x6560]  }
.LBB2_12:
0x1d7: {  	p2 =	sne.s32 s9, $0x7E00;
	v6 =	vadd.f32 v6, v20;
	v13 =	vadd.f32 v13, v18;
	v18 =	vld [tilespmem:s4+$0x6570]  }
0x1d8: {  	v7 =	vadd.f32 v7, v19;
	v12 =	vadd.f32 v12, v17;
	v17 =	vld [tilespmem:s4+$0xA560]  }
0x1d9: {  	s22 =	sshra.s32 s9, $0x2;
	v19 =	vmax.f32 v6, $0.0e+00;
	v5 =	vadd.f32 v5, v13;
	v11 =	vadd.f32 v11, v16;
	v13 =	vld [tilespmem:s4+$0xA570]  }
0x1da: {  	v6 =	vld [tilespmem:s22+$0xA500];
	[tilespmem:s4+$0x6500] =	vst v19;
	v16 =	vmax.f32 v7, $0.0e+00;
	v4 =	vadd.f32 v4, v12;
	v10 =	vadd.f32 v10, v15  }
0x1db: {  	v7 =	vld [tilespmem:s22+$0xA510];
	[tilespmem:s4+$0x6510] =	vst v16;
	v12 =	vmax.f32 v5, $0.0e+00;
	v3 =	vadd.f32 v3, v11;
	v9 =	vadd.f32 v9, v14  }
0x1dc: {  	v5 =	vld [tilespmem:s22+$0xA520];
	[tilespmem:s4+$0x6520] =	vst v12;
	v11 =	vmax.f32 v4, $0.0e+00;
	v2 =	vadd.f32 v2, v10;
	v8 =	vadd.f32 v8, v18  }
0x1dd: {  	v4 =	vld [tilespmem:s22+$0xA530];
	[tilespmem:s4+$0x6530] =	vst v11;
	v10 =	vmax.f32 v3, $0.0e+00;
	v9 =	vadd.f32 v17, v9  }
0x1de: {  	v3 =	vld [tilespmem:s22+$0xA540];
	[tilespmem:s4+$0x6540] =	vst v10;
	v10 =	vmax.f32 v2, $0.0e+00;
	v8 =	vadd.f32 v13, v8  }
0x1df: {  	v2 =	vld [tilespmem:s22+$0xA550];
	[tilespmem:s4+$0x6550] =	vst v10;
	v9 =	vmax.f32 v9, $0.0e+00  }
0x1e0: {  	v14 =	vld [tilespmem:s22+$0x8500];
	[tilespmem:s4+$0x6560] =	vst v9;
	v8 =	vmax.f32 v8, $0.0e+00  }
0x1e1: {  	v19 =	vld [tilespmem:s22+$0x8510];
	[tilespmem:s4+$0x6570] =	vst v8;
	s4 =	smov.u32 s22  }
0x1e2: {  	v13 =	vld [tilespmem:s4+$0x8520]  }
0x1e3: {  	v12 =	vld [tilespmem:s4+$0x8530]  }
0x1e4: {  	v11 =	vld [tilespmem:s4+$0x8540]  }
0x1e5: {  	v10 =	vld [tilespmem:s4+$0x8550]  }
0x1e6: {  	v9 =	vld [tilespmem:s4+$0x8560]  }
0x1e7: {  	v8 =	vld [tilespmem:s4+$0x8570]  }
0x1e8: {  	v15 =	vld [tilespmem:s4+$0x6500]  }
0x1e9: {  	v21 =	vld [tilespmem:s4+$0x6510]  }
.Ltmp7:
0x1ea: {  	v18 =	vld [tilespmem:s4+$0x6520];
	(pc) =	sbr.rel @p2 .LBB2_12-.Ltmp7, $4  }
0x1eb: {  	v17 =	vld [tilespmem:s4+$0x6530]  }
0x1ec: {  	v16 =	vld [tilespmem:s4+$0x6540]  }
0x1ed: {  	v20 =	vadd.f32 v14, v15;
	v15 =	vld [tilespmem:s4+$0x6550]  }
0x1ee: {  	s9 =	sadd.s32 $0x200, s9;
	v19 =	vadd.f32 v19, v21;
	v14 =	vld [tilespmem:s4+$0x6560]  }
0x1ef: {  	v6 =	vadd.f32 v6, v20;
	v13 =	vadd.f32 v13, v18;
	v56 =	vld [tilespmem:s4+$0x6570]  }
0x1f0: {  	v57 =	vld [tilespmem:s4+$0xA560];
	v7 =	vadd.f32 v7, v19;
	v12 =	vadd.f32 v12, v17  }
0x1f1: {  	v58 =	vld [tilespmem:s4+$0xA570];
	v6 =	vmax.f32 v6, $0.0e+00;
	v5 =	vadd.f32 v5, v13;
	v11 =	vadd.f32 v11, v16  }
0x1f2: {  	[tilespmem:s4+$0x6500] =	vst v6;
	v59 =	vmax.f32 v7, $0.0e+00;
	v4 =	vadd.f32 v4, v12;
	v60 =	vadd.f32 v10, v15  }
0x1f3: {  	[tilespmem:s4+$0x6510] =	vst v59;
	v5 =	vmax.f32 v5, $0.0e+00;
	v3 =	vadd.f32 v3, v11;
	v61 =	vadd.f32 v9, v14  }
0x1f4: {  	[tilespmem:s4+$0x6520] =	vst v5;
	v4 =	vmax.f32 v4, $0.0e+00;
	v2 =	vadd.f32 v2, v60;
	v62 =	vadd.f32 v8, v56  }
0x1f5: {  	[tilespmem:s4+$0x6530] =	vst v4;
	v3 =	vmax.f32 v3, $0.0e+00;
	v63 =	vadd.f32 v57, v61  }
0x1f6: {  	[tilespmem:s4+$0x6540] =	vst v3;
	v2 =	vmax.f32 v2, $0.0e+00;
	v3 =	vadd.f32 v58, v62  }
0x1f7: {  	[tilespmem:s4+$0x6550] =	vst v2;
	v2 =	vmax.f32 v63, $0.0e+00  }
0x1f8: {  	[tilespmem:s4+$0x6560] =	vst v2;
	v2 =	vmax.f32 v3, $0.0e+00  }
.Ltmp8:
0x1f9: {  	[tilespmem:s4+$0x6570] =	vst v2;
	(pc) =	sbr.rel @p0 .LBB2_17-.Ltmp8, $4  }
0x1fa: {  	[spmem:s2] =	stream.indirect.scatter.add.f32 [tilespmem:s26], [sflag:$0x5], $0x80, s17, s12, $0xb8;
	[tilespmem:$0x1FD80] =	vst v63  }
0x1fb: {  	_ =	swait.ge [sflag:s20], $0x2000  }
0x1fc: {  	[sflag:s20] =	ssyncset.done $0x0  }
0x1fd: {  	[sflag:s20] =	ssyncadd.s32 $0xFFFFE000  }
0x1fe: {  	s4 =	simm.s32 $0x0;
	s9 =	rddreg [dreg:$0xd]  }
0x1ff: {  	[tilespmem:s4], [sflag:$0x1] =	stream.linear.gather [hbm4b:s9+s4], $0x80, $0x38;
	[tilespmem:$0x1FD80] =	vst v63  }
0x200: {  	s28 =	rddreg [dreg:$0xe]  }
0x201: {  	[tilespmem:s21], [sflag:$0x1] =	stream.linear.gather [hbm4b:s28+s4], $0x80, $0x38;
	[tilespmem:$0x1FD80] =	vst v63  }
0x202: {  	_ =	swait.ge [sflag:s11], $0x80  }
0x203: {  	[sflag:s11] =	ssyncset.done $0x0  }
0x204: {  	[sflag:s11] =	ssyncadd.s32 $0xFFFFFF80  }
0x205: {  	_ =	swait.ge [sflag:s11], $0x80  }
0x206: {  	[sflag:s11] =	ssyncset.done $0x0  }
0x207: {  	[sflag:s11] =	ssyncadd.s32 $0xFFFFFF80  }
0x208: {  	v2 =	vld [tilespmem:$0x0]  }
0x209: {  	v4 =	vld [tilespmem:$0x10]  }
0x20a: {  	v3 =	vld [tilespmem:$0x80]  }
0x20b: {  	v5 =	vld [tilespmem:$0x90];
	_ =	sdelay $0x1  }
0x20c: {  	[tilespmem:$0x200] =	vst v2  }
0x20d: {  	v2 =	vadd.s32 v0, v2;
	[tilespmem:$0x210] =	vst v4  }
0x20e: {  	v4 =	vadd.s32 v0, v4;
	[tilespmem:$0x180] =	vst v2;
	v2 =	vadd.s32 v0, v3;
	v3 =	vld [tilespmem:$0x20]  }
0x20f: {  	[tilespmem:$0x190] =	vst v4;
	v4 =	vadd.s32 v0, v5;
	v5 =	vld [tilespmem:$0x30]  }
0x210: {  	[tilespmem:$0x100] =	vst v2;
	v2 =	vld [tilespmem:$0xA0];
	_ =	sdelay $0x1  }
0x211: {  	[tilespmem:$0x110] =	vst v4;
	v4 =	vld [tilespmem:$0xB0]  }
0x212: {  	[tilespmem:$0x220] =	vst v3  }
0x213: {  	v3 =	vadd.s32 v0, v3;
	[tilespmem:$0x230] =	vst v5  }
0x214: {  	[tilespmem:$0x1A0] =	vst v3;
	v2 =	vadd.s32 v0, v2  }
0x215: {  	[tilespmem:$0x120] =	vst v2;
	v2 =	vadd.s32 v0, v5  }
0x216: {  	[tilespmem:$0x1B0] =	vst v2;
	v2 =	vadd.s32 v0, v4  }
0x217: {  	[tilespmem:$0x130] =	vst v2  }
0x218: {  	[tilespmem:s19], [sflag:$0x3] =	stream.indirect.gather [hbm4b:s5+s12], $0x80, s13, s12, $0xb8;
	[tilespmem:$0x1FD80] =	vst v63  }
0x219: {  	_ = 	snop  }
0x21a: {  	[tilespmem:s15], [sflag:$0x3] =	stream.indirect.gather [hbm4b:s6+s12], $0x80, s14, s12, $0xb8;
	[tilespmem:$0x1FD80] =	vst v63  }
0x21b: {  	s29 =	rddreg [dreg:$0xf]  }
0x21c: {  	[tilespmem:s16], [sflag:$0x3] =	stream.linear.gather [hbm4b:s29+s4], $0x2000, $0x38;
	[tilespmem:$0x1FD80] =	vst v63  }
0x21d: {  	_ =	swait.ge [sflag:s31], $0x2000  }
0x21e: {  	[sflag:s31] =	ssyncset.done $0x0  }
0x21f: {  	[sflag:s31] =	ssyncadd.s32 $0xFFFFE000  }
0x220: {  	_ =	swait.ge [sflag:s31], $0x2000  }
0x221: {  	[sflag:s31] =	ssyncset.done $0x0  }
0x222: {  	[sflag:s31] =	ssyncadd.s32 $0xFFFFE000  }
0x223: {  	_ =	swait.ge [sflag:s31], $0x2000  }
0x224: {  	[sflag:s31] =	ssyncset.done $0x0  }
0x225: {  	s4 =	simm.s32 $0x0;
	[sflag:s31] =	ssyncadd.s32 $0xFFFFE000  }
0x226: {  	v6 =	vld [tilespmem:s4+$0x4280]  }
0x227: {  	v7 =	vld [tilespmem:s4+$0x4290]  }
0x228: {  	v5 =	vld [tilespmem:s4+$0x42A0]  }
0x229: {  	v4 =	vld [tilespmem:s4+$0x42B0]  }
0x22a: {  	v3 =	vld [tilespmem:s4+$0x42C0]  }
0x22b: {  	v2 =	vld [tilespmem:s4+$0x42D0]  }
0x22c: {  	v14 =	vld [tilespmem:s4+$0x2280]  }
0x22d: {  	v19 =	vld [tilespmem:s4+$0x2290]  }
0x22e: {  	v13 =	vld [tilespmem:s4+$0x22A0]  }
0x22f: {  	v12 =	vld [tilespmem:s4+$0x22B0]  }
0x230: {  	v11 =	vld [tilespmem:s4+$0x22C0]  }
0x231: {  	v10 =	vld [tilespmem:s4+$0x22D0]  }
0x232: {  	v9 =	vld [tilespmem:s4+$0x22E0]  }
0x233: {  	v8 =	vld [tilespmem:s4+$0x22F0]  }
0x234: {  	v20 =	vld [tilespmem:s4+$0x280]  }
0x235: {  	v21 =	vld [tilespmem:s4+$0x290]  }
0x236: {  	v18 =	vld [tilespmem:s4+$0x2A0]  }
0x237: {  	v17 =	vld [tilespmem:s4+$0x2B0]  }
0x238: {  	v16 =	vld [tilespmem:s4+$0x2C0]  }
0x239: {  	v15 =	vld [tilespmem:s4+$0x2D0];
	v20 =	vadd.f32 v14, v20  }
0x23a: {  	s9 =	simm.s32 $0x200;
	v19 =	vadd.f32 v19, v21;
	v14 =	vld [tilespmem:s4+$0x2E0]  }
.LBB2_15:
0x23b: {  	p2 =	sne.s32 s9, $0x7E00;
	v6 =	vadd.f32 v6, v20;
	v13 =	vadd.f32 v13, v18;
	v18 =	vld [tilespmem:s4+$0x2F0]  }
0x23c: {  	v7 =	vadd.f32 v7, v19;
	v12 =	vadd.f32 v12, v17;
	v17 =	vld [tilespmem:s4+$0x42E0]  }
0x23d: {  	s22 =	sshra.s32 s9, $0x2;
	v19 =	vmax.f32 v6, $0.0e+00;
	v5 =	vadd.f32 v5, v13;
	v11 =	vadd.f32 v11, v16;
	v13 =	vld [tilespmem:s4+$0x42F0]  }
0x23e: {  	v6 =	vld [tilespmem:s22+$0x4280];
	[tilespmem:s4+$0x280] =	vst v19;
	v16 =	vmax.f32 v7, $0.0e+00;
	v4 =	vadd.f32 v4, v12;
	v10 =	vadd.f32 v10, v15  }
0x23f: {  	v7 =	vld [tilespmem:s22+$0x4290];
	[tilespmem:s4+$0x290] =	vst v16;
	v12 =	vmax.f32 v5, $0.0e+00;
	v3 =	vadd.f32 v3, v11;
	v9 =	vadd.f32 v9, v14  }
0x240: {  	v5 =	vld [tilespmem:s22+$0x42A0];
	[tilespmem:s4+$0x2A0] =	vst v12;
	v11 =	vmax.f32 v4, $0.0e+00;
	v2 =	vadd.f32 v2, v10;
	v8 =	vadd.f32 v8, v18  }
0x241: {  	v4 =	vld [tilespmem:s22+$0x42B0];
	[tilespmem:s4+$0x2B0] =	vst v11;
	v10 =	vmax.f32 v3, $0.0e+00;
	v9 =	vadd.f32 v17, v9  }
0x242: {  	v3 =	vld [tilespmem:s22+$0x42C0];
	[tilespmem:s4+$0x2C0] =	vst v10;
	v10 =	vmax.f32 v2, $0.0e+00;
	v8 =	vadd.f32 v13, v8  }
0x243: {  	v2 =	vld [tilespmem:s22+$0x42D0];
	[tilespmem:s4+$0x2D0] =	vst v10;
	v9 =	vmax.f32 v9, $0.0e+00  }
0x244: {  	v14 =	vld [tilespmem:s22+$0x2280];
	[tilespmem:s4+$0x2E0] =	vst v9;
	v8 =	vmax.f32 v8, $0.0e+00  }
0x245: {  	v19 =	vld [tilespmem:s22+$0x2290];
	[tilespmem:s4+$0x2F0] =	vst v8;
	s4 =	smov.u32 s22  }
0x246: {  	v13 =	vld [tilespmem:s4+$0x22A0]  }
0x247: {  	v12 =	vld [tilespmem:s4+$0x22B0]  }
0x248: {  	v11 =	vld [tilespmem:s4+$0x22C0]  }
0x249: {  	v10 =	vld [tilespmem:s4+$0x22D0]  }
0x24a: {  	v9 =	vld [tilespmem:s4+$0x22E0]  }
0x24b: {  	v8 =	vld [tilespmem:s4+$0x22F0]  }
0x24c: {  	v15 =	vld [tilespmem:s4+$0x280]  }
0x24d: {  	v21 =	vld [tilespmem:s4+$0x290]  }
.Ltmp9:
0x24e: {  	v18 =	vld [tilespmem:s4+$0x2A0];
	(pc) =	sbr.rel @p2 .LBB2_15-.Ltmp9, $4  }
0x24f: {  	v17 =	vld [tilespmem:s4+$0x2B0]  }
0x250: {  	v16 =	vld [tilespmem:s4+$0x2C0]  }
0x251: {  	v20 =	vadd.f32 v14, v15;
	v15 =	vld [tilespmem:s4+$0x2D0]  }
0x252: {  	s9 =	sadd.s32 $0x200, s9;
	v19 =	vadd.f32 v19, v21;
	v14 =	vld [tilespmem:s4+$0x2E0]  }
0x253: {  	v6 =	vadd.f32 v6, v20;
	v13 =	vadd.f32 v13, v18;
	v56 =	vld [tilespmem:s4+$0x2F0]  }
0x254: {  	v57 =	vld [tilespmem:s4+$0x42E0];
	v7 =	vadd.f32 v7, v19;
	v12 =	vadd.f32 v12, v17  }
0x255: {  	v58 =	vld [tilespmem:s4+$0x42F0];
	v6 =	vmax.f32 v6, $0.0e+00;
	v5 =	vadd.f32 v5, v13;
	v11 =	vadd.f32 v11, v16  }
0x256: {  	[tilespmem:s4+$0x280] =	vst v6;
	v59 =	vmax.f32 v7, $0.0e+00;
	v4 =	vadd.f32 v4, v12;
	v60 =	vadd.f32 v10, v15  }
0x257: {  	[tilespmem:s4+$0x290] =	vst v59;
	v5 =	vmax.f32 v5, $0.0e+00;
	v3 =	vadd.f32 v3, v11;
	v61 =	vadd.f32 v9, v14  }
0x258: {  	[tilespmem:s4+$0x2A0] =	vst v5;
	v4 =	vmax.f32 v4, $0.0e+00;
	v2 =	vadd.f32 v2, v60;
	v62 =	vadd.f32 v8, v56  }
0x259: {  	[tilespmem:s4+$0x2B0] =	vst v4;
	v3 =	vmax.f32 v3, $0.0e+00;
	v63 =	vadd.f32 v57, v61  }
0x25a: {  	[tilespmem:s4+$0x2C0] =	vst v3;
	v2 =	vmax.f32 v2, $0.0e+00;
	v3 =	vadd.f32 v58, v62  }
0x25b: {  	[tilespmem:s4+$0x2D0] =	vst v2;
	v2 =	vmax.f32 v63, $0.0e+00  }
0x25c: {  	[tilespmem:s4+$0x2E0] =	vst v2;
	v2 =	vmax.f32 v3, $0.0e+00  }
0x25d: {  	[tilespmem:s4+$0x2F0] =	vst v2  }
0x25e: {  	[spmem:s2] =	stream.indirect.scatter.add.f32 [tilespmem:s19], [sflag:$0x5], $0x80, s0, s12, $0xb8;
	[tilespmem:$0x1FD80] =	vst v63  }
.Ltmp10:
0x25f: {  	_ =	swait.ge [sflag:s20], $0x2000;
	(pc) =	sbr.rel .LBB2_18-.Ltmp10, $4  }
0x260: {  	[sflag:s20] =	ssyncset.done $0x0  }
0x261: {  	[sflag:s20] =	ssyncadd.s32 $0xFFFFE000  }
0x262: {  	[bflag:$0x0] =	sbarrier.arrive $0xFFFF  }
0x263: {  	s22 =	rddreg [dreg:$0x4]  }
.LBB2_17:
.Ltmp11:
0x264: {  	(pc) =	sbr.rel @p1 .LBB2_19-.Ltmp11, $4  }
.Ltmp12:
0x265: {  	(pc) =	sbr.rel @!p1 .LBB2_18-.Ltmp12, $4  }
0x266: {  	_ = 	snop  }
0x267: {  	[bflag:$0x0] =	sbarrier.arrive $0xFFFF  }
0x268: {  	s22 =	rddreg [dreg:$0x4]  }
0x269: {  	_ = 	snop  }
.LBB2_20:
0x26a: {  	_ =	sfence.sel $0x180000  }
0x26b: {  	[bflag:$0x0] =	sbarrier.arrive $0xFFFF  }
0x26c: {  	_ =	strace $0x90000047  }
0x26d: {  	s0 =	stileid.u32;
	[bflag:$0x2] =	sbarrier.arrive $0xFFFF  }
0x26e: {  	p0 =	sne.s32 s0, $0x0;
	s0 =	rddreg [dreg:$0x3]  }
0x26f: {  	s0 =	sadd.s32 @!p0 $0x100000, s0  }
0x270: {  	[sflag:s0] =	ssyncadd.tile.s32 @!p0 $0x1;
	_ =	shalt  }
.Lfunc_end2:
_tile_overlayer_lowered:
.L_overlay_start_2:
0x271: {  	(tag) =	ssettag $0x2  }
0x272: {  	s0 =	rddreg [dreg:$0x0];
	s2 =	stileid.u32  }
0x273: {  	s1 =	rddreg [dreg:$0x1];
	p0 =	sne.s32 s2, $0x0  }
0x274: {  	s3 =	rddreg [dreg:$0x2];
	[bflag:$0x3] =	sbarrier.arrive $0xFFFF;
	s2 =	simm.s32 @!p0 $0x1C05  }
0x275: {  	[timem:s3], [sflag:s2] =	dma.local @!p0 [hbm:s0], s1  }
0x276: {  	s0 =	simm.s32 @!p0 $0x5  }
0x277: {  	_ =	swait.ge @!p0 [sflag:s0], s1  }
0x278: {  	s1 =	ssub.s32 @!p0 $0x0, s1;
	[sflag:s0] =	ssyncset.done @!p0 $0x0  }
0x279: {  	[sflag:s0] =	ssyncadd.s32 @!p0 s1  }
0x27a: {  	[bflag:$0x3] =	sbarrier.arrive $0xFFFF  }
0x27b: {  	_ =	shalt  }

</sc_bundles>
